<compile_context>
chip_gen: v7x
topology: tpu7x:2x2x1
jax: 0.10.2.dev20260603
libtpu: 0.0.44.dev20260713+nightly
codegen_flags: <defaults>
</compile_context>

<pallas_src>
import functools

import jax
import jax.numpy as jnp
from jax import lax
from jax.experimental import pallas as pl
from jax.experimental.pallas import tpu as pltpu
from jax.experimental.pallas import tpu_sc as plsc

NC = 2
NS = 16
L = 16

N = 10000
E = 320000
D = 128
DH = D // NC

EPT = E // NS
B = 80
NB = EPT // B
NPT = 624
TAIL = N - NS * NPT
ZR = 104

_mesh = plsc.VectorSubcoreMesh(core_axis_name="c", subcore_axis_name="s")


@functools.partial(
    pl.kernel,
    out_type=(
        jax.ShapeDtypeStruct((NC, N, DH), jnp.float32),
        jax.ShapeDtypeStruct((NC, N, L), jnp.float32),
    ),
    mesh=_mesh,
    compiler_params=pltpu.CompilerParams(use_tc_tiling_on_sc=False),
    scratch_types=(
        pltpu.VMEM((NB, B), jnp.int32),
        pltpu.VMEM((NB, B), jnp.int32),
        pltpu.VMEM((NB, B), jnp.float32),
        pltpu.VMEM((2, B, DH), jnp.float32),
        pltpu.VMEM((B, L), jnp.float32),
        pltpu.VMEM((ZR, DH), jnp.float32),
        pltpu.VMEM((ZR, L), jnp.float32),
        pltpu.VMEM_SHARED((N, DH), jnp.float32),
        pltpu.VMEM_SHARED((N, L), jnp.float32),
        pltpu.SemaphoreType.DMA,
        pltpu.SemaphoreType.DMA,
        pltpu.SemaphoreType.DMA,
        pltpu.SemaphoreType.DMA,
        pltpu.SemaphoreType.DMA,
        pltpu.SemaphoreType.DMA,
    ),
)
def _sc_edge_scatter(y_hbm, row_hbm, col_hbm, ea_hbm, acc_out, sc_out,
                     row_v, col_v, ea_v, rows_v, scal_v, zrow_v, zsc_v,
                     acc_sh, sc_sh, g0, g1, s0, s1, ss, pre):
    cid = lax.axis_index("c")
    sid = lax.axis_index("s")
    gsem = (g0, g1)
    ssem = (s0, s1)

    cbase = pl.multiple_of(sid * NB, 2)
    d_row = pltpu.async_copy(row_hbm.at[pl.ds(cbase, NB)], row_v, pre)
    d_col = pltpu.async_copy(col_hbm.at[pl.ds(cbase, NB)], col_v, pre)
    d_ea = pltpu.async_copy(ea_hbm.at[pl.ds(cbase, NB)], ea_v, pre)

    def _zero_fill(i, c):
        zero = jnp.zeros((L,), jnp.float32)
        for j in range(DH // L):
            zrow_v[i, pl.ds(j * L, L)] = zero
        zsc_v[i, :] = zero
        return c

    lax.fori_loop(0, ZR, _zero_fill, 0)

    nbase = pl.multiple_of(sid * NPT, 8)
    for k in range(NPT // ZR):
        pltpu.sync_copy(zrow_v, acc_sh.at[pl.ds(nbase + k * ZR, ZR)])
        pltpu.sync_copy(zsc_v, sc_sh.at[pl.ds(nbase + k * ZR, ZR)])

    @pl.when(sid == NS - 1)
    def _zero_tail():
        pltpu.sync_copy(zrow_v.at[pl.ds(0, TAIL)], acc_sh.at[pl.ds(NS * NPT, TAIL)])
        pltpu.sync_copy(zsc_v.at[pl.ds(0, TAIL)], sc_sh.at[pl.ds(NS * NPT, TAIL)])

    d_row.wait()
    d_col.wait()
    d_ea.wait()

    def _rebase(g, c):
        gbase = pl.multiple_of(g * L, L)
        m = g // (B // L)
        o = (g % (B // L)) * L
        col_v[m, pl.ds(o, L)] = col_v[m, pl.ds(o, L)] + cid * N
        return c

    lax.fori_loop(0, NB * (B // L), _rebase, 0)
    plsc.subcore_barrier()

    pltpu.async_copy(y_hbm.at[col_v.at[0]], rows_v.at[0], g0)

    def _outer(m, c):
        for b in range(2):
            k = 2 * m + b
            nb = 1 - b

            @pl.when(k >= 1)
            def _drain_prev_scatter():
                pltpu.make_async_copy(
                    rows_v.at[nb], acc_sh.at[row_v.at[k - 1]], ssem[nb]).wait()

            @pl.when(k + 1 < NB)
            def _start_next_gather():
                pltpu.async_copy(y_hbm.at[col_v.at[k + 1]], rows_v.at[nb], gsem[nb])

            pltpu.make_async_copy(
                y_hbm.at[col_v.at[k]], rows_v.at[b], gsem[b]).wait()

            @plsc.parallel_loop(0, B // L)
            def _group(g):
                gbase = pl.multiple_of(g * L, L)
                ea16 = ea_v[k, pl.ds(gbase, L)]
                for l in range(L):
                    e = gbase + l
                    ea_bc = jnp.full((L,), ea16[l], jnp.float32)
                    for j in range(DH // L):
                        rows_v[b, e, pl.ds(j * L, L)] = (
                            rows_v[b, e, pl.ds(j * L, L)] * ea_bc)
            pltpu.async_copy(rows_v.at[b], acc_sh.at[row_v.at[k]], ssem[b],
                             add=True)

            @pl.when(k % NC == cid)
            def _scal():
                @pl.when(k >= 2)
                def _drain_prev():
                    pltpu.make_async_copy(
                        scal_v, sc_sh.at[row_v.at[k]], ss).wait()

                @plsc.parallel_loop(0, B // L)
                def _sgroup(g):
                    gbase = pl.multiple_of(g * L, L)
                    ea16 = ea_v[k, pl.ds(gbase, L)]
                    iota = lax.iota(jnp.int32, L)
                    for l in range(L):
                        ea_bc = jnp.full((L,), ea16[l], jnp.float32)
                        scal_v[gbase + l, :] = jnp.where(
                            iota == 0, ea_bc, jnp.where(iota == 1, 1.0, 0.0))

                pltpu.async_copy(scal_v, sc_sh.at[row_v.at[k]], ss, add=True)

        return c

    lax.fori_loop(0, NB // 2, _outer, 0)

    pltpu.make_async_copy(rows_v.at[1], acc_sh.at[row_v.at[NB - 1]], s1).wait()
    pltpu.make_async_copy(scal_v, sc_sh.at[row_v.at[NB - 1]], ss).wait()
    plsc.subcore_barrier()

    pltpu.sync_copy(acc_sh.at[pl.ds(nbase, NPT)], acc_out.at[cid, pl.ds(nbase, NPT)])
    pltpu.sync_copy(sc_sh.at[pl.ds(nbase, NPT)], sc_out.at[cid, pl.ds(nbase, NPT)])

    @pl.when(sid == NS - 1)
    def _write_tail():
        pltpu.sync_copy(acc_sh.at[pl.ds(NS * NPT, TAIL)],
                        acc_out.at[cid, pl.ds(NS * NPT, TAIL)])
        pltpu.sync_copy(sc_sh.at[pl.ds(NS * NPT, TAIL)],
                        sc_out.at[cid, pl.ds(NS * NPT, TAIL)])


def _mm_body(x_ref, w_ref, o_ref):
    o_ref[0] = jnp.dot(x_ref[...], w_ref[0], preferred_element_type=jnp.float32)


def _matmul_halves(x, w2h):
    g = 10
    bn = N // g
    return pl.pallas_call(
        _mm_body,
        grid=(NC, g),
        in_specs=[pl.BlockSpec((bn, D), lambda c, i: (i, 0)),
                  pl.BlockSpec((1, D, DH), lambda c, i: (c, 0, 0))],
        out_specs=pl.BlockSpec((1, bn, DH), lambda c, i: (c, i, 0)),
        out_shape=jax.ShapeDtypeStruct((NC, N, DH), jnp.float32),
    )(x, w2h)


def _fin_body(x_ref, w_ref, acc_ref, sc_ref, b_ref, o_ref):
    z1 = jnp.dot(x_ref[...], w_ref[...], preferred_element_type=jnp.float32)
    scat = jnp.concatenate([acc_ref[0], acc_ref[1]], axis=-1)
    srow = sc_ref[0] + sc_ref[1]
    sea = srow[:, 0:1]
    cnt = jnp.maximum(srow[:, 1:2], 1.0)
    o_ref[...] = (sea * z1 + scat) / cnt + b_ref[...]


def _finale(x, w1, acc, sc, bias):
    g = 10
    bn = N // g
    return pl.pallas_call(
        _fin_body,
        grid=(g,),
        in_specs=[
            pl.BlockSpec((bn, D), lambda i: (i, 0)),
            pl.BlockSpec((D, D), lambda i: (0, 0)),
            pl.BlockSpec((NC, bn, DH), lambda i: (0, i, 0)),
            pl.BlockSpec((NC, bn, L), lambda i: (0, i, 0)),
            pl.BlockSpec((1, D), lambda i: (0, 0)),
        ],
        out_specs=pl.BlockSpec((bn, D), lambda i: (i, 0)),
        out_shape=jax.ShapeDtypeStruct((N, D), jnp.float32),
    )(x, w1, acc, sc, bias.reshape(1, D))


def kernel(x, edge_index, edge_attr, weight, bias):
    row = edge_index[0].reshape(E // B, B)
    col = edge_index[1].reshape(E // B, B)
    ea = edge_attr.reshape(E // B, B)
    w1 = weight[:D]
    w2 = weight[D:]
    w2h = jnp.stack([w2[:, :DH], w2[:, DH:]])
    y = _matmul_halves(x, w2h).reshape(NC * N, DH)
    acc, sc = _sc_edge_scatter(y, row, col, ea)
    return _finale(x, w1, acc, sc, bias)

# --- scband reference (transcript-rebuilt; emitter-appended) ---
"""Pipeline reference for scband-ginet-34651796144642 (READ-ONLY COPY).

The authoritative reference and input builder live on the scoring server;
editing this copy changes nothing except your own understanding.
"""

import jax, jax.numpy as jnp
import numpy as np

N_NODES = 10000
N_EDGES = 320000
D_IN = 128
D_OUT = 128


def setup_inputs(seed: int = 0) -> dict:
    key = jax.random.key(seed)
    k1, k2, k3, k4, k5 = jax.random.split(key, 5)
    x = jax.random.normal(k1, (N_NODES, D_IN), dtype=jnp.float32)
    edge_index = jax.random.randint(k2, (2, N_EDGES), 0, N_NODES, dtype=jnp.int32)
    edge_attr = jax.random.uniform(k3, (N_EDGES,), dtype=jnp.float32)
    # Parameters initialized like the torch module's uniform(size, ...) with size = 2*in_channels
    bound = 1.0 / np.sqrt(2 * D_IN)
    weight = jax.random.uniform(k4, (2 * D_IN, D_OUT), minval=-bound, maxval=bound, dtype=jnp.float32)
    bias = jax.random.uniform(k5, (D_OUT,), minval=-bound, maxval=bound, dtype=jnp.float32)
    return {"x": x, "edge_index": edge_index, "edge_attr": edge_attr, "weight": weight, "bias": bias}


def reference(x, edge_index, edge_attr, weight, bias):
    row, col = edge_index[0], edge_index[1]
    num_node = x.shape[0]
    ea = edge_attr[:, None] if edge_attr.ndim == 1 else edge_attr
    # gather endpoint features and concatenate: [x_i || x_j]
    alpha = jnp.concatenate([jnp.take(x, row, axis=0), jnp.take(x, col, axis=0)], axis=-1)
    alpha = alpha @ weight
    alpha = ea * alpha
    # scatter_mean over destination node `row` (zeros where a node has no edges)
    sums = jax.ops.segment_sum(alpha, row, num_segments=num_node)
    counts = jax.ops.segment_sum(jnp.ones((alpha.shape[0],), dtype=alpha.dtype), row, num_segments=num_node)
    out = sums / jnp.maximum(counts, 1.0)[:, None]
    out = out + bias
    return out

if __name__ == "__main__":
    import jax
    _d = setup_inputs()
    print(jax.jit(kernel)(*tuple(_d.values())))

</pallas_src>

<mosaic_0001>
#map = affine_map<(d0, d1) -> (0, 0)>
#map1 = affine_map<(d0, d1) -> (0, 0, 0)>
module attributes {stable_mosaic.version = 14 : i64} {
  func.func @_sc_edge_scatter(%arg0: i32, %arg1: i32, %arg2: memref<20000x64xf32, #tpu.memory_space<hbm>>, %arg3: memref<4000x80xi32, #tpu.memory_space<hbm>>, %arg4: memref<4000x80xi32, #tpu.memory_space<hbm>>, %arg5: memref<4000x80xf32, #tpu.memory_space<hbm>>, %arg6: memref<2x10000x64xf32, #tpu.memory_space<hbm>>, %arg7: memref<2x10000x16xf32, #tpu.memory_space<hbm>>, %arg8: memref<250x80xi32, #tpu.memory_space<vmem>>, %arg9: memref<250x80xi32, #tpu.memory_space<vmem>>, %arg10: memref<250x80xf32, #tpu.memory_space<vmem>>, %arg11: memref<2x80x64xf32, #tpu.memory_space<vmem>>, %arg12: memref<80x16xf32, #tpu.memory_space<vmem>>, %arg13: memref<104x64xf32, #tpu.memory_space<vmem>>, %arg14: memref<104x16xf32, #tpu.memory_space<vmem>>, %arg15: memref<10000x64xf32, #tpu.memory_space<vmem_shared>>, %arg16: memref<10000x16xf32, #tpu.memory_space<vmem_shared>>, %arg17: memref<!tpu.dma_semaphore, #tpu.memory_space<semaphore_mem>>, %arg18: memref<!tpu.dma_semaphore, #tpu.memory_space<semaphore_mem>>, %arg19: memref<!tpu.dma_semaphore, #tpu.memory_space<semaphore_mem>>, %arg20: memref<!tpu.dma_semaphore, #tpu.memory_space<semaphore_mem>>, %arg21: memref<!tpu.dma_semaphore, #tpu.memory_space<semaphore_mem>>, %arg22: memref<!tpu.dma_semaphore, #tpu.memory_space<semaphore_mem>>) attributes {dimension_semantics = [#tpu.dimension_semantics<core_parallel>, #tpu.dimension_semantics<subcore_parallel>], iteration_bounds = array<i64: 2, 16>, scalar_prefetch = 0 : i64, scratch_operands = 15 : i64, tpu.core_type = #tpu.core_type<sc_vector_subcore>, window_params = [{transform_indices = #map}, {transform_indices = #map}, {transform_indices = #map}, {transform_indices = #map}, {transform_indices = #map1}, {transform_indices = #map1}]} {
    %mul3A = arith.constant 250 : i32
    %mul3A_0 = arith.muli %arg1, %mul3A : i32
    %multiple_of3A = tpu.assume_multiple %mul3A_0, 2 : i32
    %dma_start3A = arith.constant 0 : i32
    %dma_start3A_1 = tpu.memref_slice %arg3[%multiple_of3A, %dma_start3A] : memref<4000x80xi32, #tpu.memory_space<hbm>> -> memref<250x80xi32, #tpu.memory_space<hbm>>
    %dma_start3A_2 = arith.constant 0 : i32
    %dma_start3A_3 = tpu.memref_slice %arg3[%multiple_of3A, %dma_start3A_2] : memref<4000x80xi32, #tpu.memory_space<hbm>> -> memref<250x80xi32, #tpu.memory_space<hbm>>
    tpu.enqueue_dma source(%dma_start3A_3 : memref<250x80xi32, #tpu.memory_space<hbm>>) target(%arg8 : memref<250x80xi32, #tpu.memory_space<vmem>>) target_semaphore(%arg22 : memref<!tpu.dma_semaphore, #tpu.memory_space<semaphore_mem>>)
    %dma_start3A_4 = arith.constant 0 : i32
    %dma_start3A_5 = tpu.memref_slice %arg4[%multiple_of3A, %dma_start3A_4] : memref<4000x80xi32, #tpu.memory_space<hbm>> -> memref<250x80xi32, #tpu.memory_space<hbm>>
    %dma_start3A_6 = arith.constant 0 : i32
    %dma_start3A_7 = tpu.memref_slice %arg4[%multiple_of3A, %dma_start3A_6] : memref<4000x80xi32, #tpu.memory_space<hbm>> -> memref<250x80xi32, #tpu.memory_space<hbm>>
    tpu.enqueue_dma source(%dma_start3A_7 : memref<250x80xi32, #tpu.memory_space<hbm>>) target(%arg9 : memref<250x80xi32, #tpu.memory_space<vmem>>) target_semaphore(%arg22 : memref<!tpu.dma_semaphore, #tpu.memory_space<semaphore_mem>>)
    %dma_start3A_8 = arith.constant 0 : i32
    %dma_start3A_9 = tpu.memref_slice %arg5[%multiple_of3A, %dma_start3A_8] : memref<4000x80xf32, #tpu.memory_space<hbm>> -> memref<250x80xf32, #tpu.memory_space<hbm>>
    %dma_start3A_10 = arith.constant 0 : i32
    %dma_start3A_11 = tpu.memref_slice %arg5[%multiple_of3A, %dma_start3A_10] : memref<4000x80xf32, #tpu.memory_space<hbm>> -> memref<250x80xf32, #tpu.memory_space<hbm>>
    tpu.enqueue_dma source(%dma_start3A_11 : memref<250x80xf32, #tpu.memory_space<hbm>>) target(%arg10 : memref<250x80xf32, #tpu.memory_space<vmem>>) target_semaphore(%arg22 : memref<!tpu.dma_semaphore, #tpu.memory_space<semaphore_mem>>)
    %scan3A = arith.constant 0 : i32
    %scan3A_12 = arith.constant 0 : i32
    %scan3A_13 = arith.constant 104 : i32
    %scan3A_14 = arith.addi %scan3A_12, %scan3A_13 : i32
    %scan3A_15 = arith.constant 1 : i32
    scf.for %scan3A_105 = %scan3A_12 to %scan3A_14 step %scan3A_15  : i32 {
      %broadcast_in_dim3A = arith.constant 0.000000e+00 : f32
      %broadcast_in_dim3A_106 = vector.broadcast %broadcast_in_dim3A : f32 to vector<16xf32>
      %swap3A = arith.index_cast %scan3A_105 : i32 to index
      %swap3A_107 = arith.constant 0 : index
      %swap3A_108 = tpu.vector_load %arg13[%swap3A, %swap3A_107] {strides = array<i32>} : memref<104x64xf32, #tpu.memory_space<vmem>>, vector<1x16xf32>,
      %swap3A_109 = vector.shape_cast %swap3A_108 : vector<1x16xf32> to vector<16xf32>
      %swap3A_110 = vector.shape_cast %broadcast_in_dim3A_106 : vector<16xf32> to vector<1x16xf32>
      tpu.vector_store %arg13[%swap3A, %swap3A_107], %swap3A_110 {strides = array<i32>} : memref<104x64xf32, #tpu.memory_space<vmem>>, vector<1x16xf32>,
      %swap3A_111 = arith.index_cast %scan3A_105 : i32 to index
      %swap3A_112 = arith.constant 16 : index
      %swap3A_113 = tpu.vector_load %arg13[%swap3A_111, %swap3A_112] {strides = array<i32>} : memref<104x64xf32, #tpu.memory_space<vmem>>, vector<1x16xf32>,
      %swap3A_114 = vector.shape_cast %swap3A_113 : vector<1x16xf32> to vector<16xf32>
      %swap3A_115 = vector.shape_cast %broadcast_in_dim3A_106 : vector<16xf32> to vector<1x16xf32>
      tpu.vector_store %arg13[%swap3A_111, %swap3A_112], %swap3A_115 {strides = array<i32>} : memref<104x64xf32, #tpu.memory_space<vmem>>, vector<1x16xf32>,
      %swap3A_116 = arith.index_cast %scan3A_105 : i32 to index
      %swap3A_117 = arith.constant 32 : index
      %swap3A_118 = tpu.vector_load %arg13[%swap3A_116, %swap3A_117] {strides = array<i32>} : memref<104x64xf32, #tpu.memory_space<vmem>>, vector<1x16xf32>,
      %swap3A_119 = vector.shape_cast %swap3A_118 : vector<1x16xf32> to vector<16xf32>
      %swap3A_120 = vector.shape_cast %broadcast_in_dim3A_106 : vector<16xf32> to vector<1x16xf32>
      tpu.vector_store %arg13[%swap3A_116, %swap3A_117], %swap3A_120 {strides = array<i32>} : memref<104x64xf32, #tpu.memory_space<vmem>>, vector<1x16xf32>,
      %swap3A_121 = arith.index_cast %scan3A_105 : i32 to index
      %swap3A_122 = arith.constant 48 : index
      %swap3A_123 = tpu.vector_load %arg13[%swap3A_121, %swap3A_122] {strides = array<i32>} : memref<104x64xf32, #tpu.memory_space<vmem>>, vector<1x16xf32>,
      %swap3A_124 = vector.shape_cast %swap3A_123 : vector<1x16xf32> to vector<16xf32>
      %swap3A_125 = vector.shape_cast %broadcast_in_dim3A_106 : vector<16xf32> to vector<1x16xf32>
      tpu.vector_store %arg13[%swap3A_121, %swap3A_122], %swap3A_125 {strides = array<i32>} : memref<104x64xf32, #tpu.memory_space<vmem>>, vector<1x16xf32>,
      %swap3A_126 = arith.index_cast %scan3A_105 : i32 to index
      %swap3A_127 = arith.constant 0 : index
      %swap3A_128 = tpu.vector_load %arg14[%swap3A_126, %swap3A_127] {strides = array<i32>} : memref<104x16xf32, #tpu.memory_space<vmem>>, vector<1x16xf32>,
      %swap3A_129 = vector.shape_cast %swap3A_128 : vector<1x16xf32> to vector<16xf32>
      %swap3A_130 = vector.shape_cast %broadcast_in_dim3A_106 : vector<16xf32> to vector<1x16xf32>
      tpu.vector_store %arg14[%swap3A_126, %swap3A_127], %swap3A_130 {strides = array<i32>} : memref<104x16xf32, #tpu.memory_space<vmem>>, vector<1x16xf32>,
    }
    %scan3A_16 = arith.constant 104 : i32
    %mul3A_17 = arith.constant 624 : i32
    %mul3A_18 = arith.muli %arg1, %mul3A_17 : i32
    %multiple_of3A_19 = tpu.assume_multiple %mul3A_18, 8 : i32
    %add3A = arith.constant 0 : i32
    %add3A_20 = arith.addi %multiple_of3A_19, %add3A : i32
    "tpu.region"() ({
      %run_scoped3A = tpu.sem_alloc : memref<!tpu.dma_semaphore, #tpu.memory_space<semaphore_mem>>
      %dma_start3A_105 = arith.constant 0 : i32
      %dma_start3A_106 = tpu.memref_slice %arg15[%add3A_20, %dma_start3A_105] : memref<10000x64xf32, #tpu.memory_space<vmem_shared>> -> memref<104x64xf32, #tpu.memory_space<vmem_shared>>
      %dma_start3A_107 = arith.constant 0 : i32
      %dma_start3A_108 = tpu.memref_slice %arg15[%add3A_20, %dma_start3A_107] : memref<10000x64xf32, #tpu.memory_space<vmem_shared>> -> memref<104x64xf32, #tpu.memory_space<vmem_shared>>
      tpu.enqueue_dma source(%arg13 : memref<104x64xf32, #tpu.memory_space<vmem>>) target(%dma_start3A_108 : memref<104x64xf32, #tpu.memory_space<vmem_shared>>) target_semaphore(%run_scoped3A : memref<!tpu.dma_semaphore, #tpu.memory_space<semaphore_mem>>)
      %dma_wait3A_109 = arith.constant 0 : i32
      %dma_wait3A_110 = tpu.memref_slice %arg15[%add3A_20, %dma_wait3A_109] : memref<10000x64xf32, #tpu.memory_space<vmem_shared>> -> memref<104x64xf32, #tpu.memory_space<vmem_shared>>
      %dma_wait3A_111 = arith.constant 0 : i32
      %dma_wait3A_112 = tpu.memref_slice %arg15[%add3A_20, %dma_wait3A_111] : memref<10000x64xf32, #tpu.memory_space<vmem_shared>> -> memref<104x64xf32, #tpu.memory_space<vmem_shared>>
      tpu.wait_dma2 semaphore(%run_scoped3A : memref<!tpu.dma_semaphore, #tpu.memory_space<semaphore_mem>>) src(%arg13 : memref<104x64xf32, #tpu.memory_space<vmem>>) dst(%dma_wait3A_112 : memref<104x64xf32, #tpu.memory_space<vmem_shared>>)
      tpu.yield
    }) : () -> ()
    %add3A_21 = arith.constant 0 : i32
    %add3A_22 = arith.addi %multiple_of3A_19, %add3A_21 : i32
    "tpu.region"() ({
      %run_scoped3A = tpu.sem_alloc : memref<!tpu.dma_semaphore, #tpu.memory_space<semaphore_mem>>
      %dma_start3A_105 = arith.constant 0 : i32
      %dma_start3A_106 = tpu.memref_slice %arg16[%add3A_22, %dma_start3A_105] : memref<10000x16xf32, #tpu.memory_space<vmem_shared>> -> memref<104x16xf32, #tpu.memory_space<vmem_shared>>
      %dma_start3A_107 = arith.constant 0 : i32
      %dma_start3A_108 = tpu.memref_slice %arg16[%add3A_22, %dma_start3A_107] : memref<10000x16xf32, #tpu.memory_space<vmem_shared>> -> memref<104x16xf32, #tpu.memory_space<vmem_shared>>
      tpu.enqueue_dma source(%arg14 : memref<104x16xf32, #tpu.memory_space<vmem>>) target(%dma_start3A_108 : memref<104x16xf32, #tpu.memory_space<vmem_shared>>) target_semaphore(%run_scoped3A : memref<!tpu.dma_semaphore, #tpu.memory_space<semaphore_mem>>)
      %dma_wait3A_109 = arith.constant 0 : i32
      %dma_wait3A_110 = tpu.memref_slice %arg16[%add3A_22, %dma_wait3A_109] : memref<10000x16xf32, #tpu.memory_space<vmem_shared>> -> memref<104x16xf32, #tpu.memory_space<vmem_shared>>
      %dma_wait3A_111 = arith.constant 0 : i32
      %dma_wait3A_112 = tpu.memref_slice %arg16[%add3A_22, %dma_wait3A_111] : memref<10000x16xf32, #tpu.memory_space<vmem_shared>> -> memref<104x16xf32, #tpu.memory_space<vmem_shared>>
      tpu.wait_dma2 semaphore(%run_scoped3A : memref<!tpu.dma_semaphore, #tpu.memory_space<semaphore_mem>>) src(%arg14 : memref<104x16xf32, #tpu.memory_space<vmem>>) dst(%dma_wait3A_112 : memref<104x16xf32, #tpu.memory_space<vmem_shared>>)
      tpu.yield
    }) : () -> ()
    %add3A_23 = arith.constant 104 : i32
    %add3A_24 = arith.addi %multiple_of3A_19, %add3A_23 : i32
    "tpu.region"() ({
      %run_scoped3A = tpu.sem_alloc : memref<!tpu.dma_semaphore, #tpu.memory_space<semaphore_mem>>
      %dma_start3A_105 = arith.constant 0 : i32
      %dma_start3A_106 = tpu.memref_slice %arg15[%add3A_24, %dma_start3A_105] : memref<10000x64xf32, #tpu.memory_space<vmem_shared>> -> memref<104x64xf32, #tpu.memory_space<vmem_shared>>
      %dma_start3A_107 = arith.constant 0 : i32
      %dma_start3A_108 = tpu.memref_slice %arg15[%add3A_24, %dma_start3A_107] : memref<10000x64xf32, #tpu.memory_space<vmem_shared>> -> memref<104x64xf32, #tpu.memory_space<vmem_shared>>
      tpu.enqueue_dma source(%arg13 : memref<104x64xf32, #tpu.memory_space<vmem>>) target(%dma_start3A_108 : memref<104x64xf32, #tpu.memory_space<vmem_shared>>) target_semaphore(%run_scoped3A : memref<!tpu.dma_semaphore, #tpu.memory_space<semaphore_mem>>)
      %dma_wait3A_109 = arith.constant 0 : i32
      %dma_wait3A_110 = tpu.memref_slice %arg15[%add3A_24, %dma_wait3A_109] : memref<10000x64xf32, #tpu.memory_space<vmem_shared>> -> memref<104x64xf32, #tpu.memory_space<vmem_shared>>
      %dma_wait3A_111 = arith.constant 0 : i32
      %dma_wait3A_112 = tpu.memref_slice %arg15[%add3A_24, %dma_wait3A_111] : memref<10000x64xf32, #tpu.memory_space<vmem_shared>> -> memref<104x64xf32, #tpu.memory_space<vmem_shared>>
      tpu.wait_dma2 semaphore(%run_scoped3A : memref<!tpu.dma_semaphore, #tpu.memory_space<semaphore_mem>>) src(%arg13 : memref<104x64xf32, #tpu.memory_space<vmem>>) dst(%dma_wait3A_112 : memref<104x64xf32, #tpu.memory_space<vmem_shared>>)
      tpu.yield
    }) : () -> ()
    %add3A_25 = arith.constant 104 : i32
    %add3A_26 = arith.addi %multiple_of3A_19, %add3A_25 : i32
    "tpu.region"() ({
      %run_scoped3A = tpu.sem_alloc : memref<!tpu.dma_semaphore, #tpu.memory_space<semaphore_mem>>
      %dma_start3A_105 = arith.constant 0 : i32
      %dma_start3A_106 = tpu.memref_slice %arg16[%add3A_26, %dma_start3A_105] : memref<10000x16xf32, #tpu.memory_space<vmem_shared>> -> memref<104x16xf32, #tpu.memory_space<vmem_shared>>
      %dma_start3A_107 = arith.constant 0 : i32
      %dma_start3A_108 = tpu.memref_slice %arg16[%add3A_26, %dma_start3A_107] : memref<10000x16xf32, #tpu.memory_space<vmem_shared>> -> memref<104x16xf32, #tpu.memory_space<vmem_shared>>
      tpu.enqueue_dma source(%arg14 : memref<104x16xf32, #tpu.memory_space<vmem>>) target(%dma_start3A_108 : memref<104x16xf32, #tpu.memory_space<vmem_shared>>) target_semaphore(%run_scoped3A : memref<!tpu.dma_semaphore, #tpu.memory_space<semaphore_mem>>)
      %dma_wait3A_109 = arith.constant 0 : i32
      %dma_wait3A_110 = tpu.memref_slice %arg16[%add3A_26, %dma_wait3A_109] : memref<10000x16xf32, #tpu.memory_space<vmem_shared>> -> memref<104x16xf32, #tpu.memory_space<vmem_shared>>
      %dma_wait3A_111 = arith.constant 0 : i32
      %dma_wait3A_112 = tpu.memref_slice %arg16[%add3A_26, %dma_wait3A_111] : memref<10000x16xf32, #tpu.memory_space<vmem_shared>> -> memref<104x16xf32, #tpu.memory_space<vmem_shared>>
      tpu.wait_dma2 semaphore(%run_scoped3A : memref<!tpu.dma_semaphore, #tpu.memory_space<semaphore_mem>>) src(%arg14 : memref<104x16xf32, #tpu.memory_space<vmem>>) dst(%dma_wait3A_112 : memref<104x16xf32, #tpu.memory_space<vmem_shared>>)
      tpu.yield
    }) : () -> ()
    %add3A_27 = arith.constant 208 : i32
    %add3A_28 = arith.addi %multiple_of3A_19, %add3A_27 : i32
    "tpu.region"() ({
      %run_scoped3A = tpu.sem_alloc : memref<!tpu.dma_semaphore, #tpu.memory_space<semaphore_mem>>
      %dma_start3A_105 = arith.constant 0 : i32
      %dma_start3A_106 = tpu.memref_slice %arg15[%add3A_28, %dma_start3A_105] : memref<10000x64xf32, #tpu.memory_space<vmem_shared>> -> memref<104x64xf32, #tpu.memory_space<vmem_shared>>
      %dma_start3A_107 = arith.constant 0 : i32
      %dma_start3A_108 = tpu.memref_slice %arg15[%add3A_28, %dma_start3A_107] : memref<10000x64xf32, #tpu.memory_space<vmem_shared>> -> memref<104x64xf32, #tpu.memory_space<vmem_shared>>
      tpu.enqueue_dma source(%arg13 : memref<104x64xf32, #tpu.memory_space<vmem>>) target(%dma_start3A_108 : memref<104x64xf32, #tpu.memory_space<vmem_shared>>) target_semaphore(%run_scoped3A : memref<!tpu.dma_semaphore, #tpu.memory_space<semaphore_mem>>)
      %dma_wait3A_109 = arith.constant 0 : i32
      %dma_wait3A_110 = tpu.memref_slice %arg15[%add3A_28, %dma_wait3A_109] : memref<10000x64xf32, #tpu.memory_space<vmem_shared>> -> memref<104x64xf32, #tpu.memory_space<vmem_shared>>
      %dma_wait3A_111 = arith.constant 0 : i32
      %dma_wait3A_112 = tpu.memref_slice %arg15[%add3A_28, %dma_wait3A_111] : memref<10000x64xf32, #tpu.memory_space<vmem_shared>> -> memref<104x64xf32, #tpu.memory_space<vmem_shared>>
      tpu.wait_dma2 semaphore(%run_scoped3A : memref<!tpu.dma_semaphore, #tpu.memory_space<semaphore_mem>>) src(%arg13 : memref<104x64xf32, #tpu.memory_space<vmem>>) dst(%dma_wait3A_112 : memref<104x64xf32, #tpu.memory_space<vmem_shared>>)
      tpu.yield
    }) : () -> ()
    %add3A_29 = arith.constant 208 : i32
    %add3A_30 = arith.addi %multiple_of3A_19, %add3A_29 : i32
    "tpu.region"() ({
      %run_scoped3A = tpu.sem_alloc : memref<!tpu.dma_semaphore, #tpu.memory_space<semaphore_mem>>
      %dma_start3A_105 = arith.constant 0 : i32
      %dma_start3A_106 = tpu.memref_slice %arg16[%add3A_30, %dma_start3A_105] : memref<10000x16xf32, #tpu.memory_space<vmem_shared>> -> memref<104x16xf32, #tpu.memory_space<vmem_shared>>
      %dma_start3A_107 = arith.constant 0 : i32
      %dma_start3A_108 = tpu.memref_slice %arg16[%add3A_30, %dma_start3A_107] : memref<10000x16xf32, #tpu.memory_space<vmem_shared>> -> memref<104x16xf32, #tpu.memory_space<vmem_shared>>
      tpu.enqueue_dma source(%arg14 : memref<104x16xf32, #tpu.memory_space<vmem>>) target(%dma_start3A_108 : memref<104x16xf32, #tpu.memory_space<vmem_shared>>) target_semaphore(%run_scoped3A : memref<!tpu.dma_semaphore, #tpu.memory_space<semaphore_mem>>)
      %dma_wait3A_109 = arith.constant 0 : i32
      %dma_wait3A_110 = tpu.memref_slice %arg16[%add3A_30, %dma_wait3A_109] : memref<10000x16xf32, #tpu.memory_space<vmem_shared>> -> memref<104x16xf32, #tpu.memory_space<vmem_shared>>
      %dma_wait3A_111 = arith.constant 0 : i32
      %dma_wait3A_112 = tpu.memref_slice %arg16[%add3A_30, %dma_wait3A_111] : memref<10000x16xf32, #tpu.memory_space<vmem_shared>> -> memref<104x16xf32, #tpu.memory_space<vmem_shared>>
      tpu.wait_dma2 semaphore(%run_scoped3A : memref<!tpu.dma_semaphore, #tpu.memory_space<semaphore_mem>>) src(%arg14 : memref<104x16xf32, #tpu.memory_space<vmem>>) dst(%dma_wait3A_112 : memref<104x16xf32, #tpu.memory_space<vmem_shared>>)
      tpu.yield
    }) : () -> ()
    %add3A_31 = arith.constant 312 : i32
    %add3A_32 = arith.addi %multiple_of3A_19, %add3A_31 : i32
    "tpu.region"() ({
      %run_scoped3A = tpu.sem_alloc : memref<!tpu.dma_semaphore, #tpu.memory_space<semaphore_mem>>
      %dma_start3A_105 = arith.constant 0 : i32
      %dma_start3A_106 = tpu.memref_slice %arg15[%add3A_32, %dma_start3A_105] : memref<10000x64xf32, #tpu.memory_space<vmem_shared>> -> memref<104x64xf32, #tpu.memory_space<vmem_shared>>
      %dma_start3A_107 = arith.constant 0 : i32
      %dma_start3A_108 = tpu.memref_slice %arg15[%add3A_32, %dma_start3A_107] : memref<10000x64xf32, #tpu.memory_space<vmem_shared>> -> memref<104x64xf32, #tpu.memory_space<vmem_shared>>
      tpu.enqueue_dma source(%arg13 : memref<104x64xf32, #tpu.memory_space<vmem>>) target(%dma_start3A_108 : memref<104x64xf32, #tpu.memory_space<vmem_shared>>) target_semaphore(%run_scoped3A : memref<!tpu.dma_semaphore, #tpu.memory_space<semaphore_mem>>)
      %dma_wait3A_109 = arith.constant 0 : i32
      %dma_wait3A_110 = tpu.memref_slice %arg15[%add3A_32, %dma_wait3A_109] : memref<10000x64xf32, #tpu.memory_space<vmem_shared>> -> memref<104x64xf32, #tpu.memory_space<vmem_shared>>
      %dma_wait3A_111 = arith.constant 0 : i32
      %dma_wait3A_112 = tpu.memref_slice %arg15[%add3A_32, %dma_wait3A_111] : memref<10000x64xf32, #tpu.memory_space<vmem_shared>> -> memref<104x64xf32, #tpu.memory_space<vmem_shared>>
      tpu.wait_dma2 semaphore(%run_scoped3A : memref<!tpu.dma_semaphore, #tpu.memory_space<semaphore_mem>>) src(%arg13 : memref<104x64xf32, #tpu.memory_space<vmem>>) dst(%dma_wait3A_112 : memref<104x64xf32, #tpu.memory_space<vmem_shared>>)
      tpu.yield
    }) : () -> ()
    %add3A_33 = arith.constant 312 : i32
    %add3A_34 = arith.addi %multiple_of3A_19, %add3A_33 : i32
    "tpu.region"() ({
      %run_scoped3A = tpu.sem_alloc : memref<!tpu.dma_semaphore, #tpu.memory_space<semaphore_mem>>
      %dma_start3A_105 = arith.constant 0 : i32
      %dma_start3A_106 = tpu.memref_slice %arg16[%add3A_34, %dma_start3A_105] : memref<10000x16xf32, #tpu.memory_space<vmem_shared>> -> memref<104x16xf32, #tpu.memory_space<vmem_shared>>
      %dma_start3A_107 = arith.constant 0 : i32
      %dma_start3A_108 = tpu.memref_slice %arg16[%add3A_34, %dma_start3A_107] : memref<10000x16xf32, #tpu.memory_space<vmem_shared>> -> memref<104x16xf32, #tpu.memory_space<vmem_shared>>
      tpu.enqueue_dma source(%arg14 : memref<104x16xf32, #tpu.memory_space<vmem>>) target(%dma_start3A_108 : memref<104x16xf32, #tpu.memory_space<vmem_shared>>) target_semaphore(%run_scoped3A : memref<!tpu.dma_semaphore, #tpu.memory_space<semaphore_mem>>)
      %dma_wait3A_109 = arith.constant 0 : i32
      %dma_wait3A_110 = tpu.memref_slice %arg16[%add3A_34, %dma_wait3A_109] : memref<10000x16xf32, #tpu.memory_space<vmem_shared>> -> memref<104x16xf32, #tpu.memory_space<vmem_shared>>
      %dma_wait3A_111 = arith.constant 0 : i32
      %dma_wait3A_112 = tpu.memref_slice %arg16[%add3A_34, %dma_wait3A_111] : memref<10000x16xf32, #tpu.memory_space<vmem_shared>> -> memref<104x16xf32, #tpu.memory_space<vmem_shared>>
      tpu.wait_dma2 semaphore(%run_scoped3A : memref<!tpu.dma_semaphore, #tpu.memory_space<semaphore_mem>>) src(%arg14 : memref<104x16xf32, #tpu.memory_space<vmem>>) dst(%dma_wait3A_112 : memref<104x16xf32, #tpu.memory_space<vmem_shared>>)
      tpu.yield
    }) : () -> ()
    %add3A_35 = arith.constant 416 : i32
    %add3A_36 = arith.addi %multiple_of3A_19, %add3A_35 : i32
    "tpu.region"() ({
      %run_scoped3A = tpu.sem_alloc : memref<!tpu.dma_semaphore, #tpu.memory_space<semaphore_mem>>
      %dma_start3A_105 = arith.constant 0 : i32
      %dma_start3A_106 = tpu.memref_slice %arg15[%add3A_36, %dma_start3A_105] : memref<10000x64xf32, #tpu.memory_space<vmem_shared>> -> memref<104x64xf32, #tpu.memory_space<vmem_shared>>
      %dma_start3A_107 = arith.constant 0 : i32
      %dma_start3A_108 = tpu.memref_slice %arg15[%add3A_36, %dma_start3A_107] : memref<10000x64xf32, #tpu.memory_space<vmem_shared>> -> memref<104x64xf32, #tpu.memory_space<vmem_shared>>
      tpu.enqueue_dma source(%arg13 : memref<104x64xf32, #tpu.memory_space<vmem>>) target(%dma_start3A_108 : memref<104x64xf32, #tpu.memory_space<vmem_shared>>) target_semaphore(%run_scoped3A : memref<!tpu.dma_semaphore, #tpu.memory_space<semaphore_mem>>)
      %dma_wait3A_109 = arith.constant 0 : i32
      %dma_wait3A_110 = tpu.memref_slice %arg15[%add3A_36, %dma_wait3A_109] : memref<10000x64xf32, #tpu.memory_space<vmem_shared>> -> memref<104x64xf32, #tpu.memory_space<vmem_shared>>
      %dma_wait3A_111 = arith.constant 0 : i32
      %dma_wait3A_112 = tpu.memref_slice %arg15[%add3A_36, %dma_wait3A_111] : memref<10000x64xf32, #tpu.memory_space<vmem_shared>> -> memref<104x64xf32, #tpu.memory_space<vmem_shared>>
      tpu.wait_dma2 semaphore(%run_scoped3A : memref<!tpu.dma_semaphore, #tpu.memory_space<semaphore_mem>>) src(%arg13 : memref<104x64xf32, #tpu.memory_space<vmem>>) dst(%dma_wait3A_112 : memref<104x64xf32, #tpu.memory_space<vmem_shared>>)
      tpu.yield
    }) : () -> ()
    %add3A_37 = arith.constant 416 : i32
    %add3A_38 = arith.addi %multiple_of3A_19, %add3A_37 : i32
    "tpu.region"() ({
      %run_scoped3A = tpu.sem_alloc : memref<!tpu.dma_semaphore, #tpu.memory_space<semaphore_mem>>
      %dma_start3A_105 = arith.constant 0 : i32
      %dma_start3A_106 = tpu.memref_slice %arg16[%add3A_38, %dma_start3A_105] : memref<10000x16xf32, #tpu.memory_space<vmem_shared>> -> memref<104x16xf32, #tpu.memory_space<vmem_shared>>
      %dma_start3A_107 = arith.constant 0 : i32
      %dma_start3A_108 = tpu.memref_slice %arg16[%add3A_38, %dma_start3A_107] : memref<10000x16xf32, #tpu.memory_space<vmem_shared>> -> memref<104x16xf32, #tpu.memory_space<vmem_shared>>
      tpu.enqueue_dma source(%arg14 : memref<104x16xf32, #tpu.memory_space<vmem>>) target(%dma_start3A_108 : memref<104x16xf32, #tpu.memory_space<vmem_shared>>) target_semaphore(%run_scoped3A : memref<!tpu.dma_semaphore, #tpu.memory_space<semaphore_mem>>)
      %dma_wait3A_109 = arith.constant 0 : i32
      %dma_wait3A_110 = tpu.memref_slice %arg16[%add3A_38, %dma_wait3A_109] : memref<10000x16xf32, #tpu.memory_space<vmem_shared>> -> memref<104x16xf32, #tpu.memory_space<vmem_shared>>
      %dma_wait3A_111 = arith.constant 0 : i32
      %dma_wait3A_112 = tpu.memref_slice %arg16[%add3A_38, %dma_wait3A_111] : memref<10000x16xf32, #tpu.memory_space<vmem_shared>> -> memref<104x16xf32, #tpu.memory_space<vmem_shared>>
      tpu.wait_dma2 semaphore(%run_scoped3A : memref<!tpu.dma_semaphore, #tpu.memory_space<semaphore_mem>>) src(%arg14 : memref<104x16xf32, #tpu.memory_space<vmem>>) dst(%dma_wait3A_112 : memref<104x16xf32, #tpu.memory_space<vmem_shared>>)
      tpu.yield
    }) : () -> ()
    %add3A_39 = arith.constant 520 : i32
    %add3A_40 = arith.addi %multiple_of3A_19, %add3A_39 : i32
    "tpu.region"() ({
      %run_scoped3A = tpu.sem_alloc : memref<!tpu.dma_semaphore, #tpu.memory_space<semaphore_mem>>
      %dma_start3A_105 = arith.constant 0 : i32
      %dma_start3A_106 = tpu.memref_slice %arg15[%add3A_40, %dma_start3A_105] : memref<10000x64xf32, #tpu.memory_space<vmem_shared>> -> memref<104x64xf32, #tpu.memory_space<vmem_shared>>
      %dma_start3A_107 = arith.constant 0 : i32
      %dma_start3A_108 = tpu.memref_slice %arg15[%add3A_40, %dma_start3A_107] : memref<10000x64xf32, #tpu.memory_space<vmem_shared>> -> memref<104x64xf32, #tpu.memory_space<vmem_shared>>
      tpu.enqueue_dma source(%arg13 : memref<104x64xf32, #tpu.memory_space<vmem>>) target(%dma_start3A_108 : memref<104x64xf32, #tpu.memory_space<vmem_shared>>) target_semaphore(%run_scoped3A : memref<!tpu.dma_semaphore, #tpu.memory_space<semaphore_mem>>)
      %dma_wait3A_109 = arith.constant 0 : i32
      %dma_wait3A_110 = tpu.memref_slice %arg15[%add3A_40, %dma_wait3A_109] : memref<10000x64xf32, #tpu.memory_space<vmem_shared>> -> memref<104x64xf32, #tpu.memory_space<vmem_shared>>
      %dma_wait3A_111 = arith.constant 0 : i32
      %dma_wait3A_112 = tpu.memref_slice %arg15[%add3A_40, %dma_wait3A_111] : memref<10000x64xf32, #tpu.memory_space<vmem_shared>> -> memref<104x64xf32, #tpu.memory_space<vmem_shared>>
      tpu.wait_dma2 semaphore(%run_scoped3A : memref<!tpu.dma_semaphore, #tpu.memory_space<semaphore_mem>>) src(%arg13 : memref<104x64xf32, #tpu.memory_space<vmem>>) dst(%dma_wait3A_112 : memref<104x64xf32, #tpu.memory_space<vmem_shared>>)
      tpu.yield
    }) : () -> ()
    %add3A_41 = arith.constant 520 : i32
    %add3A_42 = arith.addi %multiple_of3A_19, %add3A_41 : i32
    "tpu.region"() ({
      %run_scoped3A = tpu.sem_alloc : memref<!tpu.dma_semaphore, #tpu.memory_space<semaphore_mem>>
      %dma_start3A_105 = arith.constant 0 : i32
      %dma_start3A_106 = tpu.memref_slice %arg16[%add3A_42, %dma_start3A_105] : memref<10000x16xf32, #tpu.memory_space<vmem_shared>> -> memref<104x16xf32, #tpu.memory_space<vmem_shared>>
      %dma_start3A_107 = arith.constant 0 : i32
      %dma_start3A_108 = tpu.memref_slice %arg16[%add3A_42, %dma_start3A_107] : memref<10000x16xf32, #tpu.memory_space<vmem_shared>> -> memref<104x16xf32, #tpu.memory_space<vmem_shared>>
      tpu.enqueue_dma source(%arg14 : memref<104x16xf32, #tpu.memory_space<vmem>>) target(%dma_start3A_108 : memref<104x16xf32, #tpu.memory_space<vmem_shared>>) target_semaphore(%run_scoped3A : memref<!tpu.dma_semaphore, #tpu.memory_space<semaphore_mem>>)
      %dma_wait3A_109 = arith.constant 0 : i32
      %dma_wait3A_110 = tpu.memref_slice %arg16[%add3A_42, %dma_wait3A_109] : memref<10000x16xf32, #tpu.memory_space<vmem_shared>> -> memref<104x16xf32, #tpu.memory_space<vmem_shared>>
      %dma_wait3A_111 = arith.constant 0 : i32
      %dma_wait3A_112 = tpu.memref_slice %arg16[%add3A_42, %dma_wait3A_111] : memref<10000x16xf32, #tpu.memory_space<vmem_shared>> -> memref<104x16xf32, #tpu.memory_space<vmem_shared>>
      tpu.wait_dma2 semaphore(%run_scoped3A : memref<!tpu.dma_semaphore, #tpu.memory_space<semaphore_mem>>) src(%arg14 : memref<104x16xf32, #tpu.memory_space<vmem>>) dst(%dma_wait3A_112 : memref<104x16xf32, #tpu.memory_space<vmem_shared>>)
      tpu.yield
    }) : () -> ()
    %eq3A = arith.constant 15 : i32
    %eq3A_43 = arith.cmpi eq, %arg1, %eq3A : i32
    %convert_element_type3A = arith.extui %eq3A_43 : i1 to i32
    %cond3A = arith.constant 0 : i32
    %cond3A_44 = arith.cmpi ne, %convert_element_type3A, %cond3A : i32
    scf.if %cond3A_44 {
      "tpu.region"() ({
        %run_scoped3A = tpu.sem_alloc : memref<!tpu.dma_semaphore, #tpu.memory_space<semaphore_mem>>
        %dma_start3A_105 = arith.constant 0 : i32
        %dma_start3A_106 = arith.constant 0 : i32
        %dma_start3A_107 = tpu.memref_slice %arg13[%dma_start3A_105, %dma_start3A_106] : memref<104x64xf32, #tpu.memory_space<vmem>> -> memref<16x64xf32, #tpu.memory_space<vmem>>
        %dma_start3A_108 = arith.constant 9984 : i32
        %dma_start3A_109 = arith.constant 0 : i32
        %dma_start3A_110 = tpu.memref_slice %arg15[%dma_start3A_108, %dma_start3A_109] : memref<10000x64xf32, #tpu.memory_space<vmem_shared>> -> memref<16x64xf32, #tpu.memory_space<vmem_shared>>
        %dma_start3A_111 = arith.constant 9984 : i32
        %dma_start3A_112 = arith.constant 0 : i32
        %dma_start3A_113 = tpu.memref_slice %arg15[%dma_start3A_111, %dma_start3A_112] : memref<10000x64xf32, #tpu.memory_space<vmem_shared>> -> memref<16x64xf32, #tpu.memory_space<vmem_shared>>
        %dma_start3A_114 = arith.constant 0 : i32
        %dma_start3A_115 = arith.constant 0 : i32
        %dma_start3A_116 = tpu.memref_slice %arg13[%dma_start3A_114, %dma_start3A_115] : memref<104x64xf32, #tpu.memory_space<vmem>> -> memref<16x64xf32, #tpu.memory_space<vmem>>
        tpu.enqueue_dma source(%dma_start3A_116 : memref<16x64xf32, #tpu.memory_space<vmem>>) target(%dma_start3A_113 : memref<16x64xf32, #tpu.memory_space<vmem_shared>>) target_semaphore(%run_scoped3A : memref<!tpu.dma_semaphore, #tpu.memory_space<semaphore_mem>>)
        %dma_wait3A_117 = arith.constant 0 : i32
        %dma_wait3A_118 = arith.constant 0 : i32
        %dma_wait3A_119 = tpu.memref_slice %arg13[%dma_wait3A_117, %dma_wait3A_118] : memref<104x64xf32, #tpu.memory_space<vmem>> -> memref<16x64xf32, #tpu.memory_space<vmem>>
        %dma_wait3A_120 = arith.constant 9984 : i32
        %dma_wait3A_121 = arith.constant 0 : i32
        %dma_wait3A_122 = tpu.memref_slice %arg15[%dma_wait3A_120, %dma_wait3A_121] : memref<10000x64xf32, #tpu.memory_space<vmem_shared>> -> memref<16x64xf32, #tpu.memory_space<vmem_shared>>
        %dma_wait3A_123 = arith.constant 9984 : i32
        %dma_wait3A_124 = arith.constant 0 : i32
        %dma_wait3A_125 = tpu.memref_slice %arg15[%dma_wait3A_123, %dma_wait3A_124] : memref<10000x64xf32, #tpu.memory_space<vmem_shared>> -> memref<16x64xf32, #tpu.memory_space<vmem_shared>>
        %dma_wait3A_126 = arith.constant 0 : i32
        %dma_wait3A_127 = arith.constant 0 : i32
        %dma_wait3A_128 = tpu.memref_slice %arg13[%dma_wait3A_126, %dma_wait3A_127] : memref<104x64xf32, #tpu.memory_space<vmem>> -> memref<16x64xf32, #tpu.memory_space<vmem>>
        tpu.wait_dma2 semaphore(%run_scoped3A : memref<!tpu.dma_semaphore, #tpu.memory_space<semaphore_mem>>) src(%dma_wait3A_128 : memref<16x64xf32, #tpu.memory_space<vmem>>) dst(%dma_wait3A_125 : memref<16x64xf32, #tpu.memory_space<vmem_shared>>)
        tpu.yield
      }) : () -> ()
      "tpu.region"() ({
        %run_scoped3A = tpu.sem_alloc : memref<!tpu.dma_semaphore, #tpu.memory_space<semaphore_mem>>
        %dma_start3A_105 = arith.constant 0 : i32
        %dma_start3A_106 = arith.constant 0 : i32
        %dma_start3A_107 = tpu.memref_slice %arg14[%dma_start3A_105, %dma_start3A_106] : memref<104x16xf32, #tpu.memory_space<vmem>> -> memref<16x16xf32, #tpu.memory_space<vmem>>
        %dma_start3A_108 = arith.constant 9984 : i32
        %dma_start3A_109 = arith.constant 0 : i32
        %dma_start3A_110 = tpu.memref_slice %arg16[%dma_start3A_108, %dma_start3A_109] : memref<10000x16xf32, #tpu.memory_space<vmem_shared>> -> memref<16x16xf32, #tpu.memory_space<vmem_shared>>
        %dma_start3A_111 = arith.constant 9984 : i32
        %dma_start3A_112 = arith.constant 0 : i32
        %dma_start3A_113 = tpu.memref_slice %arg16[%dma_start3A_111, %dma_start3A_112] : memref<10000x16xf32, #tpu.memory_space<vmem_shared>> -> memref<16x16xf32, #tpu.memory_space<vmem_shared>>
        %dma_start3A_114 = arith.constant 0 : i32
        %dma_start3A_115 = arith.constant 0 : i32
        %dma_start3A_116 = tpu.memref_slice %arg14[%dma_start3A_114, %dma_start3A_115] : memref<104x16xf32, #tpu.memory_space<vmem>> -> memref<16x16xf32, #tpu.memory_space<vmem>>
        tpu.enqueue_dma source(%dma_start3A_116 : memref<16x16xf32, #tpu.memory_space<vmem>>) target(%dma_start3A_113 : memref<16x16xf32, #tpu.memory_space<vmem_shared>>) target_semaphore(%run_scoped3A : memref<!tpu.dma_semaphore, #tpu.memory_space<semaphore_mem>>)
        %dma_wait3A_117 = arith.constant 0 : i32
        %dma_wait3A_118 = arith.constant 0 : i32
        %dma_wait3A_119 = tpu.memref_slice %arg14[%dma_wait3A_117, %dma_wait3A_118] : memref<104x16xf32, #tpu.memory_space<vmem>> -> memref<16x16xf32, #tpu.memory_space<vmem>>
        %dma_wait3A_120 = arith.constant 9984 : i32
        %dma_wait3A_121 = arith.constant 0 : i32
        %dma_wait3A_122 = tpu.memref_slice %arg16[%dma_wait3A_120, %dma_wait3A_121] : memref<10000x16xf32, #tpu.memory_space<vmem_shared>> -> memref<16x16xf32, #tpu.memory_space<vmem_shared>>
        %dma_wait3A_123 = arith.constant 9984 : i32
        %dma_wait3A_124 = arith.constant 0 : i32
        %dma_wait3A_125 = tpu.memref_slice %arg16[%dma_wait3A_123, %dma_wait3A_124] : memref<10000x16xf32, #tpu.memory_space<vmem_shared>> -> memref<16x16xf32, #tpu.memory_space<vmem_shared>>
        %dma_wait3A_126 = arith.constant 0 : i32
        %dma_wait3A_127 = arith.constant 0 : i32
        %dma_wait3A_128 = tpu.memref_slice %arg14[%dma_wait3A_126, %dma_wait3A_127] : memref<104x16xf32, #tpu.memory_space<vmem>> -> memref<16x16xf32, #tpu.memory_space<vmem>>
        tpu.wait_dma2 semaphore(%run_scoped3A : memref<!tpu.dma_semaphore, #tpu.memory_space<semaphore_mem>>) src(%dma_wait3A_128 : memref<16x16xf32, #tpu.memory_space<vmem>>) dst(%dma_wait3A_125 : memref<16x16xf32, #tpu.memory_space<vmem_shared>>)
        tpu.yield
      }) : () -> ()
    } else {
    }
    %dma_wait3A = arith.constant 0 : i32
    %dma_wait3A_45 = tpu.memref_slice %arg3[%multiple_of3A, %dma_wait3A] : memref<4000x80xi32, #tpu.memory_space<hbm>> -> memref<250x80xi32, #tpu.memory_space<hbm>>
    %dma_wait3A_46 = arith.constant 0 : i32
    %dma_wait3A_47 = tpu.memref_slice %arg3[%multiple_of3A, %dma_wait3A_46] : memref<4000x80xi32, #tpu.memory_space<hbm>> -> memref<250x80xi32, #tpu.memory_space<hbm>>
    tpu.wait_dma2 semaphore(%arg22 : memref<!tpu.dma_semaphore, #tpu.memory_space<semaphore_mem>>) src(%dma_wait3A_47 : memref<250x80xi32, #tpu.memory_space<hbm>>) dst(%arg8 : memref<250x80xi32, #tpu.memory_space<vmem>>)
    %dma_wait3A_48 = arith.constant 0 : i32
    %dma_wait3A_49 = tpu.memref_slice %arg4[%multiple_of3A, %dma_wait3A_48] : memref<4000x80xi32, #tpu.memory_space<hbm>> -> memref<250x80xi32, #tpu.memory_space<hbm>>
    %dma_wait3A_50 = arith.constant 0 : i32
    %dma_wait3A_51 = tpu.memref_slice %arg4[%multiple_of3A, %dma_wait3A_50] : memref<4000x80xi32, #tpu.memory_space<hbm>> -> memref<250x80xi32, #tpu.memory_space<hbm>>
    tpu.wait_dma2 semaphore(%arg22 : memref<!tpu.dma_semaphore, #tpu.memory_space<semaphore_mem>>) src(%dma_wait3A_51 : memref<250x80xi32, #tpu.memory_space<hbm>>) dst(%arg9 : memref<250x80xi32, #tpu.memory_space<vmem>>)
    %dma_wait3A_52 = arith.constant 0 : i32
    %dma_wait3A_53 = tpu.memref_slice %arg5[%multiple_of3A, %dma_wait3A_52] : memref<4000x80xf32, #tpu.memory_space<hbm>> -> memref<250x80xf32, #tpu.memory_space<hbm>>
    %dma_wait3A_54 = arith.constant 0 : i32
    %dma_wait3A_55 = tpu.memref_slice %arg5[%multiple_of3A, %dma_wait3A_54] : memref<4000x80xf32, #tpu.memory_space<hbm>> -> memref<250x80xf32, #tpu.memory_space<hbm>>
    tpu.wait_dma2 semaphore(%arg22 : memref<!tpu.dma_semaphore, #tpu.memory_space<semaphore_mem>>) src(%dma_wait3A_55 : memref<250x80xf32, #tpu.memory_space<hbm>>) dst(%arg10 : memref<250x80xf32, #tpu.memory_space<vmem>>)
    %scan3A_56 = arith.constant 0 : i32
    %scan3A_57 = arith.constant 0 : i32
    %scan3A_58 = arith.constant 1250 : i32
    %scan3A_59 = arith.addi %scan3A_57, %scan3A_58 : i32
    %scan3A_60 = arith.constant 1 : i32
    scf.for %scan3A_105 = %scan3A_57 to %scan3A_59 step %scan3A_60  : i32 {
      %mul3A_106 = arith.constant 16 : i32
      %mul3A_107 = arith.muli %scan3A_105, %mul3A_106 : i32
      %multiple_of3A_108 = tpu.assume_multiple %mul3A_107, 16 : i32
      %jit3A = arith.constant 5 : i32
      %div3A = arith.divsi %scan3A_105, %jit3A : i32
      %sign3A = arith.constant 0 : i32
      %sign3A_109 = arith.cmpi sgt, %scan3A_105, %sign3A : i32
      %sign3A_110 = arith.extui %sign3A_109 : i1 to i32
      %sign3A_111 = arith.constant 0 : i32
      %sign3A_112 = arith.cmpi slt, %scan3A_105, %sign3A_111 : i32
      %sign3A_113 = arith.extui %sign3A_112 : i1 to i32
      %sign3A_114 = arith.subi %sign3A_110, %sign3A_113 : i32
      %sign3A_115 = arith.constant 0 : i32
      %sign3A_116 = arith.cmpi sgt, %jit3A, %sign3A_115 : i32
      %sign3A_117 = arith.extui %sign3A_116 : i1 to i32
      %sign3A_118 = arith.constant 0 : i32
      %sign3A_119 = arith.cmpi slt, %jit3A, %sign3A_118 : i32
      %sign3A_120 = arith.extui %sign3A_119 : i1 to i32
      %sign3A_121 = arith.subi %sign3A_117, %sign3A_120 : i32
      %ne3A = arith.cmpi ne, %sign3A_114, %sign3A_121 : i32
      %rem3A = arith.remsi %scan3A_105, %jit3A : i32
      %ne3A_122 = arith.constant 0 : i32
      %ne3A_123 = arith.cmpi ne, %rem3A, %ne3A_122 : i32
      %and3A = arith.andi %ne3A, %ne3A_123 : i1
      %sub3A = arith.constant 1 : i32
      %sub3A_124 = arith.subi %div3A, %sub3A : i32
      %select_n3A = arith.select %and3A, %sub3A_124, %div3A : i32
      %jit3A_125 = arith.constant 5 : i32
      %eq3A_126 = arith.constant 0 : i32
      %eq3A_127 = arith.cmpi eq, %jit3A_125, %eq3A_126 : i32
      %jit3A_128 = arith.constant 1 : i32
      %select_n3A_129 = arith.select %eq3A_127, %jit3A_128, %jit3A_125 : i32
      %rem3A_130 = arith.remsi %scan3A_105, %select_n3A_129 : i32
      %ne3A_131 = arith.constant 0 : i32
      %ne3A_132 = arith.cmpi ne, %rem3A_130, %ne3A_131 : i32
      %lt3A = arith.constant 0 : i32
      %lt3A_133 = arith.cmpi slt, %rem3A_130, %lt3A : i32
      %lt3A_134 = arith.constant 0 : i32
      %lt3A_135 = arith.cmpi slt, %select_n3A_129, %lt3A_134 : i32
      %ne3A_136 = arith.xori %lt3A_133, %lt3A_135 : i1
      %and3A_137 = arith.andi %ne3A_136, %ne3A_132 : i1
      %add3A_138 = arith.addi %rem3A_130, %select_n3A_129 : i32
      %select_n3A_139 = arith.select %and3A_137, %add3A_138, %rem3A_130 : i32
      %mul3A_140 = arith.constant 16 : i32
      %mul3A_141 = arith.muli %select_n3A_139, %mul3A_140 : i32
      %get3A = arith.index_cast %select_n3A : i32 to index
      %get3A_142 = arith.index_cast %mul3A_141 : i32 to index
      %get3A_143 = tpu.vector_load %arg9[%get3A, %get3A_142] {strides = array<i32>} : memref<250x80xi32, #tpu.memory_space<vmem>>, vector<1x16xi32>,
      %get3A_144 = vector.shape_cast %get3A_143 : vector<1x16xi32> to vector<16xi32>
      %mul3A_145 = arith.constant 10000 : i32
      %mul3A_146 = arith.muli %arg0, %mul3A_145 : i32
      %add3A_147 = vector.broadcast %mul3A_146 : i32 to vector<16xi32>
      %add3A_148 = arith.addi %get3A_144, %add3A_147 : vector<16xi32>
      %swap3A = arith.index_cast %select_n3A : i32 to index
      %swap3A_149 = arith.index_cast %mul3A_141 : i32 to index
      %swap3A_150 = tpu.vector_load %arg9[%swap3A, %swap3A_149] {strides = array<i32>} : memref<250x80xi32, #tpu.memory_space<vmem>>, vector<1x16xi32>,
      %swap3A_151 = vector.shape_cast %swap3A_150 : vector<1x16xi32> to vector<16xi32>
      %swap3A_152 = vector.shape_cast %add3A_148 : vector<16xi32> to vector<1x16xi32>
      tpu.vector_store %arg9[%swap3A, %swap3A_149], %swap3A_152 {strides = array<i32>} : memref<250x80xi32, #tpu.memory_space<vmem>>, vector<1x16xi32>,
    }
    %scan3A_61 = arith.constant 1250 : i32
    %barrier3A = arith.constant 0 : index
    tpu.barrier barrier_id(%barrier3A)
    %dma_start3A_62 = arith.constant 0 : i32
    %dma_start3A_63 = arith.constant 0 : i32
    %dma_start3A_64 = arith.constant 0 : i32
    %dma_start3A_65 = arith.constant 0 : i32
    %dma_start3A_66 = tpu.memref_slice %arg11[%dma_start3A_63, %dma_start3A_64, %dma_start3A_65] : memref<2x80x64xf32, #tpu.memory_space<vmem>> -> memref<1x80x64xf32, #tpu.memory_space<vmem>>
    %dma_start3A_67 = tpu.memref_squeeze %dma_start3A_66 : memref<1x80x64xf32, #tpu.memory_space<vmem>> -> memref<80x64xf32, #tpu.memory_space<vmem>>
    %dma_start3A_68 = arith.constant 0 : i32
    %dma_start3A_69 = tpu.memref_slice %arg9[%dma_start3A_62, %dma_start3A_68] : memref<250x80xi32, #tpu.memory_space<vmem>> -> memref<1x80xi32, #tpu.memory_space<vmem>>
    %dma_start3A_70 = tpu.memref_squeeze %dma_start3A_69 : memref<1x80xi32, #tpu.memory_space<vmem>> -> memref<80xi32, #tpu.memory_space<vmem>>
    %dma_start3A_71 = arith.constant 0 : i32
    %dma_start3A_72 = arith.constant 0 : i32
    %dma_start3A_73 = tpu.memref_slice %arg2[%dma_start3A_71, %dma_start3A_72] : memref<20000x64xf32, #tpu.memory_space<hbm>> -> memref<20000x64xf32, #tpu.memory_space<hbm>>
    tpu.enqueue_indirect_dma source(%dma_start3A_73 : memref<20000x64xf32, #tpu.memory_space<hbm>>) target(%dma_start3A_67 : memref<80x64xf32, #tpu.memory_space<vmem>>) offsets(%dma_start3A_70 : memref<80xi32, #tpu.memory_space<vmem>>) semaphore(%arg17 : memref<!tpu.dma_semaphore, #tpu.memory_space<semaphore_mem>>)
    %scan3A_74 = arith.constant 0 : i32
    %scan3A_75 = arith.constant 0 : i32
    %scan3A_76 = arith.constant 125 : i32
    %scan3A_77 = arith.addi %scan3A_75, %scan3A_76 : i32
    %scan3A_78 = arith.constant 1 : i32
    scf.for %scan3A_105 = %scan3A_75 to %scan3A_77 step %scan3A_78  : i32 {
      %mul3A_106 = arith.constant 2 : i32
      %mul3A_107 = arith.muli %mul3A_106, %scan3A_105 : i32
      %add3A_108 = arith.constant 0 : i32
      %add3A_109 = arith.addi %mul3A_107, %add3A_108 : i32
      %ge3A = arith.constant 1 : i32
      %ge3A_110 = arith.cmpi sge, %add3A_109, %ge3A : i32
      %convert_element_type3A_111 = arith.extui %ge3A_110 : i1 to i32
      %cond3A_112 = arith.constant 0 : i32
      %cond3A_113 = arith.cmpi ne, %convert_element_type3A_111, %cond3A_112 : i32
      scf.if %cond3A_113 {
        %sub3A = arith.constant 1 : i32
        %sub3A_220 = arith.subi %add3A_109, %sub3A : i32
        %dma_wait3A_221 = arith.constant 1 : i32
        %dma_wait3A_222 = arith.constant 0 : i32
        %dma_wait3A_223 = arith.constant 0 : i32
        %dma_wait3A_224 = tpu.memref_slice %arg11[%dma_wait3A_221, %dma_wait3A_222, %dma_wait3A_223] : memref<2x80x64xf32, #tpu.memory_space<vmem>> -> memref<1x80x64xf32, #tpu.memory_space<vmem>>
        %dma_wait3A_225 = tpu.memref_squeeze %dma_wait3A_224 : memref<1x80x64xf32, #tpu.memory_space<vmem>> -> memref<80x64xf32, #tpu.memory_space<vmem>>
        %dma_wait3A_226 = arith.constant 0 : i32
        %dma_wait3A_227 = tpu.memref_slice %arg8[%sub3A_220, %dma_wait3A_226] : memref<250x80xi32, #tpu.memory_space<vmem>> -> memref<1x80xi32, #tpu.memory_space<vmem>>
        %dma_wait3A_228 = tpu.memref_squeeze %dma_wait3A_227 : memref<1x80xi32, #tpu.memory_space<vmem>> -> memref<80xi32, #tpu.memory_space<vmem>>
        %dma_wait3A_229 = arith.constant 0 : i32
        %dma_wait3A_230 = arith.constant 0 : i32
        %dma_wait3A_231 = tpu.memref_slice %arg15[%dma_wait3A_229, %dma_wait3A_230] : memref<10000x64xf32, #tpu.memory_space<vmem_shared>> -> memref<10000x64xf32, #tpu.memory_space<vmem_shared>>
        tpu.wait_indirect_dma semaphore(%arg20 : memref<!tpu.dma_semaphore, #tpu.memory_space<semaphore_mem>>) src(%dma_wait3A_225 : memref<80x64xf32, #tpu.memory_space<vmem>>) dst(%dma_wait3A_231 : memref<10000x64xf32, #tpu.memory_space<vmem_shared>>)
      } else {
      }
      %add3A_114 = arith.constant 1 : i32
      %add3A_115 = arith.addi %add3A_109, %add3A_114 : i32
      %lt3A = arith.constant 250 : i32
      %lt3A_116 = arith.cmpi slt, %add3A_115, %lt3A : i32
      %convert_element_type3A_117 = arith.extui %lt3A_116 : i1 to i32
      %cond3A_118 = arith.constant 0 : i32
      %cond3A_119 = arith.cmpi ne, %convert_element_type3A_117, %cond3A_118 : i32
      scf.if %cond3A_119 {
        %add3A_220 = arith.constant 1 : i32
        %add3A_221 = arith.addi %add3A_109, %add3A_220 : i32
        %dma_start3A_222 = arith.constant 1 : i32
        %dma_start3A_223 = arith.constant 0 : i32
        %dma_start3A_224 = arith.constant 0 : i32
        %dma_start3A_225 = tpu.memref_slice %arg11[%dma_start3A_222, %dma_start3A_223, %dma_start3A_224] : memref<2x80x64xf32, #tpu.memory_space<vmem>> -> memref<1x80x64xf32, #tpu.memory_space<vmem>>
        %dma_start3A_226 = tpu.memref_squeeze %dma_start3A_225 : memref<1x80x64xf32, #tpu.memory_space<vmem>> -> memref<80x64xf32, #tpu.memory_space<vmem>>
        %dma_start3A_227 = arith.constant 0 : i32
        %dma_start3A_228 = tpu.memref_slice %arg9[%add3A_221, %dma_start3A_227] : memref<250x80xi32, #tpu.memory_space<vmem>> -> memref<1x80xi32, #tpu.memory_space<vmem>>
        %dma_start3A_229 = tpu.memref_squeeze %dma_start3A_228 : memref<1x80xi32, #tpu.memory_space<vmem>> -> memref<80xi32, #tpu.memory_space<vmem>>
        %dma_start3A_230 = arith.constant 0 : i32
        %dma_start3A_231 = arith.constant 0 : i32
        %dma_start3A_232 = tpu.memref_slice %arg2[%dma_start3A_230, %dma_start3A_231] : memref<20000x64xf32, #tpu.memory_space<hbm>> -> memref<20000x64xf32, #tpu.memory_space<hbm>>
        tpu.enqueue_indirect_dma source(%dma_start3A_232 : memref<20000x64xf32, #tpu.memory_space<hbm>>) target(%dma_start3A_226 : memref<80x64xf32, #tpu.memory_space<vmem>>) offsets(%dma_start3A_229 : memref<80xi32, #tpu.memory_space<vmem>>) semaphore(%arg18 : memref<!tpu.dma_semaphore, #tpu.memory_space<semaphore_mem>>)
      } else {
      }
      %dma_wait3A_120 = arith.constant 0 : i32
      %dma_wait3A_121 = arith.constant 0 : i32
      %dma_wait3A_122 = arith.constant 0 : i32
      %dma_wait3A_123 = tpu.memref_slice %arg11[%dma_wait3A_120, %dma_wait3A_121, %dma_wait3A_122] : memref<2x80x64xf32, #tpu.memory_space<vmem>> -> memref<1x80x64xf32, #tpu.memory_space<vmem>>
      %dma_wait3A_124 = tpu.memref_squeeze %dma_wait3A_123 : memref<1x80x64xf32, #tpu.memory_space<vmem>> -> memref<80x64xf32, #tpu.memory_space<vmem>>
      %dma_wait3A_125 = arith.constant 0 : i32
      %dma_wait3A_126 = tpu.memref_slice %arg9[%add3A_109, %dma_wait3A_125] : memref<250x80xi32, #tpu.memory_space<vmem>> -> memref<1x80xi32, #tpu.memory_space<vmem>>
      %dma_wait3A_127 = tpu.memref_squeeze %dma_wait3A_126 : memref<1x80xi32, #tpu.memory_space<vmem>> -> memref<80xi32, #tpu.memory_space<vmem>>
      %dma_wait3A_128 = arith.constant 0 : i32
      %dma_wait3A_129 = arith.constant 0 : i32
      %dma_wait3A_130 = tpu.memref_slice %arg2[%dma_wait3A_128, %dma_wait3A_129] : memref<20000x64xf32, #tpu.memory_space<hbm>> -> memref<20000x64xf32, #tpu.memory_space<hbm>>
      tpu.wait_indirect_dma semaphore(%arg17 : memref<!tpu.dma_semaphore, #tpu.memory_space<semaphore_mem>>) src(%dma_wait3A_130 : memref<20000x64xf32, #tpu.memory_space<hbm>>) dst(%dma_wait3A_124 : memref<80x64xf32, #tpu.memory_space<vmem>>)
      %parallel_loop3A = arith.constant 0 : i32
      %parallel_loop3A_131 = arith.constant 5 : i32
      %parallel_loop3A_132 = arith.constant 1 : i32
      scf.for %parallel_loop3A_220 = %parallel_loop3A to %parallel_loop3A_131 step %parallel_loop3A_132  : i32 {
        %parallel_loop3A_221 = arith.constant 16 : i32
        %parallel_loop3A_222 = arith.muli %parallel_loop3A_220, %parallel_loop3A_221 : i32
        %parallel_loop3A_223 = tpu.assume_multiple %parallel_loop3A_222, 16 : i32
        %parallel_loop3A_224 = arith.index_cast %add3A_109 : i32 to index
        %parallel_loop3A_225 = arith.index_cast %parallel_loop3A_223 : i32 to index
        %parallel_loop3A_226 = tpu.vector_load %arg10[%parallel_loop3A_224, %parallel_loop3A_225] {strides = array<i32>} : memref<250x80xf32, #tpu.memory_space<vmem>>, vector<1x16xf32>,
        %parallel_loop3A_227 = vector.shape_cast %parallel_loop3A_226 : vector<1x16xf32> to vector<16xf32>
        %parallel_loop3A_228 = arith.constant 0 : i32
        %parallel_loop3A_229 = arith.addi %parallel_loop3A_223, %parallel_loop3A_228 : i32
        %parallel_loop3A_230 = vector.extract_strided_slice %parallel_loop3A_227 {offsets = [0], sizes = [1], strides = [1]} : vector<16xf32> to vector<1xf32>
        %parallel_loop3A_231 = vector.extract %parallel_loop3A_230[0] : f32 from vector<1xf32>
        %parallel_loop3A_232 = vector.broadcast %parallel_loop3A_231 : f32 to vector<16xf32>
        %parallel_loop3A_233 = arith.constant 0 : i32
        %parallel_loop3A_234 = arith.index_cast %parallel_loop3A_233 : i32 to index
        %parallel_loop3A_235 = arith.index_cast %parallel_loop3A_229 : i32 to index
        %parallel_loop3A_236 = arith.constant 0 : index
        %parallel_loop3A_237 = tpu.vector_load %arg11[%parallel_loop3A_234, %parallel_loop3A_235, %parallel_loop3A_236] {strides = array<i32>} : memref<2x80x64xf32, #tpu.memory_space<vmem>>, vector<1x1x16xf32>,
        %parallel_loop3A_238 = vector.shape_cast %parallel_loop3A_237 : vector<1x1x16xf32> to vector<16xf32>
        %parallel_loop3A_239 = arith.mulf %parallel_loop3A_238, %parallel_loop3A_232 : vector<16xf32>
        %parallel_loop3A_240 = arith.constant 0 : i32
        %parallel_loop3A_241 = arith.index_cast %parallel_loop3A_240 : i32 to index
        %parallel_loop3A_242 = arith.index_cast %parallel_loop3A_229 : i32 to index
        %parallel_loop3A_243 = arith.constant 0 : index
        %parallel_loop3A_244 = tpu.vector_load %arg11[%parallel_loop3A_241, %parallel_loop3A_242, %parallel_loop3A_243] {strides = array<i32>} : memref<2x80x64xf32, #tpu.memory_space<vmem>>, vector<1x1x16xf32>,
        %parallel_loop3A_245 = vector.shape_cast %parallel_loop3A_244 : vector<1x1x16xf32> to vector<16xf32>
        %parallel_loop3A_246 = vector.shape_cast %parallel_loop3A_239 : vector<16xf32> to vector<1x1x16xf32>
        tpu.vector_store %arg11[%parallel_loop3A_241, %parallel_loop3A_242, %parallel_loop3A_243], %parallel_loop3A_246 {strides = array<i32>} : memref<2x80x64xf32, #tpu.memory_space<vmem>>, vector<1x1x16xf32>,
        %parallel_loop3A_247 = arith.constant 0 : i32
        %parallel_loop3A_248 = arith.index_cast %parallel_loop3A_247 : i32 to index
        %parallel_loop3A_249 = arith.index_cast %parallel_loop3A_229 : i32 to index
        %parallel_loop3A_250 = arith.constant 16 : index
        %parallel_loop3A_251 = tpu.vector_load %arg11[%parallel_loop3A_248, %parallel_loop3A_249, %parallel_loop3A_250] {strides = array<i32>} : memref<2x80x64xf32, #tpu.memory_space<vmem>>, vector<1x1x16xf32>,
        %parallel_loop3A_252 = vector.shape_cast %parallel_loop3A_251 : vector<1x1x16xf32> to vector<16xf32>
        %parallel_loop3A_253 = arith.mulf %parallel_loop3A_252, %parallel_loop3A_232 : vector<16xf32>
        %parallel_loop3A_254 = arith.constant 0 : i32
        %parallel_loop3A_255 = arith.index_cast %parallel_loop3A_254 : i32 to index
        %parallel_loop3A_256 = arith.index_cast %parallel_loop3A_229 : i32 to index
        %parallel_loop3A_257 = arith.constant 16 : index
        %parallel_loop3A_258 = tpu.vector_load %arg11[%parallel_loop3A_255, %parallel_loop3A_256, %parallel_loop3A_257] {strides = array<i32>} : memref<2x80x64xf32, #tpu.memory_space<vmem>>, vector<1x1x16xf32>,
        %parallel_loop3A_259 = vector.shape_cast %parallel_loop3A_258 : vector<1x1x16xf32> to vector<16xf32>
        %parallel_loop3A_260 = vector.shape_cast %parallel_loop3A_253 : vector<16xf32> to vector<1x1x16xf32>
        tpu.vector_store %arg11[%parallel_loop3A_255, %parallel_loop3A_256, %parallel_loop3A_257], %parallel_loop3A_260 {strides = array<i32>} : memref<2x80x64xf32, #tpu.memory_space<vmem>>, vector<1x1x16xf32>,
        %parallel_loop3A_261 = arith.constant 0 : i32
        %parallel_loop3A_262 = arith.index_cast %parallel_loop3A_261 : i32 to index
        %parallel_loop3A_263 = arith.index_cast %parallel_loop3A_229 : i32 to index
        %parallel_loop3A_264 = arith.constant 32 : index
        %parallel_loop3A_265 = tpu.vector_load %arg11[%parallel_loop3A_262, %parallel_loop3A_263, %parallel_loop3A_264] {strides = array<i32>} : memref<2x80x64xf32, #tpu.memory_space<vmem>>, vector<1x1x16xf32>,
        %parallel_loop3A_266 = vector.shape_cast %parallel_loop3A_265 : vector<1x1x16xf32> to vector<16xf32>
        %parallel_loop3A_267 = arith.mulf %parallel_loop3A_266, %parallel_loop3A_232 : vector<16xf32>
        %parallel_loop3A_268 = arith.constant 0 : i32
        %parallel_loop3A_269 = arith.index_cast %parallel_loop3A_268 : i32 to index
        %parallel_loop3A_270 = arith.index_cast %parallel_loop3A_229 : i32 to index
        %parallel_loop3A_271 = arith.constant 32 : index
        %parallel_loop3A_272 = tpu.vector_load %arg11[%parallel_loop3A_269, %parallel_loop3A_270, %parallel_loop3A_271] {strides = array<i32>} : memref<2x80x64xf32, #tpu.memory_space<vmem>>, vector<1x1x16xf32>,
        %parallel_loop3A_273 = vector.shape_cast %parallel_loop3A_272 : vector<1x1x16xf32> to vector<16xf32>
        %parallel_loop3A_274 = vector.shape_cast %parallel_loop3A_267 : vector<16xf32> to vector<1x1x16xf32>
        tpu.vector_store %arg11[%parallel_loop3A_269, %parallel_loop3A_270, %parallel_loop3A_271], %parallel_loop3A_274 {strides = array<i32>} : memref<2x80x64xf32, #tpu.memory_space<vmem>>, vector<1x1x16xf32>,
        %parallel_loop3A_275 = arith.constant 0 : i32
        %parallel_loop3A_276 = arith.index_cast %parallel_loop3A_275 : i32 to index
        %parallel_loop3A_277 = arith.index_cast %parallel_loop3A_229 : i32 to index
        %parallel_loop3A_278 = arith.constant 48 : index
        %parallel_loop3A_279 = tpu.vector_load %arg11[%parallel_loop3A_276, %parallel_loop3A_277, %parallel_loop3A_278] {strides = array<i32>} : memref<2x80x64xf32, #tpu.memory_space<vmem>>, vector<1x1x16xf32>,
        %parallel_loop3A_280 = vector.shape_cast %parallel_loop3A_279 : vector<1x1x16xf32> to vector<16xf32>
        %parallel_loop3A_281 = arith.mulf %parallel_loop3A_280, %parallel_loop3A_232 : vector<16xf32>
        %parallel_loop3A_282 = arith.constant 0 : i32
        %parallel_loop3A_283 = arith.index_cast %parallel_loop3A_282 : i32 to index
        %parallel_loop3A_284 = arith.index_cast %parallel_loop3A_229 : i32 to index
        %parallel_loop3A_285 = arith.constant 48 : index
        %parallel_loop3A_286 = tpu.vector_load %arg11[%parallel_loop3A_283, %parallel_loop3A_284, %parallel_loop3A_285] {strides = array<i32>} : memref<2x80x64xf32, #tpu.memory_space<vmem>>, vector<1x1x16xf32>,
        %parallel_loop3A_287 = vector.shape_cast %parallel_loop3A_286 : vector<1x1x16xf32> to vector<16xf32>
        %parallel_loop3A_288 = vector.shape_cast %parallel_loop3A_281 : vector<16xf32> to vector<1x1x16xf32>
        tpu.vector_store %arg11[%parallel_loop3A_283, %parallel_loop3A_284, %parallel_loop3A_285], %parallel_loop3A_288 {strides = array<i32>} : memref<2x80x64xf32, #tpu.memory_space<vmem>>, vector<1x1x16xf32>,
        %parallel_loop3A_289 = arith.constant 1 : i32
        %parallel_loop3A_290 = arith.addi %parallel_loop3A_223, %parallel_loop3A_289 : i32
        %parallel_loop3A_291 = vector.extract_strided_slice %parallel_loop3A_227 {offsets = [1], sizes = [1], strides = [1]} : vector<16xf32> to vector<1xf32>
        %parallel_loop3A_292 = vector.extract %parallel_loop3A_291[0] : f32 from vector<1xf32>
        %parallel_loop3A_293 = vector.broadcast %parallel_loop3A_292 : f32 to vector<16xf32>
        %parallel_loop3A_294 = arith.constant 0 : i32
        %parallel_loop3A_295 = arith.index_cast %parallel_loop3A_294 : i32 to index
        %parallel_loop3A_296 = arith.index_cast %parallel_loop3A_290 : i32 to index
        %parallel_loop3A_297 = arith.constant 0 : index
        %parallel_loop3A_298 = tpu.vector_load %arg11[%parallel_loop3A_295, %parallel_loop3A_296, %parallel_loop3A_297] {strides = array<i32>} : memref<2x80x64xf32, #tpu.memory_space<vmem>>, vector<1x1x16xf32>,
        %parallel_loop3A_299 = vector.shape_cast %parallel_loop3A_298 : vector<1x1x16xf32> to vector<16xf32>
        %parallel_loop3A_300 = arith.mulf %parallel_loop3A_299, %parallel_loop3A_293 : vector<16xf32>
        %parallel_loop3A_301 = arith.constant 0 : i32
        %parallel_loop3A_302 = arith.index_cast %parallel_loop3A_301 : i32 to index
        %parallel_loop3A_303 = arith.index_cast %parallel_loop3A_290 : i32 to index
        %parallel_loop3A_304 = arith.constant 0 : index
        %parallel_loop3A_305 = tpu.vector_load %arg11[%parallel_loop3A_302, %parallel_loop3A_303, %parallel_loop3A_304] {strides = array<i32>} : memref<2x80x64xf32, #tpu.memory_space<vmem>>, vector<1x1x16xf32>,
        %parallel_loop3A_306 = vector.shape_cast %parallel_loop3A_305 : vector<1x1x16xf32> to vector<16xf32>
        %parallel_loop3A_307 = vector.shape_cast %parallel_loop3A_300 : vector<16xf32> to vector<1x1x16xf32>
        tpu.vector_store %arg11[%parallel_loop3A_302, %parallel_loop3A_303, %parallel_loop3A_304], %parallel_loop3A_307 {strides = array<i32>} : memref<2x80x64xf32, #tpu.memory_space<vmem>>, vector<1x1x16xf32>,
        %parallel_loop3A_308 = arith.constant 0 : i32
        %parallel_loop3A_309 = arith.index_cast %parallel_loop3A_308 : i32 to index
        %parallel_loop3A_310 = arith.index_cast %parallel_loop3A_290 : i32 to index
        %parallel_loop3A_311 = arith.constant 16 : index
        %parallel_loop3A_312 = tpu.vector_load %arg11[%parallel_loop3A_309, %parallel_loop3A_310, %parallel_loop3A_311] {strides = array<i32>} : memref<2x80x64xf32, #tpu.memory_space<vmem>>, vector<1x1x16xf32>,
        %parallel_loop3A_313 = vector.shape_cast %parallel_loop3A_312 : vector<1x1x16xf32> to vector<16xf32>
        %parallel_loop3A_314 = arith.mulf %parallel_loop3A_313, %parallel_loop3A_293 : vector<16xf32>
        %parallel_loop3A_315 = arith.constant 0 : i32
        %parallel_loop3A_316 = arith.index_cast %parallel_loop3A_315 : i32 to index
        %parallel_loop3A_317 = arith.index_cast %parallel_loop3A_290 : i32 to index
        %parallel_loop3A_318 = arith.constant 16 : index
        %parallel_loop3A_319 = tpu.vector_load %arg11[%parallel_loop3A_316, %parallel_loop3A_317, %parallel_loop3A_318] {strides = array<i32>} : memref<2x80x64xf32, #tpu.memory_space<vmem>>, vector<1x1x16xf32>,
        %parallel_loop3A_320 = vector.shape_cast %parallel_loop3A_319 : vector<1x1x16xf32> to vector<16xf32>
        %parallel_loop3A_321 = vector.shape_cast %parallel_loop3A_314 : vector<16xf32> to vector<1x1x16xf32>
        tpu.vector_store %arg11[%parallel_loop3A_316, %parallel_loop3A_317, %parallel_loop3A_318], %parallel_loop3A_321 {strides = array<i32>} : memref<2x80x64xf32, #tpu.memory_space<vmem>>, vector<1x1x16xf32>,
        %parallel_loop3A_322 = arith.constant 0 : i32
        %parallel_loop3A_323 = arith.index_cast %parallel_loop3A_322 : i32 to index
        %parallel_loop3A_324 = arith.index_cast %parallel_loop3A_290 : i32 to index
        %parallel_loop3A_325 = arith.constant 32 : index
        %parallel_loop3A_326 = tpu.vector_load %arg11[%parallel_loop3A_323, %parallel_loop3A_324, %parallel_loop3A_325] {strides = array<i32>} : memref<2x80x64xf32, #tpu.memory_space<vmem>>, vector<1x1x16xf32>,
        %parallel_loop3A_327 = vector.shape_cast %parallel_loop3A_326 : vector<1x1x16xf32> to vector<16xf32>
        %parallel_loop3A_328 = arith.mulf %parallel_loop3A_327, %parallel_loop3A_293 : vector<16xf32>
        %parallel_loop3A_329 = arith.constant 0 : i32
        %parallel_loop3A_330 = arith.index_cast %parallel_loop3A_329 : i32 to index
        %parallel_loop3A_331 = arith.index_cast %parallel_loop3A_290 : i32 to index
        %parallel_loop3A_332 = arith.constant 32 : index
        %parallel_loop3A_333 = tpu.vector_load %arg11[%parallel_loop3A_330, %parallel_loop3A_331, %parallel_loop3A_332] {strides = array<i32>} : memref<2x80x64xf32, #tpu.memory_space<vmem>>, vector<1x1x16xf32>,
        %parallel_loop3A_334 = vector.shape_cast %parallel_loop3A_333 : vector<1x1x16xf32> to vector<16xf32>
        %parallel_loop3A_335 = vector.shape_cast %parallel_loop3A_328 : vector<16xf32> to vector<1x1x16xf32>
        tpu.vector_store %arg11[%parallel_loop3A_330, %parallel_loop3A_331, %parallel_loop3A_332], %parallel_loop3A_335 {strides = array<i32>} : memref<2x80x64xf32, #tpu.memory_space<vmem>>, vector<1x1x16xf32>,
        %parallel_loop3A_336 = arith.constant 0 : i32
        %parallel_loop3A_337 = arith.index_cast %parallel_loop3A_336 : i32 to index
        %parallel_loop3A_338 = arith.index_cast %parallel_loop3A_290 : i32 to index
        %parallel_loop3A_339 = arith.constant 48 : index
        %parallel_loop3A_340 = tpu.vector_load %arg11[%parallel_loop3A_337, %parallel_loop3A_338, %parallel_loop3A_339] {strides = array<i32>} : memref<2x80x64xf32, #tpu.memory_space<vmem>>, vector<1x1x16xf32>,
        %parallel_loop3A_341 = vector.shape_cast %parallel_loop3A_340 : vector<1x1x16xf32> to vector<16xf32>
        %parallel_loop3A_342 = arith.mulf %parallel_loop3A_341, %parallel_loop3A_293 : vector<16xf32>
        %parallel_loop3A_343 = arith.constant 0 : i32
        %parallel_loop3A_344 = arith.index_cast %parallel_loop3A_343 : i32 to index
        %parallel_loop3A_345 = arith.index_cast %parallel_loop3A_290 : i32 to index
        %parallel_loop3A_346 = arith.constant 48 : index
        %parallel_loop3A_347 = tpu.vector_load %arg11[%parallel_loop3A_344, %parallel_loop3A_345, %parallel_loop3A_346] {strides = array<i32>} : memref<2x80x64xf32, #tpu.memory_space<vmem>>, vector<1x1x16xf32>,
        %parallel_loop3A_348 = vector.shape_cast %parallel_loop3A_347 : vector<1x1x16xf32> to vector<16xf32>
        %parallel_loop3A_349 = vector.shape_cast %parallel_loop3A_342 : vector<16xf32> to vector<1x1x16xf32>
        tpu.vector_store %arg11[%parallel_loop3A_344, %parallel_loop3A_345, %parallel_loop3A_346], %parallel_loop3A_349 {strides = array<i32>} : memref<2x80x64xf32, #tpu.memory_space<vmem>>, vector<1x1x16xf32>,
        %parallel_loop3A_350 = arith.constant 2 : i32
        %parallel_loop3A_351 = arith.addi %parallel_loop3A_223, %parallel_loop3A_350 : i32
        %parallel_loop3A_352 = vector.extract_strided_slice %parallel_loop3A_227 {offsets = [2], sizes = [1], strides = [1]} : vector<16xf32> to vector<1xf32>
        %parallel_loop3A_353 = vector.extract %parallel_loop3A_352[0] : f32 from vector<1xf32>
        %parallel_loop3A_354 = vector.broadcast %parallel_loop3A_353 : f32 to vector<16xf32>
        %parallel_loop3A_355 = arith.constant 0 : i32
        %parallel_loop3A_356 = arith.index_cast %parallel_loop3A_355 : i32 to index
        %parallel_loop3A_357 = arith.index_cast %parallel_loop3A_351 : i32 to index
        %parallel_loop3A_358 = arith.constant 0 : index
        %parallel_loop3A_359 = tpu.vector_load %arg11[%parallel_loop3A_356, %parallel_loop3A_357, %parallel_loop3A_358] {strides = array<i32>} : memref<2x80x64xf32, #tpu.memory_space<vmem>>, vector<1x1x16xf32>,
        %parallel_loop3A_360 = vector.shape_cast %parallel_loop3A_359 : vector<1x1x16xf32> to vector<16xf32>
        %parallel_loop3A_361 = arith.mulf %parallel_loop3A_360, %parallel_loop3A_354 : vector<16xf32>
        %parallel_loop3A_362 = arith.constant 0 : i32
        %parallel_loop3A_363 = arith.index_cast %parallel_loop3A_362 : i32 to index
        %parallel_loop3A_364 = arith.index_cast %parallel_loop3A_351 : i32 to index
        %parallel_loop3A_365 = arith.constant 0 : index
        %parallel_loop3A_366 = tpu.vector_load %arg11[%parallel_loop3A_363, %parallel_loop3A_364, %parallel_loop3A_365] {strides = array<i32>} : memref<2x80x64xf32, #tpu.memory_space<vmem>>, vector<1x1x16xf32>,
        %parallel_loop3A_367 = vector.shape_cast %parallel_loop3A_366 : vector<1x1x16xf32> to vector<16xf32>
        %parallel_loop3A_368 = vector.shape_cast %parallel_loop3A_361 : vector<16xf32> to vector<1x1x16xf32>
        tpu.vector_store %arg11[%parallel_loop3A_363, %parallel_loop3A_364, %parallel_loop3A_365], %parallel_loop3A_368 {strides = array<i32>} : memref<2x80x64xf32, #tpu.memory_space<vmem>>, vector<1x1x16xf32>,
        %parallel_loop3A_369 = arith.constant 0 : i32
        %parallel_loop3A_370 = arith.index_cast %parallel_loop3A_369 : i32 to index
        %parallel_loop3A_371 = arith.index_cast %parallel_loop3A_351 : i32 to index
        %parallel_loop3A_372 = arith.constant 16 : index
        %parallel_loop3A_373 = tpu.vector_load %arg11[%parallel_loop3A_370, %parallel_loop3A_371, %parallel_loop3A_372] {strides = array<i32>} : memref<2x80x64xf32, #tpu.memory_space<vmem>>, vector<1x1x16xf32>,
        %parallel_loop3A_374 = vector.shape_cast %parallel_loop3A_373 : vector<1x1x16xf32> to vector<16xf32>
        %parallel_loop3A_375 = arith.mulf %parallel_loop3A_374, %parallel_loop3A_354 : vector<16xf32>
        %parallel_loop3A_376 = arith.constant 0 : i32
        %parallel_loop3A_377 = arith.index_cast %parallel_loop3A_376 : i32 to index
        %parallel_loop3A_378 = arith.index_cast %parallel_loop3A_351 : i32 to index
        %parallel_loop3A_379 = arith.constant 16 : index
        %parallel_loop3A_380 = tpu.vector_load %arg11[%parallel_loop3A_377, %parallel_loop3A_378, %parallel_loop3A_379] {strides = array<i32>} : memref<2x80x64xf32, #tpu.memory_space<vmem>>, vector<1x1x16xf32>,
        %parallel_loop3A_381 = vector.shape_cast %parallel_loop3A_380 : vector<1x1x16xf32> to vector<16xf32>
        %parallel_loop3A_382 = vector.shape_cast %parallel_loop3A_375 : vector<16xf32> to vector<1x1x16xf32>
        tpu.vector_store %arg11[%parallel_loop3A_377, %parallel_loop3A_378, %parallel_loop3A_379], %parallel_loop3A_382 {strides = array<i32>} : memref<2x80x64xf32, #tpu.memory_space<vmem>>, vector<1x1x16xf32>,
        %parallel_loop3A_383 = arith.constant 0 : i32
        %parallel_loop3A_384 = arith.index_cast %parallel_loop3A_383 : i32 to index
        %parallel_loop3A_385 = arith.index_cast %parallel_loop3A_351 : i32 to index
        %parallel_loop3A_386 = arith.constant 32 : index
        %parallel_loop3A_387 = tpu.vector_load %arg11[%parallel_loop3A_384, %parallel_loop3A_385, %parallel_loop3A_386] {strides = array<i32>} : memref<2x80x64xf32, #tpu.memory_space<vmem>>, vector<1x1x16xf32>,
        %parallel_loop3A_388 = vector.shape_cast %parallel_loop3A_387 : vector<1x1x16xf32> to vector<16xf32>
        %parallel_loop3A_389 = arith.mulf %parallel_loop3A_388, %parallel_loop3A_354 : vector<16xf32>
        %parallel_loop3A_390 = arith.constant 0 : i32
        %parallel_loop3A_391 = arith.index_cast %parallel_loop3A_390 : i32 to index
        %parallel_loop3A_392 = arith.index_cast %parallel_loop3A_351 : i32 to index
        %parallel_loop3A_393 = arith.constant 32 : index
        %parallel_loop3A_394 = tpu.vector_load %arg11[%parallel_loop3A_391, %parallel_loop3A_392, %parallel_loop3A_393] {strides = array<i32>} : memref<2x80x64xf32, #tpu.memory_space<vmem>>, vector<1x1x16xf32>,
        %parallel_loop3A_395 = vector.shape_cast %parallel_loop3A_394 : vector<1x1x16xf32> to vector<16xf32>
        %parallel_loop3A_396 = vector.shape_cast %parallel_loop3A_389 : vector<16xf32> to vector<1x1x16xf32>
        tpu.vector_store %arg11[%parallel_loop3A_391, %parallel_loop3A_392, %parallel_loop3A_393], %parallel_loop3A_396 {strides = array<i32>} : memref<2x80x64xf32, #tpu.memory_space<vmem>>, vector<1x1x16xf32>,
        %parallel_loop3A_397 = arith.constant 0 : i32
        %parallel_loop3A_398 = arith.index_cast %parallel_loop3A_397 : i32 to index
        %parallel_loop3A_399 = arith.index_cast %parallel_loop3A_351 : i32 to index
        %parallel_loop3A_400 = arith.constant 48 : index
        %parallel_loop3A_401 = tpu.vector_load %arg11[%parallel_loop3A_398, %parallel_loop3A_399, %parallel_loop3A_400] {strides = array<i32>} : memref<2x80x64xf32, #tpu.memory_space<vmem>>, vector<1x1x16xf32>,
        %parallel_loop3A_402 = vector.shape_cast %parallel_loop3A_401 : vector<1x1x16xf32> to vector<16xf32>
        %parallel_loop3A_403 = arith.mulf %parallel_loop3A_402, %parallel_loop3A_354 : vector<16xf32>
        %parallel_loop3A_404 = arith.constant 0 : i32
        %parallel_loop3A_405 = arith.index_cast %parallel_loop3A_404 : i32 to index
        %parallel_loop3A_406 = arith.index_cast %parallel_loop3A_351 : i32 to index
        %parallel_loop3A_407 = arith.constant 48 : index
        %parallel_loop3A_408 = tpu.vector_load %arg11[%parallel_loop3A_405, %parallel_loop3A_406, %parallel_loop3A_407] {strides = array<i32>} : memref<2x80x64xf32, #tpu.memory_space<vmem>>, vector<1x1x16xf32>,
        %parallel_loop3A_409 = vector.shape_cast %parallel_loop3A_408 : vector<1x1x16xf32> to vector<16xf32>
        %parallel_loop3A_410 = vector.shape_cast %parallel_loop3A_403 : vector<16xf32> to vector<1x1x16xf32>
        tpu.vector_store %arg11[%parallel_loop3A_405, %parallel_loop3A_406, %parallel_loop3A_407], %parallel_loop3A_410 {strides = array<i32>} : memref<2x80x64xf32, #tpu.memory_space<vmem>>, vector<1x1x16xf32>,
        %parallel_loop3A_411 = arith.constant 3 : i32
        %parallel_loop3A_412 = arith.addi %parallel_loop3A_223, %parallel_loop3A_411 : i32
        %parallel_loop3A_413 = vector.extract_strided_slice %parallel_loop3A_227 {offsets = [3], sizes = [1], strides = [1]} : vector<16xf32> to vector<1xf32>
        %parallel_loop3A_414 = vector.extract %parallel_loop3A_413[0] : f32 from vector<1xf32>
        %parallel_loop3A_415 = vector.broadcast %parallel_loop3A_414 : f32 to vector<16xf32>
        %parallel_loop3A_416 = arith.constant 0 : i32
        %parallel_loop3A_417 = arith.index_cast %parallel_loop3A_416 : i32 to index
        %parallel_loop3A_418 = arith.index_cast %parallel_loop3A_412 : i32 to index
        %parallel_loop3A_419 = arith.constant 0 : index
        %parallel_loop3A_420 = tpu.vector_load %arg11[%parallel_loop3A_417, %parallel_loop3A_418, %parallel_loop3A_419] {strides = array<i32>} : memref<2x80x64xf32, #tpu.memory_space<vmem>>, vector<1x1x16xf32>,
        %parallel_loop3A_421 = vector.shape_cast %parallel_loop3A_420 : vector<1x1x16xf32> to vector<16xf32>
        %parallel_loop3A_422 = arith.mulf %parallel_loop3A_421, %parallel_loop3A_415 : vector<16xf32>
        %parallel_loop3A_423 = arith.constant 0 : i32
        %parallel_loop3A_424 = arith.index_cast %parallel_loop3A_423 : i32 to index
        %parallel_loop3A_425 = arith.index_cast %parallel_loop3A_412 : i32 to index
        %parallel_loop3A_426 = arith.constant 0 : index
        %parallel_loop3A_427 = tpu.vector_load %arg11[%parallel_loop3A_424, %parallel_loop3A_425, %parallel_loop3A_426] {strides = array<i32>} : memref<2x80x64xf32, #tpu.memory_space<vmem>>, vector<1x1x16xf32>,
        %parallel_loop3A_428 = vector.shape_cast %parallel_loop3A_427 : vector<1x1x16xf32> to vector<16xf32>
        %parallel_loop3A_429 = vector.shape_cast %parallel_loop3A_422 : vector<16xf32> to vector<1x1x16xf32>
        tpu.vector_store %arg11[%parallel_loop3A_424, %parallel_loop3A_425, %parallel_loop3A_426], %parallel_loop3A_429 {strides = array<i32>} : memref<2x80x64xf32, #tpu.memory_space<vmem>>, vector<1x1x16xf32>,
        %parallel_loop3A_430 = arith.constant 0 : i32
        %parallel_loop3A_431 = arith.index_cast %parallel_loop3A_430 : i32 to index
        %parallel_loop3A_432 = arith.index_cast %parallel_loop3A_412 : i32 to index
        %parallel_loop3A_433 = arith.constant 16 : index
        %parallel_loop3A_434 = tpu.vector_load %arg11[%parallel_loop3A_431, %parallel_loop3A_432, %parallel_loop3A_433] {strides = array<i32>} : memref<2x80x64xf32, #tpu.memory_space<vmem>>, vector<1x1x16xf32>,
        %parallel_loop3A_435 = vector.shape_cast %parallel_loop3A_434 : vector<1x1x16xf32> to vector<16xf32>
        %parallel_loop3A_436 = arith.mulf %parallel_loop3A_435, %parallel_loop3A_415 : vector<16xf32>
        %parallel_loop3A_437 = arith.constant 0 : i32
        %parallel_loop3A_438 = arith.index_cast %parallel_loop3A_437 : i32 to index
        %parallel_loop3A_439 = arith.index_cast %parallel_loop3A_412 : i32 to index
        %parallel_loop3A_440 = arith.constant 16 : index
        %parallel_loop3A_441 = tpu.vector_load %arg11[%parallel_loop3A_438, %parallel_loop3A_439, %parallel_loop3A_440] {strides = array<i32>} : memref<2x80x64xf32, #tpu.memory_space<vmem>>, vector<1x1x16xf32>,
        %parallel_loop3A_442 = vector.shape_cast %parallel_loop3A_441 : vector<1x1x16xf32> to vector<16xf32>
        %parallel_loop3A_443 = vector.shape_cast %parallel_loop3A_436 : vector<16xf32> to vector<1x1x16xf32>
        tpu.vector_store %arg11[%parallel_loop3A_438, %parallel_loop3A_439, %parallel_loop3A_440], %parallel_loop3A_443 {strides = array<i32>} : memref<2x80x64xf32, #tpu.memory_space<vmem>>, vector<1x1x16xf32>,
        %parallel_loop3A_444 = arith.constant 0 : i32
        %parallel_loop3A_445 = arith.index_cast %parallel_loop3A_444 : i32 to index
        %parallel_loop3A_446 = arith.index_cast %parallel_loop3A_412 : i32 to index
        %parallel_loop3A_447 = arith.constant 32 : index
        %parallel_loop3A_448 = tpu.vector_load %arg11[%parallel_loop3A_445, %parallel_loop3A_446, %parallel_loop3A_447] {strides = array<i32>} : memref<2x80x64xf32, #tpu.memory_space<vmem>>, vector<1x1x16xf32>,
        %parallel_loop3A_449 = vector.shape_cast %parallel_loop3A_448 : vector<1x1x16xf32> to vector<16xf32>
        %parallel_loop3A_450 = arith.mulf %parallel_loop3A_449, %parallel_loop3A_415 : vector<16xf32>
        %parallel_loop3A_451 = arith.constant 0 : i32
        %parallel_loop3A_452 = arith.index_cast %parallel_loop3A_451 : i32 to index
        %parallel_loop3A_453 = arith.index_cast %parallel_loop3A_412 : i32 to index
        %parallel_loop3A_454 = arith.constant 32 : index
        %parallel_loop3A_455 = tpu.vector_load %arg11[%parallel_loop3A_452, %parallel_loop3A_453, %parallel_loop3A_454] {strides = array<i32>} : memref<2x80x64xf32, #tpu.memory_space<vmem>>, vector<1x1x16xf32>,
        %parallel_loop3A_456 = vector.shape_cast %parallel_loop3A_455 : vector<1x1x16xf32> to vector<16xf32>
        %parallel_loop3A_457 = vector.shape_cast %parallel_loop3A_450 : vector<16xf32> to vector<1x1x16xf32>
        tpu.vector_store %arg11[%parallel_loop3A_452, %parallel_loop3A_453, %parallel_loop3A_454], %parallel_loop3A_457 {strides = array<i32>} : memref<2x80x64xf32, #tpu.memory_space<vmem>>, vector<1x1x16xf32>,
        %parallel_loop3A_458 = arith.constant 0 : i32
        %parallel_loop3A_459 = arith.index_cast %parallel_loop3A_458 : i32 to index
        %parallel_loop3A_460 = arith.index_cast %parallel_loop3A_412 : i32 to index
        %parallel_loop3A_461 = arith.constant 48 : index
        %parallel_loop3A_462 = tpu.vector_load %arg11[%parallel_loop3A_459, %parallel_loop3A_460, %parallel_loop3A_461] {strides = array<i32>} : memref<2x80x64xf32, #tpu.memory_space<vmem>>, vector<1x1x16xf32>,
        %parallel_loop3A_463 = vector.shape_cast %parallel_loop3A_462 : vector<1x1x16xf32> to vector<16xf32>
        %parallel_loop3A_464 = arith.mulf %parallel_loop3A_463, %parallel_loop3A_415 : vector<16xf32>
        %parallel_loop3A_465 = arith.constant 0 : i32
        %parallel_loop3A_466 = arith.index_cast %parallel_loop3A_465 : i32 to index
        %parallel_loop3A_467 = arith.index_cast %parallel_loop3A_412 : i32 to index
        %parallel_loop3A_468 = arith.constant 48 : index
        %parallel_loop3A_469 = tpu.vector_load %arg11[%parallel_loop3A_466, %parallel_loop3A_467, %parallel_loop3A_468] {strides = array<i32>} : memref<2x80x64xf32, #tpu.memory_space<vmem>>, vector<1x1x16xf32>,
        %parallel_loop3A_470 = vector.shape_cast %parallel_loop3A_469 : vector<1x1x16xf32> to vector<16xf32>
        %parallel_loop3A_471 = vector.shape_cast %parallel_loop3A_464 : vector<16xf32> to vector<1x1x16xf32>
        tpu.vector_store %arg11[%parallel_loop3A_466, %parallel_loop3A_467, %parallel_loop3A_468], %parallel_loop3A_471 {strides = array<i32>} : memref<2x80x64xf32, #tpu.memory_space<vmem>>, vector<1x1x16xf32>,
        %parallel_loop3A_472 = arith.constant 4 : i32
        %parallel_loop3A_473 = arith.addi %parallel_loop3A_223, %parallel_loop3A_472 : i32
        %parallel_loop3A_474 = vector.extract_strided_slice %parallel_loop3A_227 {offsets = [4], sizes = [1], strides = [1]} : vector<16xf32> to vector<1xf32>
        %parallel_loop3A_475 = vector.extract %parallel_loop3A_474[0] : f32 from vector<1xf32>
        %parallel_loop3A_476 = vector.broadcast %parallel_loop3A_475 : f32 to vector<16xf32>
        %parallel_loop3A_477 = arith.constant 0 : i32
        %parallel_loop3A_478 = arith.index_cast %parallel_loop3A_477 : i32 to index
        %parallel_loop3A_479 = arith.index_cast %parallel_loop3A_473 : i32 to index
        %parallel_loop3A_480 = arith.constant 0 : index
        %parallel_loop3A_481 = tpu.vector_load %arg11[%parallel_loop3A_478, %parallel_loop3A_479, %parallel_loop3A_480] {strides = array<i32>} : memref<2x80x64xf32, #tpu.memory_space<vmem>>, vector<1x1x16xf32>,
        %parallel_loop3A_482 = vector.shape_cast %parallel_loop3A_481 : vector<1x1x16xf32> to vector<16xf32>
        %parallel_loop3A_483 = arith.mulf %parallel_loop3A_482, %parallel_loop3A_476 : vector<16xf32>
        %parallel_loop3A_484 = arith.constant 0 : i32
        %parallel_loop3A_485 = arith.index_cast %parallel_loop3A_484 : i32 to index
        %parallel_loop3A_486 = arith.index_cast %parallel_loop3A_473 : i32 to index
        %parallel_loop3A_487 = arith.constant 0 : index
        %parallel_loop3A_488 = tpu.vector_load %arg11[%parallel_loop3A_485, %parallel_loop3A_486, %parallel_loop3A_487] {strides = array<i32>} : memref<2x80x64xf32, #tpu.memory_space<vmem>>, vector<1x1x16xf32>,
        %parallel_loop3A_489 = vector.shape_cast %parallel_loop3A_488 : vector<1x1x16xf32> to vector<16xf32>
        %parallel_loop3A_490 = vector.shape_cast %parallel_loop3A_483 : vector<16xf32> to vector<1x1x16xf32>
        tpu.vector_store %arg11[%parallel_loop3A_485, %parallel_loop3A_486, %parallel_loop3A_487], %parallel_loop3A_490 {strides = array<i32>} : memref<2x80x64xf32, #tpu.memory_space<vmem>>, vector<1x1x16xf32>,
        %parallel_loop3A_491 = arith.constant 0 : i32
        %parallel_loop3A_492 = arith.index_cast %parallel_loop3A_491 : i32 to index
        %parallel_loop3A_493 = arith.index_cast %parallel_loop3A_473 : i32 to index
        %parallel_loop3A_494 = arith.constant 16 : index
        %parallel_loop3A_495 = tpu.vector_load %arg11[%parallel_loop3A_492, %parallel_loop3A_493, %parallel_loop3A_494] {strides = array<i32>} : memref<2x80x64xf32, #tpu.memory_space<vmem>>, vector<1x1x16xf32>,
        %parallel_loop3A_496 = vector.shape_cast %parallel_loop3A_495 : vector<1x1x16xf32> to vector<16xf32>
        %parallel_loop3A_497 = arith.mulf %parallel_loop3A_496, %parallel_loop3A_476 : vector<16xf32>
        %parallel_loop3A_498 = arith.constant 0 : i32
        %parallel_loop3A_499 = arith.index_cast %parallel_loop3A_498 : i32 to index
        %parallel_loop3A_500 = arith.index_cast %parallel_loop3A_473 : i32 to index
        %parallel_loop3A_501 = arith.constant 16 : index
        %parallel_loop3A_502 = tpu.vector_load %arg11[%parallel_loop3A_499, %parallel_loop3A_500, %parallel_loop3A_501] {strides = array<i32>} : memref<2x80x64xf32, #tpu.memory_space<vmem>>, vector<1x1x16xf32>,
        %parallel_loop3A_503 = vector.shape_cast %parallel_loop3A_502 : vector<1x1x16xf32> to vector<16xf32>
        %parallel_loop3A_504 = vector.shape_cast %parallel_loop3A_497 : vector<16xf32> to vector<1x1x16xf32>
        tpu.vector_store %arg11[%parallel_loop3A_499, %parallel_loop3A_500, %parallel_loop3A_501], %parallel_loop3A_504 {strides = array<i32>} : memref<2x80x64xf32, #tpu.memory_space<vmem>>, vector<1x1x16xf32>,
        %parallel_loop3A_505 = arith.constant 0 : i32
        %parallel_loop3A_506 = arith.index_cast %parallel_loop3A_505 : i32 to index
        %parallel_loop3A_507 = arith.index_cast %parallel_loop3A_473 : i32 to index
        %parallel_loop3A_508 = arith.constant 32 : index
        %parallel_loop3A_509 = tpu.vector_load %arg11[%parallel_loop3A_506, %parallel_loop3A_507, %parallel_loop3A_508] {strides = array<i32>} : memref<2x80x64xf32, #tpu.memory_space<vmem>>, vector<1x1x16xf32>,
        %parallel_loop3A_510 = vector.shape_cast %parallel_loop3A_509 : vector<1x1x16xf32> to vector<16xf32>
        %parallel_loop3A_511 = arith.mulf %parallel_loop3A_510, %parallel_loop3A_476 : vector<16xf32>
        %parallel_loop3A_512 = arith.constant 0 : i32
        %parallel_loop3A_513 = arith.index_cast %parallel_loop3A_512 : i32 to index
        %parallel_loop3A_514 = arith.index_cast %parallel_loop3A_473 : i32 to index
        %parallel_loop3A_515 = arith.constant 32 : index
        %parallel_loop3A_516 = tpu.vector_load %arg11[%parallel_loop3A_513, %parallel_loop3A_514, %parallel_loop3A_515] {strides = array<i32>} : memref<2x80x64xf32, #tpu.memory_space<vmem>>, vector<1x1x16xf32>,
        %parallel_loop3A_517 = vector.shape_cast %parallel_loop3A_516 : vector<1x1x16xf32> to vector<16xf32>
        %parallel_loop3A_518 = vector.shape_cast %parallel_loop3A_511 : vector<16xf32> to vector<1x1x16xf32>
        tpu.vector_store %arg11[%parallel_loop3A_513, %parallel_loop3A_514, %parallel_loop3A_515], %parallel_loop3A_518 {strides = array<i32>} : memref<2x80x64xf32, #tpu.memory_space<vmem>>, vector<1x1x16xf32>,
        %parallel_loop3A_519 = arith.constant 0 : i32
        %parallel_loop3A_520 = arith.index_cast %parallel_loop3A_519 : i32 to index
        %parallel_loop3A_521 = arith.index_cast %parallel_loop3A_473 : i32 to index
        %parallel_loop3A_522 = arith.constant 48 : index
        %parallel_loop3A_523 = tpu.vector_load %arg11[%parallel_loop3A_520, %parallel_loop3A_521, %parallel_loop3A_522] {strides = array<i32>} : memref<2x80x64xf32, #tpu.memory_space<vmem>>, vector<1x1x16xf32>,
        %parallel_loop3A_524 = vector.shape_cast %parallel_loop3A_523 : vector<1x1x16xf32> to vector<16xf32>
        %parallel_loop3A_525 = arith.mulf %parallel_loop3A_524, %parallel_loop3A_476 : vector<16xf32>
        %parallel_loop3A_526 = arith.constant 0 : i32
        %parallel_loop3A_527 = arith.index_cast %parallel_loop3A_526 : i32 to index
        %parallel_loop3A_528 = arith.index_cast %parallel_loop3A_473 : i32 to index
        %parallel_loop3A_529 = arith.constant 48 : index
        %parallel_loop3A_530 = tpu.vector_load %arg11[%parallel_loop3A_527, %parallel_loop3A_528, %parallel_loop3A_529] {strides = array<i32>} : memref<2x80x64xf32, #tpu.memory_space<vmem>>, vector<1x1x16xf32>,
        %parallel_loop3A_531 = vector.shape_cast %parallel_loop3A_530 : vector<1x1x16xf32> to vector<16xf32>
        %parallel_loop3A_532 = vector.shape_cast %parallel_loop3A_525 : vector<16xf32> to vector<1x1x16xf32>
        tpu.vector_store %arg11[%parallel_loop3A_527, %parallel_loop3A_528, %parallel_loop3A_529], %parallel_loop3A_532 {strides = array<i32>} : memref<2x80x64xf32, #tpu.memory_space<vmem>>, vector<1x1x16xf32>,
        %parallel_loop3A_533 = arith.constant 5 : i32
        %parallel_loop3A_534 = arith.addi %parallel_loop3A_223, %parallel_loop3A_533 : i32
        %parallel_loop3A_535 = vector.extract_strided_slice %parallel_loop3A_227 {offsets = [5], sizes = [1], strides = [1]} : vector<16xf32> to vector<1xf32>
        %parallel_loop3A_536 = vector.extract %parallel_loop3A_535[0] : f32 from vector<1xf32>
        %parallel_loop3A_537 = vector.broadcast %parallel_loop3A_536 : f32 to vector<16xf32>
        %parallel_loop3A_538 = arith.constant 0 : i32
        %parallel_loop3A_539 = arith.index_cast %parallel_loop3A_538 : i32 to index
        %parallel_loop3A_540 = arith.index_cast %parallel_loop3A_534 : i32 to index
        %parallel_loop3A_541 = arith.constant 0 : index
        %parallel_loop3A_542 = tpu.vector_load %arg11[%parallel_loop3A_539, %parallel_loop3A_540, %parallel_loop3A_541] {strides = array<i32>} : memref<2x80x64xf32, #tpu.memory_space<vmem>>, vector<1x1x16xf32>,
        %parallel_loop3A_543 = vector.shape_cast %parallel_loop3A_542 : vector<1x1x16xf32> to vector<16xf32>
        %parallel_loop3A_544 = arith.mulf %parallel_loop3A_543, %parallel_loop3A_537 : vector<16xf32>
        %parallel_loop3A_545 = arith.constant 0 : i32
        %parallel_loop3A_546 = arith.index_cast %parallel_loop3A_545 : i32 to index
        %parallel_loop3A_547 = arith.index_cast %parallel_loop3A_534 : i32 to index
        %parallel_loop3A_548 = arith.constant 0 : index
        %parallel_loop3A_549 = tpu.vector_load %arg11[%parallel_loop3A_546, %parallel_loop3A_547, %parallel_loop3A_548] {strides = array<i32>} : memref<2x80x64xf32, #tpu.memory_space<vmem>>, vector<1x1x16xf32>,
        %parallel_loop3A_550 = vector.shape_cast %parallel_loop3A_549 : vector<1x1x16xf32> to vector<16xf32>
        %parallel_loop3A_551 = vector.shape_cast %parallel_loop3A_544 : vector<16xf32> to vector<1x1x16xf32>
        tpu.vector_store %arg11[%parallel_loop3A_546, %parallel_loop3A_547, %parallel_loop3A_548], %parallel_loop3A_551 {strides = array<i32>} : memref<2x80x64xf32, #tpu.memory_space<vmem>>, vector<1x1x16xf32>,
        %parallel_loop3A_552 = arith.constant 0 : i32
        %parallel_loop3A_553 = arith.index_cast %parallel_loop3A_552 : i32 to index
        %parallel_loop3A_554 = arith.index_cast %parallel_loop3A_534 : i32 to index
        %parallel_loop3A_555 = arith.constant 16 : index
        %parallel_loop3A_556 = tpu.vector_load %arg11[%parallel_loop3A_553, %parallel_loop3A_554, %parallel_loop3A_555] {strides = array<i32>} : memref<2x80x64xf32, #tpu.memory_space<vmem>>, vector<1x1x16xf32>,
        %parallel_loop3A_557 = vector.shape_cast %parallel_loop3A_556 : vector<1x1x16xf32> to vector<16xf32>
        %parallel_loop3A_558 = arith.mulf %parallel_loop3A_557, %parallel_loop3A_537 : vector<16xf32>
        %parallel_loop3A_559 = arith.constant 0 : i32
        %parallel_loop3A_560 = arith.index_cast %parallel_loop3A_559 : i32 to index
        %parallel_loop3A_561 = arith.index_cast %parallel_loop3A_534 : i32 to index
        %parallel_loop3A_562 = arith.constant 16 : index
        %parallel_loop3A_563 = tpu.vector_load %arg11[%parallel_loop3A_560, %parallel_loop3A_561, %parallel_loop3A_562] {strides = array<i32>} : memref<2x80x64xf32, #tpu.memory_space<vmem>>, vector<1x1x16xf32>,
        %parallel_loop3A_564 = vector.shape_cast %parallel_loop3A_563 : vector<1x1x16xf32> to vector<16xf32>
        %parallel_loop3A_565 = vector.shape_cast %parallel_loop3A_558 : vector<16xf32> to vector<1x1x16xf32>
        tpu.vector_store %arg11[%parallel_loop3A_560, %parallel_loop3A_561, %parallel_loop3A_562], %parallel_loop3A_565 {strides = array<i32>} : memref<2x80x64xf32, #tpu.memory_space<vmem>>, vector<1x1x16xf32>,
        %parallel_loop3A_566 = arith.constant 0 : i32
        %parallel_loop3A_567 = arith.index_cast %parallel_loop3A_566 : i32 to index
        %parallel_loop3A_568 = arith.index_cast %parallel_loop3A_534 : i32 to index
        %parallel_loop3A_569 = arith.constant 32 : index
        %parallel_loop3A_570 = tpu.vector_load %arg11[%parallel_loop3A_567, %parallel_loop3A_568, %parallel_loop3A_569] {strides = array<i32>} : memref<2x80x64xf32, #tpu.memory_space<vmem>>, vector<1x1x16xf32>,
        %parallel_loop3A_571 = vector.shape_cast %parallel_loop3A_570 : vector<1x1x16xf32> to vector<16xf32>
        %parallel_loop3A_572 = arith.mulf %parallel_loop3A_571, %parallel_loop3A_537 : vector<16xf32>
        %parallel_loop3A_573 = arith.constant 0 : i32
        %parallel_loop3A_574 = arith.index_cast %parallel_loop3A_573 : i32 to index
        %parallel_loop3A_575 = arith.index_cast %parallel_loop3A_534 : i32 to index
        %parallel_loop3A_576 = arith.constant 32 : index
        %parallel_loop3A_577 = tpu.vector_load %arg11[%parallel_loop3A_574, %parallel_loop3A_575, %parallel_loop3A_576] {strides = array<i32>} : memref<2x80x64xf32, #tpu.memory_space<vmem>>, vector<1x1x16xf32>,
        %parallel_loop3A_578 = vector.shape_cast %parallel_loop3A_577 : vector<1x1x16xf32> to vector<16xf32>
        %parallel_loop3A_579 = vector.shape_cast %parallel_loop3A_572 : vector<16xf32> to vector<1x1x16xf32>
        tpu.vector_store %arg11[%parallel_loop3A_574, %parallel_loop3A_575, %parallel_loop3A_576], %parallel_loop3A_579 {strides = array<i32>} : memref<2x80x64xf32, #tpu.memory_space<vmem>>, vector<1x1x16xf32>,
        %parallel_loop3A_580 = arith.constant 0 : i32
        %parallel_loop3A_581 = arith.index_cast %parallel_loop3A_580 : i32 to index
        %parallel_loop3A_582 = arith.index_cast %parallel_loop3A_534 : i32 to index
        %parallel_loop3A_583 = arith.constant 48 : index
        %parallel_loop3A_584 = tpu.vector_load %arg11[%parallel_loop3A_581, %parallel_loop3A_582, %parallel_loop3A_583] {strides = array<i32>} : memref<2x80x64xf32, #tpu.memory_space<vmem>>, vector<1x1x16xf32>,
        %parallel_loop3A_585 = vector.shape_cast %parallel_loop3A_584 : vector<1x1x16xf32> to vector<16xf32>
        %parallel_loop3A_586 = arith.mulf %parallel_loop3A_585, %parallel_loop3A_537 : vector<16xf32>
        %parallel_loop3A_587 = arith.constant 0 : i32
        %parallel_loop3A_588 = arith.index_cast %parallel_loop3A_587 : i32 to index
        %parallel_loop3A_589 = arith.index_cast %parallel_loop3A_534 : i32 to index
        %parallel_loop3A_590 = arith.constant 48 : index
        %parallel_loop3A_591 = tpu.vector_load %arg11[%parallel_loop3A_588, %parallel_loop3A_589, %parallel_loop3A_590] {strides = array<i32>} : memref<2x80x64xf32, #tpu.memory_space<vmem>>, vector<1x1x16xf32>,
        %parallel_loop3A_592 = vector.shape_cast %parallel_loop3A_591 : vector<1x1x16xf32> to vector<16xf32>
        %parallel_loop3A_593 = vector.shape_cast %parallel_loop3A_586 : vector<16xf32> to vector<1x1x16xf32>
        tpu.vector_store %arg11[%parallel_loop3A_588, %parallel_loop3A_589, %parallel_loop3A_590], %parallel_loop3A_593 {strides = array<i32>} : memref<2x80x64xf32, #tpu.memory_space<vmem>>, vector<1x1x16xf32>,
        %parallel_loop3A_594 = arith.constant 6 : i32
        %parallel_loop3A_595 = arith.addi %parallel_loop3A_223, %parallel_loop3A_594 : i32
        %parallel_loop3A_596 = vector.extract_strided_slice %parallel_loop3A_227 {offsets = [6], sizes = [1], strides = [1]} : vector<16xf32> to vector<1xf32>
        %parallel_loop3A_597 = vector.extract %parallel_loop3A_596[0] : f32 from vector<1xf32>
        %parallel_loop3A_598 = vector.broadcast %parallel_loop3A_597 : f32 to vector<16xf32>
        %parallel_loop3A_599 = arith.constant 0 : i32
        %parallel_loop3A_600 = arith.index_cast %parallel_loop3A_599 : i32 to index
        %parallel_loop3A_601 = arith.index_cast %parallel_loop3A_595 : i32 to index
        %parallel_loop3A_602 = arith.constant 0 : index
        %parallel_loop3A_603 = tpu.vector_load %arg11[%parallel_loop3A_600, %parallel_loop3A_601, %parallel_loop3A_602] {strides = array<i32>} : memref<2x80x64xf32, #tpu.memory_space<vmem>>, vector<1x1x16xf32>,
        %parallel_loop3A_604 = vector.shape_cast %parallel_loop3A_603 : vector<1x1x16xf32> to vector<16xf32>
        %parallel_loop3A_605 = arith.mulf %parallel_loop3A_604, %parallel_loop3A_598 : vector<16xf32>
        %parallel_loop3A_606 = arith.constant 0 : i32
        %parallel_loop3A_607 = arith.index_cast %parallel_loop3A_606 : i32 to index
        %parallel_loop3A_608 = arith.index_cast %parallel_loop3A_595 : i32 to index
        %parallel_loop3A_609 = arith.constant 0 : index
        %parallel_loop3A_610 = tpu.vector_load %arg11[%parallel_loop3A_607, %parallel_loop3A_608, %parallel_loop3A_609] {strides = array<i32>} : memref<2x80x64xf32, #tpu.memory_space<vmem>>, vector<1x1x16xf32>,
        %parallel_loop3A_611 = vector.shape_cast %parallel_loop3A_610 : vector<1x1x16xf32> to vector<16xf32>
        %parallel_loop3A_612 = vector.shape_cast %parallel_loop3A_605 : vector<16xf32> to vector<1x1x16xf32>
        tpu.vector_store %arg11[%parallel_loop3A_607, %parallel_loop3A_608, %parallel_loop3A_609], %parallel_loop3A_612 {strides = array<i32>} : memref<2x80x64xf32, #tpu.memory_space<vmem>>, vector<1x1x16xf32>,
        %parallel_loop3A_613 = arith.constant 0 : i32
        %parallel_loop3A_614 = arith.index_cast %parallel_loop3A_613 : i32 to index
        %parallel_loop3A_615 = arith.index_cast %parallel_loop3A_595 : i32 to index
        %parallel_loop3A_616 = arith.constant 16 : index
        %parallel_loop3A_617 = tpu.vector_load %arg11[%parallel_loop3A_614, %parallel_loop3A_615, %parallel_loop3A_616] {strides = array<i32>} : memref<2x80x64xf32, #tpu.memory_space<vmem>>, vector<1x1x16xf32>,
        %parallel_loop3A_618 = vector.shape_cast %parallel_loop3A_617 : vector<1x1x16xf32> to vector<16xf32>
        %parallel_loop3A_619 = arith.mulf %parallel_loop3A_618, %parallel_loop3A_598 : vector<16xf32>
        %parallel_loop3A_620 = arith.constant 0 : i32
        %parallel_loop3A_621 = arith.index_cast %parallel_loop3A_620 : i32 to index
        %parallel_loop3A_622 = arith.index_cast %parallel_loop3A_595 : i32 to index
        %parallel_loop3A_623 = arith.constant 16 : index
        %parallel_loop3A_624 = tpu.vector_load %arg11[%parallel_loop3A_621, %parallel_loop3A_622, %parallel_loop3A_623] {strides = array<i32>} : memref<2x80x64xf32, #tpu.memory_space<vmem>>, vector<1x1x16xf32>,
        %parallel_loop3A_625 = vector.shape_cast %parallel_loop3A_624 : vector<1x1x16xf32> to vector<16xf32>
        %parallel_loop3A_626 = vector.shape_cast %parallel_loop3A_619 : vector<16xf32> to vector<1x1x16xf32>
        tpu.vector_store %arg11[%parallel_loop3A_621, %parallel_loop3A_622, %parallel_loop3A_623], %parallel_loop3A_626 {strides = array<i32>} : memref<2x80x64xf32, #tpu.memory_space<vmem>>, vector<1x1x16xf32>,
        %parallel_loop3A_627 = arith.constant 0 : i32
        %parallel_loop3A_628 = arith.index_cast %parallel_loop3A_627 : i32 to index
        %parallel_loop3A_629 = arith.index_cast %parallel_loop3A_595 : i32 to index
        %parallel_loop3A_630 = arith.constant 32 : index
        %parallel_loop3A_631 = tpu.vector_load %arg11[%parallel_loop3A_628, %parallel_loop3A_629, %parallel_loop3A_630] {strides = array<i32>} : memref<2x80x64xf32, #tpu.memory_space<vmem>>, vector<1x1x16xf32>,
        %parallel_loop3A_632 = vector.shape_cast %parallel_loop3A_631 : vector<1x1x16xf32> to vector<16xf32>
        %parallel_loop3A_633 = arith.mulf %parallel_loop3A_632, %parallel_loop3A_598 : vector<16xf32>
        %parallel_loop3A_634 = arith.constant 0 : i32
        %parallel_loop3A_635 = arith.index_cast %parallel_loop3A_634 : i32 to index
        %parallel_loop3A_636 = arith.index_cast %parallel_loop3A_595 : i32 to index
        %parallel_loop3A_637 = arith.constant 32 : index
        %parallel_loop3A_638 = tpu.vector_load %arg11[%parallel_loop3A_635, %parallel_loop3A_636, %parallel_loop3A_637] {strides = array<i32>} : memref<2x80x64xf32, #tpu.memory_space<vmem>>, vector<1x1x16xf32>,
        %parallel_loop3A_639 = vector.shape_cast %parallel_loop3A_638 : vector<1x1x16xf32> to vector<16xf32>
        %parallel_loop3A_640 = vector.shape_cast %parallel_loop3A_633 : vector<16xf32> to vector<1x1x16xf32>
        tpu.vector_store %arg11[%parallel_loop3A_635, %parallel_loop3A_636, %parallel_loop3A_637], %parallel_loop3A_640 {strides = array<i32>} : memref<2x80x64xf32, #tpu.memory_space<vmem>>, vector<1x1x16xf32>,
        %parallel_loop3A_641 = arith.constant 0 : i32
        %parallel_loop3A_642 = arith.index_cast %parallel_loop3A_641 : i32 to index
        %parallel_loop3A_643 = arith.index_cast %parallel_loop3A_595 : i32 to index
        %parallel_loop3A_644 = arith.constant 48 : index
        %parallel_loop3A_645 = tpu.vector_load %arg11[%parallel_loop3A_642, %parallel_loop3A_643, %parallel_loop3A_644] {strides = array<i32>} : memref<2x80x64xf32, #tpu.memory_space<vmem>>, vector<1x1x16xf32>,
        %parallel_loop3A_646 = vector.shape_cast %parallel_loop3A_645 : vector<1x1x16xf32> to vector<16xf32>
        %parallel_loop3A_647 = arith.mulf %parallel_loop3A_646, %parallel_loop3A_598 : vector<16xf32>
        %parallel_loop3A_648 = arith.constant 0 : i32
        %parallel_loop3A_649 = arith.index_cast %parallel_loop3A_648 : i32 to index
        %parallel_loop3A_650 = arith.index_cast %parallel_loop3A_595 : i32 to index
        %parallel_loop3A_651 = arith.constant 48 : index
        %parallel_loop3A_652 = tpu.vector_load %arg11[%parallel_loop3A_649, %parallel_loop3A_650, %parallel_loop3A_651] {strides = array<i32>} : memref<2x80x64xf32, #tpu.memory_space<vmem>>, vector<1x1x16xf32>,
        %parallel_loop3A_653 = vector.shape_cast %parallel_loop3A_652 : vector<1x1x16xf32> to vector<16xf32>
        %parallel_loop3A_654 = vector.shape_cast %parallel_loop3A_647 : vector<16xf32> to vector<1x1x16xf32>
        tpu.vector_store %arg11[%parallel_loop3A_649, %parallel_loop3A_650, %parallel_loop3A_651], %parallel_loop3A_654 {strides = array<i32>} : memref<2x80x64xf32, #tpu.memory_space<vmem>>, vector<1x1x16xf32>,
        %parallel_loop3A_655 = arith.constant 7 : i32
        %parallel_loop3A_656 = arith.addi %parallel_loop3A_223, %parallel_loop3A_655 : i32
        %parallel_loop3A_657 = vector.extract_strided_slice %parallel_loop3A_227 {offsets = [7], sizes = [1], strides = [1]} : vector<16xf32> to vector<1xf32>
        %parallel_loop3A_658 = vector.extract %parallel_loop3A_657[0] : f32 from vector<1xf32>
        %parallel_loop3A_659 = vector.broadcast %parallel_loop3A_658 : f32 to vector<16xf32>
        %parallel_loop3A_660 = arith.constant 0 : i32
        %parallel_loop3A_661 = arith.index_cast %parallel_loop3A_660 : i32 to index
        %parallel_loop3A_662 = arith.index_cast %parallel_loop3A_656 : i32 to index
        %parallel_loop3A_663 = arith.constant 0 : index
        %parallel_loop3A_664 = tpu.vector_load %arg11[%parallel_loop3A_661, %parallel_loop3A_662, %parallel_loop3A_663] {strides = array<i32>} : memref<2x80x64xf32, #tpu.memory_space<vmem>>, vector<1x1x16xf32>,
        %parallel_loop3A_665 = vector.shape_cast %parallel_loop3A_664 : vector<1x1x16xf32> to vector<16xf32>
        %parallel_loop3A_666 = arith.mulf %parallel_loop3A_665, %parallel_loop3A_659 : vector<16xf32>
        %parallel_loop3A_667 = arith.constant 0 : i32
        %parallel_loop3A_668 = arith.index_cast %parallel_loop3A_667 : i32 to index
        %parallel_loop3A_669 = arith.index_cast %parallel_loop3A_656 : i32 to index
        %parallel_loop3A_670 = arith.constant 0 : index
        %parallel_loop3A_671 = tpu.vector_load %arg11[%parallel_loop3A_668, %parallel_loop3A_669, %parallel_loop3A_670] {strides = array<i32>} : memref<2x80x64xf32, #tpu.memory_space<vmem>>, vector<1x1x16xf32>,
        %parallel_loop3A_672 = vector.shape_cast %parallel_loop3A_671 : vector<1x1x16xf32> to vector<16xf32>
        %parallel_loop3A_673 = vector.shape_cast %parallel_loop3A_666 : vector<16xf32> to vector<1x1x16xf32>
        tpu.vector_store %arg11[%parallel_loop3A_668, %parallel_loop3A_669, %parallel_loop3A_670], %parallel_loop3A_673 {strides = array<i32>} : memref<2x80x64xf32, #tpu.memory_space<vmem>>, vector<1x1x16xf32>,
        %parallel_loop3A_674 = arith.constant 0 : i32
        %parallel_loop3A_675 = arith.index_cast %parallel_loop3A_674 : i32 to index
        %parallel_loop3A_676 = arith.index_cast %parallel_loop3A_656 : i32 to index
        %parallel_loop3A_677 = arith.constant 16 : index
        %parallel_loop3A_678 = tpu.vector_load %arg11[%parallel_loop3A_675, %parallel_loop3A_676, %parallel_loop3A_677] {strides = array<i32>} : memref<2x80x64xf32, #tpu.memory_space<vmem>>, vector<1x1x16xf32>,
        %parallel_loop3A_679 = vector.shape_cast %parallel_loop3A_678 : vector<1x1x16xf32> to vector<16xf32>
        %parallel_loop3A_680 = arith.mulf %parallel_loop3A_679, %parallel_loop3A_659 : vector<16xf32>
        %parallel_loop3A_681 = arith.constant 0 : i32
        %parallel_loop3A_682 = arith.index_cast %parallel_loop3A_681 : i32 to index
        %parallel_loop3A_683 = arith.index_cast %parallel_loop3A_656 : i32 to index
        %parallel_loop3A_684 = arith.constant 16 : index
        %parallel_loop3A_685 = tpu.vector_load %arg11[%parallel_loop3A_682, %parallel_loop3A_683, %parallel_loop3A_684] {strides = array<i32>} : memref<2x80x64xf32, #tpu.memory_space<vmem>>, vector<1x1x16xf32>,
        %parallel_loop3A_686 = vector.shape_cast %parallel_loop3A_685 : vector<1x1x16xf32> to vector<16xf32>
        %parallel_loop3A_687 = vector.shape_cast %parallel_loop3A_680 : vector<16xf32> to vector<1x1x16xf32>
        tpu.vector_store %arg11[%parallel_loop3A_682, %parallel_loop3A_683, %parallel_loop3A_684], %parallel_loop3A_687 {strides = array<i32>} : memref<2x80x64xf32, #tpu.memory_space<vmem>>, vector<1x1x16xf32>,
        %parallel_loop3A_688 = arith.constant 0 : i32
        %parallel_loop3A_689 = arith.index_cast %parallel_loop3A_688 : i32 to index
        %parallel_loop3A_690 = arith.index_cast %parallel_loop3A_656 : i32 to index
        %parallel_loop3A_691 = arith.constant 32 : index
        %parallel_loop3A_692 = tpu.vector_load %arg11[%parallel_loop3A_689, %parallel_loop3A_690, %parallel_loop3A_691] {strides = array<i32>} : memref<2x80x64xf32, #tpu.memory_space<vmem>>, vector<1x1x16xf32>,
        %parallel_loop3A_693 = vector.shape_cast %parallel_loop3A_692 : vector<1x1x16xf32> to vector<16xf32>
        %parallel_loop3A_694 = arith.mulf %parallel_loop3A_693, %parallel_loop3A_659 : vector<16xf32>
        %parallel_loop3A_695 = arith.constant 0 : i32
        %parallel_loop3A_696 = arith.index_cast %parallel_loop3A_695 : i32 to index
        %parallel_loop3A_697 = arith.index_cast %parallel_loop3A_656 : i32 to index
        %parallel_loop3A_698 = arith.constant 32 : index
        %parallel_loop3A_699 = tpu.vector_load %arg11[%parallel_loop3A_696, %parallel_loop3A_697, %parallel_loop3A_698] {strides = array<i32>} : memref<2x80x64xf32, #tpu.memory_space<vmem>>, vector<1x1x16xf32>,
        %parallel_loop3A_700 = vector.shape_cast %parallel_loop3A_699 : vector<1x1x16xf32> to vector<16xf32>
        %parallel_loop3A_701 = vector.shape_cast %parallel_loop3A_694 : vector<16xf32> to vector<1x1x16xf32>
        tpu.vector_store %arg11[%parallel_loop3A_696, %parallel_loop3A_697, %parallel_loop3A_698], %parallel_loop3A_701 {strides = array<i32>} : memref<2x80x64xf32, #tpu.memory_space<vmem>>, vector<1x1x16xf32>,
        %parallel_loop3A_702 = arith.constant 0 : i32
        %parallel_loop3A_703 = arith.index_cast %parallel_loop3A_702 : i32 to index
        %parallel_loop3A_704 = arith.index_cast %parallel_loop3A_656 : i32 to index
        %parallel_loop3A_705 = arith.constant 48 : index
        %parallel_loop3A_706 = tpu.vector_load %arg11[%parallel_loop3A_703, %parallel_loop3A_704, %parallel_loop3A_705] {strides = array<i32>} : memref<2x80x64xf32, #tpu.memory_space<vmem>>, vector<1x1x16xf32>,
        %parallel_loop3A_707 = vector.shape_cast %parallel_loop3A_706 : vector<1x1x16xf32> to vector<16xf32>
        %parallel_loop3A_708 = arith.mulf %parallel_loop3A_707, %parallel_loop3A_659 : vector<16xf32>
        %parallel_loop3A_709 = arith.constant 0 : i32
        %parallel_loop3A_710 = arith.index_cast %parallel_loop3A_709 : i32 to index
        %parallel_loop3A_711 = arith.index_cast %parallel_loop3A_656 : i32 to index
        %parallel_loop3A_712 = arith.constant 48 : index
        %parallel_loop3A_713 = tpu.vector_load %arg11[%parallel_loop3A_710, %parallel_loop3A_711, %parallel_loop3A_712] {strides = array<i32>} : memref<2x80x64xf32, #tpu.memory_space<vmem>>, vector<1x1x16xf32>,
        %parallel_loop3A_714 = vector.shape_cast %parallel_loop3A_713 : vector<1x1x16xf32> to vector<16xf32>
        %parallel_loop3A_715 = vector.shape_cast %parallel_loop3A_708 : vector<16xf32> to vector<1x1x16xf32>
        tpu.vector_store %arg11[%parallel_loop3A_710, %parallel_loop3A_711, %parallel_loop3A_712], %parallel_loop3A_715 {strides = array<i32>} : memref<2x80x64xf32, #tpu.memory_space<vmem>>, vector<1x1x16xf32>,
        %parallel_loop3A_716 = arith.constant 8 : i32
        %parallel_loop3A_717 = arith.addi %parallel_loop3A_223, %parallel_loop3A_716 : i32
        %parallel_loop3A_718 = vector.extract_strided_slice %parallel_loop3A_227 {offsets = [8], sizes = [1], strides = [1]} : vector<16xf32> to vector<1xf32>
        %parallel_loop3A_719 = vector.extract %parallel_loop3A_718[0] : f32 from vector<1xf32>
        %parallel_loop3A_720 = vector.broadcast %parallel_loop3A_719 : f32 to vector<16xf32>
        %parallel_loop3A_721 = arith.constant 0 : i32
        %parallel_loop3A_722 = arith.index_cast %parallel_loop3A_721 : i32 to index
        %parallel_loop3A_723 = arith.index_cast %parallel_loop3A_717 : i32 to index
        %parallel_loop3A_724 = arith.constant 0 : index
        %parallel_loop3A_725 = tpu.vector_load %arg11[%parallel_loop3A_722, %parallel_loop3A_723, %parallel_loop3A_724] {strides = array<i32>} : memref<2x80x64xf32, #tpu.memory_space<vmem>>, vector<1x1x16xf32>,
        %parallel_loop3A_726 = vector.shape_cast %parallel_loop3A_725 : vector<1x1x16xf32> to vector<16xf32>
        %parallel_loop3A_727 = arith.mulf %parallel_loop3A_726, %parallel_loop3A_720 : vector<16xf32>
        %parallel_loop3A_728 = arith.constant 0 : i32
        %parallel_loop3A_729 = arith.index_cast %parallel_loop3A_728 : i32 to index
        %parallel_loop3A_730 = arith.index_cast %parallel_loop3A_717 : i32 to index
        %parallel_loop3A_731 = arith.constant 0 : index
        %parallel_loop3A_732 = tpu.vector_load %arg11[%parallel_loop3A_729, %parallel_loop3A_730, %parallel_loop3A_731] {strides = array<i32>} : memref<2x80x64xf32, #tpu.memory_space<vmem>>, vector<1x1x16xf32>,
        %parallel_loop3A_733 = vector.shape_cast %parallel_loop3A_732 : vector<1x1x16xf32> to vector<16xf32>
        %parallel_loop3A_734 = vector.shape_cast %parallel_loop3A_727 : vector<16xf32> to vector<1x1x16xf32>
        tpu.vector_store %arg11[%parallel_loop3A_729, %parallel_loop3A_730, %parallel_loop3A_731], %parallel_loop3A_734 {strides = array<i32>} : memref<2x80x64xf32, #tpu.memory_space<vmem>>, vector<1x1x16xf32>,
        %parallel_loop3A_735 = arith.constant 0 : i32
        %parallel_loop3A_736 = arith.index_cast %parallel_loop3A_735 : i32 to index
        %parallel_loop3A_737 = arith.index_cast %parallel_loop3A_717 : i32 to index
        %parallel_loop3A_738 = arith.constant 16 : index
        %parallel_loop3A_739 = tpu.vector_load %arg11[%parallel_loop3A_736, %parallel_loop3A_737, %parallel_loop3A_738] {strides = array<i32>} : memref<2x80x64xf32, #tpu.memory_space<vmem>>, vector<1x1x16xf32>,
        %parallel_loop3A_740 = vector.shape_cast %parallel_loop3A_739 : vector<1x1x16xf32> to vector<16xf32>
        %parallel_loop3A_741 = arith.mulf %parallel_loop3A_740, %parallel_loop3A_720 : vector<16xf32>
        %parallel_loop3A_742 = arith.constant 0 : i32
        %parallel_loop3A_743 = arith.index_cast %parallel_loop3A_742 : i32 to index
        %parallel_loop3A_744 = arith.index_cast %parallel_loop3A_717 : i32 to index
        %parallel_loop3A_745 = arith.constant 16 : index
        %parallel_loop3A_746 = tpu.vector_load %arg11[%parallel_loop3A_743, %parallel_loop3A_744, %parallel_loop3A_745] {strides = array<i32>} : memref<2x80x64xf32, #tpu.memory_space<vmem>>, vector<1x1x16xf32>,
        %parallel_loop3A_747 = vector.shape_cast %parallel_loop3A_746 : vector<1x1x16xf32> to vector<16xf32>
        %parallel_loop3A_748 = vector.shape_cast %parallel_loop3A_741 : vector<16xf32> to vector<1x1x16xf32>
        tpu.vector_store %arg11[%parallel_loop3A_743, %parallel_loop3A_744, %parallel_loop3A_745], %parallel_loop3A_748 {strides = array<i32>} : memref<2x80x64xf32, #tpu.memory_space<vmem>>, vector<1x1x16xf32>,
        %parallel_loop3A_749 = arith.constant 0 : i32
        %parallel_loop3A_750 = arith.index_cast %parallel_loop3A_749 : i32 to index
        %parallel_loop3A_751 = arith.index_cast %parallel_loop3A_717 : i32 to index
        %parallel_loop3A_752 = arith.constant 32 : index
        %parallel_loop3A_753 = tpu.vector_load %arg11[%parallel_loop3A_750, %parallel_loop3A_751, %parallel_loop3A_752] {strides = array<i32>} : memref<2x80x64xf32, #tpu.memory_space<vmem>>, vector<1x1x16xf32>,
        %parallel_loop3A_754 = vector.shape_cast %parallel_loop3A_753 : vector<1x1x16xf32> to vector<16xf32>
        %parallel_loop3A_755 = arith.mulf %parallel_loop3A_754, %parallel_loop3A_720 : vector<16xf32>
        %parallel_loop3A_756 = arith.constant 0 : i32
        %parallel_loop3A_757 = arith.index_cast %parallel_loop3A_756 : i32 to index
        %parallel_loop3A_758 = arith.index_cast %parallel_loop3A_717 : i32 to index
        %parallel_loop3A_759 = arith.constant 32 : index
        %parallel_loop3A_760 = tpu.vector_load %arg11[%parallel_loop3A_757, %parallel_loop3A_758, %parallel_loop3A_759] {strides = array<i32>} : memref<2x80x64xf32, #tpu.memory_space<vmem>>, vector<1x1x16xf32>,
        %parallel_loop3A_761 = vector.shape_cast %parallel_loop3A_760 : vector<1x1x16xf32> to vector<16xf32>
        %parallel_loop3A_762 = vector.shape_cast %parallel_loop3A_755 : vector<16xf32> to vector<1x1x16xf32>
        tpu.vector_store %arg11[%parallel_loop3A_757, %parallel_loop3A_758, %parallel_loop3A_759], %parallel_loop3A_762 {strides = array<i32>} : memref<2x80x64xf32, #tpu.memory_space<vmem>>, vector<1x1x16xf32>,
        %parallel_loop3A_763 = arith.constant 0 : i32
        %parallel_loop3A_764 = arith.index_cast %parallel_loop3A_763 : i32 to index
        %parallel_loop3A_765 = arith.index_cast %parallel_loop3A_717 : i32 to index
        %parallel_loop3A_766 = arith.constant 48 : index
        %parallel_loop3A_767 = tpu.vector_load %arg11[%parallel_loop3A_764, %parallel_loop3A_765, %parallel_loop3A_766] {strides = array<i32>} : memref<2x80x64xf32, #tpu.memory_space<vmem>>, vector<1x1x16xf32>,
        %parallel_loop3A_768 = vector.shape_cast %parallel_loop3A_767 : vector<1x1x16xf32> to vector<16xf32>
        %parallel_loop3A_769 = arith.mulf %parallel_loop3A_768, %parallel_loop3A_720 : vector<16xf32>
        %parallel_loop3A_770 = arith.constant 0 : i32
        %parallel_loop3A_771 = arith.index_cast %parallel_loop3A_770 : i32 to index
        %parallel_loop3A_772 = arith.index_cast %parallel_loop3A_717 : i32 to index
        %parallel_loop3A_773 = arith.constant 48 : index
        %parallel_loop3A_774 = tpu.vector_load %arg11[%parallel_loop3A_771, %parallel_loop3A_772, %parallel_loop3A_773] {strides = array<i32>} : memref<2x80x64xf32, #tpu.memory_space<vmem>>, vector<1x1x16xf32>,
        %parallel_loop3A_775 = vector.shape_cast %parallel_loop3A_774 : vector<1x1x16xf32> to vector<16xf32>
        %parallel_loop3A_776 = vector.shape_cast %parallel_loop3A_769 : vector<16xf32> to vector<1x1x16xf32>
        tpu.vector_store %arg11[%parallel_loop3A_771, %parallel_loop3A_772, %parallel_loop3A_773], %parallel_loop3A_776 {strides = array<i32>} : memref<2x80x64xf32, #tpu.memory_space<vmem>>, vector<1x1x16xf32>,
        %parallel_loop3A_777 = arith.constant 9 : i32
        %parallel_loop3A_778 = arith.addi %parallel_loop3A_223, %parallel_loop3A_777 : i32
        %parallel_loop3A_779 = vector.extract_strided_slice %parallel_loop3A_227 {offsets = [9], sizes = [1], strides = [1]} : vector<16xf32> to vector<1xf32>
        %parallel_loop3A_780 = vector.extract %parallel_loop3A_779[0] : f32 from vector<1xf32>
        %parallel_loop3A_781 = vector.broadcast %parallel_loop3A_780 : f32 to vector<16xf32>
        %parallel_loop3A_782 = arith.constant 0 : i32
        %parallel_loop3A_783 = arith.index_cast %parallel_loop3A_782 : i32 to index
        %parallel_loop3A_784 = arith.index_cast %parallel_loop3A_778 : i32 to index
        %parallel_loop3A_785 = arith.constant 0 : index
        %parallel_loop3A_786 = tpu.vector_load %arg11[%parallel_loop3A_783, %parallel_loop3A_784, %parallel_loop3A_785] {strides = array<i32>} : memref<2x80x64xf32, #tpu.memory_space<vmem>>, vector<1x1x16xf32>,
        %parallel_loop3A_787 = vector.shape_cast %parallel_loop3A_786 : vector<1x1x16xf32> to vector<16xf32>
        %parallel_loop3A_788 = arith.mulf %parallel_loop3A_787, %parallel_loop3A_781 : vector<16xf32>
        %parallel_loop3A_789 = arith.constant 0 : i32
        %parallel_loop3A_790 = arith.index_cast %parallel_loop3A_789 : i32 to index
        %parallel_loop3A_791 = arith.index_cast %parallel_loop3A_778 : i32 to index
        %parallel_loop3A_792 = arith.constant 0 : index
        %parallel_loop3A_793 = tpu.vector_load %arg11[%parallel_loop3A_790, %parallel_loop3A_791, %parallel_loop3A_792] {strides = array<i32>} : memref<2x80x64xf32, #tpu.memory_space<vmem>>, vector<1x1x16xf32>,
        %parallel_loop3A_794 = vector.shape_cast %parallel_loop3A_793 : vector<1x1x16xf32> to vector<16xf32>
        %parallel_loop3A_795 = vector.shape_cast %parallel_loop3A_788 : vector<16xf32> to vector<1x1x16xf32>
        tpu.vector_store %arg11[%parallel_loop3A_790, %parallel_loop3A_791, %parallel_loop3A_792], %parallel_loop3A_795 {strides = array<i32>} : memref<2x80x64xf32, #tpu.memory_space<vmem>>, vector<1x1x16xf32>,
        %parallel_loop3A_796 = arith.constant 0 : i32
        %parallel_loop3A_797 = arith.index_cast %parallel_loop3A_796 : i32 to index
        %parallel_loop3A_798 = arith.index_cast %parallel_loop3A_778 : i32 to index
        %parallel_loop3A_799 = arith.constant 16 : index
        %parallel_loop3A_800 = tpu.vector_load %arg11[%parallel_loop3A_797, %parallel_loop3A_798, %parallel_loop3A_799] {strides = array<i32>} : memref<2x80x64xf32, #tpu.memory_space<vmem>>, vector<1x1x16xf32>,
        %parallel_loop3A_801 = vector.shape_cast %parallel_loop3A_800 : vector<1x1x16xf32> to vector<16xf32>
        %parallel_loop3A_802 = arith.mulf %parallel_loop3A_801, %parallel_loop3A_781 : vector<16xf32>
        %parallel_loop3A_803 = arith.constant 0 : i32
        %parallel_loop3A_804 = arith.index_cast %parallel_loop3A_803 : i32 to index
        %parallel_loop3A_805 = arith.index_cast %parallel_loop3A_778 : i32 to index
        %parallel_loop3A_806 = arith.constant 16 : index
        %parallel_loop3A_807 = tpu.vector_load %arg11[%parallel_loop3A_804, %parallel_loop3A_805, %parallel_loop3A_806] {strides = array<i32>} : memref<2x80x64xf32, #tpu.memory_space<vmem>>, vector<1x1x16xf32>,
        %parallel_loop3A_808 = vector.shape_cast %parallel_loop3A_807 : vector<1x1x16xf32> to vector<16xf32>
        %parallel_loop3A_809 = vector.shape_cast %parallel_loop3A_802 : vector<16xf32> to vector<1x1x16xf32>
        tpu.vector_store %arg11[%parallel_loop3A_804, %parallel_loop3A_805, %parallel_loop3A_806], %parallel_loop3A_809 {strides = array<i32>} : memref<2x80x64xf32, #tpu.memory_space<vmem>>, vector<1x1x16xf32>,
        %parallel_loop3A_810 = arith.constant 0 : i32
        %parallel_loop3A_811 = arith.index_cast %parallel_loop3A_810 : i32 to index
        %parallel_loop3A_812 = arith.index_cast %parallel_loop3A_778 : i32 to index
        %parallel_loop3A_813 = arith.constant 32 : index
        %parallel_loop3A_814 = tpu.vector_load %arg11[%parallel_loop3A_811, %parallel_loop3A_812, %parallel_loop3A_813] {strides = array<i32>} : memref<2x80x64xf32, #tpu.memory_space<vmem>>, vector<1x1x16xf32>,
        %parallel_loop3A_815 = vector.shape_cast %parallel_loop3A_814 : vector<1x1x16xf32> to vector<16xf32>
        %parallel_loop3A_816 = arith.mulf %parallel_loop3A_815, %parallel_loop3A_781 : vector<16xf32>
        %parallel_loop3A_817 = arith.constant 0 : i32
        %parallel_loop3A_818 = arith.index_cast %parallel_loop3A_817 : i32 to index
        %parallel_loop3A_819 = arith.index_cast %parallel_loop3A_778 : i32 to index
        %parallel_loop3A_820 = arith.constant 32 : index
        %parallel_loop3A_821 = tpu.vector_load %arg11[%parallel_loop3A_818, %parallel_loop3A_819, %parallel_loop3A_820] {strides = array<i32>} : memref<2x80x64xf32, #tpu.memory_space<vmem>>, vector<1x1x16xf32>,
        %parallel_loop3A_822 = vector.shape_cast %parallel_loop3A_821 : vector<1x1x16xf32> to vector<16xf32>
        %parallel_loop3A_823 = vector.shape_cast %parallel_loop3A_816 : vector<16xf32> to vector<1x1x16xf32>
        tpu.vector_store %arg11[%parallel_loop3A_818, %parallel_loop3A_819, %parallel_loop3A_820], %parallel_loop3A_823 {strides = array<i32>} : memref<2x80x64xf32, #tpu.memory_space<vmem>>, vector<1x1x16xf32>,
        %parallel_loop3A_824 = arith.constant 0 : i32
        %parallel_loop3A_825 = arith.index_cast %parallel_loop3A_824 : i32 to index
        %parallel_loop3A_826 = arith.index_cast %parallel_loop3A_778 : i32 to index
        %parallel_loop3A_827 = arith.constant 48 : index
        %parallel_loop3A_828 = tpu.vector_load %arg11[%parallel_loop3A_825, %parallel_loop3A_826, %parallel_loop3A_827] {strides = array<i32>} : memref<2x80x64xf32, #tpu.memory_space<vmem>>, vector<1x1x16xf32>,
        %parallel_loop3A_829 = vector.shape_cast %parallel_loop3A_828 : vector<1x1x16xf32> to vector<16xf32>
        %parallel_loop3A_830 = arith.mulf %parallel_loop3A_829, %parallel_loop3A_781 : vector<16xf32>
        %parallel_loop3A_831 = arith.constant 0 : i32
        %parallel_loop3A_832 = arith.index_cast %parallel_loop3A_831 : i32 to index
        %parallel_loop3A_833 = arith.index_cast %parallel_loop3A_778 : i32 to index
        %parallel_loop3A_834 = arith.constant 48 : index
        %parallel_loop3A_835 = tpu.vector_load %arg11[%parallel_loop3A_832, %parallel_loop3A_833, %parallel_loop3A_834] {strides = array<i32>} : memref<2x80x64xf32, #tpu.memory_space<vmem>>, vector<1x1x16xf32>,
        %parallel_loop3A_836 = vector.shape_cast %parallel_loop3A_835 : vector<1x1x16xf32> to vector<16xf32>
        %parallel_loop3A_837 = vector.shape_cast %parallel_loop3A_830 : vector<16xf32> to vector<1x1x16xf32>
        tpu.vector_store %arg11[%parallel_loop3A_832, %parallel_loop3A_833, %parallel_loop3A_834], %parallel_loop3A_837 {strides = array<i32>} : memref<2x80x64xf32, #tpu.memory_space<vmem>>, vector<1x1x16xf32>,
        %parallel_loop3A_838 = arith.constant 10 : i32
        %parallel_loop3A_839 = arith.addi %parallel_loop3A_223, %parallel_loop3A_838 : i32
        %parallel_loop3A_840 = vector.extract_strided_slice %parallel_loop3A_227 {offsets = [10], sizes = [1], strides = [1]} : vector<16xf32> to vector<1xf32>
        %parallel_loop3A_841 = vector.extract %parallel_loop3A_840[0] : f32 from vector<1xf32>
        %parallel_loop3A_842 = vector.broadcast %parallel_loop3A_841 : f32 to vector<16xf32>
        %parallel_loop3A_843 = arith.constant 0 : i32
        %parallel_loop3A_844 = arith.index_cast %parallel_loop3A_843 : i32 to index
        %parallel_loop3A_845 = arith.index_cast %parallel_loop3A_839 : i32 to index
        %parallel_loop3A_846 = arith.constant 0 : index
        %parallel_loop3A_847 = tpu.vector_load %arg11[%parallel_loop3A_844, %parallel_loop3A_845, %parallel_loop3A_846] {strides = array<i32>} : memref<2x80x64xf32, #tpu.memory_space<vmem>>, vector<1x1x16xf32>,
        %parallel_loop3A_848 = vector.shape_cast %parallel_loop3A_847 : vector<1x1x16xf32> to vector<16xf32>
        %parallel_loop3A_849 = arith.mulf %parallel_loop3A_848, %parallel_loop3A_842 : vector<16xf32>
        %parallel_loop3A_850 = arith.constant 0 : i32
        %parallel_loop3A_851 = arith.index_cast %parallel_loop3A_850 : i32 to index
        %parallel_loop3A_852 = arith.index_cast %parallel_loop3A_839 : i32 to index
        %parallel_loop3A_853 = arith.constant 0 : index
        %parallel_loop3A_854 = tpu.vector_load %arg11[%parallel_loop3A_851, %parallel_loop3A_852, %parallel_loop3A_853] {strides = array<i32>} : memref<2x80x64xf32, #tpu.memory_space<vmem>>, vector<1x1x16xf32>,
        %parallel_loop3A_855 = vector.shape_cast %parallel_loop3A_854 : vector<1x1x16xf32> to vector<16xf32>
        %parallel_loop3A_856 = vector.shape_cast %parallel_loop3A_849 : vector<16xf32> to vector<1x1x16xf32>
        tpu.vector_store %arg11[%parallel_loop3A_851, %parallel_loop3A_852, %parallel_loop3A_853], %parallel_loop3A_856 {strides = array<i32>} : memref<2x80x64xf32, #tpu.memory_space<vmem>>, vector<1x1x16xf32>,
        %parallel_loop3A_857 = arith.constant 0 : i32
        %parallel_loop3A_858 = arith.index_cast %parallel_loop3A_857 : i32 to index
        %parallel_loop3A_859 = arith.index_cast %parallel_loop3A_839 : i32 to index
        %parallel_loop3A_860 = arith.constant 16 : index
        %parallel_loop3A_861 = tpu.vector_load %arg11[%parallel_loop3A_858, %parallel_loop3A_859, %parallel_loop3A_860] {strides = array<i32>} : memref<2x80x64xf32, #tpu.memory_space<vmem>>, vector<1x1x16xf32>,
        %parallel_loop3A_862 = vector.shape_cast %parallel_loop3A_861 : vector<1x1x16xf32> to vector<16xf32>
        %parallel_loop3A_863 = arith.mulf %parallel_loop3A_862, %parallel_loop3A_842 : vector<16xf32>
        %parallel_loop3A_864 = arith.constant 0 : i32
        %parallel_loop3A_865 = arith.index_cast %parallel_loop3A_864 : i32 to index
        %parallel_loop3A_866 = arith.index_cast %parallel_loop3A_839 : i32 to index
        %parallel_loop3A_867 = arith.constant 16 : index
        %parallel_loop3A_868 = tpu.vector_load %arg11[%parallel_loop3A_865, %parallel_loop3A_866, %parallel_loop3A_867] {strides = array<i32>} : memref<2x80x64xf32, #tpu.memory_space<vmem>>, vector<1x1x16xf32>,
        %parallel_loop3A_869 = vector.shape_cast %parallel_loop3A_868 : vector<1x1x16xf32> to vector<16xf32>
        %parallel_loop3A_870 = vector.shape_cast %parallel_loop3A_863 : vector<16xf32> to vector<1x1x16xf32>
        tpu.vector_store %arg11[%parallel_loop3A_865, %parallel_loop3A_866, %parallel_loop3A_867], %parallel_loop3A_870 {strides = array<i32>} : memref<2x80x64xf32, #tpu.memory_space<vmem>>, vector<1x1x16xf32>,
        %parallel_loop3A_871 = arith.constant 0 : i32
        %parallel_loop3A_872 = arith.index_cast %parallel_loop3A_871 : i32 to index
        %parallel_loop3A_873 = arith.index_cast %parallel_loop3A_839 : i32 to index
        %parallel_loop3A_874 = arith.constant 32 : index
        %parallel_loop3A_875 = tpu.vector_load %arg11[%parallel_loop3A_872, %parallel_loop3A_873, %parallel_loop3A_874] {strides = array<i32>} : memref<2x80x64xf32, #tpu.memory_space<vmem>>, vector<1x1x16xf32>,
        %parallel_loop3A_876 = vector.shape_cast %parallel_loop3A_875 : vector<1x1x16xf32> to vector<16xf32>
        %parallel_loop3A_877 = arith.mulf %parallel_loop3A_876, %parallel_loop3A_842 : vector<16xf32>
        %parallel_loop3A_878 = arith.constant 0 : i32
        %parallel_loop3A_879 = arith.index_cast %parallel_loop3A_878 : i32 to index
        %parallel_loop3A_880 = arith.index_cast %parallel_loop3A_839 : i32 to index
        %parallel_loop3A_881 = arith.constant 32 : index
        %parallel_loop3A_882 = tpu.vector_load %arg11[%parallel_loop3A_879, %parallel_loop3A_880, %parallel_loop3A_881] {strides = array<i32>} : memref<2x80x64xf32, #tpu.memory_space<vmem>>, vector<1x1x16xf32>,
        %parallel_loop3A_883 = vector.shape_cast %parallel_loop3A_882 : vector<1x1x16xf32> to vector<16xf32>
        %parallel_loop3A_884 = vector.shape_cast %parallel_loop3A_877 : vector<16xf32> to vector<1x1x16xf32>
        tpu.vector_store %arg11[%parallel_loop3A_879, %parallel_loop3A_880, %parallel_loop3A_881], %parallel_loop3A_884 {strides = array<i32>} : memref<2x80x64xf32, #tpu.memory_space<vmem>>, vector<1x1x16xf32>,
        %parallel_loop3A_885 = arith.constant 0 : i32
        %parallel_loop3A_886 = arith.index_cast %parallel_loop3A_885 : i32 to index
        %parallel_loop3A_887 = arith.index_cast %parallel_loop3A_839 : i32 to index
        %parallel_loop3A_888 = arith.constant 48 : index
        %parallel_loop3A_889 = tpu.vector_load %arg11[%parallel_loop3A_886, %parallel_loop3A_887, %parallel_loop3A_888] {strides = array<i32>} : memref<2x80x64xf32, #tpu.memory_space<vmem>>, vector<1x1x16xf32>,
        %parallel_loop3A_890 = vector.shape_cast %parallel_loop3A_889 : vector<1x1x16xf32> to vector<16xf32>
        %parallel_loop3A_891 = arith.mulf %parallel_loop3A_890, %parallel_loop3A_842 : vector<16xf32>
        %parallel_loop3A_892 = arith.constant 0 : i32
        %parallel_loop3A_893 = arith.index_cast %parallel_loop3A_892 : i32 to index
        %parallel_loop3A_894 = arith.index_cast %parallel_loop3A_839 : i32 to index
        %parallel_loop3A_895 = arith.constant 48 : index
        %parallel_loop3A_896 = tpu.vector_load %arg11[%parallel_loop3A_893, %parallel_loop3A_894, %parallel_loop3A_895] {strides = array<i32>} : memref<2x80x64xf32, #tpu.memory_space<vmem>>, vector<1x1x16xf32>,
        %parallel_loop3A_897 = vector.shape_cast %parallel_loop3A_896 : vector<1x1x16xf32> to vector<16xf32>
        %parallel_loop3A_898 = vector.shape_cast %parallel_loop3A_891 : vector<16xf32> to vector<1x1x16xf32>
        tpu.vector_store %arg11[%parallel_loop3A_893, %parallel_loop3A_894, %parallel_loop3A_895], %parallel_loop3A_898 {strides = array<i32>} : memref<2x80x64xf32, #tpu.memory_space<vmem>>, vector<1x1x16xf32>,
        %parallel_loop3A_899 = arith.constant 11 : i32
        %parallel_loop3A_900 = arith.addi %parallel_loop3A_223, %parallel_loop3A_899 : i32
        %parallel_loop3A_901 = vector.extract_strided_slice %parallel_loop3A_227 {offsets = [11], sizes = [1], strides = [1]} : vector<16xf32> to vector<1xf32>
        %parallel_loop3A_902 = vector.extract %parallel_loop3A_901[0] : f32 from vector<1xf32>
        %parallel_loop3A_903 = vector.broadcast %parallel_loop3A_902 : f32 to vector<16xf32>
        %parallel_loop3A_904 = arith.constant 0 : i32
        %parallel_loop3A_905 = arith.index_cast %parallel_loop3A_904 : i32 to index
        %parallel_loop3A_906 = arith.index_cast %parallel_loop3A_900 : i32 to index
        %parallel_loop3A_907 = arith.constant 0 : index
        %parallel_loop3A_908 = tpu.vector_load %arg11[%parallel_loop3A_905, %parallel_loop3A_906, %parallel_loop3A_907] {strides = array<i32>} : memref<2x80x64xf32, #tpu.memory_space<vmem>>, vector<1x1x16xf32>,
        %parallel_loop3A_909 = vector.shape_cast %parallel_loop3A_908 : vector<1x1x16xf32> to vector<16xf32>
        %parallel_loop3A_910 = arith.mulf %parallel_loop3A_909, %parallel_loop3A_903 : vector<16xf32>
        %parallel_loop3A_911 = arith.constant 0 : i32
        %parallel_loop3A_912 = arith.index_cast %parallel_loop3A_911 : i32 to index
        %parallel_loop3A_913 = arith.index_cast %parallel_loop3A_900 : i32 to index
        %parallel_loop3A_914 = arith.constant 0 : index
        %parallel_loop3A_915 = tpu.vector_load %arg11[%parallel_loop3A_912, %parallel_loop3A_913, %parallel_loop3A_914] {strides = array<i32>} : memref<2x80x64xf32, #tpu.memory_space<vmem>>, vector<1x1x16xf32>,
        %parallel_loop3A_916 = vector.shape_cast %parallel_loop3A_915 : vector<1x1x16xf32> to vector<16xf32>
        %parallel_loop3A_917 = vector.shape_cast %parallel_loop3A_910 : vector<16xf32> to vector<1x1x16xf32>
        tpu.vector_store %arg11[%parallel_loop3A_912, %parallel_loop3A_913, %parallel_loop3A_914], %parallel_loop3A_917 {strides = array<i32>} : memref<2x80x64xf32, #tpu.memory_space<vmem>>, vector<1x1x16xf32>,
        %parallel_loop3A_918 = arith.constant 0 : i32
        %parallel_loop3A_919 = arith.index_cast %parallel_loop3A_918 : i32 to index
        %parallel_loop3A_920 = arith.index_cast %parallel_loop3A_900 : i32 to index
        %parallel_loop3A_921 = arith.constant 16 : index
        %parallel_loop3A_922 = tpu.vector_load %arg11[%parallel_loop3A_919, %parallel_loop3A_920, %parallel_loop3A_921] {strides = array<i32>} : memref<2x80x64xf32, #tpu.memory_space<vmem>>, vector<1x1x16xf32>,
        %parallel_loop3A_923 = vector.shape_cast %parallel_loop3A_922 : vector<1x1x16xf32> to vector<16xf32>
        %parallel_loop3A_924 = arith.mulf %parallel_loop3A_923, %parallel_loop3A_903 : vector<16xf32>
        %parallel_loop3A_925 = arith.constant 0 : i32
        %parallel_loop3A_926 = arith.index_cast %parallel_loop3A_925 : i32 to index
        %parallel_loop3A_927 = arith.index_cast %parallel_loop3A_900 : i32 to index
        %parallel_loop3A_928 = arith.constant 16 : index
        %parallel_loop3A_929 = tpu.vector_load %arg11[%parallel_loop3A_926, %parallel_loop3A_927, %parallel_loop3A_928] {strides = array<i32>} : memref<2x80x64xf32, #tpu.memory_space<vmem>>, vector<1x1x16xf32>,
        %parallel_loop3A_930 = vector.shape_cast %parallel_loop3A_929 : vector<1x1x16xf32> to vector<16xf32>
        %parallel_loop3A_931 = vector.shape_cast %parallel_loop3A_924 : vector<16xf32> to vector<1x1x16xf32>
        tpu.vector_store %arg11[%parallel_loop3A_926, %parallel_loop3A_927, %parallel_loop3A_928], %parallel_loop3A_931 {strides = array<i32>} : memref<2x80x64xf32, #tpu.memory_space<vmem>>, vector<1x1x16xf32>,
        %parallel_loop3A_932 = arith.constant 0 : i32
        %parallel_loop3A_933 = arith.index_cast %parallel_loop3A_932 : i32 to index
        %parallel_loop3A_934 = arith.index_cast %parallel_loop3A_900 : i32 to index
        %parallel_loop3A_935 = arith.constant 32 : index
        %parallel_loop3A_936 = tpu.vector_load %arg11[%parallel_loop3A_933, %parallel_loop3A_934, %parallel_loop3A_935] {strides = array<i32>} : memref<2x80x64xf32, #tpu.memory_space<vmem>>, vector<1x1x16xf32>,
        %parallel_loop3A_937 = vector.shape_cast %parallel_loop3A_936 : vector<1x1x16xf32> to vector<16xf32>
        %parallel_loop3A_938 = arith.mulf %parallel_loop3A_937, %parallel_loop3A_903 : vector<16xf32>
        %parallel_loop3A_939 = arith.constant 0 : i32
        %parallel_loop3A_940 = arith.index_cast %parallel_loop3A_939 : i32 to index
        %parallel_loop3A_941 = arith.index_cast %parallel_loop3A_900 : i32 to index
        %parallel_loop3A_942 = arith.constant 32 : index
        %parallel_loop3A_943 = tpu.vector_load %arg11[%parallel_loop3A_940, %parallel_loop3A_941, %parallel_loop3A_942] {strides = array<i32>} : memref<2x80x64xf32, #tpu.memory_space<vmem>>, vector<1x1x16xf32>,
        %parallel_loop3A_944 = vector.shape_cast %parallel_loop3A_943 : vector<1x1x16xf32> to vector<16xf32>
        %parallel_loop3A_945 = vector.shape_cast %parallel_loop3A_938 : vector<16xf32> to vector<1x1x16xf32>
        tpu.vector_store %arg11[%parallel_loop3A_940, %parallel_loop3A_941, %parallel_loop3A_942], %parallel_loop3A_945 {strides = array<i32>} : memref<2x80x64xf32, #tpu.memory_space<vmem>>, vector<1x1x16xf32>,
        %parallel_loop3A_946 = arith.constant 0 : i32
        %parallel_loop3A_947 = arith.index_cast %parallel_loop3A_946 : i32 to index
        %parallel_loop3A_948 = arith.index_cast %parallel_loop3A_900 : i32 to index
        %parallel_loop3A_949 = arith.constant 48 : index
        %parallel_loop3A_950 = tpu.vector_load %arg11[%parallel_loop3A_947, %parallel_loop3A_948, %parallel_loop3A_949] {strides = array<i32>} : memref<2x80x64xf32, #tpu.memory_space<vmem>>, vector<1x1x16xf32>,
        %parallel_loop3A_951 = vector.shape_cast %parallel_loop3A_950 : vector<1x1x16xf32> to vector<16xf32>
        %parallel_loop3A_952 = arith.mulf %parallel_loop3A_951, %parallel_loop3A_903 : vector<16xf32>
        %parallel_loop3A_953 = arith.constant 0 : i32
        %parallel_loop3A_954 = arith.index_cast %parallel_loop3A_953 : i32 to index
        %parallel_loop3A_955 = arith.index_cast %parallel_loop3A_900 : i32 to index
        %parallel_loop3A_956 = arith.constant 48 : index
        %parallel_loop3A_957 = tpu.vector_load %arg11[%parallel_loop3A_954, %parallel_loop3A_955, %parallel_loop3A_956] {strides = array<i32>} : memref<2x80x64xf32, #tpu.memory_space<vmem>>, vector<1x1x16xf32>,
        %parallel_loop3A_958 = vector.shape_cast %parallel_loop3A_957 : vector<1x1x16xf32> to vector<16xf32>
        %parallel_loop3A_959 = vector.shape_cast %parallel_loop3A_952 : vector<16xf32> to vector<1x1x16xf32>
        tpu.vector_store %arg11[%parallel_loop3A_954, %parallel_loop3A_955, %parallel_loop3A_956], %parallel_loop3A_959 {strides = array<i32>} : memref<2x80x64xf32, #tpu.memory_space<vmem>>, vector<1x1x16xf32>,
        %parallel_loop3A_960 = arith.constant 12 : i32
        %parallel_loop3A_961 = arith.addi %parallel_loop3A_223, %parallel_loop3A_960 : i32
        %parallel_loop3A_962 = vector.extract_strided_slice %parallel_loop3A_227 {offsets = [12], sizes = [1], strides = [1]} : vector<16xf32> to vector<1xf32>
        %parallel_loop3A_963 = vector.extract %parallel_loop3A_962[0] : f32 from vector<1xf32>
        %parallel_loop3A_964 = vector.broadcast %parallel_loop3A_963 : f32 to vector<16xf32>
        %parallel_loop3A_965 = arith.constant 0 : i32
        %parallel_loop3A_966 = arith.index_cast %parallel_loop3A_965 : i32 to index
        %parallel_loop3A_967 = arith.index_cast %parallel_loop3A_961 : i32 to index
        %parallel_loop3A_968 = arith.constant 0 : index
        %parallel_loop3A_969 = tpu.vector_load %arg11[%parallel_loop3A_966, %parallel_loop3A_967, %parallel_loop3A_968] {strides = array<i32>} : memref<2x80x64xf32, #tpu.memory_space<vmem>>, vector<1x1x16xf32>,
        %parallel_loop3A_970 = vector.shape_cast %parallel_loop3A_969 : vector<1x1x16xf32> to vector<16xf32>
        %parallel_loop3A_971 = arith.mulf %parallel_loop3A_970, %parallel_loop3A_964 : vector<16xf32>
        %parallel_loop3A_972 = arith.constant 0 : i32
        %parallel_loop3A_973 = arith.index_cast %parallel_loop3A_972 : i32 to index
        %parallel_loop3A_974 = arith.index_cast %parallel_loop3A_961 : i32 to index
        %parallel_loop3A_975 = arith.constant 0 : index
        %parallel_loop3A_976 = tpu.vector_load %arg11[%parallel_loop3A_973, %parallel_loop3A_974, %parallel_loop3A_975] {strides = array<i32>} : memref<2x80x64xf32, #tpu.memory_space<vmem>>, vector<1x1x16xf32>,
        %parallel_loop3A_977 = vector.shape_cast %parallel_loop3A_976 : vector<1x1x16xf32> to vector<16xf32>
        %parallel_loop3A_978 = vector.shape_cast %parallel_loop3A_971 : vector<16xf32> to vector<1x1x16xf32>
        tpu.vector_store %arg11[%parallel_loop3A_973, %parallel_loop3A_974, %parallel_loop3A_975], %parallel_loop3A_978 {strides = array<i32>} : memref<2x80x64xf32, #tpu.memory_space<vmem>>, vector<1x1x16xf32>,
        %parallel_loop3A_979 = arith.constant 0 : i32
        %parallel_loop3A_980 = arith.index_cast %parallel_loop3A_979 : i32 to index
        %parallel_loop3A_981 = arith.index_cast %parallel_loop3A_961 : i32 to index
        %parallel_loop3A_982 = arith.constant 16 : index
        %parallel_loop3A_983 = tpu.vector_load %arg11[%parallel_loop3A_980, %parallel_loop3A_981, %parallel_loop3A_982] {strides = array<i32>} : memref<2x80x64xf32, #tpu.memory_space<vmem>>, vector<1x1x16xf32>,
        %parallel_loop3A_984 = vector.shape_cast %parallel_loop3A_983 : vector<1x1x16xf32> to vector<16xf32>
        %parallel_loop3A_985 = arith.mulf %parallel_loop3A_984, %parallel_loop3A_964 : vector<16xf32>
        %parallel_loop3A_986 = arith.constant 0 : i32
        %parallel_loop3A_987 = arith.index_cast %parallel_loop3A_986 : i32 to index
        %parallel_loop3A_988 = arith.index_cast %parallel_loop3A_961 : i32 to index
        %parallel_loop3A_989 = arith.constant 16 : index
        %parallel_loop3A_990 = tpu.vector_load %arg11[%parallel_loop3A_987, %parallel_loop3A_988, %parallel_loop3A_989] {strides = array<i32>} : memref<2x80x64xf32, #tpu.memory_space<vmem>>, vector<1x1x16xf32>,
        %parallel_loop3A_991 = vector.shape_cast %parallel_loop3A_990 : vector<1x1x16xf32> to vector<16xf32>
        %parallel_loop3A_992 = vector.shape_cast %parallel_loop3A_985 : vector<16xf32> to vector<1x1x16xf32>
        tpu.vector_store %arg11[%parallel_loop3A_987, %parallel_loop3A_988, %parallel_loop3A_989], %parallel_loop3A_992 {strides = array<i32>} : memref<2x80x64xf32, #tpu.memory_space<vmem>>, vector<1x1x16xf32>,
        %parallel_loop3A_993 = arith.constant 0 : i32
        %parallel_loop3A_994 = arith.index_cast %parallel_loop3A_993 : i32 to index
        %parallel_loop3A_995 = arith.index_cast %parallel_loop3A_961 : i32 to index
        %parallel_loop3A_996 = arith.constant 32 : index
        %parallel_loop3A_997 = tpu.vector_load %arg11[%parallel_loop3A_994, %parallel_loop3A_995, %parallel_loop3A_996] {strides = array<i32>} : memref<2x80x64xf32, #tpu.memory_space<vmem>>, vector<1x1x16xf32>,
        %parallel_loop3A_998 = vector.shape_cast %parallel_loop3A_997 : vector<1x1x16xf32> to vector<16xf32>
        %parallel_loop3A_999 = arith.mulf %parallel_loop3A_998, %parallel_loop3A_964 : vector<16xf32>
        %parallel_loop3A_1000 = arith.constant 0 : i32
        %parallel_loop3A_1001 = arith.index_cast %parallel_loop3A_1000 : i32 to index
        %parallel_loop3A_1002 = arith.index_cast %parallel_loop3A_961 : i32 to index
        %parallel_loop3A_1003 = arith.constant 32 : index
        %parallel_loop3A_1004 = tpu.vector_load %arg11[%parallel_loop3A_1001, %parallel_loop3A_1002, %parallel_loop3A_1003] {strides = array<i32>} : memref<2x80x64xf32, #tpu.memory_space<vmem>>, vector<1x1x16xf32>,
        %parallel_loop3A_1005 = vector.shape_cast %parallel_loop3A_1004 : vector<1x1x16xf32> to vector<16xf32>
        %parallel_loop3A_1006 = vector.shape_cast %parallel_loop3A_999 : vector<16xf32> to vector<1x1x16xf32>
        tpu.vector_store %arg11[%parallel_loop3A_1001, %parallel_loop3A_1002, %parallel_loop3A_1003], %parallel_loop3A_1006 {strides = array<i32>} : memref<2x80x64xf32, #tpu.memory_space<vmem>>, vector<1x1x16xf32>,
        %parallel_loop3A_1007 = arith.constant 0 : i32
        %parallel_loop3A_1008 = arith.index_cast %parallel_loop3A_1007 : i32 to index
        %parallel_loop3A_1009 = arith.index_cast %parallel_loop3A_961 : i32 to index
        %parallel_loop3A_1010 = arith.constant 48 : index
        %parallel_loop3A_1011 = tpu.vector_load %arg11[%parallel_loop3A_1008, %parallel_loop3A_1009, %parallel_loop3A_1010] {strides = array<i32>} : memref<2x80x64xf32, #tpu.memory_space<vmem>>, vector<1x1x16xf32>,
        %parallel_loop3A_1012 = vector.shape_cast %parallel_loop3A_1011 : vector<1x1x16xf32> to vector<16xf32>
        %parallel_loop3A_1013 = arith.mulf %parallel_loop3A_1012, %parallel_loop3A_964 : vector<16xf32>
        %parallel_loop3A_1014 = arith.constant 0 : i32
        %parallel_loop3A_1015 = arith.index_cast %parallel_loop3A_1014 : i32 to index
        %parallel_loop3A_1016 = arith.index_cast %parallel_loop3A_961 : i32 to index
        %parallel_loop3A_1017 = arith.constant 48 : index
        %parallel_loop3A_1018 = tpu.vector_load %arg11[%parallel_loop3A_1015, %parallel_loop3A_1016, %parallel_loop3A_1017] {strides = array<i32>} : memref<2x80x64xf32, #tpu.memory_space<vmem>>, vector<1x1x16xf32>,
        %parallel_loop3A_1019 = vector.shape_cast %parallel_loop3A_1018 : vector<1x1x16xf32> to vector<16xf32>
        %parallel_loop3A_1020 = vector.shape_cast %parallel_loop3A_1013 : vector<16xf32> to vector<1x1x16xf32>
        tpu.vector_store %arg11[%parallel_loop3A_1015, %parallel_loop3A_1016, %parallel_loop3A_1017], %parallel_loop3A_1020 {strides = array<i32>} : memref<2x80x64xf32, #tpu.memory_space<vmem>>, vector<1x1x16xf32>,
        %parallel_loop3A_1021 = arith.constant 13 : i32
        %parallel_loop3A_1022 = arith.addi %parallel_loop3A_223, %parallel_loop3A_1021 : i32
        %parallel_loop3A_1023 = vector.extract_strided_slice %parallel_loop3A_227 {offsets = [13], sizes = [1], strides = [1]} : vector<16xf32> to vector<1xf32>
        %parallel_loop3A_1024 = vector.extract %parallel_loop3A_1023[0] : f32 from vector<1xf32>
        %parallel_loop3A_1025 = vector.broadcast %parallel_loop3A_1024 : f32 to vector<16xf32>
        %parallel_loop3A_1026 = arith.constant 0 : i32
        %parallel_loop3A_1027 = arith.index_cast %parallel_loop3A_1026 : i32 to index
        %parallel_loop3A_1028 = arith.index_cast %parallel_loop3A_1022 : i32 to index
        %parallel_loop3A_1029 = arith.constant 0 : index
        %parallel_loop3A_1030 = tpu.vector_load %arg11[%parallel_loop3A_1027, %parallel_loop3A_1028, %parallel_loop3A_1029] {strides = array<i32>} : memref<2x80x64xf32, #tpu.memory_space<vmem>>, vector<1x1x16xf32>,
        %parallel_loop3A_1031 = vector.shape_cast %parallel_loop3A_1030 : vector<1x1x16xf32> to vector<16xf32>
        %parallel_loop3A_1032 = arith.mulf %parallel_loop3A_1031, %parallel_loop3A_1025 : vector<16xf32>
        %parallel_loop3A_1033 = arith.constant 0 : i32
        %parallel_loop3A_1034 = arith.index_cast %parallel_loop3A_1033 : i32 to index
        %parallel_loop3A_1035 = arith.index_cast %parallel_loop3A_1022 : i32 to index
        %parallel_loop3A_1036 = arith.constant 0 : index
        %parallel_loop3A_1037 = tpu.vector_load %arg11[%parallel_loop3A_1034, %parallel_loop3A_1035, %parallel_loop3A_1036] {strides = array<i32>} : memref<2x80x64xf32, #tpu.memory_space<vmem>>, vector<1x1x16xf32>,
        %parallel_loop3A_1038 = vector.shape_cast %parallel_loop3A_1037 : vector<1x1x16xf32> to vector<16xf32>
        %parallel_loop3A_1039 = vector.shape_cast %parallel_loop3A_1032 : vector<16xf32> to vector<1x1x16xf32>
        tpu.vector_store %arg11[%parallel_loop3A_1034, %parallel_loop3A_1035, %parallel_loop3A_1036], %parallel_loop3A_1039 {strides = array<i32>} : memref<2x80x64xf32, #tpu.memory_space<vmem>>, vector<1x1x16xf32>,
        %parallel_loop3A_1040 = arith.constant 0 : i32
        %parallel_loop3A_1041 = arith.index_cast %parallel_loop3A_1040 : i32 to index
        %parallel_loop3A_1042 = arith.index_cast %parallel_loop3A_1022 : i32 to index
        %parallel_loop3A_1043 = arith.constant 16 : index
        %parallel_loop3A_1044 = tpu.vector_load %arg11[%parallel_loop3A_1041, %parallel_loop3A_1042, %parallel_loop3A_1043] {strides = array<i32>} : memref<2x80x64xf32, #tpu.memory_space<vmem>>, vector<1x1x16xf32>,
        %parallel_loop3A_1045 = vector.shape_cast %parallel_loop3A_1044 : vector<1x1x16xf32> to vector<16xf32>
        %parallel_loop3A_1046 = arith.mulf %parallel_loop3A_1045, %parallel_loop3A_1025 : vector<16xf32>
        %parallel_loop3A_1047 = arith.constant 0 : i32
        %parallel_loop3A_1048 = arith.index_cast %parallel_loop3A_1047 : i32 to index
        %parallel_loop3A_1049 = arith.index_cast %parallel_loop3A_1022 : i32 to index
        %parallel_loop3A_1050 = arith.constant 16 : index
        %parallel_loop3A_1051 = tpu.vector_load %arg11[%parallel_loop3A_1048, %parallel_loop3A_1049, %parallel_loop3A_1050] {strides = array<i32>} : memref<2x80x64xf32, #tpu.memory_space<vmem>>, vector<1x1x16xf32>,
        %parallel_loop3A_1052 = vector.shape_cast %parallel_loop3A_1051 : vector<1x1x16xf32> to vector<16xf32>
        %parallel_loop3A_1053 = vector.shape_cast %parallel_loop3A_1046 : vector<16xf32> to vector<1x1x16xf32>
        tpu.vector_store %arg11[%parallel_loop3A_1048, %parallel_loop3A_1049, %parallel_loop3A_1050], %parallel_loop3A_1053 {strides = array<i32>} : memref<2x80x64xf32, #tpu.memory_space<vmem>>, vector<1x1x16xf32>,
        %parallel_loop3A_1054 = arith.constant 0 : i32
        %parallel_loop3A_1055 = arith.index_cast %parallel_loop3A_1054 : i32 to index
        %parallel_loop3A_1056 = arith.index_cast %parallel_loop3A_1022 : i32 to index
        %parallel_loop3A_1057 = arith.constant 32 : index
        %parallel_loop3A_1058 = tpu.vector_load %arg11[%parallel_loop3A_1055, %parallel_loop3A_1056, %parallel_loop3A_1057] {strides = array<i32>} : memref<2x80x64xf32, #tpu.memory_space<vmem>>, vector<1x1x16xf32>,
        %parallel_loop3A_1059 = vector.shape_cast %parallel_loop3A_1058 : vector<1x1x16xf32> to vector<16xf32>
        %parallel_loop3A_1060 = arith.mulf %parallel_loop3A_1059, %parallel_loop3A_1025 : vector<16xf32>
        %parallel_loop3A_1061 = arith.constant 0 : i32
        %parallel_loop3A_1062 = arith.index_cast %parallel_loop3A_1061 : i32 to index
        %parallel_loop3A_1063 = arith.index_cast %parallel_loop3A_1022 : i32 to index
        %parallel_loop3A_1064 = arith.constant 32 : index
        %parallel_loop3A_1065 = tpu.vector_load %arg11[%parallel_loop3A_1062, %parallel_loop3A_1063, %parallel_loop3A_1064] {strides = array<i32>} : memref<2x80x64xf32, #tpu.memory_space<vmem>>, vector<1x1x16xf32>,
        %parallel_loop3A_1066 = vector.shape_cast %parallel_loop3A_1065 : vector<1x1x16xf32> to vector<16xf32>
        %parallel_loop3A_1067 = vector.shape_cast %parallel_loop3A_1060 : vector<16xf32> to vector<1x1x16xf32>
        tpu.vector_store %arg11[%parallel_loop3A_1062, %parallel_loop3A_1063, %parallel_loop3A_1064], %parallel_loop3A_1067 {strides = array<i32>} : memref<2x80x64xf32, #tpu.memory_space<vmem>>, vector<1x1x16xf32>,
        %parallel_loop3A_1068 = arith.constant 0 : i32
        %parallel_loop3A_1069 = arith.index_cast %parallel_loop3A_1068 : i32 to index
        %parallel_loop3A_1070 = arith.index_cast %parallel_loop3A_1022 : i32 to index
        %parallel_loop3A_1071 = arith.constant 48 : index
        %parallel_loop3A_1072 = tpu.vector_load %arg11[%parallel_loop3A_1069, %parallel_loop3A_1070, %parallel_loop3A_1071] {strides = array<i32>} : memref<2x80x64xf32, #tpu.memory_space<vmem>>, vector<1x1x16xf32>,
        %parallel_loop3A_1073 = vector.shape_cast %parallel_loop3A_1072 : vector<1x1x16xf32> to vector<16xf32>
        %parallel_loop3A_1074 = arith.mulf %parallel_loop3A_1073, %parallel_loop3A_1025 : vector<16xf32>
        %parallel_loop3A_1075 = arith.constant 0 : i32
        %parallel_loop3A_1076 = arith.index_cast %parallel_loop3A_1075 : i32 to index
        %parallel_loop3A_1077 = arith.index_cast %parallel_loop3A_1022 : i32 to index
        %parallel_loop3A_1078 = arith.constant 48 : index
        %parallel_loop3A_1079 = tpu.vector_load %arg11[%parallel_loop3A_1076, %parallel_loop3A_1077, %parallel_loop3A_1078] {strides = array<i32>} : memref<2x80x64xf32, #tpu.memory_space<vmem>>, vector<1x1x16xf32>,
        %parallel_loop3A_1080 = vector.shape_cast %parallel_loop3A_1079 : vector<1x1x16xf32> to vector<16xf32>
        %parallel_loop3A_1081 = vector.shape_cast %parallel_loop3A_1074 : vector<16xf32> to vector<1x1x16xf32>
        tpu.vector_store %arg11[%parallel_loop3A_1076, %parallel_loop3A_1077, %parallel_loop3A_1078], %parallel_loop3A_1081 {strides = array<i32>} : memref<2x80x64xf32, #tpu.memory_space<vmem>>, vector<1x1x16xf32>,
        %parallel_loop3A_1082 = arith.constant 14 : i32
        %parallel_loop3A_1083 = arith.addi %parallel_loop3A_223, %parallel_loop3A_1082 : i32
        %parallel_loop3A_1084 = vector.extract_strided_slice %parallel_loop3A_227 {offsets = [14], sizes = [1], strides = [1]} : vector<16xf32> to vector<1xf32>
        %parallel_loop3A_1085 = vector.extract %parallel_loop3A_1084[0] : f32 from vector<1xf32>
        %parallel_loop3A_1086 = vector.broadcast %parallel_loop3A_1085 : f32 to vector<16xf32>
        %parallel_loop3A_1087 = arith.constant 0 : i32
        %parallel_loop3A_1088 = arith.index_cast %parallel_loop3A_1087 : i32 to index
        %parallel_loop3A_1089 = arith.index_cast %parallel_loop3A_1083 : i32 to index
        %parallel_loop3A_1090 = arith.constant 0 : index
        %parallel_loop3A_1091 = tpu.vector_load %arg11[%parallel_loop3A_1088, %parallel_loop3A_1089, %parallel_loop3A_1090] {strides = array<i32>} : memref<2x80x64xf32, #tpu.memory_space<vmem>>, vector<1x1x16xf32>,
        %parallel_loop3A_1092 = vector.shape_cast %parallel_loop3A_1091 : vector<1x1x16xf32> to vector<16xf32>
        %parallel_loop3A_1093 = arith.mulf %parallel_loop3A_1092, %parallel_loop3A_1086 : vector<16xf32>
        %parallel_loop3A_1094 = arith.constant 0 : i32
        %parallel_loop3A_1095 = arith.index_cast %parallel_loop3A_1094 : i32 to index
        %parallel_loop3A_1096 = arith.index_cast %parallel_loop3A_1083 : i32 to index
        %parallel_loop3A_1097 = arith.constant 0 : index
        %parallel_loop3A_1098 = tpu.vector_load %arg11[%parallel_loop3A_1095, %parallel_loop3A_1096, %parallel_loop3A_1097] {strides = array<i32>} : memref<2x80x64xf32, #tpu.memory_space<vmem>>, vector<1x1x16xf32>,
        %parallel_loop3A_1099 = vector.shape_cast %parallel_loop3A_1098 : vector<1x1x16xf32> to vector<16xf32>
        %parallel_loop3A_1100 = vector.shape_cast %parallel_loop3A_1093 : vector<16xf32> to vector<1x1x16xf32>
        tpu.vector_store %arg11[%parallel_loop3A_1095, %parallel_loop3A_1096, %parallel_loop3A_1097], %parallel_loop3A_1100 {strides = array<i32>} : memref<2x80x64xf32, #tpu.memory_space<vmem>>, vector<1x1x16xf32>,
        %parallel_loop3A_1101 = arith.constant 0 : i32
        %parallel_loop3A_1102 = arith.index_cast %parallel_loop3A_1101 : i32 to index
        %parallel_loop3A_1103 = arith.index_cast %parallel_loop3A_1083 : i32 to index
        %parallel_loop3A_1104 = arith.constant 16 : index
        %parallel_loop3A_1105 = tpu.vector_load %arg11[%parallel_loop3A_1102, %parallel_loop3A_1103, %parallel_loop3A_1104] {strides = array<i32>} : memref<2x80x64xf32, #tpu.memory_space<vmem>>, vector<1x1x16xf32>,
        %parallel_loop3A_1106 = vector.shape_cast %parallel_loop3A_1105 : vector<1x1x16xf32> to vector<16xf32>
        %parallel_loop3A_1107 = arith.mulf %parallel_loop3A_1106, %parallel_loop3A_1086 : vector<16xf32>
        %parallel_loop3A_1108 = arith.constant 0 : i32
        %parallel_loop3A_1109 = arith.index_cast %parallel_loop3A_1108 : i32 to index
        %parallel_loop3A_1110 = arith.index_cast %parallel_loop3A_1083 : i32 to index
        %parallel_loop3A_1111 = arith.constant 16 : index
        %parallel_loop3A_1112 = tpu.vector_load %arg11[%parallel_loop3A_1109, %parallel_loop3A_1110, %parallel_loop3A_1111] {strides = array<i32>} : memref<2x80x64xf32, #tpu.memory_space<vmem>>, vector<1x1x16xf32>,
        %parallel_loop3A_1113 = vector.shape_cast %parallel_loop3A_1112 : vector<1x1x16xf32> to vector<16xf32>
        %parallel_loop3A_1114 = vector.shape_cast %parallel_loop3A_1107 : vector<16xf32> to vector<1x1x16xf32>
        tpu.vector_store %arg11[%parallel_loop3A_1109, %parallel_loop3A_1110, %parallel_loop3A_1111], %parallel_loop3A_1114 {strides = array<i32>} : memref<2x80x64xf32, #tpu.memory_space<vmem>>, vector<1x1x16xf32>,
        %parallel_loop3A_1115 = arith.constant 0 : i32
        %parallel_loop3A_1116 = arith.index_cast %parallel_loop3A_1115 : i32 to index
        %parallel_loop3A_1117 = arith.index_cast %parallel_loop3A_1083 : i32 to index
        %parallel_loop3A_1118 = arith.constant 32 : index
        %parallel_loop3A_1119 = tpu.vector_load %arg11[%parallel_loop3A_1116, %parallel_loop3A_1117, %parallel_loop3A_1118] {strides = array<i32>} : memref<2x80x64xf32, #tpu.memory_space<vmem>>, vector<1x1x16xf32>,
        %parallel_loop3A_1120 = vector.shape_cast %parallel_loop3A_1119 : vector<1x1x16xf32> to vector<16xf32>
        %parallel_loop3A_1121 = arith.mulf %parallel_loop3A_1120, %parallel_loop3A_1086 : vector<16xf32>
        %parallel_loop3A_1122 = arith.constant 0 : i32
        %parallel_loop3A_1123 = arith.index_cast %parallel_loop3A_1122 : i32 to index
        %parallel_loop3A_1124 = arith.index_cast %parallel_loop3A_1083 : i32 to index
        %parallel_loop3A_1125 = arith.constant 32 : index
        %parallel_loop3A_1126 = tpu.vector_load %arg11[%parallel_loop3A_1123, %parallel_loop3A_1124, %parallel_loop3A_1125] {strides = array<i32>} : memref<2x80x64xf32, #tpu.memory_space<vmem>>, vector<1x1x16xf32>,
        %parallel_loop3A_1127 = vector.shape_cast %parallel_loop3A_1126 : vector<1x1x16xf32> to vector<16xf32>
        %parallel_loop3A_1128 = vector.shape_cast %parallel_loop3A_1121 : vector<16xf32> to vector<1x1x16xf32>
        tpu.vector_store %arg11[%parallel_loop3A_1123, %parallel_loop3A_1124, %parallel_loop3A_1125], %parallel_loop3A_1128 {strides = array<i32>} : memref<2x80x64xf32, #tpu.memory_space<vmem>>, vector<1x1x16xf32>,
        %parallel_loop3A_1129 = arith.constant 0 : i32
        %parallel_loop3A_1130 = arith.index_cast %parallel_loop3A_1129 : i32 to index
        %parallel_loop3A_1131 = arith.index_cast %parallel_loop3A_1083 : i32 to index
        %parallel_loop3A_1132 = arith.constant 48 : index
        %parallel_loop3A_1133 = tpu.vector_load %arg11[%parallel_loop3A_1130, %parallel_loop3A_1131, %parallel_loop3A_1132] {strides = array<i32>} : memref<2x80x64xf32, #tpu.memory_space<vmem>>, vector<1x1x16xf32>,
        %parallel_loop3A_1134 = vector.shape_cast %parallel_loop3A_1133 : vector<1x1x16xf32> to vector<16xf32>
        %parallel_loop3A_1135 = arith.mulf %parallel_loop3A_1134, %parallel_loop3A_1086 : vector<16xf32>
        %parallel_loop3A_1136 = arith.constant 0 : i32
        %parallel_loop3A_1137 = arith.index_cast %parallel_loop3A_1136 : i32 to index
        %parallel_loop3A_1138 = arith.index_cast %parallel_loop3A_1083 : i32 to index
        %parallel_loop3A_1139 = arith.constant 48 : index
        %parallel_loop3A_1140 = tpu.vector_load %arg11[%parallel_loop3A_1137, %parallel_loop3A_1138, %parallel_loop3A_1139] {strides = array<i32>} : memref<2x80x64xf32, #tpu.memory_space<vmem>>, vector<1x1x16xf32>,
        %parallel_loop3A_1141 = vector.shape_cast %parallel_loop3A_1140 : vector<1x1x16xf32> to vector<16xf32>
        %parallel_loop3A_1142 = vector.shape_cast %parallel_loop3A_1135 : vector<16xf32> to vector<1x1x16xf32>
        tpu.vector_store %arg11[%parallel_loop3A_1137, %parallel_loop3A_1138, %parallel_loop3A_1139], %parallel_loop3A_1142 {strides = array<i32>} : memref<2x80x64xf32, #tpu.memory_space<vmem>>, vector<1x1x16xf32>,
        %parallel_loop3A_1143 = arith.constant 15 : i32
        %parallel_loop3A_1144 = arith.addi %parallel_loop3A_223, %parallel_loop3A_1143 : i32
        %parallel_loop3A_1145 = vector.extract_strided_slice %parallel_loop3A_227 {offsets = [15], sizes = [1], strides = [1]} : vector<16xf32> to vector<1xf32>
        %parallel_loop3A_1146 = vector.extract %parallel_loop3A_1145[0] : f32 from vector<1xf32>
        %parallel_loop3A_1147 = vector.broadcast %parallel_loop3A_1146 : f32 to vector<16xf32>
        %parallel_loop3A_1148 = arith.constant 0 : i32
        %parallel_loop3A_1149 = arith.index_cast %parallel_loop3A_1148 : i32 to index
        %parallel_loop3A_1150 = arith.index_cast %parallel_loop3A_1144 : i32 to index
        %parallel_loop3A_1151 = arith.constant 0 : index
        %parallel_loop3A_1152 = tpu.vector_load %arg11[%parallel_loop3A_1149, %parallel_loop3A_1150, %parallel_loop3A_1151] {strides = array<i32>} : memref<2x80x64xf32, #tpu.memory_space<vmem>>, vector<1x1x16xf32>,
        %parallel_loop3A_1153 = vector.shape_cast %parallel_loop3A_1152 : vector<1x1x16xf32> to vector<16xf32>
        %parallel_loop3A_1154 = arith.mulf %parallel_loop3A_1153, %parallel_loop3A_1147 : vector<16xf32>
        %parallel_loop3A_1155 = arith.constant 0 : i32
        %parallel_loop3A_1156 = arith.index_cast %parallel_loop3A_1155 : i32 to index
        %parallel_loop3A_1157 = arith.index_cast %parallel_loop3A_1144 : i32 to index
        %parallel_loop3A_1158 = arith.constant 0 : index
        %parallel_loop3A_1159 = tpu.vector_load %arg11[%parallel_loop3A_1156, %parallel_loop3A_1157, %parallel_loop3A_1158] {strides = array<i32>} : memref<2x80x64xf32, #tpu.memory_space<vmem>>, vector<1x1x16xf32>,
        %parallel_loop3A_1160 = vector.shape_cast %parallel_loop3A_1159 : vector<1x1x16xf32> to vector<16xf32>
        %parallel_loop3A_1161 = vector.shape_cast %parallel_loop3A_1154 : vector<16xf32> to vector<1x1x16xf32>
        tpu.vector_store %arg11[%parallel_loop3A_1156, %parallel_loop3A_1157, %parallel_loop3A_1158], %parallel_loop3A_1161 {strides = array<i32>} : memref<2x80x64xf32, #tpu.memory_space<vmem>>, vector<1x1x16xf32>,
        %parallel_loop3A_1162 = arith.constant 0 : i32
        %parallel_loop3A_1163 = arith.index_cast %parallel_loop3A_1162 : i32 to index
        %parallel_loop3A_1164 = arith.index_cast %parallel_loop3A_1144 : i32 to index
        %parallel_loop3A_1165 = arith.constant 16 : index
        %parallel_loop3A_1166 = tpu.vector_load %arg11[%parallel_loop3A_1163, %parallel_loop3A_1164, %parallel_loop3A_1165] {strides = array<i32>} : memref<2x80x64xf32, #tpu.memory_space<vmem>>, vector<1x1x16xf32>,
        %parallel_loop3A_1167 = vector.shape_cast %parallel_loop3A_1166 : vector<1x1x16xf32> to vector<16xf32>
        %parallel_loop3A_1168 = arith.mulf %parallel_loop3A_1167, %parallel_loop3A_1147 : vector<16xf32>
        %parallel_loop3A_1169 = arith.constant 0 : i32
        %parallel_loop3A_1170 = arith.index_cast %parallel_loop3A_1169 : i32 to index
        %parallel_loop3A_1171 = arith.index_cast %parallel_loop3A_1144 : i32 to index
        %parallel_loop3A_1172 = arith.constant 16 : index
        %parallel_loop3A_1173 = tpu.vector_load %arg11[%parallel_loop3A_1170, %parallel_loop3A_1171, %parallel_loop3A_1172] {strides = array<i32>} : memref<2x80x64xf32, #tpu.memory_space<vmem>>, vector<1x1x16xf32>,
        %parallel_loop3A_1174 = vector.shape_cast %parallel_loop3A_1173 : vector<1x1x16xf32> to vector<16xf32>
        %parallel_loop3A_1175 = vector.shape_cast %parallel_loop3A_1168 : vector<16xf32> to vector<1x1x16xf32>
        tpu.vector_store %arg11[%parallel_loop3A_1170, %parallel_loop3A_1171, %parallel_loop3A_1172], %parallel_loop3A_1175 {strides = array<i32>} : memref<2x80x64xf32, #tpu.memory_space<vmem>>, vector<1x1x16xf32>,
        %parallel_loop3A_1176 = arith.constant 0 : i32
        %parallel_loop3A_1177 = arith.index_cast %parallel_loop3A_1176 : i32 to index
        %parallel_loop3A_1178 = arith.index_cast %parallel_loop3A_1144 : i32 to index
        %parallel_loop3A_1179 = arith.constant 32 : index
        %parallel_loop3A_1180 = tpu.vector_load %arg11[%parallel_loop3A_1177, %parallel_loop3A_1178, %parallel_loop3A_1179] {strides = array<i32>} : memref<2x80x64xf32, #tpu.memory_space<vmem>>, vector<1x1x16xf32>,
        %parallel_loop3A_1181 = vector.shape_cast %parallel_loop3A_1180 : vector<1x1x16xf32> to vector<16xf32>
        %parallel_loop3A_1182 = arith.mulf %parallel_loop3A_1181, %parallel_loop3A_1147 : vector<16xf32>
        %parallel_loop3A_1183 = arith.constant 0 : i32
        %parallel_loop3A_1184 = arith.index_cast %parallel_loop3A_1183 : i32 to index
        %parallel_loop3A_1185 = arith.index_cast %parallel_loop3A_1144 : i32 to index
        %parallel_loop3A_1186 = arith.constant 32 : index
        %parallel_loop3A_1187 = tpu.vector_load %arg11[%parallel_loop3A_1184, %parallel_loop3A_1185, %parallel_loop3A_1186] {strides = array<i32>} : memref<2x80x64xf32, #tpu.memory_space<vmem>>, vector<1x1x16xf32>,
        %parallel_loop3A_1188 = vector.shape_cast %parallel_loop3A_1187 : vector<1x1x16xf32> to vector<16xf32>
        %parallel_loop3A_1189 = vector.shape_cast %parallel_loop3A_1182 : vector<16xf32> to vector<1x1x16xf32>
        tpu.vector_store %arg11[%parallel_loop3A_1184, %parallel_loop3A_1185, %parallel_loop3A_1186], %parallel_loop3A_1189 {strides = array<i32>} : memref<2x80x64xf32, #tpu.memory_space<vmem>>, vector<1x1x16xf32>,
        %parallel_loop3A_1190 = arith.constant 0 : i32
        %parallel_loop3A_1191 = arith.index_cast %parallel_loop3A_1190 : i32 to index
        %parallel_loop3A_1192 = arith.index_cast %parallel_loop3A_1144 : i32 to index
        %parallel_loop3A_1193 = arith.constant 48 : index
        %parallel_loop3A_1194 = tpu.vector_load %arg11[%parallel_loop3A_1191, %parallel_loop3A_1192, %parallel_loop3A_1193] {strides = array<i32>} : memref<2x80x64xf32, #tpu.memory_space<vmem>>, vector<1x1x16xf32>,
        %parallel_loop3A_1195 = vector.shape_cast %parallel_loop3A_1194 : vector<1x1x16xf32> to vector<16xf32>
        %parallel_loop3A_1196 = arith.mulf %parallel_loop3A_1195, %parallel_loop3A_1147 : vector<16xf32>
        %parallel_loop3A_1197 = arith.constant 0 : i32
        %parallel_loop3A_1198 = arith.index_cast %parallel_loop3A_1197 : i32 to index
        %parallel_loop3A_1199 = arith.index_cast %parallel_loop3A_1144 : i32 to index
        %parallel_loop3A_1200 = arith.constant 48 : index
        %parallel_loop3A_1201 = tpu.vector_load %arg11[%parallel_loop3A_1198, %parallel_loop3A_1199, %parallel_loop3A_1200] {strides = array<i32>} : memref<2x80x64xf32, #tpu.memory_space<vmem>>, vector<1x1x16xf32>,
        %parallel_loop3A_1202 = vector.shape_cast %parallel_loop3A_1201 : vector<1x1x16xf32> to vector<16xf32>
        %parallel_loop3A_1203 = vector.shape_cast %parallel_loop3A_1196 : vector<16xf32> to vector<1x1x16xf32>
        tpu.vector_store %arg11[%parallel_loop3A_1198, %parallel_loop3A_1199, %parallel_loop3A_1200], %parallel_loop3A_1203 {strides = array<i32>} : memref<2x80x64xf32, #tpu.memory_space<vmem>>, vector<1x1x16xf32>,
      } {sc.loop_unroll_factor = 1 : i64, sc.parallel_access}
      %dma_start3A_133 = arith.constant 0 : i32
      %dma_start3A_134 = arith.constant 0 : i32
      %dma_start3A_135 = arith.constant 0 : i32
      %dma_start3A_136 = tpu.memref_slice %arg11[%dma_start3A_133, %dma_start3A_134, %dma_start3A_135] : memref<2x80x64xf32, #tpu.memory_space<vmem>> -> memref<1x80x64xf32, #tpu.memory_space<vmem>>
      %dma_start3A_137 = tpu.memref_squeeze %dma_start3A_136 : memref<1x80x64xf32, #tpu.memory_space<vmem>> -> memref<80x64xf32, #tpu.memory_space<vmem>>
      %dma_start3A_138 = arith.constant 0 : i32
      %dma_start3A_139 = tpu.memref_slice %arg8[%add3A_109, %dma_start3A_138] : memref<250x80xi32, #tpu.memory_space<vmem>> -> memref<1x80xi32, #tpu.memory_space<vmem>>
      %dma_start3A_140 = tpu.memref_squeeze %dma_start3A_139 : memref<1x80xi32, #tpu.memory_space<vmem>> -> memref<80xi32, #tpu.memory_space<vmem>>
      %dma_start3A_141 = arith.constant 0 : i32
      %dma_start3A_142 = arith.constant 0 : i32
      %dma_start3A_143 = tpu.memref_slice %arg15[%dma_start3A_141, %dma_start3A_142] : memref<10000x64xf32, #tpu.memory_space<vmem_shared>> -> memref<10000x64xf32, #tpu.memory_space<vmem_shared>>
      tpu.enqueue_indirect_dma source(%dma_start3A_137 : memref<80x64xf32, #tpu.memory_space<vmem>>) target(%dma_start3A_143 : memref<10000x64xf32, #tpu.memory_space<vmem_shared>>) offsets(%dma_start3A_140 : memref<80xi32, #tpu.memory_space<vmem>>) semaphore(%arg19 : memref<!tpu.dma_semaphore, #tpu.memory_space<semaphore_mem>>) {add = true}
      %jit3A = arith.constant 2 : i32
      %eq3A_144 = arith.constant 0 : i32
      %eq3A_145 = arith.cmpi eq, %jit3A, %eq3A_144 : i32
      %jit3A_146 = arith.constant 1 : i32
      %select_n3A = arith.select %eq3A_145, %jit3A_146, %jit3A : i32
      %rem3A = arith.remsi %add3A_109, %select_n3A : i32
      %ne3A = arith.constant 0 : i32
      %ne3A_147 = arith.cmpi ne, %rem3A, %ne3A : i32
      %lt3A_148 = arith.constant 0 : i32
      %lt3A_149 = arith.cmpi slt, %rem3A, %lt3A_148 : i32
      %lt3A_150 = arith.constant 0 : i32
      %lt3A_151 = arith.cmpi slt, %select_n3A, %lt3A_150 : i32
      %ne3A_152 = arith.xori %lt3A_149, %lt3A_151 : i1
      %and3A = arith.andi %ne3A_152, %ne3A_147 : i1
      %add3A_153 = arith.addi %rem3A, %select_n3A : i32
      %select_n3A_154 = arith.select %and3A, %add3A_153, %rem3A : i32
      %eq3A_155 = arith.cmpi eq, %select_n3A_154, %arg0 : i32
      %convert_element_type3A_156 = arith.extui %eq3A_155 : i1 to i32
      %cond3A_157 = arith.constant 0 : i32
      %cond3A_158 = arith.cmpi ne, %convert_element_type3A_156, %cond3A_157 : i32
      scf.if %cond3A_158 {
        %ge3A_220 = arith.constant 2 : i32
        %ge3A_221 = arith.cmpi sge, %add3A_109, %ge3A_220 : i32
        %convert_element_type3A_222 = arith.extui %ge3A_221 : i1 to i32
        %cond3A_223 = arith.constant 0 : i32
        %cond3A_224 = arith.cmpi ne, %convert_element_type3A_222, %cond3A_223 : i32
        scf.if %cond3A_224 {
          %dma_wait3A_234 = arith.constant 0 : i32
          %dma_wait3A_235 = tpu.memref_slice %arg8[%add3A_109, %dma_wait3A_234] : memref<250x80xi32, #tpu.memory_space<vmem>> -> memref<1x80xi32, #tpu.memory_space<vmem>>
          %dma_wait3A_236 = tpu.memref_squeeze %dma_wait3A_235 : memref<1x80xi32, #tpu.memory_space<vmem>> -> memref<80xi32, #tpu.memory_space<vmem>>
          %dma_wait3A_237 = arith.constant 0 : i32
          %dma_wait3A_238 = arith.constant 0 : i32
          %dma_wait3A_239 = tpu.memref_slice %arg16[%dma_wait3A_237, %dma_wait3A_238] : memref<10000x16xf32, #tpu.memory_space<vmem_shared>> -> memref<10000x16xf32, #tpu.memory_space<vmem_shared>>
          tpu.wait_indirect_dma semaphore(%arg21 : memref<!tpu.dma_semaphore, #tpu.memory_space<semaphore_mem>>) src(%arg12 : memref<80x16xf32, #tpu.memory_space<vmem>>) dst(%dma_wait3A_239 : memref<10000x16xf32, #tpu.memory_space<vmem_shared>>)
        } else {
        }
        %parallel_loop3A_225 = arith.constant 0 : i32
        %parallel_loop3A_226 = arith.constant 5 : i32
        %parallel_loop3A_227 = arith.constant 1 : i32
        scf.for %parallel_loop3A_234 = %parallel_loop3A_225 to %parallel_loop3A_226 step %parallel_loop3A_227  : i32 {
          %parallel_loop3A_235 = arith.constant 16 : i32
          %parallel_loop3A_236 = arith.muli %parallel_loop3A_234, %parallel_loop3A_235 : i32
          %parallel_loop3A_237 = tpu.assume_multiple %parallel_loop3A_236, 16 : i32
          %parallel_loop3A_238 = arith.index_cast %add3A_109 : i32 to index
          %parallel_loop3A_239 = arith.index_cast %parallel_loop3A_237 : i32 to index
          %parallel_loop3A_240 = tpu.vector_load %arg10[%parallel_loop3A_238, %parallel_loop3A_239] {strides = array<i32>} : memref<250x80xf32, #tpu.memory_space<vmem>>, vector<1x16xf32>,
          %parallel_loop3A_241 = vector.shape_cast %parallel_loop3A_240 : vector<1x16xf32> to vector<16xf32>
          %parallel_loop3A_242 = tpu.iota {dimensions = array<i32: 0>} : vector<16xi32>
          %parallel_loop3A_243 = vector.extract_strided_slice %parallel_loop3A_241 {offsets = [0], sizes = [1], strides = [1]} : vector<16xf32> to vector<1xf32>
          %parallel_loop3A_244 = vector.extract %parallel_loop3A_243[0] : f32 from vector<1xf32>
          %parallel_loop3A_245 = vector.broadcast %parallel_loop3A_244 : f32 to vector<16xf32>
          %parallel_loop3A_246 = arith.constant 0 : i32
          %parallel_loop3A_247 = vector.broadcast %parallel_loop3A_246 : i32 to vector<16xi32>
          %parallel_loop3A_248 = arith.cmpi eq, %parallel_loop3A_242, %parallel_loop3A_247 : vector<16xi32>
          %parallel_loop3A_249 = arith.constant 1 : i32
          %parallel_loop3A_250 = vector.broadcast %parallel_loop3A_249 : i32 to vector<16xi32>
          %parallel_loop3A_251 = arith.cmpi eq, %parallel_loop3A_242, %parallel_loop3A_250 : vector<16xi32>
          %parallel_loop3A_252 = arith.constant 1.000000e+00 : f32
          %parallel_loop3A_253 = arith.constant 0.000000e+00 : f32
          %parallel_loop3A_254 = vector.broadcast %parallel_loop3A_252 : f32 to vector<16xf32>
          %parallel_loop3A_255 = vector.broadcast %parallel_loop3A_253 : f32 to vector<16xf32>
          %parallel_loop3A_256 = arith.select %parallel_loop3A_251, %parallel_loop3A_254, %parallel_loop3A_255 : vector<16xi1>, vector<16xf32>
          %parallel_loop3A_257 = arith.select %parallel_loop3A_248, %parallel_loop3A_245, %parallel_loop3A_256 : vector<16xi1>, vector<16xf32>
          %parallel_loop3A_258 = arith.constant 0 : i32
          %parallel_loop3A_259 = arith.addi %parallel_loop3A_237, %parallel_loop3A_258 : i32
          %parallel_loop3A_260 = arith.index_cast %parallel_loop3A_259 : i32 to index
          %parallel_loop3A_261 = arith.constant 0 : index
          %parallel_loop3A_262 = tpu.vector_load %arg12[%parallel_loop3A_260, %parallel_loop3A_261] {strides = array<i32>} : memref<80x16xf32, #tpu.memory_space<vmem>>, vector<1x16xf32>,
          %parallel_loop3A_263 = vector.shape_cast %parallel_loop3A_262 : vector<1x16xf32> to vector<16xf32>
          %parallel_loop3A_264 = vector.shape_cast %parallel_loop3A_257 : vector<16xf32> to vector<1x16xf32>
          tpu.vector_store %arg12[%parallel_loop3A_260, %parallel_loop3A_261], %parallel_loop3A_264 {strides = array<i32>} : memref<80x16xf32, #tpu.memory_space<vmem>>, vector<1x16xf32>,
          %parallel_loop3A_265 = vector.extract_strided_slice %parallel_loop3A_241 {offsets = [1], sizes = [1], strides = [1]} : vector<16xf32> to vector<1xf32>
          %parallel_loop3A_266 = vector.extract %parallel_loop3A_265[0] : f32 from vector<1xf32>
          %parallel_loop3A_267 = vector.broadcast %parallel_loop3A_266 : f32 to vector<16xf32>
          %parallel_loop3A_268 = arith.constant 0 : i32
          %parallel_loop3A_269 = vector.broadcast %parallel_loop3A_268 : i32 to vector<16xi32>
          %parallel_loop3A_270 = arith.cmpi eq, %parallel_loop3A_242, %parallel_loop3A_269 : vector<16xi32>
          %parallel_loop3A_271 = arith.constant 1 : i32
          %parallel_loop3A_272 = vector.broadcast %parallel_loop3A_271 : i32 to vector<16xi32>
          %parallel_loop3A_273 = arith.cmpi eq, %parallel_loop3A_242, %parallel_loop3A_272 : vector<16xi32>
          %parallel_loop3A_274 = arith.constant 1.000000e+00 : f32
          %parallel_loop3A_275 = arith.constant 0.000000e+00 : f32
          %parallel_loop3A_276 = vector.broadcast %parallel_loop3A_274 : f32 to vector<16xf32>
          %parallel_loop3A_277 = vector.broadcast %parallel_loop3A_275 : f32 to vector<16xf32>
          %parallel_loop3A_278 = arith.select %parallel_loop3A_273, %parallel_loop3A_276, %parallel_loop3A_277 : vector<16xi1>, vector<16xf32>
          %parallel_loop3A_279 = arith.select %parallel_loop3A_270, %parallel_loop3A_267, %parallel_loop3A_278 : vector<16xi1>, vector<16xf32>
          %parallel_loop3A_280 = arith.constant 1 : i32
          %parallel_loop3A_281 = arith.addi %parallel_loop3A_237, %parallel_loop3A_280 : i32
          %parallel_loop3A_282 = arith.index_cast %parallel_loop3A_281 : i32 to index
          %parallel_loop3A_283 = arith.constant 0 : index
          %parallel_loop3A_284 = tpu.vector_load %arg12[%parallel_loop3A_282, %parallel_loop3A_283] {strides = array<i32>} : memref<80x16xf32, #tpu.memory_space<vmem>>, vector<1x16xf32>,
          %parallel_loop3A_285 = vector.shape_cast %parallel_loop3A_284 : vector<1x16xf32> to vector<16xf32>
          %parallel_loop3A_286 = vector.shape_cast %parallel_loop3A_279 : vector<16xf32> to vector<1x16xf32>
          tpu.vector_store %arg12[%parallel_loop3A_282, %parallel_loop3A_283], %parallel_loop3A_286 {strides = array<i32>} : memref<80x16xf32, #tpu.memory_space<vmem>>, vector<1x16xf32>,
          %parallel_loop3A_287 = vector.extract_strided_slice %parallel_loop3A_241 {offsets = [2], sizes = [1], strides = [1]} : vector<16xf32> to vector<1xf32>
          %parallel_loop3A_288 = vector.extract %parallel_loop3A_287[0] : f32 from vector<1xf32>
          %parallel_loop3A_289 = vector.broadcast %parallel_loop3A_288 : f32 to vector<16xf32>
          %parallel_loop3A_290 = arith.constant 0 : i32
          %parallel_loop3A_291 = vector.broadcast %parallel_loop3A_290 : i32 to vector<16xi32>
          %parallel_loop3A_292 = arith.cmpi eq, %parallel_loop3A_242, %parallel_loop3A_291 : vector<16xi32>
          %parallel_loop3A_293 = arith.constant 1 : i32
          %parallel_loop3A_294 = vector.broadcast %parallel_loop3A_293 : i32 to vector<16xi32>
          %parallel_loop3A_295 = arith.cmpi eq, %parallel_loop3A_242, %parallel_loop3A_294 : vector<16xi32>
          %parallel_loop3A_296 = arith.constant 1.000000e+00 : f32
          %parallel_loop3A_297 = arith.constant 0.000000e+00 : f32
          %parallel_loop3A_298 = vector.broadcast %parallel_loop3A_296 : f32 to vector<16xf32>
          %parallel_loop3A_299 = vector.broadcast %parallel_loop3A_297 : f32 to vector<16xf32>
          %parallel_loop3A_300 = arith.select %parallel_loop3A_295, %parallel_loop3A_298, %parallel_loop3A_299 : vector<16xi1>, vector<16xf32>
          %parallel_loop3A_301 = arith.select %parallel_loop3A_292, %parallel_loop3A_289, %parallel_loop3A_300 : vector<16xi1>, vector<16xf32>
          %parallel_loop3A_302 = arith.constant 2 : i32
          %parallel_loop3A_303 = arith.addi %parallel_loop3A_237, %parallel_loop3A_302 : i32
          %parallel_loop3A_304 = arith.index_cast %parallel_loop3A_303 : i32 to index
          %parallel_loop3A_305 = arith.constant 0 : index
          %parallel_loop3A_306 = tpu.vector_load %arg12[%parallel_loop3A_304, %parallel_loop3A_305] {strides = array<i32>} : memref<80x16xf32, #tpu.memory_space<vmem>>, vector<1x16xf32>,
          %parallel_loop3A_307 = vector.shape_cast %parallel_loop3A_306 : vector<1x16xf32> to vector<16xf32>
          %parallel_loop3A_308 = vector.shape_cast %parallel_loop3A_301 : vector<16xf32> to vector<1x16xf32>
          tpu.vector_store %arg12[%parallel_loop3A_304, %parallel_loop3A_305], %parallel_loop3A_308 {strides = array<i32>} : memref<80x16xf32, #tpu.memory_space<vmem>>, vector<1x16xf32>,
          %parallel_loop3A_309 = vector.extract_strided_slice %parallel_loop3A_241 {offsets = [3], sizes = [1], strides = [1]} : vector<16xf32> to vector<1xf32>
          %parallel_loop3A_310 = vector.extract %parallel_loop3A_309[0] : f32 from vector<1xf32>
          %parallel_loop3A_311 = vector.broadcast %parallel_loop3A_310 : f32 to vector<16xf32>
          %parallel_loop3A_312 = arith.constant 0 : i32
          %parallel_loop3A_313 = vector.broadcast %parallel_loop3A_312 : i32 to vector<16xi32>
          %parallel_loop3A_314 = arith.cmpi eq, %parallel_loop3A_242, %parallel_loop3A_313 : vector<16xi32>
          %parallel_loop3A_315 = arith.constant 1 : i32
          %parallel_loop3A_316 = vector.broadcast %parallel_loop3A_315 : i32 to vector<16xi32>
          %parallel_loop3A_317 = arith.cmpi eq, %parallel_loop3A_242, %parallel_loop3A_316 : vector<16xi32>
          %parallel_loop3A_318 = arith.constant 1.000000e+00 : f32
          %parallel_loop3A_319 = arith.constant 0.000000e+00 : f32
          %parallel_loop3A_320 = vector.broadcast %parallel_loop3A_318 : f32 to vector<16xf32>
          %parallel_loop3A_321 = vector.broadcast %parallel_loop3A_319 : f32 to vector<16xf32>
          %parallel_loop3A_322 = arith.select %parallel_loop3A_317, %parallel_loop3A_320, %parallel_loop3A_321 : vector<16xi1>, vector<16xf32>
          %parallel_loop3A_323 = arith.select %parallel_loop3A_314, %parallel_loop3A_311, %parallel_loop3A_322 : vector<16xi1>, vector<16xf32>
          %parallel_loop3A_324 = arith.constant 3 : i32
          %parallel_loop3A_325 = arith.addi %parallel_loop3A_237, %parallel_loop3A_324 : i32
          %parallel_loop3A_326 = arith.index_cast %parallel_loop3A_325 : i32 to index
          %parallel_loop3A_327 = arith.constant 0 : index
          %parallel_loop3A_328 = tpu.vector_load %arg12[%parallel_loop3A_326, %parallel_loop3A_327] {strides = array<i32>} : memref<80x16xf32, #tpu.memory_space<vmem>>, vector<1x16xf32>,
          %parallel_loop3A_329 = vector.shape_cast %parallel_loop3A_328 : vector<1x16xf32> to vector<16xf32>
          %parallel_loop3A_330 = vector.shape_cast %parallel_loop3A_323 : vector<16xf32> to vector<1x16xf32>
          tpu.vector_store %arg12[%parallel_loop3A_326, %parallel_loop3A_327], %parallel_loop3A_330 {strides = array<i32>} : memref<80x16xf32, #tpu.memory_space<vmem>>, vector<1x16xf32>,
          %parallel_loop3A_331 = vector.extract_strided_slice %parallel_loop3A_241 {offsets = [4], sizes = [1], strides = [1]} : vector<16xf32> to vector<1xf32>
          %parallel_loop3A_332 = vector.extract %parallel_loop3A_331[0] : f32 from vector<1xf32>
          %parallel_loop3A_333 = vector.broadcast %parallel_loop3A_332 : f32 to vector<16xf32>
          %parallel_loop3A_334 = arith.constant 0 : i32
          %parallel_loop3A_335 = vector.broadcast %parallel_loop3A_334 : i32 to vector<16xi32>
          %parallel_loop3A_336 = arith.cmpi eq, %parallel_loop3A_242, %parallel_loop3A_335 : vector<16xi32>
          %parallel_loop3A_337 = arith.constant 1 : i32
          %parallel_loop3A_338 = vector.broadcast %parallel_loop3A_337 : i32 to vector<16xi32>
          %parallel_loop3A_339 = arith.cmpi eq, %parallel_loop3A_242, %parallel_loop3A_338 : vector<16xi32>
          %parallel_loop3A_340 = arith.constant 1.000000e+00 : f32
          %parallel_loop3A_341 = arith.constant 0.000000e+00 : f32
          %parallel_loop3A_342 = vector.broadcast %parallel_loop3A_340 : f32 to vector<16xf32>
          %parallel_loop3A_343 = vector.broadcast %parallel_loop3A_341 : f32 to vector<16xf32>
          %parallel_loop3A_344 = arith.select %parallel_loop3A_339, %parallel_loop3A_342, %parallel_loop3A_343 : vector<16xi1>, vector<16xf32>
          %parallel_loop3A_345 = arith.select %parallel_loop3A_336, %parallel_loop3A_333, %parallel_loop3A_344 : vector<16xi1>, vector<16xf32>
          %parallel_loop3A_346 = arith.constant 4 : i32
          %parallel_loop3A_347 = arith.addi %parallel_loop3A_237, %parallel_loop3A_346 : i32
          %parallel_loop3A_348 = arith.index_cast %parallel_loop3A_347 : i32 to index
          %parallel_loop3A_349 = arith.constant 0 : index
          %parallel_loop3A_350 = tpu.vector_load %arg12[%parallel_loop3A_348, %parallel_loop3A_349] {strides = array<i32>} : memref<80x16xf32, #tpu.memory_space<vmem>>, vector<1x16xf32>,
          %parallel_loop3A_351 = vector.shape_cast %parallel_loop3A_350 : vector<1x16xf32> to vector<16xf32>
          %parallel_loop3A_352 = vector.shape_cast %parallel_loop3A_345 : vector<16xf32> to vector<1x16xf32>
          tpu.vector_store %arg12[%parallel_loop3A_348, %parallel_loop3A_349], %parallel_loop3A_352 {strides = array<i32>} : memref<80x16xf32, #tpu.memory_space<vmem>>, vector<1x16xf32>,
          %parallel_loop3A_353 = vector.extract_strided_slice %parallel_loop3A_241 {offsets = [5], sizes = [1], strides = [1]} : vector<16xf32> to vector<1xf32>
          %parallel_loop3A_354 = vector.extract %parallel_loop3A_353[0] : f32 from vector<1xf32>
          %parallel_loop3A_355 = vector.broadcast %parallel_loop3A_354 : f32 to vector<16xf32>
          %parallel_loop3A_356 = arith.constant 0 : i32
          %parallel_loop3A_357 = vector.broadcast %parallel_loop3A_356 : i32 to vector<16xi32>
          %parallel_loop3A_358 = arith.cmpi eq, %parallel_loop3A_242, %parallel_loop3A_357 : vector<16xi32>
          %parallel_loop3A_359 = arith.constant 1 : i32
          %parallel_loop3A_360 = vector.broadcast %parallel_loop3A_359 : i32 to vector<16xi32>
          %parallel_loop3A_361 = arith.cmpi eq, %parallel_loop3A_242, %parallel_loop3A_360 : vector<16xi32>
          %parallel_loop3A_362 = arith.constant 1.000000e+00 : f32
          %parallel_loop3A_363 = arith.constant 0.000000e+00 : f32
          %parallel_loop3A_364 = vector.broadcast %parallel_loop3A_362 : f32 to vector<16xf32>
          %parallel_loop3A_365 = vector.broadcast %parallel_loop3A_363 : f32 to vector<16xf32>
          %parallel_loop3A_366 = arith.select %parallel_loop3A_361, %parallel_loop3A_364, %parallel_loop3A_365 : vector<16xi1>, vector<16xf32>
          %parallel_loop3A_367 = arith.select %parallel_loop3A_358, %parallel_loop3A_355, %parallel_loop3A_366 : vector<16xi1>, vector<16xf32>
          %parallel_loop3A_368 = arith.constant 5 : i32
          %parallel_loop3A_369 = arith.addi %parallel_loop3A_237, %parallel_loop3A_368 : i32
          %parallel_loop3A_370 = arith.index_cast %parallel_loop3A_369 : i32 to index
          %parallel_loop3A_371 = arith.constant 0 : index
          %parallel_loop3A_372 = tpu.vector_load %arg12[%parallel_loop3A_370, %parallel_loop3A_371] {strides = array<i32>} : memref<80x16xf32, #tpu.memory_space<vmem>>, vector<1x16xf32>,
          %parallel_loop3A_373 = vector.shape_cast %parallel_loop3A_372 : vector<1x16xf32> to vector<16xf32>
          %parallel_loop3A_374 = vector.shape_cast %parallel_loop3A_367 : vector<16xf32> to vector<1x16xf32>
          tpu.vector_store %arg12[%parallel_loop3A_370, %parallel_loop3A_371], %parallel_loop3A_374 {strides = array<i32>} : memref<80x16xf32, #tpu.memory_space<vmem>>, vector<1x16xf32>,
          %parallel_loop3A_375 = vector.extract_strided_slice %parallel_loop3A_241 {offsets = [6], sizes = [1], strides = [1]} : vector<16xf32> to vector<1xf32>
          %parallel_loop3A_376 = vector.extract %parallel_loop3A_375[0] : f32 from vector<1xf32>
          %parallel_loop3A_377 = vector.broadcast %parallel_loop3A_376 : f32 to vector<16xf32>
          %parallel_loop3A_378 = arith.constant 0 : i32
          %parallel_loop3A_379 = vector.broadcast %parallel_loop3A_378 : i32 to vector<16xi32>
          %parallel_loop3A_380 = arith.cmpi eq, %parallel_loop3A_242, %parallel_loop3A_379 : vector<16xi32>
          %parallel_loop3A_381 = arith.constant 1 : i32
          %parallel_loop3A_382 = vector.broadcast %parallel_loop3A_381 : i32 to vector<16xi32>
          %parallel_loop3A_383 = arith.cmpi eq, %parallel_loop3A_242, %parallel_loop3A_382 : vector<16xi32>
          %parallel_loop3A_384 = arith.constant 1.000000e+00 : f32
          %parallel_loop3A_385 = arith.constant 0.000000e+00 : f32
          %parallel_loop3A_386 = vector.broadcast %parallel_loop3A_384 : f32 to vector<16xf32>
          %parallel_loop3A_387 = vector.broadcast %parallel_loop3A_385 : f32 to vector<16xf32>
          %parallel_loop3A_388 = arith.select %parallel_loop3A_383, %parallel_loop3A_386, %parallel_loop3A_387 : vector<16xi1>, vector<16xf32>
          %parallel_loop3A_389 = arith.select %parallel_loop3A_380, %parallel_loop3A_377, %parallel_loop3A_388 : vector<16xi1>, vector<16xf32>
          %parallel_loop3A_390 = arith.constant 6 : i32
          %parallel_loop3A_391 = arith.addi %parallel_loop3A_237, %parallel_loop3A_390 : i32
          %parallel_loop3A_392 = arith.index_cast %parallel_loop3A_391 : i32 to index
          %parallel_loop3A_393 = arith.constant 0 : index
          %parallel_loop3A_394 = tpu.vector_load %arg12[%parallel_loop3A_392, %parallel_loop3A_393] {strides = array<i32>} : memref<80x16xf32, #tpu.memory_space<vmem>>, vector<1x16xf32>,
          %parallel_loop3A_395 = vector.shape_cast %parallel_loop3A_394 : vector<1x16xf32> to vector<16xf32>
          %parallel_loop3A_396 = vector.shape_cast %parallel_loop3A_389 : vector<16xf32> to vector<1x16xf32>
          tpu.vector_store %arg12[%parallel_loop3A_392, %parallel_loop3A_393], %parallel_loop3A_396 {strides = array<i32>} : memref<80x16xf32, #tpu.memory_space<vmem>>, vector<1x16xf32>,
          %parallel_loop3A_397 = vector.extract_strided_slice %parallel_loop3A_241 {offsets = [7], sizes = [1], strides = [1]} : vector<16xf32> to vector<1xf32>
          %parallel_loop3A_398 = vector.extract %parallel_loop3A_397[0] : f32 from vector<1xf32>
          %parallel_loop3A_399 = vector.broadcast %parallel_loop3A_398 : f32 to vector<16xf32>
          %parallel_loop3A_400 = arith.constant 0 : i32
          %parallel_loop3A_401 = vector.broadcast %parallel_loop3A_400 : i32 to vector<16xi32>
          %parallel_loop3A_402 = arith.cmpi eq, %parallel_loop3A_242, %parallel_loop3A_401 : vector<16xi32>
          %parallel_loop3A_403 = arith.constant 1 : i32
          %parallel_loop3A_404 = vector.broadcast %parallel_loop3A_403 : i32 to vector<16xi32>
          %parallel_loop3A_405 = arith.cmpi eq, %parallel_loop3A_242, %parallel_loop3A_404 : vector<16xi32>
          %parallel_loop3A_406 = arith.constant 1.000000e+00 : f32
          %parallel_loop3A_407 = arith.constant 0.000000e+00 : f32
          %parallel_loop3A_408 = vector.broadcast %parallel_loop3A_406 : f32 to vector<16xf32>
          %parallel_loop3A_409 = vector.broadcast %parallel_loop3A_407 : f32 to vector<16xf32>
          %parallel_loop3A_410 = arith.select %parallel_loop3A_405, %parallel_loop3A_408, %parallel_loop3A_409 : vector<16xi1>, vector<16xf32>
          %parallel_loop3A_411 = arith.select %parallel_loop3A_402, %parallel_loop3A_399, %parallel_loop3A_410 : vector<16xi1>, vector<16xf32>
          %parallel_loop3A_412 = arith.constant 7 : i32
          %parallel_loop3A_413 = arith.addi %parallel_loop3A_237, %parallel_loop3A_412 : i32
          %parallel_loop3A_414 = arith.index_cast %parallel_loop3A_413 : i32 to index
          %parallel_loop3A_415 = arith.constant 0 : index
          %parallel_loop3A_416 = tpu.vector_load %arg12[%parallel_loop3A_414, %parallel_loop3A_415] {strides = array<i32>} : memref<80x16xf32, #tpu.memory_space<vmem>>, vector<1x16xf32>,
          %parallel_loop3A_417 = vector.shape_cast %parallel_loop3A_416 : vector<1x16xf32> to vector<16xf32>
          %parallel_loop3A_418 = vector.shape_cast %parallel_loop3A_411 : vector<16xf32> to vector<1x16xf32>
          tpu.vector_store %arg12[%parallel_loop3A_414, %parallel_loop3A_415], %parallel_loop3A_418 {strides = array<i32>} : memref<80x16xf32, #tpu.memory_space<vmem>>, vector<1x16xf32>,
          %parallel_loop3A_419 = vector.extract_strided_slice %parallel_loop3A_241 {offsets = [8], sizes = [1], strides = [1]} : vector<16xf32> to vector<1xf32>
          %parallel_loop3A_420 = vector.extract %parallel_loop3A_419[0] : f32 from vector<1xf32>
          %parallel_loop3A_421 = vector.broadcast %parallel_loop3A_420 : f32 to vector<16xf32>
          %parallel_loop3A_422 = arith.constant 0 : i32
          %parallel_loop3A_423 = vector.broadcast %parallel_loop3A_422 : i32 to vector<16xi32>
          %parallel_loop3A_424 = arith.cmpi eq, %parallel_loop3A_242, %parallel_loop3A_423 : vector<16xi32>
          %parallel_loop3A_425 = arith.constant 1 : i32
          %parallel_loop3A_426 = vector.broadcast %parallel_loop3A_425 : i32 to vector<16xi32>
          %parallel_loop3A_427 = arith.cmpi eq, %parallel_loop3A_242, %parallel_loop3A_426 : vector<16xi32>
          %parallel_loop3A_428 = arith.constant 1.000000e+00 : f32
          %parallel_loop3A_429 = arith.constant 0.000000e+00 : f32
          %parallel_loop3A_430 = vector.broadcast %parallel_loop3A_428 : f32 to vector<16xf32>
          %parallel_loop3A_431 = vector.broadcast %parallel_loop3A_429 : f32 to vector<16xf32>
          %parallel_loop3A_432 = arith.select %parallel_loop3A_427, %parallel_loop3A_430, %parallel_loop3A_431 : vector<16xi1>, vector<16xf32>
          %parallel_loop3A_433 = arith.select %parallel_loop3A_424, %parallel_loop3A_421, %parallel_loop3A_432 : vector<16xi1>, vector<16xf32>
          %parallel_loop3A_434 = arith.constant 8 : i32
          %parallel_loop3A_435 = arith.addi %parallel_loop3A_237, %parallel_loop3A_434 : i32
          %parallel_loop3A_436 = arith.index_cast %parallel_loop3A_435 : i32 to index
          %parallel_loop3A_437 = arith.constant 0 : index
          %parallel_loop3A_438 = tpu.vector_load %arg12[%parallel_loop3A_436, %parallel_loop3A_437] {strides = array<i32>} : memref<80x16xf32, #tpu.memory_space<vmem>>, vector<1x16xf32>,
          %parallel_loop3A_439 = vector.shape_cast %parallel_loop3A_438 : vector<1x16xf32> to vector<16xf32>
          %parallel_loop3A_440 = vector.shape_cast %parallel_loop3A_433 : vector<16xf32> to vector<1x16xf32>
          tpu.vector_store %arg12[%parallel_loop3A_436, %parallel_loop3A_437], %parallel_loop3A_440 {strides = array<i32>} : memref<80x16xf32, #tpu.memory_space<vmem>>, vector<1x16xf32>,
          %parallel_loop3A_441 = vector.extract_strided_slice %parallel_loop3A_241 {offsets = [9], sizes = [1], strides = [1]} : vector<16xf32> to vector<1xf32>
          %parallel_loop3A_442 = vector.extract %parallel_loop3A_441[0] : f32 from vector<1xf32>
          %parallel_loop3A_443 = vector.broadcast %parallel_loop3A_442 : f32 to vector<16xf32>
          %parallel_loop3A_444 = arith.constant 0 : i32
          %parallel_loop3A_445 = vector.broadcast %parallel_loop3A_444 : i32 to vector<16xi32>
          %parallel_loop3A_446 = arith.cmpi eq, %parallel_loop3A_242, %parallel_loop3A_445 : vector<16xi32>
          %parallel_loop3A_447 = arith.constant 1 : i32
          %parallel_loop3A_448 = vector.broadcast %parallel_loop3A_447 : i32 to vector<16xi32>
          %parallel_loop3A_449 = arith.cmpi eq, %parallel_loop3A_242, %parallel_loop3A_448 : vector<16xi32>
          %parallel_loop3A_450 = arith.constant 1.000000e+00 : f32
          %parallel_loop3A_451 = arith.constant 0.000000e+00 : f32
          %parallel_loop3A_452 = vector.broadcast %parallel_loop3A_450 : f32 to vector<16xf32>
          %parallel_loop3A_453 = vector.broadcast %parallel_loop3A_451 : f32 to vector<16xf32>
          %parallel_loop3A_454 = arith.select %parallel_loop3A_449, %parallel_loop3A_452, %parallel_loop3A_453 : vector<16xi1>, vector<16xf32>
          %parallel_loop3A_455 = arith.select %parallel_loop3A_446, %parallel_loop3A_443, %parallel_loop3A_454 : vector<16xi1>, vector<16xf32>
          %parallel_loop3A_456 = arith.constant 9 : i32
          %parallel_loop3A_457 = arith.addi %parallel_loop3A_237, %parallel_loop3A_456 : i32
          %parallel_loop3A_458 = arith.index_cast %parallel_loop3A_457 : i32 to index
          %parallel_loop3A_459 = arith.constant 0 : index
          %parallel_loop3A_460 = tpu.vector_load %arg12[%parallel_loop3A_458, %parallel_loop3A_459] {strides = array<i32>} : memref<80x16xf32, #tpu.memory_space<vmem>>, vector<1x16xf32>,
          %parallel_loop3A_461 = vector.shape_cast %parallel_loop3A_460 : vector<1x16xf32> to vector<16xf32>
          %parallel_loop3A_462 = vector.shape_cast %parallel_loop3A_455 : vector<16xf32> to vector<1x16xf32>
          tpu.vector_store %arg12[%parallel_loop3A_458, %parallel_loop3A_459], %parallel_loop3A_462 {strides = array<i32>} : memref<80x16xf32, #tpu.memory_space<vmem>>, vector<1x16xf32>,
          %parallel_loop3A_463 = vector.extract_strided_slice %parallel_loop3A_241 {offsets = [10], sizes = [1], strides = [1]} : vector<16xf32> to vector<1xf32>
          %parallel_loop3A_464 = vector.extract %parallel_loop3A_463[0] : f32 from vector<1xf32>
          %parallel_loop3A_465 = vector.broadcast %parallel_loop3A_464 : f32 to vector<16xf32>
          %parallel_loop3A_466 = arith.constant 0 : i32
          %parallel_loop3A_467 = vector.broadcast %parallel_loop3A_466 : i32 to vector<16xi32>
          %parallel_loop3A_468 = arith.cmpi eq, %parallel_loop3A_242, %parallel_loop3A_467 : vector<16xi32>
          %parallel_loop3A_469 = arith.constant 1 : i32
          %parallel_loop3A_470 = vector.broadcast %parallel_loop3A_469 : i32 to vector<16xi32>
          %parallel_loop3A_471 = arith.cmpi eq, %parallel_loop3A_242, %parallel_loop3A_470 : vector<16xi32>
          %parallel_loop3A_472 = arith.constant 1.000000e+00 : f32
          %parallel_loop3A_473 = arith.constant 0.000000e+00 : f32
          %parallel_loop3A_474 = vector.broadcast %parallel_loop3A_472 : f32 to vector<16xf32>
          %parallel_loop3A_475 = vector.broadcast %parallel_loop3A_473 : f32 to vector<16xf32>
          %parallel_loop3A_476 = arith.select %parallel_loop3A_471, %parallel_loop3A_474, %parallel_loop3A_475 : vector<16xi1>, vector<16xf32>
          %parallel_loop3A_477 = arith.select %parallel_loop3A_468, %parallel_loop3A_465, %parallel_loop3A_476 : vector<16xi1>, vector<16xf32>
          %parallel_loop3A_478 = arith.constant 10 : i32
          %parallel_loop3A_479 = arith.addi %parallel_loop3A_237, %parallel_loop3A_478 : i32
          %parallel_loop3A_480 = arith.index_cast %parallel_loop3A_479 : i32 to index
          %parallel_loop3A_481 = arith.constant 0 : index
          %parallel_loop3A_482 = tpu.vector_load %arg12[%parallel_loop3A_480, %parallel_loop3A_481] {strides = array<i32>} : memref<80x16xf32, #tpu.memory_space<vmem>>, vector<1x16xf32>,
          %parallel_loop3A_483 = vector.shape_cast %parallel_loop3A_482 : vector<1x16xf32> to vector<16xf32>
          %parallel_loop3A_484 = vector.shape_cast %parallel_loop3A_477 : vector<16xf32> to vector<1x16xf32>
          tpu.vector_store %arg12[%parallel_loop3A_480, %parallel_loop3A_481], %parallel_loop3A_484 {strides = array<i32>} : memref<80x16xf32, #tpu.memory_space<vmem>>, vector<1x16xf32>,
          %parallel_loop3A_485 = vector.extract_strided_slice %parallel_loop3A_241 {offsets = [11], sizes = [1], strides = [1]} : vector<16xf32> to vector<1xf32>
          %parallel_loop3A_486 = vector.extract %parallel_loop3A_485[0] : f32 from vector<1xf32>
          %parallel_loop3A_487 = vector.broadcast %parallel_loop3A_486 : f32 to vector<16xf32>
          %parallel_loop3A_488 = arith.constant 0 : i32
          %parallel_loop3A_489 = vector.broadcast %parallel_loop3A_488 : i32 to vector<16xi32>
          %parallel_loop3A_490 = arith.cmpi eq, %parallel_loop3A_242, %parallel_loop3A_489 : vector<16xi32>
          %parallel_loop3A_491 = arith.constant 1 : i32
          %parallel_loop3A_492 = vector.broadcast %parallel_loop3A_491 : i32 to vector<16xi32>
          %parallel_loop3A_493 = arith.cmpi eq, %parallel_loop3A_242, %parallel_loop3A_492 : vector<16xi32>
          %parallel_loop3A_494 = arith.constant 1.000000e+00 : f32
          %parallel_loop3A_495 = arith.constant 0.000000e+00 : f32
          %parallel_loop3A_496 = vector.broadcast %parallel_loop3A_494 : f32 to vector<16xf32>
          %parallel_loop3A_497 = vector.broadcast %parallel_loop3A_495 : f32 to vector<16xf32>
          %parallel_loop3A_498 = arith.select %parallel_loop3A_493, %parallel_loop3A_496, %parallel_loop3A_497 : vector<16xi1>, vector<16xf32>
          %parallel_loop3A_499 = arith.select %parallel_loop3A_490, %parallel_loop3A_487, %parallel_loop3A_498 : vector<16xi1>, vector<16xf32>
          %parallel_loop3A_500 = arith.constant 11 : i32
          %parallel_loop3A_501 = arith.addi %parallel_loop3A_237, %parallel_loop3A_500 : i32
          %parallel_loop3A_502 = arith.index_cast %parallel_loop3A_501 : i32 to index
          %parallel_loop3A_503 = arith.constant 0 : index
          %parallel_loop3A_504 = tpu.vector_load %arg12[%parallel_loop3A_502, %parallel_loop3A_503] {strides = array<i32>} : memref<80x16xf32, #tpu.memory_space<vmem>>, vector<1x16xf32>,
          %parallel_loop3A_505 = vector.shape_cast %parallel_loop3A_504 : vector<1x16xf32> to vector<16xf32>
          %parallel_loop3A_506 = vector.shape_cast %parallel_loop3A_499 : vector<16xf32> to vector<1x16xf32>
          tpu.vector_store %arg12[%parallel_loop3A_502, %parallel_loop3A_503], %parallel_loop3A_506 {strides = array<i32>} : memref<80x16xf32, #tpu.memory_space<vmem>>, vector<1x16xf32>,
          %parallel_loop3A_507 = vector.extract_strided_slice %parallel_loop3A_241 {offsets = [12], sizes = [1], strides = [1]} : vector<16xf32> to vector<1xf32>
          %parallel_loop3A_508 = vector.extract %parallel_loop3A_507[0] : f32 from vector<1xf32>
          %parallel_loop3A_509 = vector.broadcast %parallel_loop3A_508 : f32 to vector<16xf32>
          %parallel_loop3A_510 = arith.constant 0 : i32
          %parallel_loop3A_511 = vector.broadcast %parallel_loop3A_510 : i32 to vector<16xi32>
          %parallel_loop3A_512 = arith.cmpi eq, %parallel_loop3A_242, %parallel_loop3A_511 : vector<16xi32>
          %parallel_loop3A_513 = arith.constant 1 : i32
          %parallel_loop3A_514 = vector.broadcast %parallel_loop3A_513 : i32 to vector<16xi32>
          %parallel_loop3A_515 = arith.cmpi eq, %parallel_loop3A_242, %parallel_loop3A_514 : vector<16xi32>
          %parallel_loop3A_516 = arith.constant 1.000000e+00 : f32
          %parallel_loop3A_517 = arith.constant 0.000000e+00 : f32
          %parallel_loop3A_518 = vector.broadcast %parallel_loop3A_516 : f32 to vector<16xf32>
          %parallel_loop3A_519 = vector.broadcast %parallel_loop3A_517 : f32 to vector<16xf32>
          %parallel_loop3A_520 = arith.select %parallel_loop3A_515, %parallel_loop3A_518, %parallel_loop3A_519 : vector<16xi1>, vector<16xf32>
          %parallel_loop3A_521 = arith.select %parallel_loop3A_512, %parallel_loop3A_509, %parallel_loop3A_520 : vector<16xi1>, vector<16xf32>
          %parallel_loop3A_522 = arith.constant 12 : i32
          %parallel_loop3A_523 = arith.addi %parallel_loop3A_237, %parallel_loop3A_522 : i32
          %parallel_loop3A_524 = arith.index_cast %parallel_loop3A_523 : i32 to index
          %parallel_loop3A_525 = arith.constant 0 : index
          %parallel_loop3A_526 = tpu.vector_load %arg12[%parallel_loop3A_524, %parallel_loop3A_525] {strides = array<i32>} : memref<80x16xf32, #tpu.memory_space<vmem>>, vector<1x16xf32>,
          %parallel_loop3A_527 = vector.shape_cast %parallel_loop3A_526 : vector<1x16xf32> to vector<16xf32>
          %parallel_loop3A_528 = vector.shape_cast %parallel_loop3A_521 : vector<16xf32> to vector<1x16xf32>
          tpu.vector_store %arg12[%parallel_loop3A_524, %parallel_loop3A_525], %parallel_loop3A_528 {strides = array<i32>} : memref<80x16xf32, #tpu.memory_space<vmem>>, vector<1x16xf32>,
          %parallel_loop3A_529 = vector.extract_strided_slice %parallel_loop3A_241 {offsets = [13], sizes = [1], strides = [1]} : vector<16xf32> to vector<1xf32>
          %parallel_loop3A_530 = vector.extract %parallel_loop3A_529[0] : f32 from vector<1xf32>
          %parallel_loop3A_531 = vector.broadcast %parallel_loop3A_530 : f32 to vector<16xf32>
          %parallel_loop3A_532 = arith.constant 0 : i32
          %parallel_loop3A_533 = vector.broadcast %parallel_loop3A_532 : i32 to vector<16xi32>
          %parallel_loop3A_534 = arith.cmpi eq, %parallel_loop3A_242, %parallel_loop3A_533 : vector<16xi32>
          %parallel_loop3A_535 = arith.constant 1 : i32
          %parallel_loop3A_536 = vector.broadcast %parallel_loop3A_535 : i32 to vector<16xi32>
          %parallel_loop3A_537 = arith.cmpi eq, %parallel_loop3A_242, %parallel_loop3A_536 : vector<16xi32>
          %parallel_loop3A_538 = arith.constant 1.000000e+00 : f32
          %parallel_loop3A_539 = arith.constant 0.000000e+00 : f32
          %parallel_loop3A_540 = vector.broadcast %parallel_loop3A_538 : f32 to vector<16xf32>
          %parallel_loop3A_541 = vector.broadcast %parallel_loop3A_539 : f32 to vector<16xf32>
          %parallel_loop3A_542 = arith.select %parallel_loop3A_537, %parallel_loop3A_540, %parallel_loop3A_541 : vector<16xi1>, vector<16xf32>
          %parallel_loop3A_543 = arith.select %parallel_loop3A_534, %parallel_loop3A_531, %parallel_loop3A_542 : vector<16xi1>, vector<16xf32>
          %parallel_loop3A_544 = arith.constant 13 : i32
          %parallel_loop3A_545 = arith.addi %parallel_loop3A_237, %parallel_loop3A_544 : i32
          %parallel_loop3A_546 = arith.index_cast %parallel_loop3A_545 : i32 to index
          %parallel_loop3A_547 = arith.constant 0 : index
          %parallel_loop3A_548 = tpu.vector_load %arg12[%parallel_loop3A_546, %parallel_loop3A_547] {strides = array<i32>} : memref<80x16xf32, #tpu.memory_space<vmem>>, vector<1x16xf32>,
          %parallel_loop3A_549 = vector.shape_cast %parallel_loop3A_548 : vector<1x16xf32> to vector<16xf32>
          %parallel_loop3A_550 = vector.shape_cast %parallel_loop3A_543 : vector<16xf32> to vector<1x16xf32>
          tpu.vector_store %arg12[%parallel_loop3A_546, %parallel_loop3A_547], %parallel_loop3A_550 {strides = array<i32>} : memref<80x16xf32, #tpu.memory_space<vmem>>, vector<1x16xf32>,
          %parallel_loop3A_551 = vector.extract_strided_slice %parallel_loop3A_241 {offsets = [14], sizes = [1], strides = [1]} : vector<16xf32> to vector<1xf32>
          %parallel_loop3A_552 = vector.extract %parallel_loop3A_551[0] : f32 from vector<1xf32>
          %parallel_loop3A_553 = vector.broadcast %parallel_loop3A_552 : f32 to vector<16xf32>
          %parallel_loop3A_554 = arith.constant 0 : i32
          %parallel_loop3A_555 = vector.broadcast %parallel_loop3A_554 : i32 to vector<16xi32>
          %parallel_loop3A_556 = arith.cmpi eq, %parallel_loop3A_242, %parallel_loop3A_555 : vector<16xi32>
          %parallel_loop3A_557 = arith.constant 1 : i32
          %parallel_loop3A_558 = vector.broadcast %parallel_loop3A_557 : i32 to vector<16xi32>
          %parallel_loop3A_559 = arith.cmpi eq, %parallel_loop3A_242, %parallel_loop3A_558 : vector<16xi32>
          %parallel_loop3A_560 = arith.constant 1.000000e+00 : f32
          %parallel_loop3A_561 = arith.constant 0.000000e+00 : f32
          %parallel_loop3A_562 = vector.broadcast %parallel_loop3A_560 : f32 to vector<16xf32>
          %parallel_loop3A_563 = vector.broadcast %parallel_loop3A_561 : f32 to vector<16xf32>
          %parallel_loop3A_564 = arith.select %parallel_loop3A_559, %parallel_loop3A_562, %parallel_loop3A_563 : vector<16xi1>, vector<16xf32>
          %parallel_loop3A_565 = arith.select %parallel_loop3A_556, %parallel_loop3A_553, %parallel_loop3A_564 : vector<16xi1>, vector<16xf32>
          %parallel_loop3A_566 = arith.constant 14 : i32
          %parallel_loop3A_567 = arith.addi %parallel_loop3A_237, %parallel_loop3A_566 : i32
          %parallel_loop3A_568 = arith.index_cast %parallel_loop3A_567 : i32 to index
          %parallel_loop3A_569 = arith.constant 0 : index
          %parallel_loop3A_570 = tpu.vector_load %arg12[%parallel_loop3A_568, %parallel_loop3A_569] {strides = array<i32>} : memref<80x16xf32, #tpu.memory_space<vmem>>, vector<1x16xf32>,
          %parallel_loop3A_571 = vector.shape_cast %parallel_loop3A_570 : vector<1x16xf32> to vector<16xf32>
          %parallel_loop3A_572 = vector.shape_cast %parallel_loop3A_565 : vector<16xf32> to vector<1x16xf32>
          tpu.vector_store %arg12[%parallel_loop3A_568, %parallel_loop3A_569], %parallel_loop3A_572 {strides = array<i32>} : memref<80x16xf32, #tpu.memory_space<vmem>>, vector<1x16xf32>,
          %parallel_loop3A_573 = vector.extract_strided_slice %parallel_loop3A_241 {offsets = [15], sizes = [1], strides = [1]} : vector<16xf32> to vector<1xf32>
          %parallel_loop3A_574 = vector.extract %parallel_loop3A_573[0] : f32 from vector<1xf32>
          %parallel_loop3A_575 = vector.broadcast %parallel_loop3A_574 : f32 to vector<16xf32>
          %parallel_loop3A_576 = arith.constant 0 : i32
          %parallel_loop3A_577 = vector.broadcast %parallel_loop3A_576 : i32 to vector<16xi32>
          %parallel_loop3A_578 = arith.cmpi eq, %parallel_loop3A_242, %parallel_loop3A_577 : vector<16xi32>
          %parallel_loop3A_579 = arith.constant 1 : i32
          %parallel_loop3A_580 = vector.broadcast %parallel_loop3A_579 : i32 to vector<16xi32>
          %parallel_loop3A_581 = arith.cmpi eq, %parallel_loop3A_242, %parallel_loop3A_580 : vector<16xi32>
          %parallel_loop3A_582 = arith.constant 1.000000e+00 : f32
          %parallel_loop3A_583 = arith.constant 0.000000e+00 : f32
          %parallel_loop3A_584 = vector.broadcast %parallel_loop3A_582 : f32 to vector<16xf32>
          %parallel_loop3A_585 = vector.broadcast %parallel_loop3A_583 : f32 to vector<16xf32>
          %parallel_loop3A_586 = arith.select %parallel_loop3A_581, %parallel_loop3A_584, %parallel_loop3A_585 : vector<16xi1>, vector<16xf32>
          %parallel_loop3A_587 = arith.select %parallel_loop3A_578, %parallel_loop3A_575, %parallel_loop3A_586 : vector<16xi1>, vector<16xf32>
          %parallel_loop3A_588 = arith.constant 15 : i32
          %parallel_loop3A_589 = arith.addi %parallel_loop3A_237, %parallel_loop3A_588 : i32
          %parallel_loop3A_590 = arith.index_cast %parallel_loop3A_589 : i32 to index
          %parallel_loop3A_591 = arith.constant 0 : index
          %parallel_loop3A_592 = tpu.vector_load %arg12[%parallel_loop3A_590, %parallel_loop3A_591] {strides = array<i32>} : memref<80x16xf32, #tpu.memory_space<vmem>>, vector<1x16xf32>,
          %parallel_loop3A_593 = vector.shape_cast %parallel_loop3A_592 : vector<1x16xf32> to vector<16xf32>
          %parallel_loop3A_594 = vector.shape_cast %parallel_loop3A_587 : vector<16xf32> to vector<1x16xf32>
          tpu.vector_store %arg12[%parallel_loop3A_590, %parallel_loop3A_591], %parallel_loop3A_594 {strides = array<i32>} : memref<80x16xf32, #tpu.memory_space<vmem>>, vector<1x16xf32>,
        } {sc.loop_unroll_factor = 1 : i64, sc.parallel_access}
        %dma_start3A_228 = arith.constant 0 : i32
        %dma_start3A_229 = tpu.memref_slice %arg8[%add3A_109, %dma_start3A_228] : memref<250x80xi32, #tpu.memory_space<vmem>> -> memref<1x80xi32, #tpu.memory_space<vmem>>
        %dma_start3A_230 = tpu.memref_squeeze %dma_start3A_229 : memref<1x80xi32, #tpu.memory_space<vmem>> -> memref<80xi32, #tpu.memory_space<vmem>>
        %dma_start3A_231 = arith.constant 0 : i32
        %dma_start3A_232 = arith.constant 0 : i32
        %dma_start3A_233 = tpu.memref_slice %arg16[%dma_start3A_231, %dma_start3A_232] : memref<10000x16xf32, #tpu.memory_space<vmem_shared>> -> memref<10000x16xf32, #tpu.memory_space<vmem_shared>>
        tpu.enqueue_indirect_dma source(%arg12 : memref<80x16xf32, #tpu.memory_space<vmem>>) target(%dma_start3A_233 : memref<10000x16xf32, #tpu.memory_space<vmem_shared>>) offsets(%dma_start3A_230 : memref<80xi32, #tpu.memory_space<vmem>>) semaphore(%arg21 : memref<!tpu.dma_semaphore, #tpu.memory_space<semaphore_mem>>) {add = true}
      } else {
      }
      %mul3A_159 = arith.constant 2 : i32
      %mul3A_160 = arith.muli %mul3A_159, %scan3A_105 : i32
      %add3A_161 = arith.constant 1 : i32
      %add3A_162 = arith.addi %mul3A_160, %add3A_161 : i32
      %ge3A_163 = arith.constant 1 : i32
      %ge3A_164 = arith.cmpi sge, %add3A_162, %ge3A_163 : i32
      %convert_element_type3A_165 = arith.extui %ge3A_164 : i1 to i32
      %cond3A_166 = arith.constant 0 : i32
      %cond3A_167 = arith.cmpi ne, %convert_element_type3A_165, %cond3A_166 : i32
      scf.if %cond3A_167 {
        %sub3A = arith.constant 1 : i32
        %sub3A_220 = arith.subi %add3A_162, %sub3A : i32
        %dma_wait3A_221 = arith.constant 0 : i32
        %dma_wait3A_222 = arith.constant 0 : i32
        %dma_wait3A_223 = arith.constant 0 : i32
        %dma_wait3A_224 = tpu.memref_slice %arg11[%dma_wait3A_221, %dma_wait3A_222, %dma_wait3A_223] : memref<2x80x64xf32, #tpu.memory_space<vmem>> -> memref<1x80x64xf32, #tpu.memory_space<vmem>>
        %dma_wait3A_225 = tpu.memref_squeeze %dma_wait3A_224 : memref<1x80x64xf32, #tpu.memory_space<vmem>> -> memref<80x64xf32, #tpu.memory_space<vmem>>
        %dma_wait3A_226 = arith.constant 0 : i32
        %dma_wait3A_227 = tpu.memref_slice %arg8[%sub3A_220, %dma_wait3A_226] : memref<250x80xi32, #tpu.memory_space<vmem>> -> memref<1x80xi32, #tpu.memory_space<vmem>>
        %dma_wait3A_228 = tpu.memref_squeeze %dma_wait3A_227 : memref<1x80xi32, #tpu.memory_space<vmem>> -> memref<80xi32, #tpu.memory_space<vmem>>
        %dma_wait3A_229 = arith.constant 0 : i32
        %dma_wait3A_230 = arith.constant 0 : i32
        %dma_wait3A_231 = tpu.memref_slice %arg15[%dma_wait3A_229, %dma_wait3A_230] : memref<10000x64xf32, #tpu.memory_space<vmem_shared>> -> memref<10000x64xf32, #tpu.memory_space<vmem_shared>>
        tpu.wait_indirect_dma semaphore(%arg19 : memref<!tpu.dma_semaphore, #tpu.memory_space<semaphore_mem>>) src(%dma_wait3A_225 : memref<80x64xf32, #tpu.memory_space<vmem>>) dst(%dma_wait3A_231 : memref<10000x64xf32, #tpu.memory_space<vmem_shared>>)
      } else {
      }
      %add3A_168 = arith.constant 1 : i32
      %add3A_169 = arith.addi %add3A_162, %add3A_168 : i32
      %lt3A_170 = arith.constant 250 : i32
      %lt3A_171 = arith.cmpi slt, %add3A_169, %lt3A_170 : i32
      %convert_element_type3A_172 = arith.extui %lt3A_171 : i1 to i32
      %cond3A_173 = arith.constant 0 : i32
      %cond3A_174 = arith.cmpi ne, %convert_element_type3A_172, %cond3A_173 : i32
      scf.if %cond3A_174 {
        %add3A_220 = arith.constant 1 : i32
        %add3A_221 = arith.addi %add3A_162, %add3A_220 : i32
        %dma_start3A_222 = arith.constant 0 : i32
        %dma_start3A_223 = arith.constant 0 : i32
        %dma_start3A_224 = arith.constant 0 : i32
        %dma_start3A_225 = tpu.memref_slice %arg11[%dma_start3A_222, %dma_start3A_223, %dma_start3A_224] : memref<2x80x64xf32, #tpu.memory_space<vmem>> -> memref<1x80x64xf32, #tpu.memory_space<vmem>>
        %dma_start3A_226 = tpu.memref_squeeze %dma_start3A_225 : memref<1x80x64xf32, #tpu.memory_space<vmem>> -> memref<80x64xf32, #tpu.memory_space<vmem>>
        %dma_start3A_227 = arith.constant 0 : i32
        %dma_start3A_228 = tpu.memref_slice %arg9[%add3A_221, %dma_start3A_227] : memref<250x80xi32, #tpu.memory_space<vmem>> -> memref<1x80xi32, #tpu.memory_space<vmem>>
        %dma_start3A_229 = tpu.memref_squeeze %dma_start3A_228 : memref<1x80xi32, #tpu.memory_space<vmem>> -> memref<80xi32, #tpu.memory_space<vmem>>
        %dma_start3A_230 = arith.constant 0 : i32
        %dma_start3A_231 = arith.constant 0 : i32
        %dma_start3A_232 = tpu.memref_slice %arg2[%dma_start3A_230, %dma_start3A_231] : memref<20000x64xf32, #tpu.memory_space<hbm>> -> memref<20000x64xf32, #tpu.memory_space<hbm>>
        tpu.enqueue_indirect_dma source(%dma_start3A_232 : memref<20000x64xf32, #tpu.memory_space<hbm>>) target(%dma_start3A_226 : memref<80x64xf32, #tpu.memory_space<vmem>>) offsets(%dma_start3A_229 : memref<80xi32, #tpu.memory_space<vmem>>) semaphore(%arg17 : memref<!tpu.dma_semaphore, #tpu.memory_space<semaphore_mem>>)
      } else {
      }
      %dma_wait3A_175 = arith.constant 1 : i32
      %dma_wait3A_176 = arith.constant 0 : i32
      %dma_wait3A_177 = arith.constant 0 : i32
      %dma_wait3A_178 = tpu.memref_slice %arg11[%dma_wait3A_175, %dma_wait3A_176, %dma_wait3A_177] : memref<2x80x64xf32, #tpu.memory_space<vmem>> -> memref<1x80x64xf32, #tpu.memory_space<vmem>>
      %dma_wait3A_179 = tpu.memref_squeeze %dma_wait3A_178 : memref<1x80x64xf32, #tpu.memory_space<vmem>> -> memref<80x64xf32, #tpu.memory_space<vmem>>
      %dma_wait3A_180 = arith.constant 0 : i32
      %dma_wait3A_181 = tpu.memref_slice %arg9[%add3A_162, %dma_wait3A_180] : memref<250x80xi32, #tpu.memory_space<vmem>> -> memref<1x80xi32, #tpu.memory_space<vmem>>
      %dma_wait3A_182 = tpu.memref_squeeze %dma_wait3A_181 : memref<1x80xi32, #tpu.memory_space<vmem>> -> memref<80xi32, #tpu.memory_space<vmem>>
      %dma_wait3A_183 = arith.constant 0 : i32
      %dma_wait3A_184 = arith.constant 0 : i32
      %dma_wait3A_185 = tpu.memref_slice %arg2[%dma_wait3A_183, %dma_wait3A_184] : memref<20000x64xf32, #tpu.memory_space<hbm>> -> memref<20000x64xf32, #tpu.memory_space<hbm>>
      tpu.wait_indirect_dma semaphore(%arg18 : memref<!tpu.dma_semaphore, #tpu.memory_space<semaphore_mem>>) src(%dma_wait3A_185 : memref<20000x64xf32, #tpu.memory_space<hbm>>) dst(%dma_wait3A_179 : memref<80x64xf32, #tpu.memory_space<vmem>>)
      %parallel_loop3A_186 = arith.constant 0 : i32
      %parallel_loop3A_187 = arith.constant 5 : i32
      %parallel_loop3A_188 = arith.constant 1 : i32
      scf.for %parallel_loop3A_220 = %parallel_loop3A_186 to %parallel_loop3A_187 step %parallel_loop3A_188  : i32 {
        %parallel_loop3A_221 = arith.constant 16 : i32
        %parallel_loop3A_222 = arith.muli %parallel_loop3A_220, %parallel_loop3A_221 : i32
        %parallel_loop3A_223 = tpu.assume_multiple %parallel_loop3A_222, 16 : i32
        %parallel_loop3A_224 = arith.index_cast %add3A_162 : i32 to index
        %parallel_loop3A_225 = arith.index_cast %parallel_loop3A_223 : i32 to index
        %parallel_loop3A_226 = tpu.vector_load %arg10[%parallel_loop3A_224, %parallel_loop3A_225] {strides = array<i32>} : memref<250x80xf32, #tpu.memory_space<vmem>>, vector<1x16xf32>,
        %parallel_loop3A_227 = vector.shape_cast %parallel_loop3A_226 : vector<1x16xf32> to vector<16xf32>
        %parallel_loop3A_228 = arith.constant 0 : i32
        %parallel_loop3A_229 = arith.addi %parallel_loop3A_223, %parallel_loop3A_228 : i32
        %parallel_loop3A_230 = vector.extract_strided_slice %parallel_loop3A_227 {offsets = [0], sizes = [1], strides = [1]} : vector<16xf32> to vector<1xf32>
        %parallel_loop3A_231 = vector.extract %parallel_loop3A_230[0] : f32 from vector<1xf32>
        %parallel_loop3A_232 = vector.broadcast %parallel_loop3A_231 : f32 to vector<16xf32>
        %parallel_loop3A_233 = arith.constant 1 : i32
        %parallel_loop3A_234 = arith.index_cast %parallel_loop3A_233 : i32 to index
        %parallel_loop3A_235 = arith.index_cast %parallel_loop3A_229 : i32 to index
        %parallel_loop3A_236 = arith.constant 0 : index
        %parallel_loop3A_237 = tpu.vector_load %arg11[%parallel_loop3A_234, %parallel_loop3A_235, %parallel_loop3A_236] {strides = array<i32>} : memref<2x80x64xf32, #tpu.memory_space<vmem>>, vector<1x1x16xf32>,
        %parallel_loop3A_238 = vector.shape_cast %parallel_loop3A_237 : vector<1x1x16xf32> to vector<16xf32>
        %parallel_loop3A_239 = arith.mulf %parallel_loop3A_238, %parallel_loop3A_232 : vector<16xf32>
        %parallel_loop3A_240 = arith.constant 1 : i32
        %parallel_loop3A_241 = arith.index_cast %parallel_loop3A_240 : i32 to index
        %parallel_loop3A_242 = arith.index_cast %parallel_loop3A_229 : i32 to index
        %parallel_loop3A_243 = arith.constant 0 : index
        %parallel_loop3A_244 = tpu.vector_load %arg11[%parallel_loop3A_241, %parallel_loop3A_242, %parallel_loop3A_243] {strides = array<i32>} : memref<2x80x64xf32, #tpu.memory_space<vmem>>, vector<1x1x16xf32>,
        %parallel_loop3A_245 = vector.shape_cast %parallel_loop3A_244 : vector<1x1x16xf32> to vector<16xf32>
        %parallel_loop3A_246 = vector.shape_cast %parallel_loop3A_239 : vector<16xf32> to vector<1x1x16xf32>
        tpu.vector_store %arg11[%parallel_loop3A_241, %parallel_loop3A_242, %parallel_loop3A_243], %parallel_loop3A_246 {strides = array<i32>} : memref<2x80x64xf32, #tpu.memory_space<vmem>>, vector<1x1x16xf32>,
        %parallel_loop3A_247 = arith.constant 1 : i32
        %parallel_loop3A_248 = arith.index_cast %parallel_loop3A_247 : i32 to index
        %parallel_loop3A_249 = arith.index_cast %parallel_loop3A_229 : i32 to index
        %parallel_loop3A_250 = arith.constant 16 : index
        %parallel_loop3A_251 = tpu.vector_load %arg11[%parallel_loop3A_248, %parallel_loop3A_249, %parallel_loop3A_250] {strides = array<i32>} : memref<2x80x64xf32, #tpu.memory_space<vmem>>, vector<1x1x16xf32>,
        %parallel_loop3A_252 = vector.shape_cast %parallel_loop3A_251 : vector<1x1x16xf32> to vector<16xf32>
        %parallel_loop3A_253 = arith.mulf %parallel_loop3A_252, %parallel_loop3A_232 : vector<16xf32>
        %parallel_loop3A_254 = arith.constant 1 : i32
        %parallel_loop3A_255 = arith.index_cast %parallel_loop3A_254 : i32 to index
        %parallel_loop3A_256 = arith.index_cast %parallel_loop3A_229 : i32 to index
        %parallel_loop3A_257 = arith.constant 16 : index
        %parallel_loop3A_258 = tpu.vector_load %arg11[%parallel_loop3A_255, %parallel_loop3A_256, %parallel_loop3A_257] {strides = array<i32>} : memref<2x80x64xf32, #tpu.memory_space<vmem>>, vector<1x1x16xf32>,
        %parallel_loop3A_259 = vector.shape_cast %parallel_loop3A_258 : vector<1x1x16xf32> to vector<16xf32>
        %parallel_loop3A_260 = vector.shape_cast %parallel_loop3A_253 : vector<16xf32> to vector<1x1x16xf32>
        tpu.vector_store %arg11[%parallel_loop3A_255, %parallel_loop3A_256, %parallel_loop3A_257], %parallel_loop3A_260 {strides = array<i32>} : memref<2x80x64xf32, #tpu.memory_space<vmem>>, vector<1x1x16xf32>,
        %parallel_loop3A_261 = arith.constant 1 : i32
        %parallel_loop3A_262 = arith.index_cast %parallel_loop3A_261 : i32 to index
        %parallel_loop3A_263 = arith.index_cast %parallel_loop3A_229 : i32 to index
        %parallel_loop3A_264 = arith.constant 32 : index
        %parallel_loop3A_265 = tpu.vector_load %arg11[%parallel_loop3A_262, %parallel_loop3A_263, %parallel_loop3A_264] {strides = array<i32>} : memref<2x80x64xf32, #tpu.memory_space<vmem>>, vector<1x1x16xf32>,
        %parallel_loop3A_266 = vector.shape_cast %parallel_loop3A_265 : vector<1x1x16xf32> to vector<16xf32>
        %parallel_loop3A_267 = arith.mulf %parallel_loop3A_266, %parallel_loop3A_232 : vector<16xf32>
        %parallel_loop3A_268 = arith.constant 1 : i32
        %parallel_loop3A_269 = arith.index_cast %parallel_loop3A_268 : i32 to index
        %parallel_loop3A_270 = arith.index_cast %parallel_loop3A_229 : i32 to index
        %parallel_loop3A_271 = arith.constant 32 : index
        %parallel_loop3A_272 = tpu.vector_load %arg11[%parallel_loop3A_269, %parallel_loop3A_270, %parallel_loop3A_271] {strides = array<i32>} : memref<2x80x64xf32, #tpu.memory_space<vmem>>, vector<1x1x16xf32>,
        %parallel_loop3A_273 = vector.shape_cast %parallel_loop3A_272 : vector<1x1x16xf32> to vector<16xf32>
        %parallel_loop3A_274 = vector.shape_cast %parallel_loop3A_267 : vector<16xf32> to vector<1x1x16xf32>
        tpu.vector_store %arg11[%parallel_loop3A_269, %parallel_loop3A_270, %parallel_loop3A_271], %parallel_loop3A_274 {strides = array<i32>} : memref<2x80x64xf32, #tpu.memory_space<vmem>>, vector<1x1x16xf32>,
        %parallel_loop3A_275 = arith.constant 1 : i32
        %parallel_loop3A_276 = arith.index_cast %parallel_loop3A_275 : i32 to index
        %parallel_loop3A_277 = arith.index_cast %parallel_loop3A_229 : i32 to index
        %parallel_loop3A_278 = arith.constant 48 : index
        %parallel_loop3A_279 = tpu.vector_load %arg11[%parallel_loop3A_276, %parallel_loop3A_277, %parallel_loop3A_278] {strides = array<i32>} : memref<2x80x64xf32, #tpu.memory_space<vmem>>, vector<1x1x16xf32>,
        %parallel_loop3A_280 = vector.shape_cast %parallel_loop3A_279 : vector<1x1x16xf32> to vector<16xf32>
        %parallel_loop3A_281 = arith.mulf %parallel_loop3A_280, %parallel_loop3A_232 : vector<16xf32>
        %parallel_loop3A_282 = arith.constant 1 : i32
        %parallel_loop3A_283 = arith.index_cast %parallel_loop3A_282 : i32 to index
        %parallel_loop3A_284 = arith.index_cast %parallel_loop3A_229 : i32 to index
        %parallel_loop3A_285 = arith.constant 48 : index
        %parallel_loop3A_286 = tpu.vector_load %arg11[%parallel_loop3A_283, %parallel_loop3A_284, %parallel_loop3A_285] {strides = array<i32>} : memref<2x80x64xf32, #tpu.memory_space<vmem>>, vector<1x1x16xf32>,
        %parallel_loop3A_287 = vector.shape_cast %parallel_loop3A_286 : vector<1x1x16xf32> to vector<16xf32>
        %parallel_loop3A_288 = vector.shape_cast %parallel_loop3A_281 : vector<16xf32> to vector<1x1x16xf32>
        tpu.vector_store %arg11[%parallel_loop3A_283, %parallel_loop3A_284, %parallel_loop3A_285], %parallel_loop3A_288 {strides = array<i32>} : memref<2x80x64xf32, #tpu.memory_space<vmem>>, vector<1x1x16xf32>,
        %parallel_loop3A_289 = arith.constant 1 : i32
        %parallel_loop3A_290 = arith.addi %parallel_loop3A_223, %parallel_loop3A_289 : i32
        %parallel_loop3A_291 = vector.extract_strided_slice %parallel_loop3A_227 {offsets = [1], sizes = [1], strides = [1]} : vector<16xf32> to vector<1xf32>
        %parallel_loop3A_292 = vector.extract %parallel_loop3A_291[0] : f32 from vector<1xf32>
        %parallel_loop3A_293 = vector.broadcast %parallel_loop3A_292 : f32 to vector<16xf32>
        %parallel_loop3A_294 = arith.constant 1 : i32
        %parallel_loop3A_295 = arith.index_cast %parallel_loop3A_294 : i32 to index
        %parallel_loop3A_296 = arith.index_cast %parallel_loop3A_290 : i32 to index
        %parallel_loop3A_297 = arith.constant 0 : index
        %parallel_loop3A_298 = tpu.vector_load %arg11[%parallel_loop3A_295, %parallel_loop3A_296, %parallel_loop3A_297] {strides = array<i32>} : memref<2x80x64xf32, #tpu.memory_space<vmem>>, vector<1x1x16xf32>,
        %parallel_loop3A_299 = vector.shape_cast %parallel_loop3A_298 : vector<1x1x16xf32> to vector<16xf32>
        %parallel_loop3A_300 = arith.mulf %parallel_loop3A_299, %parallel_loop3A_293 : vector<16xf32>
        %parallel_loop3A_301 = arith.constant 1 : i32
        %parallel_loop3A_302 = arith.index_cast %parallel_loop3A_301 : i32 to index
        %parallel_loop3A_303 = arith.index_cast %parallel_loop3A_290 : i32 to index
        %parallel_loop3A_304 = arith.constant 0 : index
        %parallel_loop3A_305 = tpu.vector_load %arg11[%parallel_loop3A_302, %parallel_loop3A_303, %parallel_loop3A_304] {strides = array<i32>} : memref<2x80x64xf32, #tpu.memory_space<vmem>>, vector<1x1x16xf32>,
        %parallel_loop3A_306 = vector.shape_cast %parallel_loop3A_305 : vector<1x1x16xf32> to vector<16xf32>
        %parallel_loop3A_307 = vector.shape_cast %parallel_loop3A_300 : vector<16xf32> to vector<1x1x16xf32>
        tpu.vector_store %arg11[%parallel_loop3A_302, %parallel_loop3A_303, %parallel_loop3A_304], %parallel_loop3A_307 {strides = array<i32>} : memref<2x80x64xf32, #tpu.memory_space<vmem>>, vector<1x1x16xf32>,
        %parallel_loop3A_308 = arith.constant 1 : i32
        %parallel_loop3A_309 = arith.index_cast %parallel_loop3A_308 : i32 to index
        %parallel_loop3A_310 = arith.index_cast %parallel_loop3A_290 : i32 to index
        %parallel_loop3A_311 = arith.constant 16 : index
        %parallel_loop3A_312 = tpu.vector_load %arg11[%parallel_loop3A_309, %parallel_loop3A_310, %parallel_loop3A_311] {strides = array<i32>} : memref<2x80x64xf32, #tpu.memory_space<vmem>>, vector<1x1x16xf32>,
        %parallel_loop3A_313 = vector.shape_cast %parallel_loop3A_312 : vector<1x1x16xf32> to vector<16xf32>
        %parallel_loop3A_314 = arith.mulf %parallel_loop3A_313, %parallel_loop3A_293 : vector<16xf32>
        %parallel_loop3A_315 = arith.constant 1 : i32
        %parallel_loop3A_316 = arith.index_cast %parallel_loop3A_315 : i32 to index
        %parallel_loop3A_317 = arith.index_cast %parallel_loop3A_290 : i32 to index
        %parallel_loop3A_318 = arith.constant 16 : index
        %parallel_loop3A_319 = tpu.vector_load %arg11[%parallel_loop3A_316, %parallel_loop3A_317, %parallel_loop3A_318] {strides = array<i32>} : memref<2x80x64xf32, #tpu.memory_space<vmem>>, vector<1x1x16xf32>,
        %parallel_loop3A_320 = vector.shape_cast %parallel_loop3A_319 : vector<1x1x16xf32> to vector<16xf32>
        %parallel_loop3A_321 = vector.shape_cast %parallel_loop3A_314 : vector<16xf32> to vector<1x1x16xf32>
        tpu.vector_store %arg11[%parallel_loop3A_316, %parallel_loop3A_317, %parallel_loop3A_318], %parallel_loop3A_321 {strides = array<i32>} : memref<2x80x64xf32, #tpu.memory_space<vmem>>, vector<1x1x16xf32>,
        %parallel_loop3A_322 = arith.constant 1 : i32
        %parallel_loop3A_323 = arith.index_cast %parallel_loop3A_322 : i32 to index
        %parallel_loop3A_324 = arith.index_cast %parallel_loop3A_290 : i32 to index
        %parallel_loop3A_325 = arith.constant 32 : index
        %parallel_loop3A_326 = tpu.vector_load %arg11[%parallel_loop3A_323, %parallel_loop3A_324, %parallel_loop3A_325] {strides = array<i32>} : memref<2x80x64xf32, #tpu.memory_space<vmem>>, vector<1x1x16xf32>,
        %parallel_loop3A_327 = vector.shape_cast %parallel_loop3A_326 : vector<1x1x16xf32> to vector<16xf32>
        %parallel_loop3A_328 = arith.mulf %parallel_loop3A_327, %parallel_loop3A_293 : vector<16xf32>
        %parallel_loop3A_329 = arith.constant 1 : i32
        %parallel_loop3A_330 = arith.index_cast %parallel_loop3A_329 : i32 to index
        %parallel_loop3A_331 = arith.index_cast %parallel_loop3A_290 : i32 to index
        %parallel_loop3A_332 = arith.constant 32 : index
        %parallel_loop3A_333 = tpu.vector_load %arg11[%parallel_loop3A_330, %parallel_loop3A_331, %parallel_loop3A_332] {strides = array<i32>} : memref<2x80x64xf32, #tpu.memory_space<vmem>>, vector<1x1x16xf32>,
        %parallel_loop3A_334 = vector.shape_cast %parallel_loop3A_333 : vector<1x1x16xf32> to vector<16xf32>
        %parallel_loop3A_335 = vector.shape_cast %parallel_loop3A_328 : vector<16xf32> to vector<1x1x16xf32>
        tpu.vector_store %arg11[%parallel_loop3A_330, %parallel_loop3A_331, %parallel_loop3A_332], %parallel_loop3A_335 {strides = array<i32>} : memref<2x80x64xf32, #tpu.memory_space<vmem>>, vector<1x1x16xf32>,
        %parallel_loop3A_336 = arith.constant 1 : i32
        %parallel_loop3A_337 = arith.index_cast %parallel_loop3A_336 : i32 to index
        %parallel_loop3A_338 = arith.index_cast %parallel_loop3A_290 : i32 to index
        %parallel_loop3A_339 = arith.constant 48 : index
        %parallel_loop3A_340 = tpu.vector_load %arg11[%parallel_loop3A_337, %parallel_loop3A_338, %parallel_loop3A_339] {strides = array<i32>} : memref<2x80x64xf32, #tpu.memory_space<vmem>>, vector<1x1x16xf32>,
        %parallel_loop3A_341 = vector.shape_cast %parallel_loop3A_340 : vector<1x1x16xf32> to vector<16xf32>
        %parallel_loop3A_342 = arith.mulf %parallel_loop3A_341, %parallel_loop3A_293 : vector<16xf32>
        %parallel_loop3A_343 = arith.constant 1 : i32
        %parallel_loop3A_344 = arith.index_cast %parallel_loop3A_343 : i32 to index
        %parallel_loop3A_345 = arith.index_cast %parallel_loop3A_290 : i32 to index
        %parallel_loop3A_346 = arith.constant 48 : index
        %parallel_loop3A_347 = tpu.vector_load %arg11[%parallel_loop3A_344, %parallel_loop3A_345, %parallel_loop3A_346] {strides = array<i32>} : memref<2x80x64xf32, #tpu.memory_space<vmem>>, vector<1x1x16xf32>,
        %parallel_loop3A_348 = vector.shape_cast %parallel_loop3A_347 : vector<1x1x16xf32> to vector<16xf32>
        %parallel_loop3A_349 = vector.shape_cast %parallel_loop3A_342 : vector<16xf32> to vector<1x1x16xf32>
        tpu.vector_store %arg11[%parallel_loop3A_344, %parallel_loop3A_345, %parallel_loop3A_346], %parallel_loop3A_349 {strides = array<i32>} : memref<2x80x64xf32, #tpu.memory_space<vmem>>, vector<1x1x16xf32>,
        %parallel_loop3A_350 = arith.constant 2 : i32
        %parallel_loop3A_351 = arith.addi %parallel_loop3A_223, %parallel_loop3A_350 : i32
        %parallel_loop3A_352 = vector.extract_strided_slice %parallel_loop3A_227 {offsets = [2], sizes = [1], strides = [1]} : vector<16xf32> to vector<1xf32>
        %parallel_loop3A_353 = vector.extract %parallel_loop3A_352[0] : f32 from vector<1xf32>
        %parallel_loop3A_354 = vector.broadcast %parallel_loop3A_353 : f32 to vector<16xf32>
        %parallel_loop3A_355 = arith.constant 1 : i32
        %parallel_loop3A_356 = arith.index_cast %parallel_loop3A_355 : i32 to index
        %parallel_loop3A_357 = arith.index_cast %parallel_loop3A_351 : i32 to index
        %parallel_loop3A_358 = arith.constant 0 : index
        %parallel_loop3A_359 = tpu.vector_load %arg11[%parallel_loop3A_356, %parallel_loop3A_357, %parallel_loop3A_358] {strides = array<i32>} : memref<2x80x64xf32, #tpu.memory_space<vmem>>, vector<1x1x16xf32>,
        %parallel_loop3A_360 = vector.shape_cast %parallel_loop3A_359 : vector<1x1x16xf32> to vector<16xf32>
        %parallel_loop3A_361 = arith.mulf %parallel_loop3A_360, %parallel_loop3A_354 : vector<16xf32>
        %parallel_loop3A_362 = arith.constant 1 : i32
        %parallel_loop3A_363 = arith.index_cast %parallel_loop3A_362 : i32 to index
        %parallel_loop3A_364 = arith.index_cast %parallel_loop3A_351 : i32 to index
        %parallel_loop3A_365 = arith.constant 0 : index
        %parallel_loop3A_366 = tpu.vector_load %arg11[%parallel_loop3A_363, %parallel_loop3A_364, %parallel_loop3A_365] {strides = array<i32>} : memref<2x80x64xf32, #tpu.memory_space<vmem>>, vector<1x1x16xf32>,
        %parallel_loop3A_367 = vector.shape_cast %parallel_loop3A_366 : vector<1x1x16xf32> to vector<16xf32>
        %parallel_loop3A_368 = vector.shape_cast %parallel_loop3A_361 : vector<16xf32> to vector<1x1x16xf32>
        tpu.vector_store %arg11[%parallel_loop3A_363, %parallel_loop3A_364, %parallel_loop3A_365], %parallel_loop3A_368 {strides = array<i32>} : memref<2x80x64xf32, #tpu.memory_space<vmem>>, vector<1x1x16xf32>,
        %parallel_loop3A_369 = arith.constant 1 : i32
        %parallel_loop3A_370 = arith.index_cast %parallel_loop3A_369 : i32 to index
        %parallel_loop3A_371 = arith.index_cast %parallel_loop3A_351 : i32 to index
        %parallel_loop3A_372 = arith.constant 16 : index
        %parallel_loop3A_373 = tpu.vector_load %arg11[%parallel_loop3A_370, %parallel_loop3A_371, %parallel_loop3A_372] {strides = array<i32>} : memref<2x80x64xf32, #tpu.memory_space<vmem>>, vector<1x1x16xf32>,
        %parallel_loop3A_374 = vector.shape_cast %parallel_loop3A_373 : vector<1x1x16xf32> to vector<16xf32>
        %parallel_loop3A_375 = arith.mulf %parallel_loop3A_374, %parallel_loop3A_354 : vector<16xf32>
        %parallel_loop3A_376 = arith.constant 1 : i32
        %parallel_loop3A_377 = arith.index_cast %parallel_loop3A_376 : i32 to index
        %parallel_loop3A_378 = arith.index_cast %parallel_loop3A_351 : i32 to index
        %parallel_loop3A_379 = arith.constant 16 : index
        %parallel_loop3A_380 = tpu.vector_load %arg11[%parallel_loop3A_377, %parallel_loop3A_378, %parallel_loop3A_379] {strides = array<i32>} : memref<2x80x64xf32, #tpu.memory_space<vmem>>, vector<1x1x16xf32>,
        %parallel_loop3A_381 = vector.shape_cast %parallel_loop3A_380 : vector<1x1x16xf32> to vector<16xf32>
        %parallel_loop3A_382 = vector.shape_cast %parallel_loop3A_375 : vector<16xf32> to vector<1x1x16xf32>
        tpu.vector_store %arg11[%parallel_loop3A_377, %parallel_loop3A_378, %parallel_loop3A_379], %parallel_loop3A_382 {strides = array<i32>} : memref<2x80x64xf32, #tpu.memory_space<vmem>>, vector<1x1x16xf32>,
        %parallel_loop3A_383 = arith.constant 1 : i32
        %parallel_loop3A_384 = arith.index_cast %parallel_loop3A_383 : i32 to index
        %parallel_loop3A_385 = arith.index_cast %parallel_loop3A_351 : i32 to index
        %parallel_loop3A_386 = arith.constant 32 : index
        %parallel_loop3A_387 = tpu.vector_load %arg11[%parallel_loop3A_384, %parallel_loop3A_385, %parallel_loop3A_386] {strides = array<i32>} : memref<2x80x64xf32, #tpu.memory_space<vmem>>, vector<1x1x16xf32>,
        %parallel_loop3A_388 = vector.shape_cast %parallel_loop3A_387 : vector<1x1x16xf32> to vector<16xf32>
        %parallel_loop3A_389 = arith.mulf %parallel_loop3A_388, %parallel_loop3A_354 : vector<16xf32>
        %parallel_loop3A_390 = arith.constant 1 : i32
        %parallel_loop3A_391 = arith.index_cast %parallel_loop3A_390 : i32 to index
        %parallel_loop3A_392 = arith.index_cast %parallel_loop3A_351 : i32 to index
        %parallel_loop3A_393 = arith.constant 32 : index
        %parallel_loop3A_394 = tpu.vector_load %arg11[%parallel_loop3A_391, %parallel_loop3A_392, %parallel_loop3A_393] {strides = array<i32>} : memref<2x80x64xf32, #tpu.memory_space<vmem>>, vector<1x1x16xf32>,
        %parallel_loop3A_395 = vector.shape_cast %parallel_loop3A_394 : vector<1x1x16xf32> to vector<16xf32>
        %parallel_loop3A_396 = vector.shape_cast %parallel_loop3A_389 : vector<16xf32> to vector<1x1x16xf32>
        tpu.vector_store %arg11[%parallel_loop3A_391, %parallel_loop3A_392, %parallel_loop3A_393], %parallel_loop3A_396 {strides = array<i32>} : memref<2x80x64xf32, #tpu.memory_space<vmem>>, vector<1x1x16xf32>,
        %parallel_loop3A_397 = arith.constant 1 : i32
        %parallel_loop3A_398 = arith.index_cast %parallel_loop3A_397 : i32 to index
        %parallel_loop3A_399 = arith.index_cast %parallel_loop3A_351 : i32 to index
        %parallel_loop3A_400 = arith.constant 48 : index
        %parallel_loop3A_401 = tpu.vector_load %arg11[%parallel_loop3A_398, %parallel_loop3A_399, %parallel_loop3A_400] {strides = array<i32>} : memref<2x80x64xf32, #tpu.memory_space<vmem>>, vector<1x1x16xf32>,
        %parallel_loop3A_402 = vector.shape_cast %parallel_loop3A_401 : vector<1x1x16xf32> to vector<16xf32>
        %parallel_loop3A_403 = arith.mulf %parallel_loop3A_402, %parallel_loop3A_354 : vector<16xf32>
        %parallel_loop3A_404 = arith.constant 1 : i32
        %parallel_loop3A_405 = arith.index_cast %parallel_loop3A_404 : i32 to index
        %parallel_loop3A_406 = arith.index_cast %parallel_loop3A_351 : i32 to index
        %parallel_loop3A_407 = arith.constant 48 : index
        %parallel_loop3A_408 = tpu.vector_load %arg11[%parallel_loop3A_405, %parallel_loop3A_406, %parallel_loop3A_407] {strides = array<i32>} : memref<2x80x64xf32, #tpu.memory_space<vmem>>, vector<1x1x16xf32>,
        %parallel_loop3A_409 = vector.shape_cast %parallel_loop3A_408 : vector<1x1x16xf32> to vector<16xf32>
        %parallel_loop3A_410 = vector.shape_cast %parallel_loop3A_403 : vector<16xf32> to vector<1x1x16xf32>
        tpu.vector_store %arg11[%parallel_loop3A_405, %parallel_loop3A_406, %parallel_loop3A_407], %parallel_loop3A_410 {strides = array<i32>} : memref<2x80x64xf32, #tpu.memory_space<vmem>>, vector<1x1x16xf32>,
        %parallel_loop3A_411 = arith.constant 3 : i32
        %parallel_loop3A_412 = arith.addi %parallel_loop3A_223, %parallel_loop3A_411 : i32
        %parallel_loop3A_413 = vector.extract_strided_slice %parallel_loop3A_227 {offsets = [3], sizes = [1], strides = [1]} : vector<16xf32> to vector<1xf32>
        %parallel_loop3A_414 = vector.extract %parallel_loop3A_413[0] : f32 from vector<1xf32>
        %parallel_loop3A_415 = vector.broadcast %parallel_loop3A_414 : f32 to vector<16xf32>
        %parallel_loop3A_416 = arith.constant 1 : i32
        %parallel_loop3A_417 = arith.index_cast %parallel_loop3A_416 : i32 to index
        %parallel_loop3A_418 = arith.index_cast %parallel_loop3A_412 : i32 to index
        %parallel_loop3A_419 = arith.constant 0 : index
        %parallel_loop3A_420 = tpu.vector_load %arg11[%parallel_loop3A_417, %parallel_loop3A_418, %parallel_loop3A_419] {strides = array<i32>} : memref<2x80x64xf32, #tpu.memory_space<vmem>>, vector<1x1x16xf32>,
        %parallel_loop3A_421 = vector.shape_cast %parallel_loop3A_420 : vector<1x1x16xf32> to vector<16xf32>
        %parallel_loop3A_422 = arith.mulf %parallel_loop3A_421, %parallel_loop3A_415 : vector<16xf32>
        %parallel_loop3A_423 = arith.constant 1 : i32
        %parallel_loop3A_424 = arith.index_cast %parallel_loop3A_423 : i32 to index
        %parallel_loop3A_425 = arith.index_cast %parallel_loop3A_412 : i32 to index
        %parallel_loop3A_426 = arith.constant 0 : index
        %parallel_loop3A_427 = tpu.vector_load %arg11[%parallel_loop3A_424, %parallel_loop3A_425, %parallel_loop3A_426] {strides = array<i32>} : memref<2x80x64xf32, #tpu.memory_space<vmem>>, vector<1x1x16xf32>,
        %parallel_loop3A_428 = vector.shape_cast %parallel_loop3A_427 : vector<1x1x16xf32> to vector<16xf32>
        %parallel_loop3A_429 = vector.shape_cast %parallel_loop3A_422 : vector<16xf32> to vector<1x1x16xf32>
        tpu.vector_store %arg11[%parallel_loop3A_424, %parallel_loop3A_425, %parallel_loop3A_426], %parallel_loop3A_429 {strides = array<i32>} : memref<2x80x64xf32, #tpu.memory_space<vmem>>, vector<1x1x16xf32>,
        %parallel_loop3A_430 = arith.constant 1 : i32
        %parallel_loop3A_431 = arith.index_cast %parallel_loop3A_430 : i32 to index
        %parallel_loop3A_432 = arith.index_cast %parallel_loop3A_412 : i32 to index
        %parallel_loop3A_433 = arith.constant 16 : index
        %parallel_loop3A_434 = tpu.vector_load %arg11[%parallel_loop3A_431, %parallel_loop3A_432, %parallel_loop3A_433] {strides = array<i32>} : memref<2x80x64xf32, #tpu.memory_space<vmem>>, vector<1x1x16xf32>,
        %parallel_loop3A_435 = vector.shape_cast %parallel_loop3A_434 : vector<1x1x16xf32> to vector<16xf32>
        %parallel_loop3A_436 = arith.mulf %parallel_loop3A_435, %parallel_loop3A_415 : vector<16xf32>
        %parallel_loop3A_437 = arith.constant 1 : i32
        %parallel_loop3A_438 = arith.index_cast %parallel_loop3A_437 : i32 to index
        %parallel_loop3A_439 = arith.index_cast %parallel_loop3A_412 : i32 to index
        %parallel_loop3A_440 = arith.constant 16 : index
        %parallel_loop3A_441 = tpu.vector_load %arg11[%parallel_loop3A_438, %parallel_loop3A_439, %parallel_loop3A_440] {strides = array<i32>} : memref<2x80x64xf32, #tpu.memory_space<vmem>>, vector<1x1x16xf32>,
        %parallel_loop3A_442 = vector.shape_cast %parallel_loop3A_441 : vector<1x1x16xf32> to vector<16xf32>
        %parallel_loop3A_443 = vector.shape_cast %parallel_loop3A_436 : vector<16xf32> to vector<1x1x16xf32>
        tpu.vector_store %arg11[%parallel_loop3A_438, %parallel_loop3A_439, %parallel_loop3A_440], %parallel_loop3A_443 {strides = array<i32>} : memref<2x80x64xf32, #tpu.memory_space<vmem>>, vector<1x1x16xf32>,
        %parallel_loop3A_444 = arith.constant 1 : i32
        %parallel_loop3A_445 = arith.index_cast %parallel_loop3A_444 : i32 to index
        %parallel_loop3A_446 = arith.index_cast %parallel_loop3A_412 : i32 to index
        %parallel_loop3A_447 = arith.constant 32 : index
        %parallel_loop3A_448 = tpu.vector_load %arg11[%parallel_loop3A_445, %parallel_loop3A_446, %parallel_loop3A_447] {strides = array<i32>} : memref<2x80x64xf32, #tpu.memory_space<vmem>>, vector<1x1x16xf32>,
        %parallel_loop3A_449 = vector.shape_cast %parallel_loop3A_448 : vector<1x1x16xf32> to vector<16xf32>
        %parallel_loop3A_450 = arith.mulf %parallel_loop3A_449, %parallel_loop3A_415 : vector<16xf32>
        %parallel_loop3A_451 = arith.constant 1 : i32
        %parallel_loop3A_452 = arith.index_cast %parallel_loop3A_451 : i32 to index
        %parallel_loop3A_453 = arith.index_cast %parallel_loop3A_412 : i32 to index
        %parallel_loop3A_454 = arith.constant 32 : index
        %parallel_loop3A_455 = tpu.vector_load %arg11[%parallel_loop3A_452, %parallel_loop3A_453, %parallel_loop3A_454] {strides = array<i32>} : memref<2x80x64xf32, #tpu.memory_space<vmem>>, vector<1x1x16xf32>,
        %parallel_loop3A_456 = vector.shape_cast %parallel_loop3A_455 : vector<1x1x16xf32> to vector<16xf32>
        %parallel_loop3A_457 = vector.shape_cast %parallel_loop3A_450 : vector<16xf32> to vector<1x1x16xf32>
        tpu.vector_store %arg11[%parallel_loop3A_452, %parallel_loop3A_453, %parallel_loop3A_454], %parallel_loop3A_457 {strides = array<i32>} : memref<2x80x64xf32, #tpu.memory_space<vmem>>, vector<1x1x16xf32>,
        %parallel_loop3A_458 = arith.constant 1 : i32
        %parallel_loop3A_459 = arith.index_cast %parallel_loop3A_458 : i32 to index
        %parallel_loop3A_460 = arith.index_cast %parallel_loop3A_412 : i32 to index
        %parallel_loop3A_461 = arith.constant 48 : index
        %parallel_loop3A_462 = tpu.vector_load %arg11[%parallel_loop3A_459, %parallel_loop3A_460, %parallel_loop3A_461] {strides = array<i32>} : memref<2x80x64xf32, #tpu.memory_space<vmem>>, vector<1x1x16xf32>,
        %parallel_loop3A_463 = vector.shape_cast %parallel_loop3A_462 : vector<1x1x16xf32> to vector<16xf32>
        %parallel_loop3A_464 = arith.mulf %parallel_loop3A_463, %parallel_loop3A_415 : vector<16xf32>
        %parallel_loop3A_465 = arith.constant 1 : i32
        %parallel_loop3A_466 = arith.index_cast %parallel_loop3A_465 : i32 to index
        %parallel_loop3A_467 = arith.index_cast %parallel_loop3A_412 : i32 to index
        %parallel_loop3A_468 = arith.constant 48 : index
        %parallel_loop3A_469 = tpu.vector_load %arg11[%parallel_loop3A_466, %parallel_loop3A_467, %parallel_loop3A_468] {strides = array<i32>} : memref<2x80x64xf32, #tpu.memory_space<vmem>>, vector<1x1x16xf32>,
        %parallel_loop3A_470 = vector.shape_cast %parallel_loop3A_469 : vector<1x1x16xf32> to vector<16xf32>
        %parallel_loop3A_471 = vector.shape_cast %parallel_loop3A_464 : vector<16xf32> to vector<1x1x16xf32>
        tpu.vector_store %arg11[%parallel_loop3A_466, %parallel_loop3A_467, %parallel_loop3A_468], %parallel_loop3A_471 {strides = array<i32>} : memref<2x80x64xf32, #tpu.memory_space<vmem>>, vector<1x1x16xf32>,
        %parallel_loop3A_472 = arith.constant 4 : i32
        %parallel_loop3A_473 = arith.addi %parallel_loop3A_223, %parallel_loop3A_472 : i32
        %parallel_loop3A_474 = vector.extract_strided_slice %parallel_loop3A_227 {offsets = [4], sizes = [1], strides = [1]} : vector<16xf32> to vector<1xf32>
        %parallel_loop3A_475 = vector.extract %parallel_loop3A_474[0] : f32 from vector<1xf32>
        %parallel_loop3A_476 = vector.broadcast %parallel_loop3A_475 : f32 to vector<16xf32>
        %parallel_loop3A_477 = arith.constant 1 : i32
        %parallel_loop3A_478 = arith.index_cast %parallel_loop3A_477 : i32 to index
        %parallel_loop3A_479 = arith.index_cast %parallel_loop3A_473 : i32 to index
        %parallel_loop3A_480 = arith.constant 0 : index
        %parallel_loop3A_481 = tpu.vector_load %arg11[%parallel_loop3A_478, %parallel_loop3A_479, %parallel_loop3A_480] {strides = array<i32>} : memref<2x80x64xf32, #tpu.memory_space<vmem>>, vector<1x1x16xf32>,
        %parallel_loop3A_482 = vector.shape_cast %parallel_loop3A_481 : vector<1x1x16xf32> to vector<16xf32>
        %parallel_loop3A_483 = arith.mulf %parallel_loop3A_482, %parallel_loop3A_476 : vector<16xf32>
        %parallel_loop3A_484 = arith.constant 1 : i32
        %parallel_loop3A_485 = arith.index_cast %parallel_loop3A_484 : i32 to index
        %parallel_loop3A_486 = arith.index_cast %parallel_loop3A_473 : i32 to index
        %parallel_loop3A_487 = arith.constant 0 : index
        %parallel_loop3A_488 = tpu.vector_load %arg11[%parallel_loop3A_485, %parallel_loop3A_486, %parallel_loop3A_487] {strides = array<i32>} : memref<2x80x64xf32, #tpu.memory_space<vmem>>, vector<1x1x16xf32>,
        %parallel_loop3A_489 = vector.shape_cast %parallel_loop3A_488 : vector<1x1x16xf32> to vector<16xf32>
        %parallel_loop3A_490 = vector.shape_cast %parallel_loop3A_483 : vector<16xf32> to vector<1x1x16xf32>
        tpu.vector_store %arg11[%parallel_loop3A_485, %parallel_loop3A_486, %parallel_loop3A_487], %parallel_loop3A_490 {strides = array<i32>} : memref<2x80x64xf32, #tpu.memory_space<vmem>>, vector<1x1x16xf32>,
        %parallel_loop3A_491 = arith.constant 1 : i32
        %parallel_loop3A_492 = arith.index_cast %parallel_loop3A_491 : i32 to index
        %parallel_loop3A_493 = arith.index_cast %parallel_loop3A_473 : i32 to index
        %parallel_loop3A_494 = arith.constant 16 : index
        %parallel_loop3A_495 = tpu.vector_load %arg11[%parallel_loop3A_492, %parallel_loop3A_493, %parallel_loop3A_494] {strides = array<i32>} : memref<2x80x64xf32, #tpu.memory_space<vmem>>, vector<1x1x16xf32>,
        %parallel_loop3A_496 = vector.shape_cast %parallel_loop3A_495 : vector<1x1x16xf32> to vector<16xf32>
        %parallel_loop3A_497 = arith.mulf %parallel_loop3A_496, %parallel_loop3A_476 : vector<16xf32>
        %parallel_loop3A_498 = arith.constant 1 : i32
        %parallel_loop3A_499 = arith.index_cast %parallel_loop3A_498 : i32 to index
        %parallel_loop3A_500 = arith.index_cast %parallel_loop3A_473 : i32 to index
        %parallel_loop3A_501 = arith.constant 16 : index
        %parallel_loop3A_502 = tpu.vector_load %arg11[%parallel_loop3A_499, %parallel_loop3A_500, %parallel_loop3A_501] {strides = array<i32>} : memref<2x80x64xf32, #tpu.memory_space<vmem>>, vector<1x1x16xf32>,
        %parallel_loop3A_503 = vector.shape_cast %parallel_loop3A_502 : vector<1x1x16xf32> to vector<16xf32>
        %parallel_loop3A_504 = vector.shape_cast %parallel_loop3A_497 : vector<16xf32> to vector<1x1x16xf32>
        tpu.vector_store %arg11[%parallel_loop3A_499, %parallel_loop3A_500, %parallel_loop3A_501], %parallel_loop3A_504 {strides = array<i32>} : memref<2x80x64xf32, #tpu.memory_space<vmem>>, vector<1x1x16xf32>,
        %parallel_loop3A_505 = arith.constant 1 : i32
        %parallel_loop3A_506 = arith.index_cast %parallel_loop3A_505 : i32 to index
        %parallel_loop3A_507 = arith.index_cast %parallel_loop3A_473 : i32 to index
        %parallel_loop3A_508 = arith.constant 32 : index
        %parallel_loop3A_509 = tpu.vector_load %arg11[%parallel_loop3A_506, %parallel_loop3A_507, %parallel_loop3A_508] {strides = array<i32>} : memref<2x80x64xf32, #tpu.memory_space<vmem>>, vector<1x1x16xf32>,
        %parallel_loop3A_510 = vector.shape_cast %parallel_loop3A_509 : vector<1x1x16xf32> to vector<16xf32>
        %parallel_loop3A_511 = arith.mulf %parallel_loop3A_510, %parallel_loop3A_476 : vector<16xf32>
        %parallel_loop3A_512 = arith.constant 1 : i32
        %parallel_loop3A_513 = arith.index_cast %parallel_loop3A_512 : i32 to index
        %parallel_loop3A_514 = arith.index_cast %parallel_loop3A_473 : i32 to index
        %parallel_loop3A_515 = arith.constant 32 : index
        %parallel_loop3A_516 = tpu.vector_load %arg11[%parallel_loop3A_513, %parallel_loop3A_514, %parallel_loop3A_515] {strides = array<i32>} : memref<2x80x64xf32, #tpu.memory_space<vmem>>, vector<1x1x16xf32>,
        %parallel_loop3A_517 = vector.shape_cast %parallel_loop3A_516 : vector<1x1x16xf32> to vector<16xf32>
        %parallel_loop3A_518 = vector.shape_cast %parallel_loop3A_511 : vector<16xf32> to vector<1x1x16xf32>
        tpu.vector_store %arg11[%parallel_loop3A_513, %parallel_loop3A_514, %parallel_loop3A_515], %parallel_loop3A_518 {strides = array<i32>} : memref<2x80x64xf32, #tpu.memory_space<vmem>>, vector<1x1x16xf32>,
        %parallel_loop3A_519 = arith.constant 1 : i32
        %parallel_loop3A_520 = arith.index_cast %parallel_loop3A_519 : i32 to index
        %parallel_loop3A_521 = arith.index_cast %parallel_loop3A_473 : i32 to index
        %parallel_loop3A_522 = arith.constant 48 : index
        %parallel_loop3A_523 = tpu.vector_load %arg11[%parallel_loop3A_520, %parallel_loop3A_521, %parallel_loop3A_522] {strides = array<i32>} : memref<2x80x64xf32, #tpu.memory_space<vmem>>, vector<1x1x16xf32>,
        %parallel_loop3A_524 = vector.shape_cast %parallel_loop3A_523 : vector<1x1x16xf32> to vector<16xf32>
        %parallel_loop3A_525 = arith.mulf %parallel_loop3A_524, %parallel_loop3A_476 : vector<16xf32>
        %parallel_loop3A_526 = arith.constant 1 : i32
        %parallel_loop3A_527 = arith.index_cast %parallel_loop3A_526 : i32 to index
        %parallel_loop3A_528 = arith.index_cast %parallel_loop3A_473 : i32 to index
        %parallel_loop3A_529 = arith.constant 48 : index
        %parallel_loop3A_530 = tpu.vector_load %arg11[%parallel_loop3A_527, %parallel_loop3A_528, %parallel_loop3A_529] {strides = array<i32>} : memref<2x80x64xf32, #tpu.memory_space<vmem>>, vector<1x1x16xf32>,
        %parallel_loop3A_531 = vector.shape_cast %parallel_loop3A_530 : vector<1x1x16xf32> to vector<16xf32>
        %parallel_loop3A_532 = vector.shape_cast %parallel_loop3A_525 : vector<16xf32> to vector<1x1x16xf32>
        tpu.vector_store %arg11[%parallel_loop3A_527, %parallel_loop3A_528, %parallel_loop3A_529], %parallel_loop3A_532 {strides = array<i32>} : memref<2x80x64xf32, #tpu.memory_space<vmem>>, vector<1x1x16xf32>,
        %parallel_loop3A_533 = arith.constant 5 : i32
        %parallel_loop3A_534 = arith.addi %parallel_loop3A_223, %parallel_loop3A_533 : i32
        %parallel_loop3A_535 = vector.extract_strided_slice %parallel_loop3A_227 {offsets = [5], sizes = [1], strides = [1]} : vector<16xf32> to vector<1xf32>
        %parallel_loop3A_536 = vector.extract %parallel_loop3A_535[0] : f32 from vector<1xf32>
        %parallel_loop3A_537 = vector.broadcast %parallel_loop3A_536 : f32 to vector<16xf32>
        %parallel_loop3A_538 = arith.constant 1 : i32
        %parallel_loop3A_539 = arith.index_cast %parallel_loop3A_538 : i32 to index
        %parallel_loop3A_540 = arith.index_cast %parallel_loop3A_534 : i32 to index
        %parallel_loop3A_541 = arith.constant 0 : index
        %parallel_loop3A_542 = tpu.vector_load %arg11[%parallel_loop3A_539, %parallel_loop3A_540, %parallel_loop3A_541] {strides = array<i32>} : memref<2x80x64xf32, #tpu.memory_space<vmem>>, vector<1x1x16xf32>,
        %parallel_loop3A_543 = vector.shape_cast %parallel_loop3A_542 : vector<1x1x16xf32> to vector<16xf32>
        %parallel_loop3A_544 = arith.mulf %parallel_loop3A_543, %parallel_loop3A_537 : vector<16xf32>
        %parallel_loop3A_545 = arith.constant 1 : i32
        %parallel_loop3A_546 = arith.index_cast %parallel_loop3A_545 : i32 to index
        %parallel_loop3A_547 = arith.index_cast %parallel_loop3A_534 : i32 to index
        %parallel_loop3A_548 = arith.constant 0 : index
        %parallel_loop3A_549 = tpu.vector_load %arg11[%parallel_loop3A_546, %parallel_loop3A_547, %parallel_loop3A_548] {strides = array<i32>} : memref<2x80x64xf32, #tpu.memory_space<vmem>>, vector<1x1x16xf32>,
        %parallel_loop3A_550 = vector.shape_cast %parallel_loop3A_549 : vector<1x1x16xf32> to vector<16xf32>
        %parallel_loop3A_551 = vector.shape_cast %parallel_loop3A_544 : vector<16xf32> to vector<1x1x16xf32>
        tpu.vector_store %arg11[%parallel_loop3A_546, %parallel_loop3A_547, %parallel_loop3A_548], %parallel_loop3A_551 {strides = array<i32>} : memref<2x80x64xf32, #tpu.memory_space<vmem>>, vector<1x1x16xf32>,
        %parallel_loop3A_552 = arith.constant 1 : i32
        %parallel_loop3A_553 = arith.index_cast %parallel_loop3A_552 : i32 to index
        %parallel_loop3A_554 = arith.index_cast %parallel_loop3A_534 : i32 to index
        %parallel_loop3A_555 = arith.constant 16 : index
        %parallel_loop3A_556 = tpu.vector_load %arg11[%parallel_loop3A_553, %parallel_loop3A_554, %parallel_loop3A_555] {strides = array<i32>} : memref<2x80x64xf32, #tpu.memory_space<vmem>>, vector<1x1x16xf32>,
        %parallel_loop3A_557 = vector.shape_cast %parallel_loop3A_556 : vector<1x1x16xf32> to vector<16xf32>
        %parallel_loop3A_558 = arith.mulf %parallel_loop3A_557, %parallel_loop3A_537 : vector<16xf32>
        %parallel_loop3A_559 = arith.constant 1 : i32
        %parallel_loop3A_560 = arith.index_cast %parallel_loop3A_559 : i32 to index
        %parallel_loop3A_561 = arith.index_cast %parallel_loop3A_534 : i32 to index
        %parallel_loop3A_562 = arith.constant 16 : index
        %parallel_loop3A_563 = tpu.vector_load %arg11[%parallel_loop3A_560, %parallel_loop3A_561, %parallel_loop3A_562] {strides = array<i32>} : memref<2x80x64xf32, #tpu.memory_space<vmem>>, vector<1x1x16xf32>,
        %parallel_loop3A_564 = vector.shape_cast %parallel_loop3A_563 : vector<1x1x16xf32> to vector<16xf32>
        %parallel_loop3A_565 = vector.shape_cast %parallel_loop3A_558 : vector<16xf32> to vector<1x1x16xf32>
        tpu.vector_store %arg11[%parallel_loop3A_560, %parallel_loop3A_561, %parallel_loop3A_562], %parallel_loop3A_565 {strides = array<i32>} : memref<2x80x64xf32, #tpu.memory_space<vmem>>, vector<1x1x16xf32>,
        %parallel_loop3A_566 = arith.constant 1 : i32
        %parallel_loop3A_567 = arith.index_cast %parallel_loop3A_566 : i32 to index
        %parallel_loop3A_568 = arith.index_cast %parallel_loop3A_534 : i32 to index
        %parallel_loop3A_569 = arith.constant 32 : index
        %parallel_loop3A_570 = tpu.vector_load %arg11[%parallel_loop3A_567, %parallel_loop3A_568, %parallel_loop3A_569] {strides = array<i32>} : memref<2x80x64xf32, #tpu.memory_space<vmem>>, vector<1x1x16xf32>,
        %parallel_loop3A_571 = vector.shape_cast %parallel_loop3A_570 : vector<1x1x16xf32> to vector<16xf32>
        %parallel_loop3A_572 = arith.mulf %parallel_loop3A_571, %parallel_loop3A_537 : vector<16xf32>
        %parallel_loop3A_573 = arith.constant 1 : i32
        %parallel_loop3A_574 = arith.index_cast %parallel_loop3A_573 : i32 to index
        %parallel_loop3A_575 = arith.index_cast %parallel_loop3A_534 : i32 to index
        %parallel_loop3A_576 = arith.constant 32 : index
        %parallel_loop3A_577 = tpu.vector_load %arg11[%parallel_loop3A_574, %parallel_loop3A_575, %parallel_loop3A_576] {strides = array<i32>} : memref<2x80x64xf32, #tpu.memory_space<vmem>>, vector<1x1x16xf32>,
        %parallel_loop3A_578 = vector.shape_cast %parallel_loop3A_577 : vector<1x1x16xf32> to vector<16xf32>
        %parallel_loop3A_579 = vector.shape_cast %parallel_loop3A_572 : vector<16xf32> to vector<1x1x16xf32>
        tpu.vector_store %arg11[%parallel_loop3A_574, %parallel_loop3A_575, %parallel_loop3A_576], %parallel_loop3A_579 {strides = array<i32>} : memref<2x80x64xf32, #tpu.memory_space<vmem>>, vector<1x1x16xf32>,
        %parallel_loop3A_580 = arith.constant 1 : i32
        %parallel_loop3A_581 = arith.index_cast %parallel_loop3A_580 : i32 to index
        %parallel_loop3A_582 = arith.index_cast %parallel_loop3A_534 : i32 to index
        %parallel_loop3A_583 = arith.constant 48 : index
        %parallel_loop3A_584 = tpu.vector_load %arg11[%parallel_loop3A_581, %parallel_loop3A_582, %parallel_loop3A_583] {strides = array<i32>} : memref<2x80x64xf32, #tpu.memory_space<vmem>>, vector<1x1x16xf32>,
        %parallel_loop3A_585 = vector.shape_cast %parallel_loop3A_584 : vector<1x1x16xf32> to vector<16xf32>
        %parallel_loop3A_586 = arith.mulf %parallel_loop3A_585, %parallel_loop3A_537 : vector<16xf32>
        %parallel_loop3A_587 = arith.constant 1 : i32
        %parallel_loop3A_588 = arith.index_cast %parallel_loop3A_587 : i32 to index
        %parallel_loop3A_589 = arith.index_cast %parallel_loop3A_534 : i32 to index
        %parallel_loop3A_590 = arith.constant 48 : index
        %parallel_loop3A_591 = tpu.vector_load %arg11[%parallel_loop3A_588, %parallel_loop3A_589, %parallel_loop3A_590] {strides = array<i32>} : memref<2x80x64xf32, #tpu.memory_space<vmem>>, vector<1x1x16xf32>,
        %parallel_loop3A_592 = vector.shape_cast %parallel_loop3A_591 : vector<1x1x16xf32> to vector<16xf32>
        %parallel_loop3A_593 = vector.shape_cast %parallel_loop3A_586 : vector<16xf32> to vector<1x1x16xf32>
        tpu.vector_store %arg11[%parallel_loop3A_588, %parallel_loop3A_589, %parallel_loop3A_590], %parallel_loop3A_593 {strides = array<i32>} : memref<2x80x64xf32, #tpu.memory_space<vmem>>, vector<1x1x16xf32>,
        %parallel_loop3A_594 = arith.constant 6 : i32
        %parallel_loop3A_595 = arith.addi %parallel_loop3A_223, %parallel_loop3A_594 : i32
        %parallel_loop3A_596 = vector.extract_strided_slice %parallel_loop3A_227 {offsets = [6], sizes = [1], strides = [1]} : vector<16xf32> to vector<1xf32>
        %parallel_loop3A_597 = vector.extract %parallel_loop3A_596[0] : f32 from vector<1xf32>
        %parallel_loop3A_598 = vector.broadcast %parallel_loop3A_597 : f32 to vector<16xf32>
        %parallel_loop3A_599 = arith.constant 1 : i32
        %parallel_loop3A_600 = arith.index_cast %parallel_loop3A_599 : i32 to index
        %parallel_loop3A_601 = arith.index_cast %parallel_loop3A_595 : i32 to index
        %parallel_loop3A_602 = arith.constant 0 : index
        %parallel_loop3A_603 = tpu.vector_load %arg11[%parallel_loop3A_600, %parallel_loop3A_601, %parallel_loop3A_602] {strides = array<i32>} : memref<2x80x64xf32, #tpu.memory_space<vmem>>, vector<1x1x16xf32>,
        %parallel_loop3A_604 = vector.shape_cast %parallel_loop3A_603 : vector<1x1x16xf32> to vector<16xf32>
        %parallel_loop3A_605 = arith.mulf %parallel_loop3A_604, %parallel_loop3A_598 : vector<16xf32>
        %parallel_loop3A_606 = arith.constant 1 : i32
        %parallel_loop3A_607 = arith.index_cast %parallel_loop3A_606 : i32 to index
        %parallel_loop3A_608 = arith.index_cast %parallel_loop3A_595 : i32 to index
        %parallel_loop3A_609 = arith.constant 0 : index
        %parallel_loop3A_610 = tpu.vector_load %arg11[%parallel_loop3A_607, %parallel_loop3A_608, %parallel_loop3A_609] {strides = array<i32>} : memref<2x80x64xf32, #tpu.memory_space<vmem>>, vector<1x1x16xf32>,
        %parallel_loop3A_611 = vector.shape_cast %parallel_loop3A_610 : vector<1x1x16xf32> to vector<16xf32>
        %parallel_loop3A_612 = vector.shape_cast %parallel_loop3A_605 : vector<16xf32> to vector<1x1x16xf32>
        tpu.vector_store %arg11[%parallel_loop3A_607, %parallel_loop3A_608, %parallel_loop3A_609], %parallel_loop3A_612 {strides = array<i32>} : memref<2x80x64xf32, #tpu.memory_space<vmem>>, vector<1x1x16xf32>,
        %parallel_loop3A_613 = arith.constant 1 : i32
        %parallel_loop3A_614 = arith.index_cast %parallel_loop3A_613 : i32 to index
        %parallel_loop3A_615 = arith.index_cast %parallel_loop3A_595 : i32 to index
        %parallel_loop3A_616 = arith.constant 16 : index
        %parallel_loop3A_617 = tpu.vector_load %arg11[%parallel_loop3A_614, %parallel_loop3A_615, %parallel_loop3A_616] {strides = array<i32>} : memref<2x80x64xf32, #tpu.memory_space<vmem>>, vector<1x1x16xf32>,
        %parallel_loop3A_618 = vector.shape_cast %parallel_loop3A_617 : vector<1x1x16xf32> to vector<16xf32>
        %parallel_loop3A_619 = arith.mulf %parallel_loop3A_618, %parallel_loop3A_598 : vector<16xf32>
        %parallel_loop3A_620 = arith.constant 1 : i32
        %parallel_loop3A_621 = arith.index_cast %parallel_loop3A_620 : i32 to index
        %parallel_loop3A_622 = arith.index_cast %parallel_loop3A_595 : i32 to index
        %parallel_loop3A_623 = arith.constant 16 : index
        %parallel_loop3A_624 = tpu.vector_load %arg11[%parallel_loop3A_621, %parallel_loop3A_622, %parallel_loop3A_623] {strides = array<i32>} : memref<2x80x64xf32, #tpu.memory_space<vmem>>, vector<1x1x16xf32>,
        %parallel_loop3A_625 = vector.shape_cast %parallel_loop3A_624 : vector<1x1x16xf32> to vector<16xf32>
        %parallel_loop3A_626 = vector.shape_cast %parallel_loop3A_619 : vector<16xf32> to vector<1x1x16xf32>
        tpu.vector_store %arg11[%parallel_loop3A_621, %parallel_loop3A_622, %parallel_loop3A_623], %parallel_loop3A_626 {strides = array<i32>} : memref<2x80x64xf32, #tpu.memory_space<vmem>>, vector<1x1x16xf32>,
        %parallel_loop3A_627 = arith.constant 1 : i32
        %parallel_loop3A_628 = arith.index_cast %parallel_loop3A_627 : i32 to index
        %parallel_loop3A_629 = arith.index_cast %parallel_loop3A_595 : i32 to index
        %parallel_loop3A_630 = arith.constant 32 : index
        %parallel_loop3A_631 = tpu.vector_load %arg11[%parallel_loop3A_628, %parallel_loop3A_629, %parallel_loop3A_630] {strides = array<i32>} : memref<2x80x64xf32, #tpu.memory_space<vmem>>, vector<1x1x16xf32>,
        %parallel_loop3A_632 = vector.shape_cast %parallel_loop3A_631 : vector<1x1x16xf32> to vector<16xf32>
        %parallel_loop3A_633 = arith.mulf %parallel_loop3A_632, %parallel_loop3A_598 : vector<16xf32>
        %parallel_loop3A_634 = arith.constant 1 : i32
        %parallel_loop3A_635 = arith.index_cast %parallel_loop3A_634 : i32 to index
        %parallel_loop3A_636 = arith.index_cast %parallel_loop3A_595 : i32 to index
        %parallel_loop3A_637 = arith.constant 32 : index
        %parallel_loop3A_638 = tpu.vector_load %arg11[%parallel_loop3A_635, %parallel_loop3A_636, %parallel_loop3A_637] {strides = array<i32>} : memref<2x80x64xf32, #tpu.memory_space<vmem>>, vector<1x1x16xf32>,
        %parallel_loop3A_639 = vector.shape_cast %parallel_loop3A_638 : vector<1x1x16xf32> to vector<16xf32>
        %parallel_loop3A_640 = vector.shape_cast %parallel_loop3A_633 : vector<16xf32> to vector<1x1x16xf32>
        tpu.vector_store %arg11[%parallel_loop3A_635, %parallel_loop3A_636, %parallel_loop3A_637], %parallel_loop3A_640 {strides = array<i32>} : memref<2x80x64xf32, #tpu.memory_space<vmem>>, vector<1x1x16xf32>,
        %parallel_loop3A_641 = arith.constant 1 : i32
        %parallel_loop3A_642 = arith.index_cast %parallel_loop3A_641 : i32 to index
        %parallel_loop3A_643 = arith.index_cast %parallel_loop3A_595 : i32 to index
        %parallel_loop3A_644 = arith.constant 48 : index
        %parallel_loop3A_645 = tpu.vector_load %arg11[%parallel_loop3A_642, %parallel_loop3A_643, %parallel_loop3A_644] {strides = array<i32>} : memref<2x80x64xf32, #tpu.memory_space<vmem>>, vector<1x1x16xf32>,
        %parallel_loop3A_646 = vector.shape_cast %parallel_loop3A_645 : vector<1x1x16xf32> to vector<16xf32>
        %parallel_loop3A_647 = arith.mulf %parallel_loop3A_646, %parallel_loop3A_598 : vector<16xf32>
        %parallel_loop3A_648 = arith.constant 1 : i32
        %parallel_loop3A_649 = arith.index_cast %parallel_loop3A_648 : i32 to index
        %parallel_loop3A_650 = arith.index_cast %parallel_loop3A_595 : i32 to index
        %parallel_loop3A_651 = arith.constant 48 : index
        %parallel_loop3A_652 = tpu.vector_load %arg11[%parallel_loop3A_649, %parallel_loop3A_650, %parallel_loop3A_651] {strides = array<i32>} : memref<2x80x64xf32, #tpu.memory_space<vmem>>, vector<1x1x16xf32>,
        %parallel_loop3A_653 = vector.shape_cast %parallel_loop3A_652 : vector<1x1x16xf32> to vector<16xf32>
        %parallel_loop3A_654 = vector.shape_cast %parallel_loop3A_647 : vector<16xf32> to vector<1x1x16xf32>
        tpu.vector_store %arg11[%parallel_loop3A_649, %parallel_loop3A_650, %parallel_loop3A_651], %parallel_loop3A_654 {strides = array<i32>} : memref<2x80x64xf32, #tpu.memory_space<vmem>>, vector<1x1x16xf32>,
        %parallel_loop3A_655 = arith.constant 7 : i32
        %parallel_loop3A_656 = arith.addi %parallel_loop3A_223, %parallel_loop3A_655 : i32
        %parallel_loop3A_657 = vector.extract_strided_slice %parallel_loop3A_227 {offsets = [7], sizes = [1], strides = [1]} : vector<16xf32> to vector<1xf32>
        %parallel_loop3A_658 = vector.extract %parallel_loop3A_657[0] : f32 from vector<1xf32>
        %parallel_loop3A_659 = vector.broadcast %parallel_loop3A_658 : f32 to vector<16xf32>
        %parallel_loop3A_660 = arith.constant 1 : i32
        %parallel_loop3A_661 = arith.index_cast %parallel_loop3A_660 : i32 to index
        %parallel_loop3A_662 = arith.index_cast %parallel_loop3A_656 : i32 to index
        %parallel_loop3A_663 = arith.constant 0 : index
        %parallel_loop3A_664 = tpu.vector_load %arg11[%parallel_loop3A_661, %parallel_loop3A_662, %parallel_loop3A_663] {strides = array<i32>} : memref<2x80x64xf32, #tpu.memory_space<vmem>>, vector<1x1x16xf32>,
        %parallel_loop3A_665 = vector.shape_cast %parallel_loop3A_664 : vector<1x1x16xf32> to vector<16xf32>
        %parallel_loop3A_666 = arith.mulf %parallel_loop3A_665, %parallel_loop3A_659 : vector<16xf32>
        %parallel_loop3A_667 = arith.constant 1 : i32
        %parallel_loop3A_668 = arith.index_cast %parallel_loop3A_667 : i32 to index
        %parallel_loop3A_669 = arith.index_cast %parallel_loop3A_656 : i32 to index
        %parallel_loop3A_670 = arith.constant 0 : index
        %parallel_loop3A_671 = tpu.vector_load %arg11[%parallel_loop3A_668, %parallel_loop3A_669, %parallel_loop3A_670] {strides = array<i32>} : memref<2x80x64xf32, #tpu.memory_space<vmem>>, vector<1x1x16xf32>,
        %parallel_loop3A_672 = vector.shape_cast %parallel_loop3A_671 : vector<1x1x16xf32> to vector<16xf32>
        %parallel_loop3A_673 = vector.shape_cast %parallel_loop3A_666 : vector<16xf32> to vector<1x1x16xf32>
        tpu.vector_store %arg11[%parallel_loop3A_668, %parallel_loop3A_669, %parallel_loop3A_670], %parallel_loop3A_673 {strides = array<i32>} : memref<2x80x64xf32, #tpu.memory_space<vmem>>, vector<1x1x16xf32>,
        %parallel_loop3A_674 = arith.constant 1 : i32
        %parallel_loop3A_675 = arith.index_cast %parallel_loop3A_674 : i32 to index
        %parallel_loop3A_676 = arith.index_cast %parallel_loop3A_656 : i32 to index
        %parallel_loop3A_677 = arith.constant 16 : index
        %parallel_loop3A_678 = tpu.vector_load %arg11[%parallel_loop3A_675, %parallel_loop3A_676, %parallel_loop3A_677] {strides = array<i32>} : memref<2x80x64xf32, #tpu.memory_space<vmem>>, vector<1x1x16xf32>,
        %parallel_loop3A_679 = vector.shape_cast %parallel_loop3A_678 : vector<1x1x16xf32> to vector<16xf32>
        %parallel_loop3A_680 = arith.mulf %parallel_loop3A_679, %parallel_loop3A_659 : vector<16xf32>
        %parallel_loop3A_681 = arith.constant 1 : i32
        %parallel_loop3A_682 = arith.index_cast %parallel_loop3A_681 : i32 to index
        %parallel_loop3A_683 = arith.index_cast %parallel_loop3A_656 : i32 to index
        %parallel_loop3A_684 = arith.constant 16 : index
        %parallel_loop3A_685 = tpu.vector_load %arg11[%parallel_loop3A_682, %parallel_loop3A_683, %parallel_loop3A_684] {strides = array<i32>} : memref<2x80x64xf32, #tpu.memory_space<vmem>>, vector<1x1x16xf32>,
        %parallel_loop3A_686 = vector.shape_cast %parallel_loop3A_685 : vector<1x1x16xf32> to vector<16xf32>
        %parallel_loop3A_687 = vector.shape_cast %parallel_loop3A_680 : vector<16xf32> to vector<1x1x16xf32>
        tpu.vector_store %arg11[%parallel_loop3A_682, %parallel_loop3A_683, %parallel_loop3A_684], %parallel_loop3A_687 {strides = array<i32>} : memref<2x80x64xf32, #tpu.memory_space<vmem>>, vector<1x1x16xf32>,
        %parallel_loop3A_688 = arith.constant 1 : i32
        %parallel_loop3A_689 = arith.index_cast %parallel_loop3A_688 : i32 to index
        %parallel_loop3A_690 = arith.index_cast %parallel_loop3A_656 : i32 to index
        %parallel_loop3A_691 = arith.constant 32 : index
        %parallel_loop3A_692 = tpu.vector_load %arg11[%parallel_loop3A_689, %parallel_loop3A_690, %parallel_loop3A_691] {strides = array<i32>} : memref<2x80x64xf32, #tpu.memory_space<vmem>>, vector<1x1x16xf32>,
        %parallel_loop3A_693 = vector.shape_cast %parallel_loop3A_692 : vector<1x1x16xf32> to vector<16xf32>
        %parallel_loop3A_694 = arith.mulf %parallel_loop3A_693, %parallel_loop3A_659 : vector<16xf32>
        %parallel_loop3A_695 = arith.constant 1 : i32
        %parallel_loop3A_696 = arith.index_cast %parallel_loop3A_695 : i32 to index
        %parallel_loop3A_697 = arith.index_cast %parallel_loop3A_656 : i32 to index
        %parallel_loop3A_698 = arith.constant 32 : index
        %parallel_loop3A_699 = tpu.vector_load %arg11[%parallel_loop3A_696, %parallel_loop3A_697, %parallel_loop3A_698] {strides = array<i32>} : memref<2x80x64xf32, #tpu.memory_space<vmem>>, vector<1x1x16xf32>,
        %parallel_loop3A_700 = vector.shape_cast %parallel_loop3A_699 : vector<1x1x16xf32> to vector<16xf32>
        %parallel_loop3A_701 = vector.shape_cast %parallel_loop3A_694 : vector<16xf32> to vector<1x1x16xf32>
        tpu.vector_store %arg11[%parallel_loop3A_696, %parallel_loop3A_697, %parallel_loop3A_698], %parallel_loop3A_701 {strides = array<i32>} : memref<2x80x64xf32, #tpu.memory_space<vmem>>, vector<1x1x16xf32>,
        %parallel_loop3A_702 = arith.constant 1 : i32
        %parallel_loop3A_703 = arith.index_cast %parallel_loop3A_702 : i32 to index
        %parallel_loop3A_704 = arith.index_cast %parallel_loop3A_656 : i32 to index
        %parallel_loop3A_705 = arith.constant 48 : index
        %parallel_loop3A_706 = tpu.vector_load %arg11[%parallel_loop3A_703, %parallel_loop3A_704, %parallel_loop3A_705] {strides = array<i32>} : memref<2x80x64xf32, #tpu.memory_space<vmem>>, vector<1x1x16xf32>,
        %parallel_loop3A_707 = vector.shape_cast %parallel_loop3A_706 : vector<1x1x16xf32> to vector<16xf32>
        %parallel_loop3A_708 = arith.mulf %parallel_loop3A_707, %parallel_loop3A_659 : vector<16xf32>
        %parallel_loop3A_709 = arith.constant 1 : i32
        %parallel_loop3A_710 = arith.index_cast %parallel_loop3A_709 : i32 to index
        %parallel_loop3A_711 = arith.index_cast %parallel_loop3A_656 : i32 to index
        %parallel_loop3A_712 = arith.constant 48 : index
        %parallel_loop3A_713 = tpu.vector_load %arg11[%parallel_loop3A_710, %parallel_loop3A_711, %parallel_loop3A_712] {strides = array<i32>} : memref<2x80x64xf32, #tpu.memory_space<vmem>>, vector<1x1x16xf32>,
        %parallel_loop3A_714 = vector.shape_cast %parallel_loop3A_713 : vector<1x1x16xf32> to vector<16xf32>
        %parallel_loop3A_715 = vector.shape_cast %parallel_loop3A_708 : vector<16xf32> to vector<1x1x16xf32>
        tpu.vector_store %arg11[%parallel_loop3A_710, %parallel_loop3A_711, %parallel_loop3A_712], %parallel_loop3A_715 {strides = array<i32>} : memref<2x80x64xf32, #tpu.memory_space<vmem>>, vector<1x1x16xf32>,
        %parallel_loop3A_716 = arith.constant 8 : i32
        %parallel_loop3A_717 = arith.addi %parallel_loop3A_223, %parallel_loop3A_716 : i32
        %parallel_loop3A_718 = vector.extract_strided_slice %parallel_loop3A_227 {offsets = [8], sizes = [1], strides = [1]} : vector<16xf32> to vector<1xf32>
        %parallel_loop3A_719 = vector.extract %parallel_loop3A_718[0] : f32 from vector<1xf32>
        %parallel_loop3A_720 = vector.broadcast %parallel_loop3A_719 : f32 to vector<16xf32>
        %parallel_loop3A_721 = arith.constant 1 : i32
        %parallel_loop3A_722 = arith.index_cast %parallel_loop3A_721 : i32 to index
        %parallel_loop3A_723 = arith.index_cast %parallel_loop3A_717 : i32 to index
        %parallel_loop3A_724 = arith.constant 0 : index
        %parallel_loop3A_725 = tpu.vector_load %arg11[%parallel_loop3A_722, %parallel_loop3A_723, %parallel_loop3A_724] {strides = array<i32>} : memref<2x80x64xf32, #tpu.memory_space<vmem>>, vector<1x1x16xf32>,
        %parallel_loop3A_726 = vector.shape_cast %parallel_loop3A_725 : vector<1x1x16xf32> to vector<16xf32>
        %parallel_loop3A_727 = arith.mulf %parallel_loop3A_726, %parallel_loop3A_720 : vector<16xf32>
        %parallel_loop3A_728 = arith.constant 1 : i32
        %parallel_loop3A_729 = arith.index_cast %parallel_loop3A_728 : i32 to index
        %parallel_loop3A_730 = arith.index_cast %parallel_loop3A_717 : i32 to index
        %parallel_loop3A_731 = arith.constant 0 : index
        %parallel_loop3A_732 = tpu.vector_load %arg11[%parallel_loop3A_729, %parallel_loop3A_730, %parallel_loop3A_731] {strides = array<i32>} : memref<2x80x64xf32, #tpu.memory_space<vmem>>, vector<1x1x16xf32>,
        %parallel_loop3A_733 = vector.shape_cast %parallel_loop3A_732 : vector<1x1x16xf32> to vector<16xf32>
        %parallel_loop3A_734 = vector.shape_cast %parallel_loop3A_727 : vector<16xf32> to vector<1x1x16xf32>
        tpu.vector_store %arg11[%parallel_loop3A_729, %parallel_loop3A_730, %parallel_loop3A_731], %parallel_loop3A_734 {strides = array<i32>} : memref<2x80x64xf32, #tpu.memory_space<vmem>>, vector<1x1x16xf32>,
        %parallel_loop3A_735 = arith.constant 1 : i32
        %parallel_loop3A_736 = arith.index_cast %parallel_loop3A_735 : i32 to index
        %parallel_loop3A_737 = arith.index_cast %parallel_loop3A_717 : i32 to index
        %parallel_loop3A_738 = arith.constant 16 : index
        %parallel_loop3A_739 = tpu.vector_load %arg11[%parallel_loop3A_736, %parallel_loop3A_737, %parallel_loop3A_738] {strides = array<i32>} : memref<2x80x64xf32, #tpu.memory_space<vmem>>, vector<1x1x16xf32>,
        %parallel_loop3A_740 = vector.shape_cast %parallel_loop3A_739 : vector<1x1x16xf32> to vector<16xf32>
        %parallel_loop3A_741 = arith.mulf %parallel_loop3A_740, %parallel_loop3A_720 : vector<16xf32>
        %parallel_loop3A_742 = arith.constant 1 : i32
        %parallel_loop3A_743 = arith.index_cast %parallel_loop3A_742 : i32 to index
        %parallel_loop3A_744 = arith.index_cast %parallel_loop3A_717 : i32 to index
        %parallel_loop3A_745 = arith.constant 16 : index
        %parallel_loop3A_746 = tpu.vector_load %arg11[%parallel_loop3A_743, %parallel_loop3A_744, %parallel_loop3A_745] {strides = array<i32>} : memref<2x80x64xf32, #tpu.memory_space<vmem>>, vector<1x1x16xf32>,
        %parallel_loop3A_747 = vector.shape_cast %parallel_loop3A_746 : vector<1x1x16xf32> to vector<16xf32>
        %parallel_loop3A_748 = vector.shape_cast %parallel_loop3A_741 : vector<16xf32> to vector<1x1x16xf32>
        tpu.vector_store %arg11[%parallel_loop3A_743, %parallel_loop3A_744, %parallel_loop3A_745], %parallel_loop3A_748 {strides = array<i32>} : memref<2x80x64xf32, #tpu.memory_space<vmem>>, vector<1x1x16xf32>,
        %parallel_loop3A_749 = arith.constant 1 : i32
        %parallel_loop3A_750 = arith.index_cast %parallel_loop3A_749 : i32 to index
        %parallel_loop3A_751 = arith.index_cast %parallel_loop3A_717 : i32 to index
        %parallel_loop3A_752 = arith.constant 32 : index
        %parallel_loop3A_753 = tpu.vector_load %arg11[%parallel_loop3A_750, %parallel_loop3A_751, %parallel_loop3A_752] {strides = array<i32>} : memref<2x80x64xf32, #tpu.memory_space<vmem>>, vector<1x1x16xf32>,
        %parallel_loop3A_754 = vector.shape_cast %parallel_loop3A_753 : vector<1x1x16xf32> to vector<16xf32>
        %parallel_loop3A_755 = arith.mulf %parallel_loop3A_754, %parallel_loop3A_720 : vector<16xf32>
        %parallel_loop3A_756 = arith.constant 1 : i32
        %parallel_loop3A_757 = arith.index_cast %parallel_loop3A_756 : i32 to index
        %parallel_loop3A_758 = arith.index_cast %parallel_loop3A_717 : i32 to index
        %parallel_loop3A_759 = arith.constant 32 : index
        %parallel_loop3A_760 = tpu.vector_load %arg11[%parallel_loop3A_757, %parallel_loop3A_758, %parallel_loop3A_759] {strides = array<i32>} : memref<2x80x64xf32, #tpu.memory_space<vmem>>, vector<1x1x16xf32>,
        %parallel_loop3A_761 = vector.shape_cast %parallel_loop3A_760 : vector<1x1x16xf32> to vector<16xf32>
        %parallel_loop3A_762 = vector.shape_cast %parallel_loop3A_755 : vector<16xf32> to vector<1x1x16xf32>
        tpu.vector_store %arg11[%parallel_loop3A_757, %parallel_loop3A_758, %parallel_loop3A_759], %parallel_loop3A_762 {strides = array<i32>} : memref<2x80x64xf32, #tpu.memory_space<vmem>>, vector<1x1x16xf32>,
        %parallel_loop3A_763 = arith.constant 1 : i32
        %parallel_loop3A_764 = arith.index_cast %parallel_loop3A_763 : i32 to index
        %parallel_loop3A_765 = arith.index_cast %parallel_loop3A_717 : i32 to index
        %parallel_loop3A_766 = arith.constant 48 : index
        %parallel_loop3A_767 = tpu.vector_load %arg11[%parallel_loop3A_764, %parallel_loop3A_765, %parallel_loop3A_766] {strides = array<i32>} : memref<2x80x64xf32, #tpu.memory_space<vmem>>, vector<1x1x16xf32>,
        %parallel_loop3A_768 = vector.shape_cast %parallel_loop3A_767 : vector<1x1x16xf32> to vector<16xf32>
        %parallel_loop3A_769 = arith.mulf %parallel_loop3A_768, %parallel_loop3A_720 : vector<16xf32>
        %parallel_loop3A_770 = arith.constant 1 : i32
        %parallel_loop3A_771 = arith.index_cast %parallel_loop3A_770 : i32 to index
        %parallel_loop3A_772 = arith.index_cast %parallel_loop3A_717 : i32 to index
        %parallel_loop3A_773 = arith.constant 48 : index
        %parallel_loop3A_774 = tpu.vector_load %arg11[%parallel_loop3A_771, %parallel_loop3A_772, %parallel_loop3A_773] {strides = array<i32>} : memref<2x80x64xf32, #tpu.memory_space<vmem>>, vector<1x1x16xf32>,
        %parallel_loop3A_775 = vector.shape_cast %parallel_loop3A_774 : vector<1x1x16xf32> to vector<16xf32>
        %parallel_loop3A_776 = vector.shape_cast %parallel_loop3A_769 : vector<16xf32> to vector<1x1x16xf32>
        tpu.vector_store %arg11[%parallel_loop3A_771, %parallel_loop3A_772, %parallel_loop3A_773], %parallel_loop3A_776 {strides = array<i32>} : memref<2x80x64xf32, #tpu.memory_space<vmem>>, vector<1x1x16xf32>,
        %parallel_loop3A_777 = arith.constant 9 : i32
        %parallel_loop3A_778 = arith.addi %parallel_loop3A_223, %parallel_loop3A_777 : i32
        %parallel_loop3A_779 = vector.extract_strided_slice %parallel_loop3A_227 {offsets = [9], sizes = [1], strides = [1]} : vector<16xf32> to vector<1xf32>
        %parallel_loop3A_780 = vector.extract %parallel_loop3A_779[0] : f32 from vector<1xf32>
        %parallel_loop3A_781 = vector.broadcast %parallel_loop3A_780 : f32 to vector<16xf32>
        %parallel_loop3A_782 = arith.constant 1 : i32
        %parallel_loop3A_783 = arith.index_cast %parallel_loop3A_782 : i32 to index
        %parallel_loop3A_784 = arith.index_cast %parallel_loop3A_778 : i32 to index
        %parallel_loop3A_785 = arith.constant 0 : index
        %parallel_loop3A_786 = tpu.vector_load %arg11[%parallel_loop3A_783, %parallel_loop3A_784, %parallel_loop3A_785] {strides = array<i32>} : memref<2x80x64xf32, #tpu.memory_space<vmem>>, vector<1x1x16xf32>,
        %parallel_loop3A_787 = vector.shape_cast %parallel_loop3A_786 : vector<1x1x16xf32> to vector<16xf32>
        %parallel_loop3A_788 = arith.mulf %parallel_loop3A_787, %parallel_loop3A_781 : vector<16xf32>
        %parallel_loop3A_789 = arith.constant 1 : i32
        %parallel_loop3A_790 = arith.index_cast %parallel_loop3A_789 : i32 to index
        %parallel_loop3A_791 = arith.index_cast %parallel_loop3A_778 : i32 to index
        %parallel_loop3A_792 = arith.constant 0 : index
        %parallel_loop3A_793 = tpu.vector_load %arg11[%parallel_loop3A_790, %parallel_loop3A_791, %parallel_loop3A_792] {strides = array<i32>} : memref<2x80x64xf32, #tpu.memory_space<vmem>>, vector<1x1x16xf32>,
        %parallel_loop3A_794 = vector.shape_cast %parallel_loop3A_793 : vector<1x1x16xf32> to vector<16xf32>
        %parallel_loop3A_795 = vector.shape_cast %parallel_loop3A_788 : vector<16xf32> to vector<1x1x16xf32>
        tpu.vector_store %arg11[%parallel_loop3A_790, %parallel_loop3A_791, %parallel_loop3A_792], %parallel_loop3A_795 {strides = array<i32>} : memref<2x80x64xf32, #tpu.memory_space<vmem>>, vector<1x1x16xf32>,
        %parallel_loop3A_796 = arith.constant 1 : i32
        %parallel_loop3A_797 = arith.index_cast %parallel_loop3A_796 : i32 to index
        %parallel_loop3A_798 = arith.index_cast %parallel_loop3A_778 : i32 to index
        %parallel_loop3A_799 = arith.constant 16 : index
        %parallel_loop3A_800 = tpu.vector_load %arg11[%parallel_loop3A_797, %parallel_loop3A_798, %parallel_loop3A_799] {strides = array<i32>} : memref<2x80x64xf32, #tpu.memory_space<vmem>>, vector<1x1x16xf32>,
        %parallel_loop3A_801 = vector.shape_cast %parallel_loop3A_800 : vector<1x1x16xf32> to vector<16xf32>
        %parallel_loop3A_802 = arith.mulf %parallel_loop3A_801, %parallel_loop3A_781 : vector<16xf32>
        %parallel_loop3A_803 = arith.constant 1 : i32
        %parallel_loop3A_804 = arith.index_cast %parallel_loop3A_803 : i32 to index
        %parallel_loop3A_805 = arith.index_cast %parallel_loop3A_778 : i32 to index
        %parallel_loop3A_806 = arith.constant 16 : index
        %parallel_loop3A_807 = tpu.vector_load %arg11[%parallel_loop3A_804, %parallel_loop3A_805, %parallel_loop3A_806] {strides = array<i32>} : memref<2x80x64xf32, #tpu.memory_space<vmem>>, vector<1x1x16xf32>,
        %parallel_loop3A_808 = vector.shape_cast %parallel_loop3A_807 : vector<1x1x16xf32> to vector<16xf32>
        %parallel_loop3A_809 = vector.shape_cast %parallel_loop3A_802 : vector<16xf32> to vector<1x1x16xf32>
        tpu.vector_store %arg11[%parallel_loop3A_804, %parallel_loop3A_805, %parallel_loop3A_806], %parallel_loop3A_809 {strides = array<i32>} : memref<2x80x64xf32, #tpu.memory_space<vmem>>, vector<1x1x16xf32>,
        %parallel_loop3A_810 = arith.constant 1 : i32
        %parallel_loop3A_811 = arith.index_cast %parallel_loop3A_810 : i32 to index
        %parallel_loop3A_812 = arith.index_cast %parallel_loop3A_778 : i32 to index
        %parallel_loop3A_813 = arith.constant 32 : index
        %parallel_loop3A_814 = tpu.vector_load %arg11[%parallel_loop3A_811, %parallel_loop3A_812, %parallel_loop3A_813] {strides = array<i32>} : memref<2x80x64xf32, #tpu.memory_space<vmem>>, vector<1x1x16xf32>,
        %parallel_loop3A_815 = vector.shape_cast %parallel_loop3A_814 : vector<1x1x16xf32> to vector<16xf32>
        %parallel_loop3A_816 = arith.mulf %parallel_loop3A_815, %parallel_loop3A_781 : vector<16xf32>
        %parallel_loop3A_817 = arith.constant 1 : i32
        %parallel_loop3A_818 = arith.index_cast %parallel_loop3A_817 : i32 to index
        %parallel_loop3A_819 = arith.index_cast %parallel_loop3A_778 : i32 to index
        %parallel_loop3A_820 = arith.constant 32 : index
        %parallel_loop3A_821 = tpu.vector_load %arg11[%parallel_loop3A_818, %parallel_loop3A_819, %parallel_loop3A_820] {strides = array<i32>} : memref<2x80x64xf32, #tpu.memory_space<vmem>>, vector<1x1x16xf32>,
        %parallel_loop3A_822 = vector.shape_cast %parallel_loop3A_821 : vector<1x1x16xf32> to vector<16xf32>
        %parallel_loop3A_823 = vector.shape_cast %parallel_loop3A_816 : vector<16xf32> to vector<1x1x16xf32>
        tpu.vector_store %arg11[%parallel_loop3A_818, %parallel_loop3A_819, %parallel_loop3A_820], %parallel_loop3A_823 {strides = array<i32>} : memref<2x80x64xf32, #tpu.memory_space<vmem>>, vector<1x1x16xf32>,
        %parallel_loop3A_824 = arith.constant 1 : i32
        %parallel_loop3A_825 = arith.index_cast %parallel_loop3A_824 : i32 to index
        %parallel_loop3A_826 = arith.index_cast %parallel_loop3A_778 : i32 to index
        %parallel_loop3A_827 = arith.constant 48 : index
        %parallel_loop3A_828 = tpu.vector_load %arg11[%parallel_loop3A_825, %parallel_loop3A_826, %parallel_loop3A_827] {strides = array<i32>} : memref<2x80x64xf32, #tpu.memory_space<vmem>>, vector<1x1x16xf32>,
        %parallel_loop3A_829 = vector.shape_cast %parallel_loop3A_828 : vector<1x1x16xf32> to vector<16xf32>
        %parallel_loop3A_830 = arith.mulf %parallel_loop3A_829, %parallel_loop3A_781 : vector<16xf32>
        %parallel_loop3A_831 = arith.constant 1 : i32
        %parallel_loop3A_832 = arith.index_cast %parallel_loop3A_831 : i32 to index
        %parallel_loop3A_833 = arith.index_cast %parallel_loop3A_778 : i32 to index
        %parallel_loop3A_834 = arith.constant 48 : index
        %parallel_loop3A_835 = tpu.vector_load %arg11[%parallel_loop3A_832, %parallel_loop3A_833, %parallel_loop3A_834] {strides = array<i32>} : memref<2x80x64xf32, #tpu.memory_space<vmem>>, vector<1x1x16xf32>,
        %parallel_loop3A_836 = vector.shape_cast %parallel_loop3A_835 : vector<1x1x16xf32> to vector<16xf32>
        %parallel_loop3A_837 = vector.shape_cast %parallel_loop3A_830 : vector<16xf32> to vector<1x1x16xf32>
        tpu.vector_store %arg11[%parallel_loop3A_832, %parallel_loop3A_833, %parallel_loop3A_834], %parallel_loop3A_837 {strides = array<i32>} : memref<2x80x64xf32, #tpu.memory_space<vmem>>, vector<1x1x16xf32>,
        %parallel_loop3A_838 = arith.constant 10 : i32
        %parallel_loop3A_839 = arith.addi %parallel_loop3A_223, %parallel_loop3A_838 : i32
        %parallel_loop3A_840 = vector.extract_strided_slice %parallel_loop3A_227 {offsets = [10], sizes = [1], strides = [1]} : vector<16xf32> to vector<1xf32>
        %parallel_loop3A_841 = vector.extract %parallel_loop3A_840[0] : f32 from vector<1xf32>
        %parallel_loop3A_842 = vector.broadcast %parallel_loop3A_841 : f32 to vector<16xf32>
        %parallel_loop3A_843 = arith.constant 1 : i32
        %parallel_loop3A_844 = arith.index_cast %parallel_loop3A_843 : i32 to index
        %parallel_loop3A_845 = arith.index_cast %parallel_loop3A_839 : i32 to index
        %parallel_loop3A_846 = arith.constant 0 : index
        %parallel_loop3A_847 = tpu.vector_load %arg11[%parallel_loop3A_844, %parallel_loop3A_845, %parallel_loop3A_846] {strides = array<i32>} : memref<2x80x64xf32, #tpu.memory_space<vmem>>, vector<1x1x16xf32>,
        %parallel_loop3A_848 = vector.shape_cast %parallel_loop3A_847 : vector<1x1x16xf32> to vector<16xf32>
        %parallel_loop3A_849 = arith.mulf %parallel_loop3A_848, %parallel_loop3A_842 : vector<16xf32>
        %parallel_loop3A_850 = arith.constant 1 : i32
        %parallel_loop3A_851 = arith.index_cast %parallel_loop3A_850 : i32 to index
        %parallel_loop3A_852 = arith.index_cast %parallel_loop3A_839 : i32 to index
        %parallel_loop3A_853 = arith.constant 0 : index
        %parallel_loop3A_854 = tpu.vector_load %arg11[%parallel_loop3A_851, %parallel_loop3A_852, %parallel_loop3A_853] {strides = array<i32>} : memref<2x80x64xf32, #tpu.memory_space<vmem>>, vector<1x1x16xf32>,
        %parallel_loop3A_855 = vector.shape_cast %parallel_loop3A_854 : vector<1x1x16xf32> to vector<16xf32>
        %parallel_loop3A_856 = vector.shape_cast %parallel_loop3A_849 : vector<16xf32> to vector<1x1x16xf32>
        tpu.vector_store %arg11[%parallel_loop3A_851, %parallel_loop3A_852, %parallel_loop3A_853], %parallel_loop3A_856 {strides = array<i32>} : memref<2x80x64xf32, #tpu.memory_space<vmem>>, vector<1x1x16xf32>,
        %parallel_loop3A_857 = arith.constant 1 : i32
        %parallel_loop3A_858 = arith.index_cast %parallel_loop3A_857 : i32 to index
        %parallel_loop3A_859 = arith.index_cast %parallel_loop3A_839 : i32 to index
        %parallel_loop3A_860 = arith.constant 16 : index
        %parallel_loop3A_861 = tpu.vector_load %arg11[%parallel_loop3A_858, %parallel_loop3A_859, %parallel_loop3A_860] {strides = array<i32>} : memref<2x80x64xf32, #tpu.memory_space<vmem>>, vector<1x1x16xf32>,
        %parallel_loop3A_862 = vector.shape_cast %parallel_loop3A_861 : vector<1x1x16xf32> to vector<16xf32>
        %parallel_loop3A_863 = arith.mulf %parallel_loop3A_862, %parallel_loop3A_842 : vector<16xf32>
        %parallel_loop3A_864 = arith.constant 1 : i32
        %parallel_loop3A_865 = arith.index_cast %parallel_loop3A_864 : i32 to index
        %parallel_loop3A_866 = arith.index_cast %parallel_loop3A_839 : i32 to index
        %parallel_loop3A_867 = arith.constant 16 : index
        %parallel_loop3A_868 = tpu.vector_load %arg11[%parallel_loop3A_865, %parallel_loop3A_866, %parallel_loop3A_867] {strides = array<i32>} : memref<2x80x64xf32, #tpu.memory_space<vmem>>, vector<1x1x16xf32>,
        %parallel_loop3A_869 = vector.shape_cast %parallel_loop3A_868 : vector<1x1x16xf32> to vector<16xf32>
        %parallel_loop3A_870 = vector.shape_cast %parallel_loop3A_863 : vector<16xf32> to vector<1x1x16xf32>
        tpu.vector_store %arg11[%parallel_loop3A_865, %parallel_loop3A_866, %parallel_loop3A_867], %parallel_loop3A_870 {strides = array<i32>} : memref<2x80x64xf32, #tpu.memory_space<vmem>>, vector<1x1x16xf32>,
        %parallel_loop3A_871 = arith.constant 1 : i32
        %parallel_loop3A_872 = arith.index_cast %parallel_loop3A_871 : i32 to index
        %parallel_loop3A_873 = arith.index_cast %parallel_loop3A_839 : i32 to index
        %parallel_loop3A_874 = arith.constant 32 : index
        %parallel_loop3A_875 = tpu.vector_load %arg11[%parallel_loop3A_872, %parallel_loop3A_873, %parallel_loop3A_874] {strides = array<i32>} : memref<2x80x64xf32, #tpu.memory_space<vmem>>, vector<1x1x16xf32>,
        %parallel_loop3A_876 = vector.shape_cast %parallel_loop3A_875 : vector<1x1x16xf32> to vector<16xf32>
        %parallel_loop3A_877 = arith.mulf %parallel_loop3A_876, %parallel_loop3A_842 : vector<16xf32>
        %parallel_loop3A_878 = arith.constant 1 : i32
        %parallel_loop3A_879 = arith.index_cast %parallel_loop3A_878 : i32 to index
        %parallel_loop3A_880 = arith.index_cast %parallel_loop3A_839 : i32 to index
        %parallel_loop3A_881 = arith.constant 32 : index
        %parallel_loop3A_882 = tpu.vector_load %arg11[%parallel_loop3A_879, %parallel_loop3A_880, %parallel_loop3A_881] {strides = array<i32>} : memref<2x80x64xf32, #tpu.memory_space<vmem>>, vector<1x1x16xf32>,
        %parallel_loop3A_883 = vector.shape_cast %parallel_loop3A_882 : vector<1x1x16xf32> to vector<16xf32>
        %parallel_loop3A_884 = vector.shape_cast %parallel_loop3A_877 : vector<16xf32> to vector<1x1x16xf32>
        tpu.vector_store %arg11[%parallel_loop3A_879, %parallel_loop3A_880, %parallel_loop3A_881], %parallel_loop3A_884 {strides = array<i32>} : memref<2x80x64xf32, #tpu.memory_space<vmem>>, vector<1x1x16xf32>,
        %parallel_loop3A_885 = arith.constant 1 : i32
        %parallel_loop3A_886 = arith.index_cast %parallel_loop3A_885 : i32 to index
        %parallel_loop3A_887 = arith.index_cast %parallel_loop3A_839 : i32 to index
        %parallel_loop3A_888 = arith.constant 48 : index
        %parallel_loop3A_889 = tpu.vector_load %arg11[%parallel_loop3A_886, %parallel_loop3A_887, %parallel_loop3A_888] {strides = array<i32>} : memref<2x80x64xf32, #tpu.memory_space<vmem>>, vector<1x1x16xf32>,
        %parallel_loop3A_890 = vector.shape_cast %parallel_loop3A_889 : vector<1x1x16xf32> to vector<16xf32>
        %parallel_loop3A_891 = arith.mulf %parallel_loop3A_890, %parallel_loop3A_842 : vector<16xf32>
        %parallel_loop3A_892 = arith.constant 1 : i32
        %parallel_loop3A_893 = arith.index_cast %parallel_loop3A_892 : i32 to index
        %parallel_loop3A_894 = arith.index_cast %parallel_loop3A_839 : i32 to index
        %parallel_loop3A_895 = arith.constant 48 : index
        %parallel_loop3A_896 = tpu.vector_load %arg11[%parallel_loop3A_893, %parallel_loop3A_894, %parallel_loop3A_895] {strides = array<i32>} : memref<2x80x64xf32, #tpu.memory_space<vmem>>, vector<1x1x16xf32>,
        %parallel_loop3A_897 = vector.shape_cast %parallel_loop3A_896 : vector<1x1x16xf32> to vector<16xf32>
        %parallel_loop3A_898 = vector.shape_cast %parallel_loop3A_891 : vector<16xf32> to vector<1x1x16xf32>
        tpu.vector_store %arg11[%parallel_loop3A_893, %parallel_loop3A_894, %parallel_loop3A_895], %parallel_loop3A_898 {strides = array<i32>} : memref<2x80x64xf32, #tpu.memory_space<vmem>>, vector<1x1x16xf32>,
        %parallel_loop3A_899 = arith.constant 11 : i32
        %parallel_loop3A_900 = arith.addi %parallel_loop3A_223, %parallel_loop3A_899 : i32
        %parallel_loop3A_901 = vector.extract_strided_slice %parallel_loop3A_227 {offsets = [11], sizes = [1], strides = [1]} : vector<16xf32> to vector<1xf32>
        %parallel_loop3A_902 = vector.extract %parallel_loop3A_901[0] : f32 from vector<1xf32>
        %parallel_loop3A_903 = vector.broadcast %parallel_loop3A_902 : f32 to vector<16xf32>
        %parallel_loop3A_904 = arith.constant 1 : i32
        %parallel_loop3A_905 = arith.index_cast %parallel_loop3A_904 : i32 to index
        %parallel_loop3A_906 = arith.index_cast %parallel_loop3A_900 : i32 to index
        %parallel_loop3A_907 = arith.constant 0 : index
        %parallel_loop3A_908 = tpu.vector_load %arg11[%parallel_loop3A_905, %parallel_loop3A_906, %parallel_loop3A_907] {strides = array<i32>} : memref<2x80x64xf32, #tpu.memory_space<vmem>>, vector<1x1x16xf32>,
        %parallel_loop3A_909 = vector.shape_cast %parallel_loop3A_908 : vector<1x1x16xf32> to vector<16xf32>
        %parallel_loop3A_910 = arith.mulf %parallel_loop3A_909, %parallel_loop3A_903 : vector<16xf32>
        %parallel_loop3A_911 = arith.constant 1 : i32
        %parallel_loop3A_912 = arith.index_cast %parallel_loop3A_911 : i32 to index
        %parallel_loop3A_913 = arith.index_cast %parallel_loop3A_900 : i32 to index
        %parallel_loop3A_914 = arith.constant 0 : index
        %parallel_loop3A_915 = tpu.vector_load %arg11[%parallel_loop3A_912, %parallel_loop3A_913, %parallel_loop3A_914] {strides = array<i32>} : memref<2x80x64xf32, #tpu.memory_space<vmem>>, vector<1x1x16xf32>,
        %parallel_loop3A_916 = vector.shape_cast %parallel_loop3A_915 : vector<1x1x16xf32> to vector<16xf32>
        %parallel_loop3A_917 = vector.shape_cast %parallel_loop3A_910 : vector<16xf32> to vector<1x1x16xf32>
        tpu.vector_store %arg11[%parallel_loop3A_912, %parallel_loop3A_913, %parallel_loop3A_914], %parallel_loop3A_917 {strides = array<i32>} : memref<2x80x64xf32, #tpu.memory_space<vmem>>, vector<1x1x16xf32>,
        %parallel_loop3A_918 = arith.constant 1 : i32
        %parallel_loop3A_919 = arith.index_cast %parallel_loop3A_918 : i32 to index
        %parallel_loop3A_920 = arith.index_cast %parallel_loop3A_900 : i32 to index
        %parallel_loop3A_921 = arith.constant 16 : index
        %parallel_loop3A_922 = tpu.vector_load %arg11[%parallel_loop3A_919, %parallel_loop3A_920, %parallel_loop3A_921] {strides = array<i32>} : memref<2x80x64xf32, #tpu.memory_space<vmem>>, vector<1x1x16xf32>,
        %parallel_loop3A_923 = vector.shape_cast %parallel_loop3A_922 : vector<1x1x16xf32> to vector<16xf32>
        %parallel_loop3A_924 = arith.mulf %parallel_loop3A_923, %parallel_loop3A_903 : vector<16xf32>
        %parallel_loop3A_925 = arith.constant 1 : i32
        %parallel_loop3A_926 = arith.index_cast %parallel_loop3A_925 : i32 to index
        %parallel_loop3A_927 = arith.index_cast %parallel_loop3A_900 : i32 to index
        %parallel_loop3A_928 = arith.constant 16 : index
        %parallel_loop3A_929 = tpu.vector_load %arg11[%parallel_loop3A_926, %parallel_loop3A_927, %parallel_loop3A_928] {strides = array<i32>} : memref<2x80x64xf32, #tpu.memory_space<vmem>>, vector<1x1x16xf32>,
        %parallel_loop3A_930 = vector.shape_cast %parallel_loop3A_929 : vector<1x1x16xf32> to vector<16xf32>
        %parallel_loop3A_931 = vector.shape_cast %parallel_loop3A_924 : vector<16xf32> to vector<1x1x16xf32>
        tpu.vector_store %arg11[%parallel_loop3A_926, %parallel_loop3A_927, %parallel_loop3A_928], %parallel_loop3A_931 {strides = array<i32>} : memref<2x80x64xf32, #tpu.memory_space<vmem>>, vector<1x1x16xf32>,
        %parallel_loop3A_932 = arith.constant 1 : i32
        %parallel_loop3A_933 = arith.index_cast %parallel_loop3A_932 : i32 to index
        %parallel_loop3A_934 = arith.index_cast %parallel_loop3A_900 : i32 to index
        %parallel_loop3A_935 = arith.constant 32 : index
        %parallel_loop3A_936 = tpu.vector_load %arg11[%parallel_loop3A_933, %parallel_loop3A_934, %parallel_loop3A_935] {strides = array<i32>} : memref<2x80x64xf32, #tpu.memory_space<vmem>>, vector<1x1x16xf32>,
        %parallel_loop3A_937 = vector.shape_cast %parallel_loop3A_936 : vector<1x1x16xf32> to vector<16xf32>
        %parallel_loop3A_938 = arith.mulf %parallel_loop3A_937, %parallel_loop3A_903 : vector<16xf32>
        %parallel_loop3A_939 = arith.constant 1 : i32
        %parallel_loop3A_940 = arith.index_cast %parallel_loop3A_939 : i32 to index
        %parallel_loop3A_941 = arith.index_cast %parallel_loop3A_900 : i32 to index
        %parallel_loop3A_942 = arith.constant 32 : index
        %parallel_loop3A_943 = tpu.vector_load %arg11[%parallel_loop3A_940, %parallel_loop3A_941, %parallel_loop3A_942] {strides = array<i32>} : memref<2x80x64xf32, #tpu.memory_space<vmem>>, vector<1x1x16xf32>,
        %parallel_loop3A_944 = vector.shape_cast %parallel_loop3A_943 : vector<1x1x16xf32> to vector<16xf32>
        %parallel_loop3A_945 = vector.shape_cast %parallel_loop3A_938 : vector<16xf32> to vector<1x1x16xf32>
        tpu.vector_store %arg11[%parallel_loop3A_940, %parallel_loop3A_941, %parallel_loop3A_942], %parallel_loop3A_945 {strides = array<i32>} : memref<2x80x64xf32, #tpu.memory_space<vmem>>, vector<1x1x16xf32>,
        %parallel_loop3A_946 = arith.constant 1 : i32
        %parallel_loop3A_947 = arith.index_cast %parallel_loop3A_946 : i32 to index
        %parallel_loop3A_948 = arith.index_cast %parallel_loop3A_900 : i32 to index
        %parallel_loop3A_949 = arith.constant 48 : index
        %parallel_loop3A_950 = tpu.vector_load %arg11[%parallel_loop3A_947, %parallel_loop3A_948, %parallel_loop3A_949] {strides = array<i32>} : memref<2x80x64xf32, #tpu.memory_space<vmem>>, vector<1x1x16xf32>,
        %parallel_loop3A_951 = vector.shape_cast %parallel_loop3A_950 : vector<1x1x16xf32> to vector<16xf32>
        %parallel_loop3A_952 = arith.mulf %parallel_loop3A_951, %parallel_loop3A_903 : vector<16xf32>
        %parallel_loop3A_953 = arith.constant 1 : i32
        %parallel_loop3A_954 = arith.index_cast %parallel_loop3A_953 : i32 to index
        %parallel_loop3A_955 = arith.index_cast %parallel_loop3A_900 : i32 to index
        %parallel_loop3A_956 = arith.constant 48 : index
        %parallel_loop3A_957 = tpu.vector_load %arg11[%parallel_loop3A_954, %parallel_loop3A_955, %parallel_loop3A_956] {strides = array<i32>} : memref<2x80x64xf32, #tpu.memory_space<vmem>>, vector<1x1x16xf32>,
        %parallel_loop3A_958 = vector.shape_cast %parallel_loop3A_957 : vector<1x1x16xf32> to vector<16xf32>
        %parallel_loop3A_959 = vector.shape_cast %parallel_loop3A_952 : vector<16xf32> to vector<1x1x16xf32>
        tpu.vector_store %arg11[%parallel_loop3A_954, %parallel_loop3A_955, %parallel_loop3A_956], %parallel_loop3A_959 {strides = array<i32>} : memref<2x80x64xf32, #tpu.memory_space<vmem>>, vector<1x1x16xf32>,
        %parallel_loop3A_960 = arith.constant 12 : i32
        %parallel_loop3A_961 = arith.addi %parallel_loop3A_223, %parallel_loop3A_960 : i32
        %parallel_loop3A_962 = vector.extract_strided_slice %parallel_loop3A_227 {offsets = [12], sizes = [1], strides = [1]} : vector<16xf32> to vector<1xf32>
        %parallel_loop3A_963 = vector.extract %parallel_loop3A_962[0] : f32 from vector<1xf32>
        %parallel_loop3A_964 = vector.broadcast %parallel_loop3A_963 : f32 to vector<16xf32>
        %parallel_loop3A_965 = arith.constant 1 : i32
        %parallel_loop3A_966 = arith.index_cast %parallel_loop3A_965 : i32 to index
        %parallel_loop3A_967 = arith.index_cast %parallel_loop3A_961 : i32 to index
        %parallel_loop3A_968 = arith.constant 0 : index
        %parallel_loop3A_969 = tpu.vector_load %arg11[%parallel_loop3A_966, %parallel_loop3A_967, %parallel_loop3A_968] {strides = array<i32>} : memref<2x80x64xf32, #tpu.memory_space<vmem>>, vector<1x1x16xf32>,
        %parallel_loop3A_970 = vector.shape_cast %parallel_loop3A_969 : vector<1x1x16xf32> to vector<16xf32>
        %parallel_loop3A_971 = arith.mulf %parallel_loop3A_970, %parallel_loop3A_964 : vector<16xf32>
        %parallel_loop3A_972 = arith.constant 1 : i32
        %parallel_loop3A_973 = arith.index_cast %parallel_loop3A_972 : i32 to index
        %parallel_loop3A_974 = arith.index_cast %parallel_loop3A_961 : i32 to index
        %parallel_loop3A_975 = arith.constant 0 : index
        %parallel_loop3A_976 = tpu.vector_load %arg11[%parallel_loop3A_973, %parallel_loop3A_974, %parallel_loop3A_975] {strides = array<i32>} : memref<2x80x64xf32, #tpu.memory_space<vmem>>, vector<1x1x16xf32>,
        %parallel_loop3A_977 = vector.shape_cast %parallel_loop3A_976 : vector<1x1x16xf32> to vector<16xf32>
        %parallel_loop3A_978 = vector.shape_cast %parallel_loop3A_971 : vector<16xf32> to vector<1x1x16xf32>
        tpu.vector_store %arg11[%parallel_loop3A_973, %parallel_loop3A_974, %parallel_loop3A_975], %parallel_loop3A_978 {strides = array<i32>} : memref<2x80x64xf32, #tpu.memory_space<vmem>>, vector<1x1x16xf32>,
        %parallel_loop3A_979 = arith.constant 1 : i32
        %parallel_loop3A_980 = arith.index_cast %parallel_loop3A_979 : i32 to index
        %parallel_loop3A_981 = arith.index_cast %parallel_loop3A_961 : i32 to index
        %parallel_loop3A_982 = arith.constant 16 : index
        %parallel_loop3A_983 = tpu.vector_load %arg11[%parallel_loop3A_980, %parallel_loop3A_981, %parallel_loop3A_982] {strides = array<i32>} : memref<2x80x64xf32, #tpu.memory_space<vmem>>, vector<1x1x16xf32>,
        %parallel_loop3A_984 = vector.shape_cast %parallel_loop3A_983 : vector<1x1x16xf32> to vector<16xf32>
        %parallel_loop3A_985 = arith.mulf %parallel_loop3A_984, %parallel_loop3A_964 : vector<16xf32>
        %parallel_loop3A_986 = arith.constant 1 : i32
        %parallel_loop3A_987 = arith.index_cast %parallel_loop3A_986 : i32 to index
        %parallel_loop3A_988 = arith.index_cast %parallel_loop3A_961 : i32 to index
        %parallel_loop3A_989 = arith.constant 16 : index
        %parallel_loop3A_990 = tpu.vector_load %arg11[%parallel_loop3A_987, %parallel_loop3A_988, %parallel_loop3A_989] {strides = array<i32>} : memref<2x80x64xf32, #tpu.memory_space<vmem>>, vector<1x1x16xf32>,
        %parallel_loop3A_991 = vector.shape_cast %parallel_loop3A_990 : vector<1x1x16xf32> to vector<16xf32>
        %parallel_loop3A_992 = vector.shape_cast %parallel_loop3A_985 : vector<16xf32> to vector<1x1x16xf32>
        tpu.vector_store %arg11[%parallel_loop3A_987, %parallel_loop3A_988, %parallel_loop3A_989], %parallel_loop3A_992 {strides = array<i32>} : memref<2x80x64xf32, #tpu.memory_space<vmem>>, vector<1x1x16xf32>,
        %parallel_loop3A_993 = arith.constant 1 : i32
        %parallel_loop3A_994 = arith.index_cast %parallel_loop3A_993 : i32 to index
        %parallel_loop3A_995 = arith.index_cast %parallel_loop3A_961 : i32 to index
        %parallel_loop3A_996 = arith.constant 32 : index
        %parallel_loop3A_997 = tpu.vector_load %arg11[%parallel_loop3A_994, %parallel_loop3A_995, %parallel_loop3A_996] {strides = array<i32>} : memref<2x80x64xf32, #tpu.memory_space<vmem>>, vector<1x1x16xf32>,
        %parallel_loop3A_998 = vector.shape_cast %parallel_loop3A_997 : vector<1x1x16xf32> to vector<16xf32>
        %parallel_loop3A_999 = arith.mulf %parallel_loop3A_998, %parallel_loop3A_964 : vector<16xf32>
        %parallel_loop3A_1000 = arith.constant 1 : i32
        %parallel_loop3A_1001 = arith.index_cast %parallel_loop3A_1000 : i32 to index
        %parallel_loop3A_1002 = arith.index_cast %parallel_loop3A_961 : i32 to index
        %parallel_loop3A_1003 = arith.constant 32 : index
        %parallel_loop3A_1004 = tpu.vector_load %arg11[%parallel_loop3A_1001, %parallel_loop3A_1002, %parallel_loop3A_1003] {strides = array<i32>} : memref<2x80x64xf32, #tpu.memory_space<vmem>>, vector<1x1x16xf32>,
        %parallel_loop3A_1005 = vector.shape_cast %parallel_loop3A_1004 : vector<1x1x16xf32> to vector<16xf32>
        %parallel_loop3A_1006 = vector.shape_cast %parallel_loop3A_999 : vector<16xf32> to vector<1x1x16xf32>
        tpu.vector_store %arg11[%parallel_loop3A_1001, %parallel_loop3A_1002, %parallel_loop3A_1003], %parallel_loop3A_1006 {strides = array<i32>} : memref<2x80x64xf32, #tpu.memory_space<vmem>>, vector<1x1x16xf32>,
        %parallel_loop3A_1007 = arith.constant 1 : i32
        %parallel_loop3A_1008 = arith.index_cast %parallel_loop3A_1007 : i32 to index
        %parallel_loop3A_1009 = arith.index_cast %parallel_loop3A_961 : i32 to index
        %parallel_loop3A_1010 = arith.constant 48 : index
        %parallel_loop3A_1011 = tpu.vector_load %arg11[%parallel_loop3A_1008, %parallel_loop3A_1009, %parallel_loop3A_1010] {strides = array<i32>} : memref<2x80x64xf32, #tpu.memory_space<vmem>>, vector<1x1x16xf32>,
        %parallel_loop3A_1012 = vector.shape_cast %parallel_loop3A_1011 : vector<1x1x16xf32> to vector<16xf32>
        %parallel_loop3A_1013 = arith.mulf %parallel_loop3A_1012, %parallel_loop3A_964 : vector<16xf32>
        %parallel_loop3A_1014 = arith.constant 1 : i32
        %parallel_loop3A_1015 = arith.index_cast %parallel_loop3A_1014 : i32 to index
        %parallel_loop3A_1016 = arith.index_cast %parallel_loop3A_961 : i32 to index
        %parallel_loop3A_1017 = arith.constant 48 : index
        %parallel_loop3A_1018 = tpu.vector_load %arg11[%parallel_loop3A_1015, %parallel_loop3A_1016, %parallel_loop3A_1017] {strides = array<i32>} : memref<2x80x64xf32, #tpu.memory_space<vmem>>, vector<1x1x16xf32>,
        %parallel_loop3A_1019 = vector.shape_cast %parallel_loop3A_1018 : vector<1x1x16xf32> to vector<16xf32>
        %parallel_loop3A_1020 = vector.shape_cast %parallel_loop3A_1013 : vector<16xf32> to vector<1x1x16xf32>
        tpu.vector_store %arg11[%parallel_loop3A_1015, %parallel_loop3A_1016, %parallel_loop3A_1017], %parallel_loop3A_1020 {strides = array<i32>} : memref<2x80x64xf32, #tpu.memory_space<vmem>>, vector<1x1x16xf32>,
        %parallel_loop3A_1021 = arith.constant 13 : i32
        %parallel_loop3A_1022 = arith.addi %parallel_loop3A_223, %parallel_loop3A_1021 : i32
        %parallel_loop3A_1023 = vector.extract_strided_slice %parallel_loop3A_227 {offsets = [13], sizes = [1], strides = [1]} : vector<16xf32> to vector<1xf32>
        %parallel_loop3A_1024 = vector.extract %parallel_loop3A_1023[0] : f32 from vector<1xf32>
        %parallel_loop3A_1025 = vector.broadcast %parallel_loop3A_1024 : f32 to vector<16xf32>
        %parallel_loop3A_1026 = arith.constant 1 : i32
        %parallel_loop3A_1027 = arith.index_cast %parallel_loop3A_1026 : i32 to index
        %parallel_loop3A_1028 = arith.index_cast %parallel_loop3A_1022 : i32 to index
        %parallel_loop3A_1029 = arith.constant 0 : index
        %parallel_loop3A_1030 = tpu.vector_load %arg11[%parallel_loop3A_1027, %parallel_loop3A_1028, %parallel_loop3A_1029] {strides = array<i32>} : memref<2x80x64xf32, #tpu.memory_space<vmem>>, vector<1x1x16xf32>,
        %parallel_loop3A_1031 = vector.shape_cast %parallel_loop3A_1030 : vector<1x1x16xf32> to vector<16xf32>
        %parallel_loop3A_1032 = arith.mulf %parallel_loop3A_1031, %parallel_loop3A_1025 : vector<16xf32>
        %parallel_loop3A_1033 = arith.constant 1 : i32
        %parallel_loop3A_1034 = arith.index_cast %parallel_loop3A_1033 : i32 to index
        %parallel_loop3A_1035 = arith.index_cast %parallel_loop3A_1022 : i32 to index
        %parallel_loop3A_1036 = arith.constant 0 : index
        %parallel_loop3A_1037 = tpu.vector_load %arg11[%parallel_loop3A_1034, %parallel_loop3A_1035, %parallel_loop3A_1036] {strides = array<i32>} : memref<2x80x64xf32, #tpu.memory_space<vmem>>, vector<1x1x16xf32>,
        %parallel_loop3A_1038 = vector.shape_cast %parallel_loop3A_1037 : vector<1x1x16xf32> to vector<16xf32>
        %parallel_loop3A_1039 = vector.shape_cast %parallel_loop3A_1032 : vector<16xf32> to vector<1x1x16xf32>
        tpu.vector_store %arg11[%parallel_loop3A_1034, %parallel_loop3A_1035, %parallel_loop3A_1036], %parallel_loop3A_1039 {strides = array<i32>} : memref<2x80x64xf32, #tpu.memory_space<vmem>>, vector<1x1x16xf32>,
        %parallel_loop3A_1040 = arith.constant 1 : i32
        %parallel_loop3A_1041 = arith.index_cast %parallel_loop3A_1040 : i32 to index
        %parallel_loop3A_1042 = arith.index_cast %parallel_loop3A_1022 : i32 to index
        %parallel_loop3A_1043 = arith.constant 16 : index
        %parallel_loop3A_1044 = tpu.vector_load %arg11[%parallel_loop3A_1041, %parallel_loop3A_1042, %parallel_loop3A_1043] {strides = array<i32>} : memref<2x80x64xf32, #tpu.memory_space<vmem>>, vector<1x1x16xf32>,
        %parallel_loop3A_1045 = vector.shape_cast %parallel_loop3A_1044 : vector<1x1x16xf32> to vector<16xf32>
        %parallel_loop3A_1046 = arith.mulf %parallel_loop3A_1045, %parallel_loop3A_1025 : vector<16xf32>
        %parallel_loop3A_1047 = arith.constant 1 : i32
        %parallel_loop3A_1048 = arith.index_cast %parallel_loop3A_1047 : i32 to index
        %parallel_loop3A_1049 = arith.index_cast %parallel_loop3A_1022 : i32 to index
        %parallel_loop3A_1050 = arith.constant 16 : index
        %parallel_loop3A_1051 = tpu.vector_load %arg11[%parallel_loop3A_1048, %parallel_loop3A_1049, %parallel_loop3A_1050] {strides = array<i32>} : memref<2x80x64xf32, #tpu.memory_space<vmem>>, vector<1x1x16xf32>,
        %parallel_loop3A_1052 = vector.shape_cast %parallel_loop3A_1051 : vector<1x1x16xf32> to vector<16xf32>
        %parallel_loop3A_1053 = vector.shape_cast %parallel_loop3A_1046 : vector<16xf32> to vector<1x1x16xf32>
        tpu.vector_store %arg11[%parallel_loop3A_1048, %parallel_loop3A_1049, %parallel_loop3A_1050], %parallel_loop3A_1053 {strides = array<i32>} : memref<2x80x64xf32, #tpu.memory_space<vmem>>, vector<1x1x16xf32>,
        %parallel_loop3A_1054 = arith.constant 1 : i32
        %parallel_loop3A_1055 = arith.index_cast %parallel_loop3A_1054 : i32 to index
        %parallel_loop3A_1056 = arith.index_cast %parallel_loop3A_1022 : i32 to index
        %parallel_loop3A_1057 = arith.constant 32 : index
        %parallel_loop3A_1058 = tpu.vector_load %arg11[%parallel_loop3A_1055, %parallel_loop3A_1056, %parallel_loop3A_1057] {strides = array<i32>} : memref<2x80x64xf32, #tpu.memory_space<vmem>>, vector<1x1x16xf32>,
        %parallel_loop3A_1059 = vector.shape_cast %parallel_loop3A_1058 : vector<1x1x16xf32> to vector<16xf32>
        %parallel_loop3A_1060 = arith.mulf %parallel_loop3A_1059, %parallel_loop3A_1025 : vector<16xf32>
        %parallel_loop3A_1061 = arith.constant 1 : i32
        %parallel_loop3A_1062 = arith.index_cast %parallel_loop3A_1061 : i32 to index
        %parallel_loop3A_1063 = arith.index_cast %parallel_loop3A_1022 : i32 to index
        %parallel_loop3A_1064 = arith.constant 32 : index
        %parallel_loop3A_1065 = tpu.vector_load %arg11[%parallel_loop3A_1062, %parallel_loop3A_1063, %parallel_loop3A_1064] {strides = array<i32>} : memref<2x80x64xf32, #tpu.memory_space<vmem>>, vector<1x1x16xf32>,
        %parallel_loop3A_1066 = vector.shape_cast %parallel_loop3A_1065 : vector<1x1x16xf32> to vector<16xf32>
        %parallel_loop3A_1067 = vector.shape_cast %parallel_loop3A_1060 : vector<16xf32> to vector<1x1x16xf32>
        tpu.vector_store %arg11[%parallel_loop3A_1062, %parallel_loop3A_1063, %parallel_loop3A_1064], %parallel_loop3A_1067 {strides = array<i32>} : memref<2x80x64xf32, #tpu.memory_space<vmem>>, vector<1x1x16xf32>,
        %parallel_loop3A_1068 = arith.constant 1 : i32
        %parallel_loop3A_1069 = arith.index_cast %parallel_loop3A_1068 : i32 to index
        %parallel_loop3A_1070 = arith.index_cast %parallel_loop3A_1022 : i32 to index
        %parallel_loop3A_1071 = arith.constant 48 : index
        %parallel_loop3A_1072 = tpu.vector_load %arg11[%parallel_loop3A_1069, %parallel_loop3A_1070, %parallel_loop3A_1071] {strides = array<i32>} : memref<2x80x64xf32, #tpu.memory_space<vmem>>, vector<1x1x16xf32>,
        %parallel_loop3A_1073 = vector.shape_cast %parallel_loop3A_1072 : vector<1x1x16xf32> to vector<16xf32>
        %parallel_loop3A_1074 = arith.mulf %parallel_loop3A_1073, %parallel_loop3A_1025 : vector<16xf32>
        %parallel_loop3A_1075 = arith.constant 1 : i32
        %parallel_loop3A_1076 = arith.index_cast %parallel_loop3A_1075 : i32 to index
        %parallel_loop3A_1077 = arith.index_cast %parallel_loop3A_1022 : i32 to index
        %parallel_loop3A_1078 = arith.constant 48 : index
        %parallel_loop3A_1079 = tpu.vector_load %arg11[%parallel_loop3A_1076, %parallel_loop3A_1077, %parallel_loop3A_1078] {strides = array<i32>} : memref<2x80x64xf32, #tpu.memory_space<vmem>>, vector<1x1x16xf32>,
        %parallel_loop3A_1080 = vector.shape_cast %parallel_loop3A_1079 : vector<1x1x16xf32> to vector<16xf32>
        %parallel_loop3A_1081 = vector.shape_cast %parallel_loop3A_1074 : vector<16xf32> to vector<1x1x16xf32>
        tpu.vector_store %arg11[%parallel_loop3A_1076, %parallel_loop3A_1077, %parallel_loop3A_1078], %parallel_loop3A_1081 {strides = array<i32>} : memref<2x80x64xf32, #tpu.memory_space<vmem>>, vector<1x1x16xf32>,
        %parallel_loop3A_1082 = arith.constant 14 : i32
        %parallel_loop3A_1083 = arith.addi %parallel_loop3A_223, %parallel_loop3A_1082 : i32
        %parallel_loop3A_1084 = vector.extract_strided_slice %parallel_loop3A_227 {offsets = [14], sizes = [1], strides = [1]} : vector<16xf32> to vector<1xf32>
        %parallel_loop3A_1085 = vector.extract %parallel_loop3A_1084[0] : f32 from vector<1xf32>
        %parallel_loop3A_1086 = vector.broadcast %parallel_loop3A_1085 : f32 to vector<16xf32>
        %parallel_loop3A_1087 = arith.constant 1 : i32
        %parallel_loop3A_1088 = arith.index_cast %parallel_loop3A_1087 : i32 to index
        %parallel_loop3A_1089 = arith.index_cast %parallel_loop3A_1083 : i32 to index
        %parallel_loop3A_1090 = arith.constant 0 : index
        %parallel_loop3A_1091 = tpu.vector_load %arg11[%parallel_loop3A_1088, %parallel_loop3A_1089, %parallel_loop3A_1090] {strides = array<i32>} : memref<2x80x64xf32, #tpu.memory_space<vmem>>, vector<1x1x16xf32>,
        %parallel_loop3A_1092 = vector.shape_cast %parallel_loop3A_1091 : vector<1x1x16xf32> to vector<16xf32>
        %parallel_loop3A_1093 = arith.mulf %parallel_loop3A_1092, %parallel_loop3A_1086 : vector<16xf32>
        %parallel_loop3A_1094 = arith.constant 1 : i32
        %parallel_loop3A_1095 = arith.index_cast %parallel_loop3A_1094 : i32 to index
        %parallel_loop3A_1096 = arith.index_cast %parallel_loop3A_1083 : i32 to index
        %parallel_loop3A_1097 = arith.constant 0 : index
        %parallel_loop3A_1098 = tpu.vector_load %arg11[%parallel_loop3A_1095, %parallel_loop3A_1096, %parallel_loop3A_1097] {strides = array<i32>} : memref<2x80x64xf32, #tpu.memory_space<vmem>>, vector<1x1x16xf32>,
        %parallel_loop3A_1099 = vector.shape_cast %parallel_loop3A_1098 : vector<1x1x16xf32> to vector<16xf32>
        %parallel_loop3A_1100 = vector.shape_cast %parallel_loop3A_1093 : vector<16xf32> to vector<1x1x16xf32>
        tpu.vector_store %arg11[%parallel_loop3A_1095, %parallel_loop3A_1096, %parallel_loop3A_1097], %parallel_loop3A_1100 {strides = array<i32>} : memref<2x80x64xf32, #tpu.memory_space<vmem>>, vector<1x1x16xf32>,
        %parallel_loop3A_1101 = arith.constant 1 : i32
        %parallel_loop3A_1102 = arith.index_cast %parallel_loop3A_1101 : i32 to index
        %parallel_loop3A_1103 = arith.index_cast %parallel_loop3A_1083 : i32 to index
        %parallel_loop3A_1104 = arith.constant 16 : index
        %parallel_loop3A_1105 = tpu.vector_load %arg11[%parallel_loop3A_1102, %parallel_loop3A_1103, %parallel_loop3A_1104] {strides = array<i32>} : memref<2x80x64xf32, #tpu.memory_space<vmem>>, vector<1x1x16xf32>,
        %parallel_loop3A_1106 = vector.shape_cast %parallel_loop3A_1105 : vector<1x1x16xf32> to vector<16xf32>
        %parallel_loop3A_1107 = arith.mulf %parallel_loop3A_1106, %parallel_loop3A_1086 : vector<16xf32>
        %parallel_loop3A_1108 = arith.constant 1 : i32
        %parallel_loop3A_1109 = arith.index_cast %parallel_loop3A_1108 : i32 to index
        %parallel_loop3A_1110 = arith.index_cast %parallel_loop3A_1083 : i32 to index
        %parallel_loop3A_1111 = arith.constant 16 : index
        %parallel_loop3A_1112 = tpu.vector_load %arg11[%parallel_loop3A_1109, %parallel_loop3A_1110, %parallel_loop3A_1111] {strides = array<i32>} : memref<2x80x64xf32, #tpu.memory_space<vmem>>, vector<1x1x16xf32>,
        %parallel_loop3A_1113 = vector.shape_cast %parallel_loop3A_1112 : vector<1x1x16xf32> to vector<16xf32>
        %parallel_loop3A_1114 = vector.shape_cast %parallel_loop3A_1107 : vector<16xf32> to vector<1x1x16xf32>
        tpu.vector_store %arg11[%parallel_loop3A_1109, %parallel_loop3A_1110, %parallel_loop3A_1111], %parallel_loop3A_1114 {strides = array<i32>} : memref<2x80x64xf32, #tpu.memory_space<vmem>>, vector<1x1x16xf32>,
        %parallel_loop3A_1115 = arith.constant 1 : i32
        %parallel_loop3A_1116 = arith.index_cast %parallel_loop3A_1115 : i32 to index
        %parallel_loop3A_1117 = arith.index_cast %parallel_loop3A_1083 : i32 to index
        %parallel_loop3A_1118 = arith.constant 32 : index
        %parallel_loop3A_1119 = tpu.vector_load %arg11[%parallel_loop3A_1116, %parallel_loop3A_1117, %parallel_loop3A_1118] {strides = array<i32>} : memref<2x80x64xf32, #tpu.memory_space<vmem>>, vector<1x1x16xf32>,
        %parallel_loop3A_1120 = vector.shape_cast %parallel_loop3A_1119 : vector<1x1x16xf32> to vector<16xf32>
        %parallel_loop3A_1121 = arith.mulf %parallel_loop3A_1120, %parallel_loop3A_1086 : vector<16xf32>
        %parallel_loop3A_1122 = arith.constant 1 : i32
        %parallel_loop3A_1123 = arith.index_cast %parallel_loop3A_1122 : i32 to index
        %parallel_loop3A_1124 = arith.index_cast %parallel_loop3A_1083 : i32 to index
        %parallel_loop3A_1125 = arith.constant 32 : index
        %parallel_loop3A_1126 = tpu.vector_load %arg11[%parallel_loop3A_1123, %parallel_loop3A_1124, %parallel_loop3A_1125] {strides = array<i32>} : memref<2x80x64xf32, #tpu.memory_space<vmem>>, vector<1x1x16xf32>,
        %parallel_loop3A_1127 = vector.shape_cast %parallel_loop3A_1126 : vector<1x1x16xf32> to vector<16xf32>
        %parallel_loop3A_1128 = vector.shape_cast %parallel_loop3A_1121 : vector<16xf32> to vector<1x1x16xf32>
        tpu.vector_store %arg11[%parallel_loop3A_1123, %parallel_loop3A_1124, %parallel_loop3A_1125], %parallel_loop3A_1128 {strides = array<i32>} : memref<2x80x64xf32, #tpu.memory_space<vmem>>, vector<1x1x16xf32>,
        %parallel_loop3A_1129 = arith.constant 1 : i32
        %parallel_loop3A_1130 = arith.index_cast %parallel_loop3A_1129 : i32 to index
        %parallel_loop3A_1131 = arith.index_cast %parallel_loop3A_1083 : i32 to index
        %parallel_loop3A_1132 = arith.constant 48 : index
        %parallel_loop3A_1133 = tpu.vector_load %arg11[%parallel_loop3A_1130, %parallel_loop3A_1131, %parallel_loop3A_1132] {strides = array<i32>} : memref<2x80x64xf32, #tpu.memory_space<vmem>>, vector<1x1x16xf32>,
        %parallel_loop3A_1134 = vector.shape_cast %parallel_loop3A_1133 : vector<1x1x16xf32> to vector<16xf32>
        %parallel_loop3A_1135 = arith.mulf %parallel_loop3A_1134, %parallel_loop3A_1086 : vector<16xf32>
        %parallel_loop3A_1136 = arith.constant 1 : i32
        %parallel_loop3A_1137 = arith.index_cast %parallel_loop3A_1136 : i32 to index
        %parallel_loop3A_1138 = arith.index_cast %parallel_loop3A_1083 : i32 to index
        %parallel_loop3A_1139 = arith.constant 48 : index
        %parallel_loop3A_1140 = tpu.vector_load %arg11[%parallel_loop3A_1137, %parallel_loop3A_1138, %parallel_loop3A_1139] {strides = array<i32>} : memref<2x80x64xf32, #tpu.memory_space<vmem>>, vector<1x1x16xf32>,
        %parallel_loop3A_1141 = vector.shape_cast %parallel_loop3A_1140 : vector<1x1x16xf32> to vector<16xf32>
        %parallel_loop3A_1142 = vector.shape_cast %parallel_loop3A_1135 : vector<16xf32> to vector<1x1x16xf32>
        tpu.vector_store %arg11[%parallel_loop3A_1137, %parallel_loop3A_1138, %parallel_loop3A_1139], %parallel_loop3A_1142 {strides = array<i32>} : memref<2x80x64xf32, #tpu.memory_space<vmem>>, vector<1x1x16xf32>,
        %parallel_loop3A_1143 = arith.constant 15 : i32
        %parallel_loop3A_1144 = arith.addi %parallel_loop3A_223, %parallel_loop3A_1143 : i32
        %parallel_loop3A_1145 = vector.extract_strided_slice %parallel_loop3A_227 {offsets = [15], sizes = [1], strides = [1]} : vector<16xf32> to vector<1xf32>
        %parallel_loop3A_1146 = vector.extract %parallel_loop3A_1145[0] : f32 from vector<1xf32>
        %parallel_loop3A_1147 = vector.broadcast %parallel_loop3A_1146 : f32 to vector<16xf32>
        %parallel_loop3A_1148 = arith.constant 1 : i32
        %parallel_loop3A_1149 = arith.index_cast %parallel_loop3A_1148 : i32 to index
        %parallel_loop3A_1150 = arith.index_cast %parallel_loop3A_1144 : i32 to index
        %parallel_loop3A_1151 = arith.constant 0 : index
        %parallel_loop3A_1152 = tpu.vector_load %arg11[%parallel_loop3A_1149, %parallel_loop3A_1150, %parallel_loop3A_1151] {strides = array<i32>} : memref<2x80x64xf32, #tpu.memory_space<vmem>>, vector<1x1x16xf32>,
        %parallel_loop3A_1153 = vector.shape_cast %parallel_loop3A_1152 : vector<1x1x16xf32> to vector<16xf32>
        %parallel_loop3A_1154 = arith.mulf %parallel_loop3A_1153, %parallel_loop3A_1147 : vector<16xf32>
        %parallel_loop3A_1155 = arith.constant 1 : i32
        %parallel_loop3A_1156 = arith.index_cast %parallel_loop3A_1155 : i32 to index
        %parallel_loop3A_1157 = arith.index_cast %parallel_loop3A_1144 : i32 to index
        %parallel_loop3A_1158 = arith.constant 0 : index
        %parallel_loop3A_1159 = tpu.vector_load %arg11[%parallel_loop3A_1156, %parallel_loop3A_1157, %parallel_loop3A_1158] {strides = array<i32>} : memref<2x80x64xf32, #tpu.memory_space<vmem>>, vector<1x1x16xf32>,
        %parallel_loop3A_1160 = vector.shape_cast %parallel_loop3A_1159 : vector<1x1x16xf32> to vector<16xf32>
        %parallel_loop3A_1161 = vector.shape_cast %parallel_loop3A_1154 : vector<16xf32> to vector<1x1x16xf32>
        tpu.vector_store %arg11[%parallel_loop3A_1156, %parallel_loop3A_1157, %parallel_loop3A_1158], %parallel_loop3A_1161 {strides = array<i32>} : memref<2x80x64xf32, #tpu.memory_space<vmem>>, vector<1x1x16xf32>,
        %parallel_loop3A_1162 = arith.constant 1 : i32
        %parallel_loop3A_1163 = arith.index_cast %parallel_loop3A_1162 : i32 to index
        %parallel_loop3A_1164 = arith.index_cast %parallel_loop3A_1144 : i32 to index
        %parallel_loop3A_1165 = arith.constant 16 : index
        %parallel_loop3A_1166 = tpu.vector_load %arg11[%parallel_loop3A_1163, %parallel_loop3A_1164, %parallel_loop3A_1165] {strides = array<i32>} : memref<2x80x64xf32, #tpu.memory_space<vmem>>, vector<1x1x16xf32>,
        %parallel_loop3A_1167 = vector.shape_cast %parallel_loop3A_1166 : vector<1x1x16xf32> to vector<16xf32>
        %parallel_loop3A_1168 = arith.mulf %parallel_loop3A_1167, %parallel_loop3A_1147 : vector<16xf32>
        %parallel_loop3A_1169 = arith.constant 1 : i32
        %parallel_loop3A_1170 = arith.index_cast %parallel_loop3A_1169 : i32 to index
        %parallel_loop3A_1171 = arith.index_cast %parallel_loop3A_1144 : i32 to index
        %parallel_loop3A_1172 = arith.constant 16 : index
        %parallel_loop3A_1173 = tpu.vector_load %arg11[%parallel_loop3A_1170, %parallel_loop3A_1171, %parallel_loop3A_1172] {strides = array<i32>} : memref<2x80x64xf32, #tpu.memory_space<vmem>>, vector<1x1x16xf32>,
        %parallel_loop3A_1174 = vector.shape_cast %parallel_loop3A_1173 : vector<1x1x16xf32> to vector<16xf32>
        %parallel_loop3A_1175 = vector.shape_cast %parallel_loop3A_1168 : vector<16xf32> to vector<1x1x16xf32>
        tpu.vector_store %arg11[%parallel_loop3A_1170, %parallel_loop3A_1171, %parallel_loop3A_1172], %parallel_loop3A_1175 {strides = array<i32>} : memref<2x80x64xf32, #tpu.memory_space<vmem>>, vector<1x1x16xf32>,
        %parallel_loop3A_1176 = arith.constant 1 : i32
        %parallel_loop3A_1177 = arith.index_cast %parallel_loop3A_1176 : i32 to index
        %parallel_loop3A_1178 = arith.index_cast %parallel_loop3A_1144 : i32 to index
        %parallel_loop3A_1179 = arith.constant 32 : index
        %parallel_loop3A_1180 = tpu.vector_load %arg11[%parallel_loop3A_1177, %parallel_loop3A_1178, %parallel_loop3A_1179] {strides = array<i32>} : memref<2x80x64xf32, #tpu.memory_space<vmem>>, vector<1x1x16xf32>,
        %parallel_loop3A_1181 = vector.shape_cast %parallel_loop3A_1180 : vector<1x1x16xf32> to vector<16xf32>
        %parallel_loop3A_1182 = arith.mulf %parallel_loop3A_1181, %parallel_loop3A_1147 : vector<16xf32>
        %parallel_loop3A_1183 = arith.constant 1 : i32
        %parallel_loop3A_1184 = arith.index_cast %parallel_loop3A_1183 : i32 to index
        %parallel_loop3A_1185 = arith.index_cast %parallel_loop3A_1144 : i32 to index
        %parallel_loop3A_1186 = arith.constant 32 : index
        %parallel_loop3A_1187 = tpu.vector_load %arg11[%parallel_loop3A_1184, %parallel_loop3A_1185, %parallel_loop3A_1186] {strides = array<i32>} : memref<2x80x64xf32, #tpu.memory_space<vmem>>, vector<1x1x16xf32>,
        %parallel_loop3A_1188 = vector.shape_cast %parallel_loop3A_1187 : vector<1x1x16xf32> to vector<16xf32>
        %parallel_loop3A_1189 = vector.shape_cast %parallel_loop3A_1182 : vector<16xf32> to vector<1x1x16xf32>
        tpu.vector_store %arg11[%parallel_loop3A_1184, %parallel_loop3A_1185, %parallel_loop3A_1186], %parallel_loop3A_1189 {strides = array<i32>} : memref<2x80x64xf32, #tpu.memory_space<vmem>>, vector<1x1x16xf32>,
        %parallel_loop3A_1190 = arith.constant 1 : i32
        %parallel_loop3A_1191 = arith.index_cast %parallel_loop3A_1190 : i32 to index
        %parallel_loop3A_1192 = arith.index_cast %parallel_loop3A_1144 : i32 to index
        %parallel_loop3A_1193 = arith.constant 48 : index
        %parallel_loop3A_1194 = tpu.vector_load %arg11[%parallel_loop3A_1191, %parallel_loop3A_1192, %parallel_loop3A_1193] {strides = array<i32>} : memref<2x80x64xf32, #tpu.memory_space<vmem>>, vector<1x1x16xf32>,
        %parallel_loop3A_1195 = vector.shape_cast %parallel_loop3A_1194 : vector<1x1x16xf32> to vector<16xf32>
        %parallel_loop3A_1196 = arith.mulf %parallel_loop3A_1195, %parallel_loop3A_1147 : vector<16xf32>
        %parallel_loop3A_1197 = arith.constant 1 : i32
        %parallel_loop3A_1198 = arith.index_cast %parallel_loop3A_1197 : i32 to index
        %parallel_loop3A_1199 = arith.index_cast %parallel_loop3A_1144 : i32 to index
        %parallel_loop3A_1200 = arith.constant 48 : index
        %parallel_loop3A_1201 = tpu.vector_load %arg11[%parallel_loop3A_1198, %parallel_loop3A_1199, %parallel_loop3A_1200] {strides = array<i32>} : memref<2x80x64xf32, #tpu.memory_space<vmem>>, vector<1x1x16xf32>,
        %parallel_loop3A_1202 = vector.shape_cast %parallel_loop3A_1201 : vector<1x1x16xf32> to vector<16xf32>
        %parallel_loop3A_1203 = vector.shape_cast %parallel_loop3A_1196 : vector<16xf32> to vector<1x1x16xf32>
        tpu.vector_store %arg11[%parallel_loop3A_1198, %parallel_loop3A_1199, %parallel_loop3A_1200], %parallel_loop3A_1203 {strides = array<i32>} : memref<2x80x64xf32, #tpu.memory_space<vmem>>, vector<1x1x16xf32>,
      } {sc.loop_unroll_factor = 1 : i64, sc.parallel_access}
      %dma_start3A_189 = arith.constant 1 : i32
      %dma_start3A_190 = arith.constant 0 : i32
      %dma_start3A_191 = arith.constant 0 : i32
      %dma_start3A_192 = tpu.memref_slice %arg11[%dma_start3A_189, %dma_start3A_190, %dma_start3A_191] : memref<2x80x64xf32, #tpu.memory_space<vmem>> -> memref<1x80x64xf32, #tpu.memory_space<vmem>>
      %dma_start3A_193 = tpu.memref_squeeze %dma_start3A_192 : memref<1x80x64xf32, #tpu.memory_space<vmem>> -> memref<80x64xf32, #tpu.memory_space<vmem>>
      %dma_start3A_194 = arith.constant 0 : i32
      %dma_start3A_195 = tpu.memref_slice %arg8[%add3A_162, %dma_start3A_194] : memref<250x80xi32, #tpu.memory_space<vmem>> -> memref<1x80xi32, #tpu.memory_space<vmem>>
      %dma_start3A_196 = tpu.memref_squeeze %dma_start3A_195 : memref<1x80xi32, #tpu.memory_space<vmem>> -> memref<80xi32, #tpu.memory_space<vmem>>
      %dma_start3A_197 = arith.constant 0 : i32
      %dma_start3A_198 = arith.constant 0 : i32
      %dma_start3A_199 = tpu.memref_slice %arg15[%dma_start3A_197, %dma_start3A_198] : memref<10000x64xf32, #tpu.memory_space<vmem_shared>> -> memref<10000x64xf32, #tpu.memory_space<vmem_shared>>
      tpu.enqueue_indirect_dma source(%dma_start3A_193 : memref<80x64xf32, #tpu.memory_space<vmem>>) target(%dma_start3A_199 : memref<10000x64xf32, #tpu.memory_space<vmem_shared>>) offsets(%dma_start3A_196 : memref<80xi32, #tpu.memory_space<vmem>>) semaphore(%arg20 : memref<!tpu.dma_semaphore, #tpu.memory_space<semaphore_mem>>) {add = true}
      %jit3A_200 = arith.constant 2 : i32
      %eq3A_201 = arith.constant 0 : i32
      %eq3A_202 = arith.cmpi eq, %jit3A_200, %eq3A_201 : i32
      %jit3A_203 = arith.constant 1 : i32
      %select_n3A_204 = arith.select %eq3A_202, %jit3A_203, %jit3A_200 : i32
      %rem3A_205 = arith.remsi %add3A_162, %select_n3A_204 : i32
      %ne3A_206 = arith.constant 0 : i32
      %ne3A_207 = arith.cmpi ne, %rem3A_205, %ne3A_206 : i32
      %lt3A_208 = arith.constant 0 : i32
      %lt3A_209 = arith.cmpi slt, %rem3A_205, %lt3A_208 : i32
      %lt3A_210 = arith.constant 0 : i32
      %lt3A_211 = arith.cmpi slt, %select_n3A_204, %lt3A_210 : i32
      %ne3A_212 = arith.xori %lt3A_209, %lt3A_211 : i1
      %and3A_213 = arith.andi %ne3A_212, %ne3A_207 : i1
      %add3A_214 = arith.addi %rem3A_205, %select_n3A_204 : i32
      %select_n3A_215 = arith.select %and3A_213, %add3A_214, %rem3A_205 : i32
      %eq3A_216 = arith.cmpi eq, %select_n3A_215, %arg0 : i32
      %convert_element_type3A_217 = arith.extui %eq3A_216 : i1 to i32
      %cond3A_218 = arith.constant 0 : i32
      %cond3A_219 = arith.cmpi ne, %convert_element_type3A_217, %cond3A_218 : i32
      scf.if %cond3A_219 {
        %ge3A_220 = arith.constant 2 : i32
        %ge3A_221 = arith.cmpi sge, %add3A_162, %ge3A_220 : i32
        %convert_element_type3A_222 = arith.extui %ge3A_221 : i1 to i32
        %cond3A_223 = arith.constant 0 : i32
        %cond3A_224 = arith.cmpi ne, %convert_element_type3A_222, %cond3A_223 : i32
        scf.if %cond3A_224 {
          %dma_wait3A_234 = arith.constant 0 : i32
          %dma_wait3A_235 = tpu.memref_slice %arg8[%add3A_162, %dma_wait3A_234] : memref<250x80xi32, #tpu.memory_space<vmem>> -> memref<1x80xi32, #tpu.memory_space<vmem>>
          %dma_wait3A_236 = tpu.memref_squeeze %dma_wait3A_235 : memref<1x80xi32, #tpu.memory_space<vmem>> -> memref<80xi32, #tpu.memory_space<vmem>>
          %dma_wait3A_237 = arith.constant 0 : i32
          %dma_wait3A_238 = arith.constant 0 : i32
          %dma_wait3A_239 = tpu.memref_slice %arg16[%dma_wait3A_237, %dma_wait3A_238] : memref<10000x16xf32, #tpu.memory_space<vmem_shared>> -> memref<10000x16xf32, #tpu.memory_space<vmem_shared>>
          tpu.wait_indirect_dma semaphore(%arg21 : memref<!tpu.dma_semaphore, #tpu.memory_space<semaphore_mem>>) src(%arg12 : memref<80x16xf32, #tpu.memory_space<vmem>>) dst(%dma_wait3A_239 : memref<10000x16xf32, #tpu.memory_space<vmem_shared>>)
        } else {
        }
        %parallel_loop3A_225 = arith.constant 0 : i32
        %parallel_loop3A_226 = arith.constant 5 : i32
        %parallel_loop3A_227 = arith.constant 1 : i32
        scf.for %parallel_loop3A_234 = %parallel_loop3A_225 to %parallel_loop3A_226 step %parallel_loop3A_227  : i32 {
          %parallel_loop3A_235 = arith.constant 16 : i32
          %parallel_loop3A_236 = arith.muli %parallel_loop3A_234, %parallel_loop3A_235 : i32
          %parallel_loop3A_237 = tpu.assume_multiple %parallel_loop3A_236, 16 : i32
          %parallel_loop3A_238 = arith.index_cast %add3A_162 : i32 to index
          %parallel_loop3A_239 = arith.index_cast %parallel_loop3A_237 : i32 to index
          %parallel_loop3A_240 = tpu.vector_load %arg10[%parallel_loop3A_238, %parallel_loop3A_239] {strides = array<i32>} : memref<250x80xf32, #tpu.memory_space<vmem>>, vector<1x16xf32>,
          %parallel_loop3A_241 = vector.shape_cast %parallel_loop3A_240 : vector<1x16xf32> to vector<16xf32>
          %parallel_loop3A_242 = tpu.iota {dimensions = array<i32: 0>} : vector<16xi32>
          %parallel_loop3A_243 = vector.extract_strided_slice %parallel_loop3A_241 {offsets = [0], sizes = [1], strides = [1]} : vector<16xf32> to vector<1xf32>
          %parallel_loop3A_244 = vector.extract %parallel_loop3A_243[0] : f32 from vector<1xf32>
          %parallel_loop3A_245 = vector.broadcast %parallel_loop3A_244 : f32 to vector<16xf32>
          %parallel_loop3A_246 = arith.constant 0 : i32
          %parallel_loop3A_247 = vector.broadcast %parallel_loop3A_246 : i32 to vector<16xi32>
          %parallel_loop3A_248 = arith.cmpi eq, %parallel_loop3A_242, %parallel_loop3A_247 : vector<16xi32>
          %parallel_loop3A_249 = arith.constant 1 : i32
          %parallel_loop3A_250 = vector.broadcast %parallel_loop3A_249 : i32 to vector<16xi32>
          %parallel_loop3A_251 = arith.cmpi eq, %parallel_loop3A_242, %parallel_loop3A_250 : vector<16xi32>
          %parallel_loop3A_252 = arith.constant 1.000000e+00 : f32
          %parallel_loop3A_253 = arith.constant 0.000000e+00 : f32
          %parallel_loop3A_254 = vector.broadcast %parallel_loop3A_252 : f32 to vector<16xf32>
          %parallel_loop3A_255 = vector.broadcast %parallel_loop3A_253 : f32 to vector<16xf32>
          %parallel_loop3A_256 = arith.select %parallel_loop3A_251, %parallel_loop3A_254, %parallel_loop3A_255 : vector<16xi1>, vector<16xf32>
          %parallel_loop3A_257 = arith.select %parallel_loop3A_248, %parallel_loop3A_245, %parallel_loop3A_256 : vector<16xi1>, vector<16xf32>
          %parallel_loop3A_258 = arith.constant 0 : i32
          %parallel_loop3A_259 = arith.addi %parallel_loop3A_237, %parallel_loop3A_258 : i32
          %parallel_loop3A_260 = arith.index_cast %parallel_loop3A_259 : i32 to index
          %parallel_loop3A_261 = arith.constant 0 : index
          %parallel_loop3A_262 = tpu.vector_load %arg12[%parallel_loop3A_260, %parallel_loop3A_261] {strides = array<i32>} : memref<80x16xf32, #tpu.memory_space<vmem>>, vector<1x16xf32>,
          %parallel_loop3A_263 = vector.shape_cast %parallel_loop3A_262 : vector<1x16xf32> to vector<16xf32>
          %parallel_loop3A_264 = vector.shape_cast %parallel_loop3A_257 : vector<16xf32> to vector<1x16xf32>
          tpu.vector_store %arg12[%parallel_loop3A_260, %parallel_loop3A_261], %parallel_loop3A_264 {strides = array<i32>} : memref<80x16xf32, #tpu.memory_space<vmem>>, vector<1x16xf32>,
          %parallel_loop3A_265 = vector.extract_strided_slice %parallel_loop3A_241 {offsets = [1], sizes = [1], strides = [1]} : vector<16xf32> to vector<1xf32>
          %parallel_loop3A_266 = vector.extract %parallel_loop3A_265[0] : f32 from vector<1xf32>
          %parallel_loop3A_267 = vector.broadcast %parallel_loop3A_266 : f32 to vector<16xf32>
          %parallel_loop3A_268 = arith.constant 0 : i32
          %parallel_loop3A_269 = vector.broadcast %parallel_loop3A_268 : i32 to vector<16xi32>
          %parallel_loop3A_270 = arith.cmpi eq, %parallel_loop3A_242, %parallel_loop3A_269 : vector<16xi32>
          %parallel_loop3A_271 = arith.constant 1 : i32
          %parallel_loop3A_272 = vector.broadcast %parallel_loop3A_271 : i32 to vector<16xi32>
          %parallel_loop3A_273 = arith.cmpi eq, %parallel_loop3A_242, %parallel_loop3A_272 : vector<16xi32>
          %parallel_loop3A_274 = arith.constant 1.000000e+00 : f32
          %parallel_loop3A_275 = arith.constant 0.000000e+00 : f32
          %parallel_loop3A_276 = vector.broadcast %parallel_loop3A_274 : f32 to vector<16xf32>
          %parallel_loop3A_277 = vector.broadcast %parallel_loop3A_275 : f32 to vector<16xf32>
          %parallel_loop3A_278 = arith.select %parallel_loop3A_273, %parallel_loop3A_276, %parallel_loop3A_277 : vector<16xi1>, vector<16xf32>
          %parallel_loop3A_279 = arith.select %parallel_loop3A_270, %parallel_loop3A_267, %parallel_loop3A_278 : vector<16xi1>, vector<16xf32>
          %parallel_loop3A_280 = arith.constant 1 : i32
          %parallel_loop3A_281 = arith.addi %parallel_loop3A_237, %parallel_loop3A_280 : i32
          %parallel_loop3A_282 = arith.index_cast %parallel_loop3A_281 : i32 to index
          %parallel_loop3A_283 = arith.constant 0 : index
          %parallel_loop3A_284 = tpu.vector_load %arg12[%parallel_loop3A_282, %parallel_loop3A_283] {strides = array<i32>} : memref<80x16xf32, #tpu.memory_space<vmem>>, vector<1x16xf32>,
          %parallel_loop3A_285 = vector.shape_cast %parallel_loop3A_284 : vector<1x16xf32> to vector<16xf32>
          %parallel_loop3A_286 = vector.shape_cast %parallel_loop3A_279 : vector<16xf32> to vector<1x16xf32>
          tpu.vector_store %arg12[%parallel_loop3A_282, %parallel_loop3A_283], %parallel_loop3A_286 {strides = array<i32>} : memref<80x16xf32, #tpu.memory_space<vmem>>, vector<1x16xf32>,
          %parallel_loop3A_287 = vector.extract_strided_slice %parallel_loop3A_241 {offsets = [2], sizes = [1], strides = [1]} : vector<16xf32> to vector<1xf32>
          %parallel_loop3A_288 = vector.extract %parallel_loop3A_287[0] : f32 from vector<1xf32>
          %parallel_loop3A_289 = vector.broadcast %parallel_loop3A_288 : f32 to vector<16xf32>
          %parallel_loop3A_290 = arith.constant 0 : i32
          %parallel_loop3A_291 = vector.broadcast %parallel_loop3A_290 : i32 to vector<16xi32>
          %parallel_loop3A_292 = arith.cmpi eq, %parallel_loop3A_242, %parallel_loop3A_291 : vector<16xi32>
          %parallel_loop3A_293 = arith.constant 1 : i32
          %parallel_loop3A_294 = vector.broadcast %parallel_loop3A_293 : i32 to vector<16xi32>
          %parallel_loop3A_295 = arith.cmpi eq, %parallel_loop3A_242, %parallel_loop3A_294 : vector<16xi32>
          %parallel_loop3A_296 = arith.constant 1.000000e+00 : f32
          %parallel_loop3A_297 = arith.constant 0.000000e+00 : f32
          %parallel_loop3A_298 = vector.broadcast %parallel_loop3A_296 : f32 to vector<16xf32>
          %parallel_loop3A_299 = vector.broadcast %parallel_loop3A_297 : f32 to vector<16xf32>
          %parallel_loop3A_300 = arith.select %parallel_loop3A_295, %parallel_loop3A_298, %parallel_loop3A_299 : vector<16xi1>, vector<16xf32>
          %parallel_loop3A_301 = arith.select %parallel_loop3A_292, %parallel_loop3A_289, %parallel_loop3A_300 : vector<16xi1>, vector<16xf32>
          %parallel_loop3A_302 = arith.constant 2 : i32
          %parallel_loop3A_303 = arith.addi %parallel_loop3A_237, %parallel_loop3A_302 : i32
          %parallel_loop3A_304 = arith.index_cast %parallel_loop3A_303 : i32 to index
          %parallel_loop3A_305 = arith.constant 0 : index
          %parallel_loop3A_306 = tpu.vector_load %arg12[%parallel_loop3A_304, %parallel_loop3A_305] {strides = array<i32>} : memref<80x16xf32, #tpu.memory_space<vmem>>, vector<1x16xf32>,
          %parallel_loop3A_307 = vector.shape_cast %parallel_loop3A_306 : vector<1x16xf32> to vector<16xf32>
          %parallel_loop3A_308 = vector.shape_cast %parallel_loop3A_301 : vector<16xf32> to vector<1x16xf32>
          tpu.vector_store %arg12[%parallel_loop3A_304, %parallel_loop3A_305], %parallel_loop3A_308 {strides = array<i32>} : memref<80x16xf32, #tpu.memory_space<vmem>>, vector<1x16xf32>,
          %parallel_loop3A_309 = vector.extract_strided_slice %parallel_loop3A_241 {offsets = [3], sizes = [1], strides = [1]} : vector<16xf32> to vector<1xf32>
          %parallel_loop3A_310 = vector.extract %parallel_loop3A_309[0] : f32 from vector<1xf32>
          %parallel_loop3A_311 = vector.broadcast %parallel_loop3A_310 : f32 to vector<16xf32>
          %parallel_loop3A_312 = arith.constant 0 : i32
          %parallel_loop3A_313 = vector.broadcast %parallel_loop3A_312 : i32 to vector<16xi32>
          %parallel_loop3A_314 = arith.cmpi eq, %parallel_loop3A_242, %parallel_loop3A_313 : vector<16xi32>
          %parallel_loop3A_315 = arith.constant 1 : i32
          %parallel_loop3A_316 = vector.broadcast %parallel_loop3A_315 : i32 to vector<16xi32>
          %parallel_loop3A_317 = arith.cmpi eq, %parallel_loop3A_242, %parallel_loop3A_316 : vector<16xi32>
          %parallel_loop3A_318 = arith.constant 1.000000e+00 : f32
          %parallel_loop3A_319 = arith.constant 0.000000e+00 : f32
          %parallel_loop3A_320 = vector.broadcast %parallel_loop3A_318 : f32 to vector<16xf32>
          %parallel_loop3A_321 = vector.broadcast %parallel_loop3A_319 : f32 to vector<16xf32>
          %parallel_loop3A_322 = arith.select %parallel_loop3A_317, %parallel_loop3A_320, %parallel_loop3A_321 : vector<16xi1>, vector<16xf32>
          %parallel_loop3A_323 = arith.select %parallel_loop3A_314, %parallel_loop3A_311, %parallel_loop3A_322 : vector<16xi1>, vector<16xf32>
          %parallel_loop3A_324 = arith.constant 3 : i32
          %parallel_loop3A_325 = arith.addi %parallel_loop3A_237, %parallel_loop3A_324 : i32
          %parallel_loop3A_326 = arith.index_cast %parallel_loop3A_325 : i32 to index
          %parallel_loop3A_327 = arith.constant 0 : index
          %parallel_loop3A_328 = tpu.vector_load %arg12[%parallel_loop3A_326, %parallel_loop3A_327] {strides = array<i32>} : memref<80x16xf32, #tpu.memory_space<vmem>>, vector<1x16xf32>,
          %parallel_loop3A_329 = vector.shape_cast %parallel_loop3A_328 : vector<1x16xf32> to vector<16xf32>
          %parallel_loop3A_330 = vector.shape_cast %parallel_loop3A_323 : vector<16xf32> to vector<1x16xf32>
          tpu.vector_store %arg12[%parallel_loop3A_326, %parallel_loop3A_327], %parallel_loop3A_330 {strides = array<i32>} : memref<80x16xf32, #tpu.memory_space<vmem>>, vector<1x16xf32>,
          %parallel_loop3A_331 = vector.extract_strided_slice %parallel_loop3A_241 {offsets = [4], sizes = [1], strides = [1]} : vector<16xf32> to vector<1xf32>
          %parallel_loop3A_332 = vector.extract %parallel_loop3A_331[0] : f32 from vector<1xf32>
          %parallel_loop3A_333 = vector.broadcast %parallel_loop3A_332 : f32 to vector<16xf32>
          %parallel_loop3A_334 = arith.constant 0 : i32
          %parallel_loop3A_335 = vector.broadcast %parallel_loop3A_334 : i32 to vector<16xi32>
          %parallel_loop3A_336 = arith.cmpi eq, %parallel_loop3A_242, %parallel_loop3A_335 : vector<16xi32>
          %parallel_loop3A_337 = arith.constant 1 : i32
          %parallel_loop3A_338 = vector.broadcast %parallel_loop3A_337 : i32 to vector<16xi32>
          %parallel_loop3A_339 = arith.cmpi eq, %parallel_loop3A_242, %parallel_loop3A_338 : vector<16xi32>
          %parallel_loop3A_340 = arith.constant 1.000000e+00 : f32
          %parallel_loop3A_341 = arith.constant 0.000000e+00 : f32
          %parallel_loop3A_342 = vector.broadcast %parallel_loop3A_340 : f32 to vector<16xf32>
          %parallel_loop3A_343 = vector.broadcast %parallel_loop3A_341 : f32 to vector<16xf32>
          %parallel_loop3A_344 = arith.select %parallel_loop3A_339, %parallel_loop3A_342, %parallel_loop3A_343 : vector<16xi1>, vector<16xf32>
          %parallel_loop3A_345 = arith.select %parallel_loop3A_336, %parallel_loop3A_333, %parallel_loop3A_344 : vector<16xi1>, vector<16xf32>
          %parallel_loop3A_346 = arith.constant 4 : i32
          %parallel_loop3A_347 = arith.addi %parallel_loop3A_237, %parallel_loop3A_346 : i32
          %parallel_loop3A_348 = arith.index_cast %parallel_loop3A_347 : i32 to index
          %parallel_loop3A_349 = arith.constant 0 : index
          %parallel_loop3A_350 = tpu.vector_load %arg12[%parallel_loop3A_348, %parallel_loop3A_349] {strides = array<i32>} : memref<80x16xf32, #tpu.memory_space<vmem>>, vector<1x16xf32>,
          %parallel_loop3A_351 = vector.shape_cast %parallel_loop3A_350 : vector<1x16xf32> to vector<16xf32>
          %parallel_loop3A_352 = vector.shape_cast %parallel_loop3A_345 : vector<16xf32> to vector<1x16xf32>
          tpu.vector_store %arg12[%parallel_loop3A_348, %parallel_loop3A_349], %parallel_loop3A_352 {strides = array<i32>} : memref<80x16xf32, #tpu.memory_space<vmem>>, vector<1x16xf32>,
          %parallel_loop3A_353 = vector.extract_strided_slice %parallel_loop3A_241 {offsets = [5], sizes = [1], strides = [1]} : vector<16xf32> to vector<1xf32>
          %parallel_loop3A_354 = vector.extract %parallel_loop3A_353[0] : f32 from vector<1xf32>
          %parallel_loop3A_355 = vector.broadcast %parallel_loop3A_354 : f32 to vector<16xf32>
          %parallel_loop3A_356 = arith.constant 0 : i32
          %parallel_loop3A_357 = vector.broadcast %parallel_loop3A_356 : i32 to vector<16xi32>
          %parallel_loop3A_358 = arith.cmpi eq, %parallel_loop3A_242, %parallel_loop3A_357 : vector<16xi32>
          %parallel_loop3A_359 = arith.constant 1 : i32
          %parallel_loop3A_360 = vector.broadcast %parallel_loop3A_359 : i32 to vector<16xi32>
          %parallel_loop3A_361 = arith.cmpi eq, %parallel_loop3A_242, %parallel_loop3A_360 : vector<16xi32>
          %parallel_loop3A_362 = arith.constant 1.000000e+00 : f32
          %parallel_loop3A_363 = arith.constant 0.000000e+00 : f32
          %parallel_loop3A_364 = vector.broadcast %parallel_loop3A_362 : f32 to vector<16xf32>
          %parallel_loop3A_365 = vector.broadcast %parallel_loop3A_363 : f32 to vector<16xf32>
          %parallel_loop3A_366 = arith.select %parallel_loop3A_361, %parallel_loop3A_364, %parallel_loop3A_365 : vector<16xi1>, vector<16xf32>
          %parallel_loop3A_367 = arith.select %parallel_loop3A_358, %parallel_loop3A_355, %parallel_loop3A_366 : vector<16xi1>, vector<16xf32>
          %parallel_loop3A_368 = arith.constant 5 : i32
          %parallel_loop3A_369 = arith.addi %parallel_loop3A_237, %parallel_loop3A_368 : i32
          %parallel_loop3A_370 = arith.index_cast %parallel_loop3A_369 : i32 to index
          %parallel_loop3A_371 = arith.constant 0 : index
          %parallel_loop3A_372 = tpu.vector_load %arg12[%parallel_loop3A_370, %parallel_loop3A_371] {strides = array<i32>} : memref<80x16xf32, #tpu.memory_space<vmem>>, vector<1x16xf32>,
          %parallel_loop3A_373 = vector.shape_cast %parallel_loop3A_372 : vector<1x16xf32> to vector<16xf32>
          %parallel_loop3A_374 = vector.shape_cast %parallel_loop3A_367 : vector<16xf32> to vector<1x16xf32>
          tpu.vector_store %arg12[%parallel_loop3A_370, %parallel_loop3A_371], %parallel_loop3A_374 {strides = array<i32>} : memref<80x16xf32, #tpu.memory_space<vmem>>, vector<1x16xf32>,
          %parallel_loop3A_375 = vector.extract_strided_slice %parallel_loop3A_241 {offsets = [6], sizes = [1], strides = [1]} : vector<16xf32> to vector<1xf32>
          %parallel_loop3A_376 = vector.extract %parallel_loop3A_375[0] : f32 from vector<1xf32>
          %parallel_loop3A_377 = vector.broadcast %parallel_loop3A_376 : f32 to vector<16xf32>
          %parallel_loop3A_378 = arith.constant 0 : i32
          %parallel_loop3A_379 = vector.broadcast %parallel_loop3A_378 : i32 to vector<16xi32>
          %parallel_loop3A_380 = arith.cmpi eq, %parallel_loop3A_242, %parallel_loop3A_379 : vector<16xi32>
          %parallel_loop3A_381 = arith.constant 1 : i32
          %parallel_loop3A_382 = vector.broadcast %parallel_loop3A_381 : i32 to vector<16xi32>
          %parallel_loop3A_383 = arith.cmpi eq, %parallel_loop3A_242, %parallel_loop3A_382 : vector<16xi32>
          %parallel_loop3A_384 = arith.constant 1.000000e+00 : f32
          %parallel_loop3A_385 = arith.constant 0.000000e+00 : f32
          %parallel_loop3A_386 = vector.broadcast %parallel_loop3A_384 : f32 to vector<16xf32>
          %parallel_loop3A_387 = vector.broadcast %parallel_loop3A_385 : f32 to vector<16xf32>
          %parallel_loop3A_388 = arith.select %parallel_loop3A_383, %parallel_loop3A_386, %parallel_loop3A_387 : vector<16xi1>, vector<16xf32>
          %parallel_loop3A_389 = arith.select %parallel_loop3A_380, %parallel_loop3A_377, %parallel_loop3A_388 : vector<16xi1>, vector<16xf32>
          %parallel_loop3A_390 = arith.constant 6 : i32
          %parallel_loop3A_391 = arith.addi %parallel_loop3A_237, %parallel_loop3A_390 : i32
          %parallel_loop3A_392 = arith.index_cast %parallel_loop3A_391 : i32 to index
          %parallel_loop3A_393 = arith.constant 0 : index
          %parallel_loop3A_394 = tpu.vector_load %arg12[%parallel_loop3A_392, %parallel_loop3A_393] {strides = array<i32>} : memref<80x16xf32, #tpu.memory_space<vmem>>, vector<1x16xf32>,
          %parallel_loop3A_395 = vector.shape_cast %parallel_loop3A_394 : vector<1x16xf32> to vector<16xf32>
          %parallel_loop3A_396 = vector.shape_cast %parallel_loop3A_389 : vector<16xf32> to vector<1x16xf32>
          tpu.vector_store %arg12[%parallel_loop3A_392, %parallel_loop3A_393], %parallel_loop3A_396 {strides = array<i32>} : memref<80x16xf32, #tpu.memory_space<vmem>>, vector<1x16xf32>,
          %parallel_loop3A_397 = vector.extract_strided_slice %parallel_loop3A_241 {offsets = [7], sizes = [1], strides = [1]} : vector<16xf32> to vector<1xf32>
          %parallel_loop3A_398 = vector.extract %parallel_loop3A_397[0] : f32 from vector<1xf32>
          %parallel_loop3A_399 = vector.broadcast %parallel_loop3A_398 : f32 to vector<16xf32>
          %parallel_loop3A_400 = arith.constant 0 : i32
          %parallel_loop3A_401 = vector.broadcast %parallel_loop3A_400 : i32 to vector<16xi32>
          %parallel_loop3A_402 = arith.cmpi eq, %parallel_loop3A_242, %parallel_loop3A_401 : vector<16xi32>
          %parallel_loop3A_403 = arith.constant 1 : i32
          %parallel_loop3A_404 = vector.broadcast %parallel_loop3A_403 : i32 to vector<16xi32>
          %parallel_loop3A_405 = arith.cmpi eq, %parallel_loop3A_242, %parallel_loop3A_404 : vector<16xi32>
          %parallel_loop3A_406 = arith.constant 1.000000e+00 : f32
          %parallel_loop3A_407 = arith.constant 0.000000e+00 : f32
          %parallel_loop3A_408 = vector.broadcast %parallel_loop3A_406 : f32 to vector<16xf32>
          %parallel_loop3A_409 = vector.broadcast %parallel_loop3A_407 : f32 to vector<16xf32>
          %parallel_loop3A_410 = arith.select %parallel_loop3A_405, %parallel_loop3A_408, %parallel_loop3A_409 : vector<16xi1>, vector<16xf32>
          %parallel_loop3A_411 = arith.select %parallel_loop3A_402, %parallel_loop3A_399, %parallel_loop3A_410 : vector<16xi1>, vector<16xf32>
          %parallel_loop3A_412 = arith.constant 7 : i32
          %parallel_loop3A_413 = arith.addi %parallel_loop3A_237, %parallel_loop3A_412 : i32
          %parallel_loop3A_414 = arith.index_cast %parallel_loop3A_413 : i32 to index
          %parallel_loop3A_415 = arith.constant 0 : index
          %parallel_loop3A_416 = tpu.vector_load %arg12[%parallel_loop3A_414, %parallel_loop3A_415] {strides = array<i32>} : memref<80x16xf32, #tpu.memory_space<vmem>>, vector<1x16xf32>,
          %parallel_loop3A_417 = vector.shape_cast %parallel_loop3A_416 : vector<1x16xf32> to vector<16xf32>
          %parallel_loop3A_418 = vector.shape_cast %parallel_loop3A_411 : vector<16xf32> to vector<1x16xf32>
          tpu.vector_store %arg12[%parallel_loop3A_414, %parallel_loop3A_415], %parallel_loop3A_418 {strides = array<i32>} : memref<80x16xf32, #tpu.memory_space<vmem>>, vector<1x16xf32>,
          %parallel_loop3A_419 = vector.extract_strided_slice %parallel_loop3A_241 {offsets = [8], sizes = [1], strides = [1]} : vector<16xf32> to vector<1xf32>
          %parallel_loop3A_420 = vector.extract %parallel_loop3A_419[0] : f32 from vector<1xf32>
          %parallel_loop3A_421 = vector.broadcast %parallel_loop3A_420 : f32 to vector<16xf32>
          %parallel_loop3A_422 = arith.constant 0 : i32
          %parallel_loop3A_423 = vector.broadcast %parallel_loop3A_422 : i32 to vector<16xi32>
          %parallel_loop3A_424 = arith.cmpi eq, %parallel_loop3A_242, %parallel_loop3A_423 : vector<16xi32>
          %parallel_loop3A_425 = arith.constant 1 : i32
          %parallel_loop3A_426 = vector.broadcast %parallel_loop3A_425 : i32 to vector<16xi32>
          %parallel_loop3A_427 = arith.cmpi eq, %parallel_loop3A_242, %parallel_loop3A_426 : vector<16xi32>
          %parallel_loop3A_428 = arith.constant 1.000000e+00 : f32
          %parallel_loop3A_429 = arith.constant 0.000000e+00 : f32
          %parallel_loop3A_430 = vector.broadcast %parallel_loop3A_428 : f32 to vector<16xf32>
          %parallel_loop3A_431 = vector.broadcast %parallel_loop3A_429 : f32 to vector<16xf32>
          %parallel_loop3A_432 = arith.select %parallel_loop3A_427, %parallel_loop3A_430, %parallel_loop3A_431 : vector<16xi1>, vector<16xf32>
          %parallel_loop3A_433 = arith.select %parallel_loop3A_424, %parallel_loop3A_421, %parallel_loop3A_432 : vector<16xi1>, vector<16xf32>
          %parallel_loop3A_434 = arith.constant 8 : i32
          %parallel_loop3A_435 = arith.addi %parallel_loop3A_237, %parallel_loop3A_434 : i32
          %parallel_loop3A_436 = arith.index_cast %parallel_loop3A_435 : i32 to index
          %parallel_loop3A_437 = arith.constant 0 : index
          %parallel_loop3A_438 = tpu.vector_load %arg12[%parallel_loop3A_436, %parallel_loop3A_437] {strides = array<i32>} : memref<80x16xf32, #tpu.memory_space<vmem>>, vector<1x16xf32>,
          %parallel_loop3A_439 = vector.shape_cast %parallel_loop3A_438 : vector<1x16xf32> to vector<16xf32>
          %parallel_loop3A_440 = vector.shape_cast %parallel_loop3A_433 : vector<16xf32> to vector<1x16xf32>
          tpu.vector_store %arg12[%parallel_loop3A_436, %parallel_loop3A_437], %parallel_loop3A_440 {strides = array<i32>} : memref<80x16xf32, #tpu.memory_space<vmem>>, vector<1x16xf32>,
          %parallel_loop3A_441 = vector.extract_strided_slice %parallel_loop3A_241 {offsets = [9], sizes = [1], strides = [1]} : vector<16xf32> to vector<1xf32>
          %parallel_loop3A_442 = vector.extract %parallel_loop3A_441[0] : f32 from vector<1xf32>
          %parallel_loop3A_443 = vector.broadcast %parallel_loop3A_442 : f32 to vector<16xf32>
          %parallel_loop3A_444 = arith.constant 0 : i32
          %parallel_loop3A_445 = vector.broadcast %parallel_loop3A_444 : i32 to vector<16xi32>
          %parallel_loop3A_446 = arith.cmpi eq, %parallel_loop3A_242, %parallel_loop3A_445 : vector<16xi32>
          %parallel_loop3A_447 = arith.constant 1 : i32
          %parallel_loop3A_448 = vector.broadcast %parallel_loop3A_447 : i32 to vector<16xi32>
          %parallel_loop3A_449 = arith.cmpi eq, %parallel_loop3A_242, %parallel_loop3A_448 : vector<16xi32>
          %parallel_loop3A_450 = arith.constant 1.000000e+00 : f32
          %parallel_loop3A_451 = arith.constant 0.000000e+00 : f32
          %parallel_loop3A_452 = vector.broadcast %parallel_loop3A_450 : f32 to vector<16xf32>
          %parallel_loop3A_453 = vector.broadcast %parallel_loop3A_451 : f32 to vector<16xf32>
          %parallel_loop3A_454 = arith.select %parallel_loop3A_449, %parallel_loop3A_452, %parallel_loop3A_453 : vector<16xi1>, vector<16xf32>
          %parallel_loop3A_455 = arith.select %parallel_loop3A_446, %parallel_loop3A_443, %parallel_loop3A_454 : vector<16xi1>, vector<16xf32>
          %parallel_loop3A_456 = arith.constant 9 : i32
          %parallel_loop3A_457 = arith.addi %parallel_loop3A_237, %parallel_loop3A_456 : i32
          %parallel_loop3A_458 = arith.index_cast %parallel_loop3A_457 : i32 to index
          %parallel_loop3A_459 = arith.constant 0 : index
          %parallel_loop3A_460 = tpu.vector_load %arg12[%parallel_loop3A_458, %parallel_loop3A_459] {strides = array<i32>} : memref<80x16xf32, #tpu.memory_space<vmem>>, vector<1x16xf32>,
          %parallel_loop3A_461 = vector.shape_cast %parallel_loop3A_460 : vector<1x16xf32> to vector<16xf32>
          %parallel_loop3A_462 = vector.shape_cast %parallel_loop3A_455 : vector<16xf32> to vector<1x16xf32>
          tpu.vector_store %arg12[%parallel_loop3A_458, %parallel_loop3A_459], %parallel_loop3A_462 {strides = array<i32>} : memref<80x16xf32, #tpu.memory_space<vmem>>, vector<1x16xf32>,
          %parallel_loop3A_463 = vector.extract_strided_slice %parallel_loop3A_241 {offsets = [10], sizes = [1], strides = [1]} : vector<16xf32> to vector<1xf32>
          %parallel_loop3A_464 = vector.extract %parallel_loop3A_463[0] : f32 from vector<1xf32>
          %parallel_loop3A_465 = vector.broadcast %parallel_loop3A_464 : f32 to vector<16xf32>
          %parallel_loop3A_466 = arith.constant 0 : i32
          %parallel_loop3A_467 = vector.broadcast %parallel_loop3A_466 : i32 to vector<16xi32>
          %parallel_loop3A_468 = arith.cmpi eq, %parallel_loop3A_242, %parallel_loop3A_467 : vector<16xi32>
          %parallel_loop3A_469 = arith.constant 1 : i32
          %parallel_loop3A_470 = vector.broadcast %parallel_loop3A_469 : i32 to vector<16xi32>
          %parallel_loop3A_471 = arith.cmpi eq, %parallel_loop3A_242, %parallel_loop3A_470 : vector<16xi32>
          %parallel_loop3A_472 = arith.constant 1.000000e+00 : f32
          %parallel_loop3A_473 = arith.constant 0.000000e+00 : f32
          %parallel_loop3A_474 = vector.broadcast %parallel_loop3A_472 : f32 to vector<16xf32>
          %parallel_loop3A_475 = vector.broadcast %parallel_loop3A_473 : f32 to vector<16xf32>
          %parallel_loop3A_476 = arith.select %parallel_loop3A_471, %parallel_loop3A_474, %parallel_loop3A_475 : vector<16xi1>, vector<16xf32>
          %parallel_loop3A_477 = arith.select %parallel_loop3A_468, %parallel_loop3A_465, %parallel_loop3A_476 : vector<16xi1>, vector<16xf32>
          %parallel_loop3A_478 = arith.constant 10 : i32
          %parallel_loop3A_479 = arith.addi %parallel_loop3A_237, %parallel_loop3A_478 : i32
          %parallel_loop3A_480 = arith.index_cast %parallel_loop3A_479 : i32 to index
          %parallel_loop3A_481 = arith.constant 0 : index
          %parallel_loop3A_482 = tpu.vector_load %arg12[%parallel_loop3A_480, %parallel_loop3A_481] {strides = array<i32>} : memref<80x16xf32, #tpu.memory_space<vmem>>, vector<1x16xf32>,
          %parallel_loop3A_483 = vector.shape_cast %parallel_loop3A_482 : vector<1x16xf32> to vector<16xf32>
          %parallel_loop3A_484 = vector.shape_cast %parallel_loop3A_477 : vector<16xf32> to vector<1x16xf32>
          tpu.vector_store %arg12[%parallel_loop3A_480, %parallel_loop3A_481], %parallel_loop3A_484 {strides = array<i32>} : memref<80x16xf32, #tpu.memory_space<vmem>>, vector<1x16xf32>,
          %parallel_loop3A_485 = vector.extract_strided_slice %parallel_loop3A_241 {offsets = [11], sizes = [1], strides = [1]} : vector<16xf32> to vector<1xf32>
          %parallel_loop3A_486 = vector.extract %parallel_loop3A_485[0] : f32 from vector<1xf32>
          %parallel_loop3A_487 = vector.broadcast %parallel_loop3A_486 : f32 to vector<16xf32>
          %parallel_loop3A_488 = arith.constant 0 : i32
          %parallel_loop3A_489 = vector.broadcast %parallel_loop3A_488 : i32 to vector<16xi32>
          %parallel_loop3A_490 = arith.cmpi eq, %parallel_loop3A_242, %parallel_loop3A_489 : vector<16xi32>
          %parallel_loop3A_491 = arith.constant 1 : i32
          %parallel_loop3A_492 = vector.broadcast %parallel_loop3A_491 : i32 to vector<16xi32>
          %parallel_loop3A_493 = arith.cmpi eq, %parallel_loop3A_242, %parallel_loop3A_492 : vector<16xi32>
          %parallel_loop3A_494 = arith.constant 1.000000e+00 : f32
          %parallel_loop3A_495 = arith.constant 0.000000e+00 : f32
          %parallel_loop3A_496 = vector.broadcast %parallel_loop3A_494 : f32 to vector<16xf32>
          %parallel_loop3A_497 = vector.broadcast %parallel_loop3A_495 : f32 to vector<16xf32>
          %parallel_loop3A_498 = arith.select %parallel_loop3A_493, %parallel_loop3A_496, %parallel_loop3A_497 : vector<16xi1>, vector<16xf32>
          %parallel_loop3A_499 = arith.select %parallel_loop3A_490, %parallel_loop3A_487, %parallel_loop3A_498 : vector<16xi1>, vector<16xf32>
          %parallel_loop3A_500 = arith.constant 11 : i32
          %parallel_loop3A_501 = arith.addi %parallel_loop3A_237, %parallel_loop3A_500 : i32
          %parallel_loop3A_502 = arith.index_cast %parallel_loop3A_501 : i32 to index
          %parallel_loop3A_503 = arith.constant 0 : index
          %parallel_loop3A_504 = tpu.vector_load %arg12[%parallel_loop3A_502, %parallel_loop3A_503] {strides = array<i32>} : memref<80x16xf32, #tpu.memory_space<vmem>>, vector<1x16xf32>,
          %parallel_loop3A_505 = vector.shape_cast %parallel_loop3A_504 : vector<1x16xf32> to vector<16xf32>
          %parallel_loop3A_506 = vector.shape_cast %parallel_loop3A_499 : vector<16xf32> to vector<1x16xf32>
          tpu.vector_store %arg12[%parallel_loop3A_502, %parallel_loop3A_503], %parallel_loop3A_506 {strides = array<i32>} : memref<80x16xf32, #tpu.memory_space<vmem>>, vector<1x16xf32>,
          %parallel_loop3A_507 = vector.extract_strided_slice %parallel_loop3A_241 {offsets = [12], sizes = [1], strides = [1]} : vector<16xf32> to vector<1xf32>
          %parallel_loop3A_508 = vector.extract %parallel_loop3A_507[0] : f32 from vector<1xf32>
          %parallel_loop3A_509 = vector.broadcast %parallel_loop3A_508 : f32 to vector<16xf32>
          %parallel_loop3A_510 = arith.constant 0 : i32
          %parallel_loop3A_511 = vector.broadcast %parallel_loop3A_510 : i32 to vector<16xi32>
          %parallel_loop3A_512 = arith.cmpi eq, %parallel_loop3A_242, %parallel_loop3A_511 : vector<16xi32>
          %parallel_loop3A_513 = arith.constant 1 : i32
          %parallel_loop3A_514 = vector.broadcast %parallel_loop3A_513 : i32 to vector<16xi32>
          %parallel_loop3A_515 = arith.cmpi eq, %parallel_loop3A_242, %parallel_loop3A_514 : vector<16xi32>
          %parallel_loop3A_516 = arith.constant 1.000000e+00 : f32
          %parallel_loop3A_517 = arith.constant 0.000000e+00 : f32
          %parallel_loop3A_518 = vector.broadcast %parallel_loop3A_516 : f32 to vector<16xf32>
          %parallel_loop3A_519 = vector.broadcast %parallel_loop3A_517 : f32 to vector<16xf32>
          %parallel_loop3A_520 = arith.select %parallel_loop3A_515, %parallel_loop3A_518, %parallel_loop3A_519 : vector<16xi1>, vector<16xf32>
          %parallel_loop3A_521 = arith.select %parallel_loop3A_512, %parallel_loop3A_509, %parallel_loop3A_520 : vector<16xi1>, vector<16xf32>
          %parallel_loop3A_522 = arith.constant 12 : i32
          %parallel_loop3A_523 = arith.addi %parallel_loop3A_237, %parallel_loop3A_522 : i32
          %parallel_loop3A_524 = arith.index_cast %parallel_loop3A_523 : i32 to index
          %parallel_loop3A_525 = arith.constant 0 : index
          %parallel_loop3A_526 = tpu.vector_load %arg12[%parallel_loop3A_524, %parallel_loop3A_525] {strides = array<i32>} : memref<80x16xf32, #tpu.memory_space<vmem>>, vector<1x16xf32>,
          %parallel_loop3A_527 = vector.shape_cast %parallel_loop3A_526 : vector<1x16xf32> to vector<16xf32>
          %parallel_loop3A_528 = vector.shape_cast %parallel_loop3A_521 : vector<16xf32> to vector<1x16xf32>
          tpu.vector_store %arg12[%parallel_loop3A_524, %parallel_loop3A_525], %parallel_loop3A_528 {strides = array<i32>} : memref<80x16xf32, #tpu.memory_space<vmem>>, vector<1x16xf32>,
          %parallel_loop3A_529 = vector.extract_strided_slice %parallel_loop3A_241 {offsets = [13], sizes = [1], strides = [1]} : vector<16xf32> to vector<1xf32>
          %parallel_loop3A_530 = vector.extract %parallel_loop3A_529[0] : f32 from vector<1xf32>
          %parallel_loop3A_531 = vector.broadcast %parallel_loop3A_530 : f32 to vector<16xf32>
          %parallel_loop3A_532 = arith.constant 0 : i32
          %parallel_loop3A_533 = vector.broadcast %parallel_loop3A_532 : i32 to vector<16xi32>
          %parallel_loop3A_534 = arith.cmpi eq, %parallel_loop3A_242, %parallel_loop3A_533 : vector<16xi32>
          %parallel_loop3A_535 = arith.constant 1 : i32
          %parallel_loop3A_536 = vector.broadcast %parallel_loop3A_535 : i32 to vector<16xi32>
          %parallel_loop3A_537 = arith.cmpi eq, %parallel_loop3A_242, %parallel_loop3A_536 : vector<16xi32>
          %parallel_loop3A_538 = arith.constant 1.000000e+00 : f32
          %parallel_loop3A_539 = arith.constant 0.000000e+00 : f32
          %parallel_loop3A_540 = vector.broadcast %parallel_loop3A_538 : f32 to vector<16xf32>
          %parallel_loop3A_541 = vector.broadcast %parallel_loop3A_539 : f32 to vector<16xf32>
          %parallel_loop3A_542 = arith.select %parallel_loop3A_537, %parallel_loop3A_540, %parallel_loop3A_541 : vector<16xi1>, vector<16xf32>
          %parallel_loop3A_543 = arith.select %parallel_loop3A_534, %parallel_loop3A_531, %parallel_loop3A_542 : vector<16xi1>, vector<16xf32>
          %parallel_loop3A_544 = arith.constant 13 : i32
          %parallel_loop3A_545 = arith.addi %parallel_loop3A_237, %parallel_loop3A_544 : i32
          %parallel_loop3A_546 = arith.index_cast %parallel_loop3A_545 : i32 to index
          %parallel_loop3A_547 = arith.constant 0 : index
          %parallel_loop3A_548 = tpu.vector_load %arg12[%parallel_loop3A_546, %parallel_loop3A_547] {strides = array<i32>} : memref<80x16xf32, #tpu.memory_space<vmem>>, vector<1x16xf32>,
          %parallel_loop3A_549 = vector.shape_cast %parallel_loop3A_548 : vector<1x16xf32> to vector<16xf32>
          %parallel_loop3A_550 = vector.shape_cast %parallel_loop3A_543 : vector<16xf32> to vector<1x16xf32>
          tpu.vector_store %arg12[%parallel_loop3A_546, %parallel_loop3A_547], %parallel_loop3A_550 {strides = array<i32>} : memref<80x16xf32, #tpu.memory_space<vmem>>, vector<1x16xf32>,
          %parallel_loop3A_551 = vector.extract_strided_slice %parallel_loop3A_241 {offsets = [14], sizes = [1], strides = [1]} : vector<16xf32> to vector<1xf32>
          %parallel_loop3A_552 = vector.extract %parallel_loop3A_551[0] : f32 from vector<1xf32>
          %parallel_loop3A_553 = vector.broadcast %parallel_loop3A_552 : f32 to vector<16xf32>
          %parallel_loop3A_554 = arith.constant 0 : i32
          %parallel_loop3A_555 = vector.broadcast %parallel_loop3A_554 : i32 to vector<16xi32>
          %parallel_loop3A_556 = arith.cmpi eq, %parallel_loop3A_242, %parallel_loop3A_555 : vector<16xi32>
          %parallel_loop3A_557 = arith.constant 1 : i32
          %parallel_loop3A_558 = vector.broadcast %parallel_loop3A_557 : i32 to vector<16xi32>
          %parallel_loop3A_559 = arith.cmpi eq, %parallel_loop3A_242, %parallel_loop3A_558 : vector<16xi32>
          %parallel_loop3A_560 = arith.constant 1.000000e+00 : f32
          %parallel_loop3A_561 = arith.constant 0.000000e+00 : f32
          %parallel_loop3A_562 = vector.broadcast %parallel_loop3A_560 : f32 to vector<16xf32>
          %parallel_loop3A_563 = vector.broadcast %parallel_loop3A_561 : f32 to vector<16xf32>
          %parallel_loop3A_564 = arith.select %parallel_loop3A_559, %parallel_loop3A_562, %parallel_loop3A_563 : vector<16xi1>, vector<16xf32>
          %parallel_loop3A_565 = arith.select %parallel_loop3A_556, %parallel_loop3A_553, %parallel_loop3A_564 : vector<16xi1>, vector<16xf32>
          %parallel_loop3A_566 = arith.constant 14 : i32
          %parallel_loop3A_567 = arith.addi %parallel_loop3A_237, %parallel_loop3A_566 : i32
          %parallel_loop3A_568 = arith.index_cast %parallel_loop3A_567 : i32 to index
          %parallel_loop3A_569 = arith.constant 0 : index
          %parallel_loop3A_570 = tpu.vector_load %arg12[%parallel_loop3A_568, %parallel_loop3A_569] {strides = array<i32>} : memref<80x16xf32, #tpu.memory_space<vmem>>, vector<1x16xf32>,
          %parallel_loop3A_571 = vector.shape_cast %parallel_loop3A_570 : vector<1x16xf32> to vector<16xf32>
          %parallel_loop3A_572 = vector.shape_cast %parallel_loop3A_565 : vector<16xf32> to vector<1x16xf32>
          tpu.vector_store %arg12[%parallel_loop3A_568, %parallel_loop3A_569], %parallel_loop3A_572 {strides = array<i32>} : memref<80x16xf32, #tpu.memory_space<vmem>>, vector<1x16xf32>,
          %parallel_loop3A_573 = vector.extract_strided_slice %parallel_loop3A_241 {offsets = [15], sizes = [1], strides = [1]} : vector<16xf32> to vector<1xf32>
          %parallel_loop3A_574 = vector.extract %parallel_loop3A_573[0] : f32 from vector<1xf32>
          %parallel_loop3A_575 = vector.broadcast %parallel_loop3A_574 : f32 to vector<16xf32>
          %parallel_loop3A_576 = arith.constant 0 : i32
          %parallel_loop3A_577 = vector.broadcast %parallel_loop3A_576 : i32 to vector<16xi32>
          %parallel_loop3A_578 = arith.cmpi eq, %parallel_loop3A_242, %parallel_loop3A_577 : vector<16xi32>
          %parallel_loop3A_579 = arith.constant 1 : i32
          %parallel_loop3A_580 = vector.broadcast %parallel_loop3A_579 : i32 to vector<16xi32>
          %parallel_loop3A_581 = arith.cmpi eq, %parallel_loop3A_242, %parallel_loop3A_580 : vector<16xi32>
          %parallel_loop3A_582 = arith.constant 1.000000e+00 : f32
          %parallel_loop3A_583 = arith.constant 0.000000e+00 : f32
          %parallel_loop3A_584 = vector.broadcast %parallel_loop3A_582 : f32 to vector<16xf32>
          %parallel_loop3A_585 = vector.broadcast %parallel_loop3A_583 : f32 to vector<16xf32>
          %parallel_loop3A_586 = arith.select %parallel_loop3A_581, %parallel_loop3A_584, %parallel_loop3A_585 : vector<16xi1>, vector<16xf32>
          %parallel_loop3A_587 = arith.select %parallel_loop3A_578, %parallel_loop3A_575, %parallel_loop3A_586 : vector<16xi1>, vector<16xf32>
          %parallel_loop3A_588 = arith.constant 15 : i32
          %parallel_loop3A_589 = arith.addi %parallel_loop3A_237, %parallel_loop3A_588 : i32
          %parallel_loop3A_590 = arith.index_cast %parallel_loop3A_589 : i32 to index
          %parallel_loop3A_591 = arith.constant 0 : index
          %parallel_loop3A_592 = tpu.vector_load %arg12[%parallel_loop3A_590, %parallel_loop3A_591] {strides = array<i32>} : memref<80x16xf32, #tpu.memory_space<vmem>>, vector<1x16xf32>,
          %parallel_loop3A_593 = vector.shape_cast %parallel_loop3A_592 : vector<1x16xf32> to vector<16xf32>
          %parallel_loop3A_594 = vector.shape_cast %parallel_loop3A_587 : vector<16xf32> to vector<1x16xf32>
          tpu.vector_store %arg12[%parallel_loop3A_590, %parallel_loop3A_591], %parallel_loop3A_594 {strides = array<i32>} : memref<80x16xf32, #tpu.memory_space<vmem>>, vector<1x16xf32>,
        } {sc.loop_unroll_factor = 1 : i64, sc.parallel_access}
        %dma_start3A_228 = arith.constant 0 : i32
        %dma_start3A_229 = tpu.memref_slice %arg8[%add3A_162, %dma_start3A_228] : memref<250x80xi32, #tpu.memory_space<vmem>> -> memref<1x80xi32, #tpu.memory_space<vmem>>
        %dma_start3A_230 = tpu.memref_squeeze %dma_start3A_229 : memref<1x80xi32, #tpu.memory_space<vmem>> -> memref<80xi32, #tpu.memory_space<vmem>>
        %dma_start3A_231 = arith.constant 0 : i32
        %dma_start3A_232 = arith.constant 0 : i32
        %dma_start3A_233 = tpu.memref_slice %arg16[%dma_start3A_231, %dma_start3A_232] : memref<10000x16xf32, #tpu.memory_space<vmem_shared>> -> memref<10000x16xf32, #tpu.memory_space<vmem_shared>>
        tpu.enqueue_indirect_dma source(%arg12 : memref<80x16xf32, #tpu.memory_space<vmem>>) target(%dma_start3A_233 : memref<10000x16xf32, #tpu.memory_space<vmem_shared>>) offsets(%dma_start3A_230 : memref<80xi32, #tpu.memory_space<vmem>>) semaphore(%arg21 : memref<!tpu.dma_semaphore, #tpu.memory_space<semaphore_mem>>) {add = true}
      } else {
      }
    }
    %scan3A_79 = arith.constant 125 : i32
    %dma_wait3A_80 = arith.constant 1 : i32
    %dma_wait3A_81 = arith.constant 249 : i32
    %dma_wait3A_82 = arith.constant 0 : i32
    %dma_wait3A_83 = arith.constant 0 : i32
    %dma_wait3A_84 = tpu.memref_slice %arg11[%dma_wait3A_80, %dma_wait3A_82, %dma_wait3A_83] : memref<2x80x64xf32, #tpu.memory_space<vmem>> -> memref<1x80x64xf32, #tpu.memory_space<vmem>>
    %dma_wait3A_85 = tpu.memref_squeeze %dma_wait3A_84 : memref<1x80x64xf32, #tpu.memory_space<vmem>> -> memref<80x64xf32, #tpu.memory_space<vmem>>
    %dma_wait3A_86 = arith.constant 0 : i32
    %dma_wait3A_87 = tpu.memref_slice %arg8[%dma_wait3A_81, %dma_wait3A_86] : memref<250x80xi32, #tpu.memory_space<vmem>> -> memref<1x80xi32, #tpu.memory_space<vmem>>
    %dma_wait3A_88 = tpu.memref_squeeze %dma_wait3A_87 : memref<1x80xi32, #tpu.memory_space<vmem>> -> memref<80xi32, #tpu.memory_space<vmem>>
    %dma_wait3A_89 = arith.constant 0 : i32
    %dma_wait3A_90 = arith.constant 0 : i32
    %dma_wait3A_91 = tpu.memref_slice %arg15[%dma_wait3A_89, %dma_wait3A_90] : memref<10000x64xf32, #tpu.memory_space<vmem_shared>> -> memref<10000x64xf32, #tpu.memory_space<vmem_shared>>
    tpu.wait_indirect_dma semaphore(%arg20 : memref<!tpu.dma_semaphore, #tpu.memory_space<semaphore_mem>>) src(%dma_wait3A_85 : memref<80x64xf32, #tpu.memory_space<vmem>>) dst(%dma_wait3A_91 : memref<10000x64xf32, #tpu.memory_space<vmem_shared>>)
    %dma_wait3A_92 = arith.constant 249 : i32
    %dma_wait3A_93 = arith.constant 0 : i32
    %dma_wait3A_94 = tpu.memref_slice %arg8[%dma_wait3A_92, %dma_wait3A_93] : memref<250x80xi32, #tpu.memory_space<vmem>> -> memref<1x80xi32, #tpu.memory_space<vmem>>
    %dma_wait3A_95 = tpu.memref_squeeze %dma_wait3A_94 : memref<1x80xi32, #tpu.memory_space<vmem>> -> memref<80xi32, #tpu.memory_space<vmem>>
    %dma_wait3A_96 = arith.constant 0 : i32
    %dma_wait3A_97 = arith.constant 0 : i32
    %dma_wait3A_98 = tpu.memref_slice %arg16[%dma_wait3A_96, %dma_wait3A_97] : memref<10000x16xf32, #tpu.memory_space<vmem_shared>> -> memref<10000x16xf32, #tpu.memory_space<vmem_shared>>
    tpu.wait_indirect_dma semaphore(%arg21 : memref<!tpu.dma_semaphore, #tpu.memory_space<semaphore_mem>>) src(%arg12 : memref<80x16xf32, #tpu.memory_space<vmem>>) dst(%dma_wait3A_98 : memref<10000x16xf32, #tpu.memory_space<vmem_shared>>)
    %barrier3A_99 = arith.constant 0 : index
    tpu.barrier barrier_id(%barrier3A_99)
    "tpu.region"() ({
      %run_scoped3A = tpu.sem_alloc : memref<!tpu.dma_semaphore, #tpu.memory_space<semaphore_mem>>
      %dma_start3A_105 = arith.constant 0 : i32
      %dma_start3A_106 = tpu.memref_slice %arg6[%arg0, %multiple_of3A_19, %dma_start3A_105] : memref<2x10000x64xf32, #tpu.memory_space<hbm>> -> memref<1x624x64xf32, #tpu.memory_space<hbm>>
      %dma_start3A_107 = tpu.memref_squeeze %dma_start3A_106 : memref<1x624x64xf32, #tpu.memory_space<hbm>> -> memref<624x64xf32, #tpu.memory_space<hbm>>
      %dma_start3A_108 = arith.constant 0 : i32
      %dma_start3A_109 = tpu.memref_slice %arg15[%multiple_of3A_19, %dma_start3A_108] : memref<10000x64xf32, #tpu.memory_space<vmem_shared>> -> memref<624x64xf32, #tpu.memory_space<vmem_shared>>
      tpu.enqueue_dma source(%dma_start3A_109 : memref<624x64xf32, #tpu.memory_space<vmem_shared>>) target(%dma_start3A_107 : memref<624x64xf32, #tpu.memory_space<hbm>>) target_semaphore(%run_scoped3A : memref<!tpu.dma_semaphore, #tpu.memory_space<semaphore_mem>>)
      %dma_wait3A_110 = arith.constant 0 : i32
      %dma_wait3A_111 = tpu.memref_slice %arg6[%arg0, %multiple_of3A_19, %dma_wait3A_110] : memref<2x10000x64xf32, #tpu.memory_space<hbm>> -> memref<1x624x64xf32, #tpu.memory_space<hbm>>
      %dma_wait3A_112 = tpu.memref_squeeze %dma_wait3A_111 : memref<1x624x64xf32, #tpu.memory_space<hbm>> -> memref<624x64xf32, #tpu.memory_space<hbm>>
      %dma_wait3A_113 = arith.constant 0 : i32
      %dma_wait3A_114 = tpu.memref_slice %arg15[%multiple_of3A_19, %dma_wait3A_113] : memref<10000x64xf32, #tpu.memory_space<vmem_shared>> -> memref<624x64xf32, #tpu.memory_space<vmem_shared>>
      tpu.wait_dma2 semaphore(%run_scoped3A : memref<!tpu.dma_semaphore, #tpu.memory_space<semaphore_mem>>) src(%dma_wait3A_114 : memref<624x64xf32, #tpu.memory_space<vmem_shared>>) dst(%dma_wait3A_112 : memref<624x64xf32, #tpu.memory_space<hbm>>)
      tpu.yield
    }) : () -> ()
    "tpu.region"() ({
      %run_scoped3A = tpu.sem_alloc : memref<!tpu.dma_semaphore, #tpu.memory_space<semaphore_mem>>
      %dma_start3A_105 = arith.constant 0 : i32
      %dma_start3A_106 = tpu.memref_slice %arg7[%arg0, %multiple_of3A_19, %dma_start3A_105] : memref<2x10000x16xf32, #tpu.memory_space<hbm>> -> memref<1x624x16xf32, #tpu.memory_space<hbm>>
      %dma_start3A_107 = tpu.memref_squeeze %dma_start3A_106 : memref<1x624x16xf32, #tpu.memory_space<hbm>> -> memref<624x16xf32, #tpu.memory_space<hbm>>
      %dma_start3A_108 = arith.constant 0 : i32
      %dma_start3A_109 = tpu.memref_slice %arg16[%multiple_of3A_19, %dma_start3A_108] : memref<10000x16xf32, #tpu.memory_space<vmem_shared>> -> memref<624x16xf32, #tpu.memory_space<vmem_shared>>
      tpu.enqueue_dma source(%dma_start3A_109 : memref<624x16xf32, #tpu.memory_space<vmem_shared>>) target(%dma_start3A_107 : memref<624x16xf32, #tpu.memory_space<hbm>>) target_semaphore(%run_scoped3A : memref<!tpu.dma_semaphore, #tpu.memory_space<semaphore_mem>>)
      %dma_wait3A_110 = arith.constant 0 : i32
      %dma_wait3A_111 = tpu.memref_slice %arg7[%arg0, %multiple_of3A_19, %dma_wait3A_110] : memref<2x10000x16xf32, #tpu.memory_space<hbm>> -> memref<1x624x16xf32, #tpu.memory_space<hbm>>
      %dma_wait3A_112 = tpu.memref_squeeze %dma_wait3A_111 : memref<1x624x16xf32, #tpu.memory_space<hbm>> -> memref<624x16xf32, #tpu.memory_space<hbm>>
      %dma_wait3A_113 = arith.constant 0 : i32
      %dma_wait3A_114 = tpu.memref_slice %arg16[%multiple_of3A_19, %dma_wait3A_113] : memref<10000x16xf32, #tpu.memory_space<vmem_shared>> -> memref<624x16xf32, #tpu.memory_space<vmem_shared>>
      tpu.wait_dma2 semaphore(%run_scoped3A : memref<!tpu.dma_semaphore, #tpu.memory_space<semaphore_mem>>) src(%dma_wait3A_114 : memref<624x16xf32, #tpu.memory_space<vmem_shared>>) dst(%dma_wait3A_112 : memref<624x16xf32, #tpu.memory_space<hbm>>)
      tpu.yield
    }) : () -> ()
    %eq3A_100 = arith.constant 15 : i32
    %eq3A_101 = arith.cmpi eq, %arg1, %eq3A_100 : i32
    %convert_element_type3A_102 = arith.extui %eq3A_101 : i1 to i32
    %cond3A_103 = arith.constant 0 : i32
    %cond3A_104 = arith.cmpi ne, %convert_element_type3A_102, %cond3A_103 : i32
    scf.if %cond3A_104 {
      "tpu.region"() ({
        %run_scoped3A = tpu.sem_alloc : memref<!tpu.dma_semaphore, #tpu.memory_space<semaphore_mem>>
        %dma_start3A_105 = arith.constant 9984 : i32
        %dma_start3A_106 = arith.constant 0 : i32
        %dma_start3A_107 = tpu.memref_slice %arg6[%arg0, %dma_start3A_105, %dma_start3A_106] : memref<2x10000x64xf32, #tpu.memory_space<hbm>> -> memref<1x16x64xf32, #tpu.memory_space<hbm>>
        %dma_start3A_108 = tpu.memref_squeeze %dma_start3A_107 : memref<1x16x64xf32, #tpu.memory_space<hbm>> -> memref<16x64xf32, #tpu.memory_space<hbm>>
        %dma_start3A_109 = arith.constant 9984 : i32
        %dma_start3A_110 = arith.constant 0 : i32
        %dma_start3A_111 = tpu.memref_slice %arg15[%dma_start3A_109, %dma_start3A_110] : memref<10000x64xf32, #tpu.memory_space<vmem_shared>> -> memref<16x64xf32, #tpu.memory_space<vmem_shared>>
        tpu.enqueue_dma source(%dma_start3A_111 : memref<16x64xf32, #tpu.memory_space<vmem_shared>>) target(%dma_start3A_108 : memref<16x64xf32, #tpu.memory_space<hbm>>) target_semaphore(%run_scoped3A : memref<!tpu.dma_semaphore, #tpu.memory_space<semaphore_mem>>)
        %dma_wait3A_112 = arith.constant 9984 : i32
        %dma_wait3A_113 = arith.constant 0 : i32
        %dma_wait3A_114 = tpu.memref_slice %arg6[%arg0, %dma_wait3A_112, %dma_wait3A_113] : memref<2x10000x64xf32, #tpu.memory_space<hbm>> -> memref<1x16x64xf32, #tpu.memory_space<hbm>>
        %dma_wait3A_115 = tpu.memref_squeeze %dma_wait3A_114 : memref<1x16x64xf32, #tpu.memory_space<hbm>> -> memref<16x64xf32, #tpu.memory_space<hbm>>
        %dma_wait3A_116 = arith.constant 9984 : i32
        %dma_wait3A_117 = arith.constant 0 : i32
        %dma_wait3A_118 = tpu.memref_slice %arg15[%dma_wait3A_116, %dma_wait3A_117] : memref<10000x64xf32, #tpu.memory_space<vmem_shared>> -> memref<16x64xf32, #tpu.memory_space<vmem_shared>>
        tpu.wait_dma2 semaphore(%run_scoped3A : memref<!tpu.dma_semaphore, #tpu.memory_space<semaphore_mem>>) src(%dma_wait3A_118 : memref<16x64xf32, #tpu.memory_space<vmem_shared>>) dst(%dma_wait3A_115 : memref<16x64xf32, #tpu.memory_space<hbm>>)
        tpu.yield
      }) : () -> ()
      "tpu.region"() ({
        %run_scoped3A = tpu.sem_alloc : memref<!tpu.dma_semaphore, #tpu.memory_space<semaphore_mem>>
        %dma_start3A_105 = arith.constant 9984 : i32
        %dma_start3A_106 = arith.constant 0 : i32
        %dma_start3A_107 = tpu.memref_slice %arg7[%arg0, %dma_start3A_105, %dma_start3A_106] : memref<2x10000x16xf32, #tpu.memory_space<hbm>> -> memref<1x16x16xf32, #tpu.memory_space<hbm>>
        %dma_start3A_108 = tpu.memref_squeeze %dma_start3A_107 : memref<1x16x16xf32, #tpu.memory_space<hbm>> -> memref<16x16xf32, #tpu.memory_space<hbm>>
        %dma_start3A_109 = arith.constant 9984 : i32
        %dma_start3A_110 = arith.constant 0 : i32
        %dma_start3A_111 = tpu.memref_slice %arg16[%dma_start3A_109, %dma_start3A_110] : memref<10000x16xf32, #tpu.memory_space<vmem_shared>> -> memref<16x16xf32, #tpu.memory_space<vmem_shared>>
        tpu.enqueue_dma source(%dma_start3A_111 : memref<16x16xf32, #tpu.memory_space<vmem_shared>>) target(%dma_start3A_108 : memref<16x16xf32, #tpu.memory_space<hbm>>) target_semaphore(%run_scoped3A : memref<!tpu.dma_semaphore, #tpu.memory_space<semaphore_mem>>)
        %dma_wait3A_112 = arith.constant 9984 : i32
        %dma_wait3A_113 = arith.constant 0 : i32
        %dma_wait3A_114 = tpu.memref_slice %arg7[%arg0, %dma_wait3A_112, %dma_wait3A_113] : memref<2x10000x16xf32, #tpu.memory_space<hbm>> -> memref<1x16x16xf32, #tpu.memory_space<hbm>>
        %dma_wait3A_115 = tpu.memref_squeeze %dma_wait3A_114 : memref<1x16x16xf32, #tpu.memory_space<hbm>> -> memref<16x16xf32, #tpu.memory_space<hbm>>
        %dma_wait3A_116 = arith.constant 9984 : i32
        %dma_wait3A_117 = arith.constant 0 : i32
        %dma_wait3A_118 = tpu.memref_slice %arg16[%dma_wait3A_116, %dma_wait3A_117] : memref<10000x16xf32, #tpu.memory_space<vmem_shared>> -> memref<16x16xf32, #tpu.memory_space<vmem_shared>>
        tpu.wait_dma2 semaphore(%run_scoped3A : memref<!tpu.dma_semaphore, #tpu.memory_space<semaphore_mem>>) src(%dma_wait3A_118 : memref<16x16xf32, #tpu.memory_space<vmem_shared>>) dst(%dma_wait3A_115 : memref<16x16xf32, #tpu.memory_space<hbm>>)
        tpu.yield
      }) : () -> ()
    } else {
    }
    return
  }
}

module attributes {stable_mosaic.version = 14 : i64} {
  func.func @_mm_body(%arg0: i32, %arg1: i32, %arg2: memref<1000x128xf32, #tpu.memory_space<vmem>>, %arg3: memref<1x128x64xf32, #tpu.memory_space<vmem>>, %arg4: memref<1x1000x64xf32, #tpu.memory_space<vmem>>) attributes {dimension_semantics = [#tpu.dimension_semantics<arbitrary>, #tpu.dimension_semantics<arbitrary>], iteration_bounds = array<i64: 2, 10>, scalar_prefetch = 0 : i64, scratch_operands = 0 : i64, tpu.core_type = #tpu.core_type<tc>, window_params = [{transform_indices = @transform_0, window_bounds = array<i64: 1000, 128>}, {transform_indices = @transform_1, window_bounds = array<i64: 1, 128, 64>}, {transform_indices = @transform_2, window_bounds = array<i64: 1, 1000, 64>}]} {
    %get3A = arith.constant 0 : index
    %get3A_0 = arith.constant 0 : index
    %get3A_1 = vector.load %arg2[%get3A, %get3A_0] : memref<1000x128xf32, #tpu.memory_space<vmem>>, vector<1000x128xf32>
    %get3A_2 = arith.constant 0 : index
    %get3A_3 = arith.constant 0 : index
    %get3A_4 = arith.constant 0 : index
    %get3A_5 = vector.load %arg3[%get3A_2, %get3A_3, %get3A_4] : memref<1x128x64xf32, #tpu.memory_space<vmem>>, vector<1x128x64xf32>
    %get3A_6 = vector.shape_cast %get3A_5 : vector<1x128x64xf32> to vector<128x64xf32>
    %dot_general3A = arith.constant dense<0.000000e+00> : vector<1000x64xf32>
    %dot_general3A_7 = tpu.matmul %get3A_1, %get3A_6, %dot_general3A {dimension_numbers = #tpu.dot_dimension_numbers<[1], [0], [0], [1], [0, 0, 1, 1], [], []>, transpose_lhs_hint = false} : vector<1000x128xf32>, vector<128x64xf32>, vector<1000x64xf32> -> vector<1000x64xf32>
    %swap3A = arith.constant 0 : index
    %swap3A_8 = arith.constant 0 : index
    %swap3A_9 = arith.constant 0 : index
    %swap3A_10 = vector.load %arg4[%swap3A, %swap3A_8, %swap3A_9] : memref<1x1000x64xf32, #tpu.memory_space<vmem>>, vector<1x1000x64xf32>
    %swap3A_11 = vector.shape_cast %swap3A_10 : vector<1x1000x64xf32> to vector<1000x64xf32>
    %swap3A_12 = vector.shape_cast %dot_general3A_7 : vector<1000x64xf32> to vector<1x1000x64xf32>
    tpu.vector_store %arg4[%swap3A, %swap3A_8, %swap3A_9], %swap3A_12 {strides = array<i32>} : memref<1x1000x64xf32, #tpu.memory_space<vmem>>, vector<1x1000x64xf32>,
    return
  }
  func.func @transform_0(%arg0: i32, %arg1: i32) -> (i32, i32) {
    %c0_i32 = arith.constant 0 : i32
    %c0_i32_0 = arith.constant 0 : i32
    return %arg1, %c0_i32 : i32, i32
  }
  func.func @transform_1(%arg0: i32, %arg1: i32) -> (i32, i32, i32) {
    %c0_i32 = arith.constant 0 : i32
    %c0_i32_0 = arith.constant 0 : i32
    %c0_i32_1 = arith.constant 0 : i32
    return %arg0, %c0_i32, %c0_i32_0 : i32, i32, i32
  }
  func.func @transform_2(%arg0: i32, %arg1: i32) -> (i32, i32, i32) {
    %c0_i32 = arith.constant 0 : i32
    %c0_i32_0 = arith.constant 0 : i32
    return %arg0, %arg1, %c0_i32 : i32, i32, i32
  }
}

module attributes {stable_mosaic.version = 14 : i64} {
  func.func @_fin_body(%arg0: i32, %arg1: memref<1000x128xf32, #tpu.memory_space<vmem>>, %arg2: memref<128x128xf32, #tpu.memory_space<vmem>>, %arg3: memref<2x1000x64xf32, #tpu.memory_space<vmem>>, %arg4: memref<2x1000x16xf32, #tpu.memory_space<vmem>>, %arg5: memref<1x128xf32, #tpu.memory_space<vmem>>, %arg6: memref<1000x128xf32, #tpu.memory_space<vmem>>) attributes {dimension_semantics = [#tpu.dimension_semantics<arbitrary>], iteration_bounds = array<i64: 10>, scalar_prefetch = 0 : i64, scratch_operands = 0 : i64, tpu.core_type = #tpu.core_type<tc>, window_params = [{transform_indices = @transform_0, window_bounds = array<i64: 1000, 128>}, {pipeline_mode = #tpu.pipeline_mode<synchronous>, transform_indices = @transform_1, window_bounds = array<i64: 128, 128>}, {transform_indices = @transform_2, window_bounds = array<i64: 2, 1000, 64>}, {transform_indices = @transform_3, window_bounds = array<i64: 2, 1000, 16>}, {pipeline_mode = #tpu.pipeline_mode<synchronous>, transform_indices = @transform_4, window_bounds = array<i64: 1, 128>}, {transform_indices = @transform_5, window_bounds = array<i64: 1000, 128>}]} {
    %get3A = arith.constant 0 : index
    %get3A_0 = arith.constant 0 : index
    %get3A_1 = vector.load %arg1[%get3A, %get3A_0] : memref<1000x128xf32, #tpu.memory_space<vmem>>, vector<1000x128xf32>
    %get3A_2 = arith.constant 0 : index
    %get3A_3 = arith.constant 0 : index
    %get3A_4 = vector.load %arg2[%get3A_2, %get3A_3] : memref<128x128xf32, #tpu.memory_space<vmem>>, vector<128x128xf32>
    %dot_general3A = arith.constant dense<0.000000e+00> : vector<1000x128xf32>
    %dot_general3A_5 = tpu.matmul %get3A_1, %get3A_4, %dot_general3A {dimension_numbers = #tpu.dot_dimension_numbers<[1], [0], [0], [1], [0, 0, 1, 1], [], []>, transpose_lhs_hint = false} : vector<1000x128xf32>, vector<128x128xf32>, vector<1000x128xf32> -> vector<1000x128xf32>
    %get3A_6 = arith.constant 0 : index
    %get3A_7 = arith.constant 0 : index
    %get3A_8 = arith.constant 0 : index
    %get3A_9 = vector.load %arg3[%get3A_6, %get3A_7, %get3A_8] : memref<2x1000x64xf32, #tpu.memory_space<vmem>>, vector<1x1000x64xf32>
    %get3A_10 = vector.shape_cast %get3A_9 : vector<1x1000x64xf32> to vector<1000x64xf32>
    %get3A_11 = arith.constant 1 : index
    %get3A_12 = arith.constant 0 : index
    %get3A_13 = arith.constant 0 : index
    %get3A_14 = vector.load %arg3[%get3A_11, %get3A_12, %get3A_13] : memref<2x1000x64xf32, #tpu.memory_space<vmem>>, vector<1x1000x64xf32>
    %get3A_15 = vector.shape_cast %get3A_14 : vector<1x1000x64xf32> to vector<1000x64xf32>
    %concatenate3A = tpu.concatenate %get3A_10, %get3A_15 in 1 : vector<1000x64xf32>, vector<1000x64xf32> -> vector<1000x128xf32>
    %get3A_16 = arith.constant 0 : index
    %get3A_17 = arith.constant 0 : index
    %get3A_18 = arith.constant 0 : index
    %get3A_19 = vector.load %arg4[%get3A_16, %get3A_17, %get3A_18] : memref<2x1000x16xf32, #tpu.memory_space<vmem>>, vector<1x1000x16xf32>
    %get3A_20 = vector.shape_cast %get3A_19 : vector<1x1000x16xf32> to vector<1000x16xf32>
    %get3A_21 = arith.constant 1 : index
    %get3A_22 = arith.constant 0 : index
    %get3A_23 = arith.constant 0 : index
    %get3A_24 = vector.load %arg4[%get3A_21, %get3A_22, %get3A_23] : memref<2x1000x16xf32, #tpu.memory_space<vmem>>, vector<1x1000x16xf32>
    %get3A_25 = vector.shape_cast %get3A_24 : vector<1x1000x16xf32> to vector<1000x16xf32>
    %add3A = arith.addf %get3A_20, %get3A_25 : vector<1000x16xf32>
    %slice3A = vector.extract_strided_slice %add3A {offsets = [0, 0], sizes = [1000, 1], strides = [1, 1]} : vector<1000x16xf32> to vector<1000x1xf32>
    %slice3A_26 = vector.extract_strided_slice %add3A {offsets = [0, 1], sizes = [1000, 1], strides = [1, 1]} : vector<1000x16xf32> to vector<1000x1xf32>
    %max3A = arith.constant 1.000000e+00 : f32
    %max3A_27 = vector.broadcast %max3A : f32 to vector<1000x1xf32>
    %max3A_28 = arith.maximumf %slice3A_26, %max3A_27 : vector<1000x1xf32>
    %mul3A = vector.broadcast %slice3A : vector<1000x1xf32> to vector<1000x128xf32>
    %mul3A_29 = arith.mulf %mul3A, %dot_general3A_5 : vector<1000x128xf32>
    %add3A_30 = arith.addf %mul3A_29, %concatenate3A : vector<1000x128xf32>
    %div3A = vector.broadcast %max3A_28 : vector<1000x1xf32> to vector<1000x128xf32>
    %div3A_31 = arith.divf %add3A_30, %div3A : vector<1000x128xf32>
    %get3A_32 = arith.constant 0 : index
    %get3A_33 = arith.constant 0 : index
    %get3A_34 = vector.load %arg5[%get3A_32, %get3A_33] : memref<1x128xf32, #tpu.memory_space<vmem>>, vector<1x128xf32>
    %add3A_35 = vector.broadcast %get3A_34 : vector<1x128xf32> to vector<1000x128xf32>
    %add3A_36 = arith.addf %div3A_31, %add3A_35 : vector<1000x128xf32>
    %swap3A = arith.constant 0 : index
    %swap3A_37 = arith.constant 0 : index
    %swap3A_38 = vector.load %arg6[%swap3A, %swap3A_37] : memref<1000x128xf32, #tpu.memory_space<vmem>>, vector<1000x128xf32>
    tpu.vector_store %arg6[%swap3A, %swap3A_37], %add3A_36 {strides = array<i32>} : memref<1000x128xf32, #tpu.memory_space<vmem>>, vector<1000x128xf32>,
    return
  }
  func.func @transform_0(%arg0: i32) -> (i32, i32) {
    %c0_i32 = arith.constant 0 : i32
    %c0_i32_0 = arith.constant 0 : i32
    return %arg0, %c0_i32 : i32, i32
  }
  func.func @transform_1(%arg0: i32) -> (i32, i32) {
    %c0_i32 = arith.constant 0 : i32
    %c0_i32_0 = arith.constant 0 : i32
    %c0_i32_1 = arith.constant 0 : i32
    return %c0_i32, %c0_i32_0 : i32, i32
  }
  func.func @transform_2(%arg0: i32) -> (i32, i32, i32) {
    %c0_i32 = arith.constant 0 : i32
    %c0_i32_0 = arith.constant 0 : i32
    %c0_i32_1 = arith.constant 0 : i32
    return %c0_i32, %arg0, %c0_i32_0 : i32, i32, i32
  }
  func.func @transform_3(%arg0: i32) -> (i32, i32, i32) {
    %c0_i32 = arith.constant 0 : i32
    %c0_i32_0 = arith.constant 0 : i32
    %c0_i32_1 = arith.constant 0 : i32
    return %c0_i32, %arg0, %c0_i32_0 : i32, i32, i32
  }
  func.func @transform_4(%arg0: i32) -> (i32, i32) {
    %c0_i32 = arith.constant 0 : i32
    %c0_i32_0 = arith.constant 0 : i32
    %c0_i32_1 = arith.constant 0 : i32
    return %c0_i32, %c0_i32_0 : i32, i32
  }
  func.func @transform_5(%arg0: i32) -> (i32, i32) {
    %c0_i32 = arith.constant 0 : i32
    %c0_i32_0 = arith.constant 0 : i32
    return %arg0, %c0_i32 : i32, i32
  }
}

</mosaic_0001>

<sc_bundles>
// kernel: kernel.5.cloned.1.call-start
scs
__scs_entry_jumppad:
0x0: {  	(pc) =	sbr.rel $0x88, $3  }
0x1: {  	(tag) =	ssettag $0x0;
	lr =	simm.s32 $0x1  }
0x2: {  	[smem:$0x3F9C] =	sst lr;
	_ =	strace $0xD0000000  }
0x3: {  	_ = 	snop  }
0x4: {  	_ = 	snop  }
0x5: {  	_ = 	snop  }
0x6: {  	_ = 	snop  }
0x7: {  	_ = 	snop  }
__scs_overlays_trampoline_lowered:
0x8: {  	[smem:$0x3FAB] =	sst s0  }
0x9: {  	[smem:$0x3FAC] =	sst s1  }
0xa: {  	[smem:$0x3FAD] =	sst s2  }
0xb: {  	[smem:$0x3FAE] =	sst s3  }
0xc: {  	[smem:$0x3FAF] =	sst s4  }
0xd: {  	[smem:$0x3FB0] =	sst s5  }
0xe: {  	[smem:$0x3FB1] =	sst s6  }
0xf: {  	[smem:$0x3FB2] =	sst s7  }
0x10: {  	[smem:$0x3FB3] =	sst s8  }
0x11: {  	[smem:$0x3FB4] =	sst s9;
	s0 =	simm.s32 @!p0 $0x0  }
0x12: {  	s1 =	sld [smem:$0x3F9A];
	s0 =	simm.s32 @p0 $0x1  }
0x13: {  	[smem:$0x3FB5] =	sst s0;
	s0 =	simm.s32 @!p1 $0x0  }
0x14: {  	s2 =	sld [smem:$0x3F99];
	s0 =	simm.s32 @p1 $0x1  }
0x15: {  	[smem:$0x3FB6] =	sst s0;
	s0 =	simm.s32 @!p2 $0x0  }
0x16: {  	s3 =	sld [smem:$0x3FDB];
	s0 =	simm.s32 @p2 $0x1  }
0x17: {  	s4 =	simm.s32 $0x1BF5;
	[smem:$0x3FB8] =	sst s0  }
0x18: {  	s0 =	sld [smem:$0x3F9B];
	_ =	swait.ge [sflag:s4], $0x0  }
0x19: {  	s7 =	sld [smem:$0x3F9C]  }
0x1a: {  	s8 =	sadd.s32 $0xFFFFE003, lr  }
0x1b: {  	s9 =	sadd.s32 $0xFFFFFEF7, lr;
	s5 =	simm.s32 $0xFFFFFFFF;
	p2 =	slt.u32 s8, $0xFFFFF086  }
0x1c: {  	p1 =	slt.u32 s9, $0xF7A;
	s5 =	simm.s32 @!p2 $0x0  }
0x1d: {  	s5 =	simm.s32 @p1 $0x1;
	p0 =	seq.s32 s7, s2  }
0x1e: {  	s7 =	smul.u32 @!p0 $0xF7A, s2;
	p2 =	seq.s32 @!p0 s5, $0x0  }
0x1f: {  	s9 =	smul.u32 $0xF7A, s1;
	s8 =	simm.s32 @!p0 $0x1BF5;
	p2 =	por !p2, p0  }
0x20: {  	[sflag:s8] =	ssyncset.s32 @!p0 $0xFFFFF086;
	s6 =	sadd.s32 @!p0 s3, s7;
	s7 =	simm.s32 @!p0 $0x108  }
0x21: {  	s3 =	sadd.s32 s3, s9;
	s6 =	sadd.s32 @!p0 $0x88, s6;
	s7 =	simm.s32 @p2 $0x1082  }
0x22: {  	[simem:s7], [sflag:s8] =	dma.local @!p0 [hbm:s6], $0xF7A  }
0x23: {  	s9 =	sor.u32 $0xD0000000, s2;
	s6 =	simm.s32 $0x108;
	_ =	swait.ge @!p0 [sflag:s8], $0x0  }
0x24: {  	s3 =	sadd.s32 $0x88, s3;
	s6 =	simm.s32 @!p1 $0x1082;
	[sflag:s4] =	ssyncset.s32 $0xFFFFF086  }
0x25: {  	[simem:s6], [sflag:s4] =	dma.local [hbm:s3], $0xF7A  }
0x26: {  	[smem:$0x3F9C] =	sst s1;
	(tag) =	ssettag s2;
	_ =	strace s9  }
0x27: {  	s1 =	sld [smem:$0x3FAC]  }
0x28: {  	s2 =	sld [smem:$0x3FAD]  }
0x29: {  	s4 =	sld [smem:$0x3FAF]  }
0x2a: {  	p0 =	seq.s32 s5, $0x0;
	s5 =	sld [smem:$0x3FB0]  }
0x2b: {  	s6 =	sld [smem:$0x3FB1]  }
0x2c: {  	s7 =	sld [smem:$0x3FB2]  }
0x2d: {  	s3 =	simm.s32 $0x108;
	s8 =	sld [smem:$0x3FB3]  }
0x2e: {  	s3 =	simm.s32 @!p0 $0x1082;
	s9 =	sld [smem:$0x3FB4]  }
0x2f: {  	lr =	sadd.s32 s0, s3;
	s0 =	sld [smem:$0x3FAB]  }
0x30: {  	s3 =	sld [smem:$0x3FAE]  }
0x31: {  	[smem:$0x3FB7] =	sst s10  }
0x32: {  	s10 =	sld [smem:$0x3FB5];
	_ =	sdelay $0x3  }
0x33: {  	p0 =	seq.s32 s10, $0x1;
	s10 =	sld [smem:$0x3FB7];
	_ =	sdelay $0x3  }
0x34: {  	[smem:$0x3FB7] =	sst s10  }
0x35: {  	s10 =	sld [smem:$0x3FB6];
	_ =	sdelay $0x3  }
0x36: {  	p1 =	seq.s32 s10, $0x1;
	s10 =	sld [smem:$0x3FB7];
	_ =	sdelay $0x3  }
0x37: {  	[smem:$0x3FB7] =	sst s10  }
0x38: {  	s10 =	sld [smem:$0x3FB8]  }
0x39: {  	_ = 	snop;
	(pc) =	sbr.ind lr, $3  }
0x3a: {  	_ = 	snop  }
0x3b: {  	_ = 	snop  }
0x3c: {  	p2 =	seq.s32 s10, $0x1;
	s10 =	sld [smem:$0x3FB7]  }
0x3d: {  	_ =	shalt  }
0x3e: {  	_ =	shalt  }
0x3f: {  	_ =	shalt  }
0x40: {  	_ =	shalt  }
0x41: {  	_ =	shalt  }
0x42: {  	_ =	shalt  }
0x43: {  	_ =	shalt  }
0x44: {  	_ =	shalt  }
0x45: {  	_ =	shalt  }
0x46: {  	_ =	shalt  }
0x47: {  	_ =	shalt  }
0x48: {  	_ =	shalt  }
0x49: {  	_ =	shalt  }
0x4a: {  	_ =	shalt  }
0x4b: {  	_ =	shalt  }
0x4c: {  	_ =	shalt  }
0x4d: {  	_ =	shalt  }
0x4e: {  	_ =	shalt  }
0x4f: {  	_ =	shalt  }
0x50: {  	_ =	shalt  }
0x51: {  	_ =	shalt  }
0x52: {  	_ =	shalt  }
0x53: {  	_ =	shalt  }
0x54: {  	_ =	shalt  }
0x55: {  	_ =	shalt  }
0x56: {  	_ =	shalt  }
0x57: {  	_ =	shalt  }
0x58: {  	_ =	shalt  }
0x59: {  	_ =	shalt  }
0x5a: {  	_ =	shalt  }
0x5b: {  	_ =	shalt  }
0x5c: {  	_ =	shalt  }
0x5d: {  	_ =	shalt  }
0x5e: {  	_ =	shalt  }
0x5f: {  	_ =	shalt  }
0x60: {  	_ =	shalt  }
0x61: {  	_ =	shalt  }
0x62: {  	_ =	shalt  }
0x63: {  	_ =	shalt  }
0x64: {  	_ =	shalt  }
0x65: {  	_ =	shalt  }
0x66: {  	_ =	shalt  }
0x67: {  	_ =	shalt  }
0x68: {  	_ =	shalt  }
0x69: {  	_ =	shalt  }
0x6a: {  	_ =	shalt  }
0x6b: {  	_ =	shalt  }
0x6c: {  	_ =	shalt  }
0x6d: {  	_ =	shalt  }
0x6e: {  	_ =	shalt  }
0x6f: {  	_ =	shalt  }
0x70: {  	_ =	shalt  }
0x71: {  	_ =	shalt  }
0x72: {  	_ =	shalt  }
0x73: {  	_ =	shalt  }
0x74: {  	_ =	shalt  }
0x75: {  	_ =	shalt  }
0x76: {  	_ =	shalt  }
0x77: {  	_ =	shalt  }
0x78: {  	_ =	shalt  }
0x79: {  	_ =	shalt  }
0x7a: {  	_ =	shalt  }
0x7b: {  	_ =	shalt  }
0x7c: {  	_ =	shalt  }
0x7d: {  	_ =	shalt  }
0x7e: {  	_ =	shalt  }
0x7f: {  	_ =	shalt  }
0x80: {  	_ =	shalt  }
0x81: {  	_ =	shalt  }
0x82: {  	_ =	shalt  }
0x83: {  	_ =	shalt  }
0x84: {  	_ =	shalt  }
0x85: {  	_ =	shalt  }
0x86: {  	_ =	shalt  }
0x87: {  	_ =	shalt  }
.Lfunc_end0:
.L_simem_size_0:
called_computation_lowered:
.L_overlay_start_0:
0x88: {  	s2 =	sld [smem:$0x3FD9]  }
0x89: {  	s3 =	sld [smem:$0x3FFE];
	_ =	sdelay $0x1  }
0x8a: {  	s1 =	srdreg.scid  }
0x8b: {  	s0 =	sand.u32 $0x1, s1  }
0x8c: {  	s17 =	sshll.u32 s0, $0xA;
	s2 =	sadd.s32 s3, s2  }
0x8d: {  	s2 =	sadd.s32 s2, s17  }
0x8e: {  	[smem:$0x3FC3] =	sst s2  }
0x8f: {  	_ = 	snop  }
0x90: {  	s2 =	sld [smem:$0x3FC7]  }
0x91: {  	s18 =	sld [smem:$0x3FD0];
	(tm) =	ssettm $0x1  }
0x92: {  	s4 =	sld [smem:$0x3FFB];
	_ =	sdelay $0x3  }
0x93: {  	_ =	strace s4  }
0x94: {  	s4 =	sld [smem:$0x3FFC];
	_ =	sdelay $0x3  }
0x95: {  	_ =	strace s4  }
0x96: {  	s4 =	sld [smem:$0x3FFD];
	_ =	sdelay $0x3  }
0x97: {  	_ =	strace s4  }
0x98: {  	_ =	strace $0x8FFFFFFF  }
0x99: {  	s19 =	sld [smem:$0x3FDB];
	_ =	sdelay $0x1  }
0x9a: {  	s5 =	simm.s32 $_scs_section_size  }
0x9b: {  	s6 =	simm.s32 $_size__tile_overlayer_lowered;
	s7 =	simm.s32 $_tile_overlayer_lowered  }
0x9c: {  	s22 =	simm.s32 $0x1BFF;
	s21 =	sshll.u32 s7, $0x1;
	s4 =	sadd.s32 s5, s19  }
0x9d: {  	s8 =	simm.s32 $0x0;
	s20 =	sshll.u32 s6, $0x1;
	s6 =	sadd.s32 s21, s4  }
0x9e: {  	[timem:s8], [sflag:s22] =	dma.local [hbm:s6], s20  }
0x9f: {  	_ =	swait.ge [sflag:s22], s20  }
0xa0: {  	s5 =	ssub.s32 $0x0, s20;
	[sflag:s22] =	ssyncset.done $0x0  }
0xa1: {  	[sflag:s22] =	ssyncadd.s32 s5;
	_ =	sdelay $0x1  }
0xa2: {  	s23 =	simm.s32 $0x1B8B  }
0xa3: {  	_ =	swait.ge [sflag:s23], $0x1  }
0xa4: {  	[sflag:s23] =	ssyncset.done $0x0  }
0xa5: {  	s25 =	simm.s32 $0x1B8E;
	s24 =	sld [smem:$0x3FFE];
	[sflag:s23] =	ssyncadd.s32 $0xFFFFFFFF  }
0xa6: {  	s26 =	simm.s32 $execute0_lowered;
	[smem:$0x3FD2] =	sst s25  }
0xa7: {  	s6 =	sshll.u32 s26, $0x1;
	_ =	strace $0x80000046;
	[dreg:$0x1] =	wrdreg $0xFFFFFFFF  }
0xa8: {  	s28 =	simm.s32 $_size_execute0_lowered;
	s4 =	sadd.s32 s4, s6;
	[dreg:$0x0] =	wrdreg $0x0  }
0xa9: {  	s6 =	sshll.u32 s28, $0x1;
	[dreg:$0x2] =	wrdreg s4  }
0xaa: {  	[dreg:$0x3] =	wrdreg s6  }
0xab: {  	[dreg:$0x4] =	wrdreg $0xC0  }
0xac: {  	_ =	task [dreg:s8], $0x5FFFF  }
0xad: {  	[dreg:$0x1] =	wrdreg $0xFFFFFFFF  }
0xae: {  	[dreg:$0x0] =	wrdreg $0x60  }
0xaf: {  	[dreg:$0x2] =	wrdreg s18  }
0xb0: {  	[dreg:$0x3] =	wrdreg s24  }
0xb1: {  	[dreg:$0x4] =	wrdreg s2  }
0xb2: {  	[dreg:$0x5] =	wrdreg $0x137E00  }
0xb3: {  	[dreg:$0x6] =	wrdreg $0x1D4200  }
0xb4: {  	[dreg:$0x7] =	wrdreg $0x9  }
0xb5: {  	_ =	task.clear_ibuf [dreg:s8], $0x8FFFF;
	_ =	strace $0x90000046  }
0xb6: {  	s29 =	simm.s32 $0x9;
	_ =	strace $0x80000048  }
0xb7: {  	_ =	swait.ge [sflag:s29], $0x1  }
0xb8: {  	[sflag:s29] =	ssyncadd.s32 $0xFFFFFFFF  }
0xb9: {  	_ =	strace $0x90000048  }
0xba: {  	_ =	sfence  }
0xbb: {  	s30 =	sld [smem:$0x0];
	_ =	sdelay $0x2  }
0xbc: {  	s31 =	sshll.u32 s1, $0xD;
	s1 =	sshrl.u32 s1, $0x2  }
0xbd: {  	s3 =	sand.u32 $0x4000, s31;
	s1 =	sadd.s32 s1, s30  }
0xbe: {  	s0 =	sor.u32 s3, s0;
	s1 =	sshll.u32 s1, $0x11  }
0xbf: {  	s0 =	sor.u32 s1, s0  }
0xc0: {  	s0 =	sadd.s32 $0x8F2B, s0  }
0xc1: {  	[sflag:s0] =	ssyncadd.remote.s32 $0x1  }
0xc2: {  	_ =	sfence.sel $0xFFFF  }
0xc3: {  	[dreg:$0x0] =	wrdreg $0xFFFFFFFF;
	(pc) =	sbr.abs _section_cstart, $3  }
0xc4: {  	[dreg:$0x1] =	wrdreg $0xFFFFFFFF  }
0xc5: {  	_ =	task.clear_ibuf [dreg:s8], $0x2FFFF;
	_ =	strace $0x9FFFFFFF  }
0xc6: {  	(tm) =	ssettm $0x7FFFFFFF  }
0xc7: {  	_ =	shalt  }
tec
execute0_lowered:
.L_overlay_start_1:
0x0: {  	(tag) =	ssettag $0x1  }
0x1: {  	s1 =	rddreg [dreg:$0x0]  }
0x2: {  	s0 =	rddreg [dreg:$0x1]  }
0x3: {  	s2 =	rddreg [dreg:$0x2]  }
0x4: {  	s3 =	rddreg [dreg:$0x3]  }
0x5: {  	s4 =	rddreg [dreg:$0x4];
	s17 =	stileid.u32;
	s6 =	simm.s32 $0x0  }
0x6: {  	s14 =	srdreg.scid;
	s31 =	simm.s32 $0x11760;
	s5 =	smul.u32 $0x9C4, s17  }
0x7: {  	s30 =	simm.s32 $0x13160;
	s29 =	simm.s32 $0x3;
	s11 =	smul.u32 $0x270, s17  }
0x8: {  	[smem:$0x7FF] =	sst s6;
	s6 =	sand.u32 $0x1, s14;
	s12 =	smul.u32 $0x9C00, s17  }
0x9: {  	s8 =	sadd.s32 $0x14600, s0;
	s14 =	smul.u32 $0x2700, s17;
	p2 =	sne.s32 s17, $0xF  }
0xa: {  	s28 =	sadd.s32 $0x27000, s4;
	_ =	strace $0x80000047;
	s9 =	ssub.s32 $0x2, s6  }
0xb: {  	s26 =	smul.u32 $0x27100, s6;
	p0 =	sne.s32 s6, $0x0;
	p1 =	seq.s32 s6, $0x0  }
0xc: {  	s7 =	sadd.s32 s5, s0;
	s0 =	sadd.s32 $0x3B800, s0;
	s10 =	sshrl.u32 s9, $0x1  }
0xd: {  	s2 =	sadd.s32 s2, s5;
	s16 =	sadd.s32 $0x68, s11;
	s19 =	sadd.s32 $0xD0, s11  }
0xe: {  	s21 =	sadd.s32 $0x138, s11;
	s13 =	ssub.s32 s9, s10;
	s15 =	sadd.s32 $0xA800, s7  }
0xf: {  	s7 =	sadd.s32 $0xA00, s7;
	[dreg:$0x8] =	wrdreg s2;
	s9 =	sadd.s32 s12, s3  }
0x10: {  	s10 =	sadd.s32 s14, s4;
	s18 =	sshll.u32 s16, $0x6;
	s2 =	sshll.u32 s16, $0x4  }
0x11: {  	s20 =	sshll.u32 s19, $0x6;
	s16 =	smul.u32 $0x9C400, s6;
	[dreg:$0x6] =	wrdreg s15  }
0x12: {  	s24 =	sshll.u32 s21, $0x4;
	[dreg:$0x7] =	wrdreg s7;
	s5 =	sadd.s32 s18, s3  }
0x13: {  	s2 =	sadd.s32 s2, s4;
	s15 =	sshll.u32 s21, $0x6;
	s18 =	sadd.s32 $0x1A0, s11  }
0x14: {  	s7 =	sshrl.u32 s26, $0x3;
	s21 =	sadd.s32 $0x208, s11;
	[dreg:$0x9] =	wrdreg s5  }
0x15: {  	s11 =	simm.s32 $0x1;
	[dreg:$0xa] =	wrdreg s2;
	s5 =	sshll.u32 s19, $0x4  }
0x16: {  	s2 =	sadd.s32 s20, s3;
	s23 =	sadd.s32 s15, s3;
	s25 =	sadd.s32 s12, s16  }
0x17: {  	s15 =	sshrl.u32 s16, $0x3;
	s16 =	sadd.s32 s14, s26;
	s19 =	sshll.u32 s18, $0x6  }
0x18: {  	s20 =	sshll.u32 s18, $0x4;
	s26 =	smax.u32 s13, $0x1;
	s13 =	simm.s32 $0x2  }
0x19: {  	s14 =	simm.s32 $0x4;
	[dreg:$0xb] =	wrdreg s2;
	s22 =	sadd.s32 s5, s4  }
0x1a: {  	[dreg:$0xd] =	wrdreg s23;
	s2 =	sadd.s32 s24, s4;
	s12 =	sshrl.u32 s25, $0x3  }
0x1b: {  	s5 =	sadd.s32 s8, s15;
	s24 =	smul.u32 $0x2710, s6;
	[dreg:$0x17] =	wrdreg s26  }
0x1c: {  	s26 =	sadd.s32 $0x9C000, s3;
	s6 =	simm.s32 $0x50;
	[dreg:$0xc] =	wrdreg s22  }
0x1d: {  	s15 =	simm.s32 $0x5;
	[dreg:$0xe] =	wrdreg s2;
	s2 =	sadd.s32 s8, s12  }
0x1e: {  	s22 =	sshll.u32 s21, $0x6;
	s25 =	sadd.s32 $0x13800, s5;
	s8 =	simm.s32 $0xFE60  }
0x1f: {  	s12 =	simm.s32 $0x11260;
	[dreg:$0xf] =	wrdreg s2;
	s2 =	sshrl.u32 s16, $0x3  }
0x20: {  	[dreg:$0x15] =	wrdreg s25;
	s2 =	sadd.s32 s0, s2;
	s0 =	sadd.s32 s0, s7  }
0x21: {  	s7 =	sshll.u32 s21, $0x4;
	[dreg:$0x10] =	wrdreg s2;
	s2 =	sadd.s32 s19, s3  }
.Ltmp0:
0x22: {  	s23 =	sadd.s32 s7, s4;
	[dreg:$0x11] =	wrdreg s2;
	(pc) =	sbr.rel .LBB2_1-.Ltmp0, $4  }
0x23: {  	s16 =	simm.s32 $0x0;
	s0 =	sadd.s32 $0x4E00, s0;
	[dreg:$0x14] =	wrdreg s23  }
0x24: {  	s7 =	simm.s32 $0xEA60;
	s2 =	sadd.s32 s20, s4;
	[dreg:$0x16] =	wrdreg s0  }
0x25: {  	v0 =	vimm.f32 $0.0e+00;
	vm0 =	vcmask $0x704;
	s0 =	simm.s32 $0x7;
	[dreg:$0x12] =	wrdreg s2;
	s2 =	sadd.s32 s22, s3  }
0x26: {  	v2 =	vsel vm0, $0x3F800000, v0;
	vm0 =	vmmov $0x1;
	v1 =	vmov s24;
	s22 =	simm.s32 $0x4E20;
	[dreg:$0x13] =	wrdreg s2;
	s2 =	simm.s32 $0x6  }
.LBB2_19:
0x27: {  	_ =	swait.ge [sflag:s14], $0x1400  }
0x28: {  	[sflag:s14] =	ssyncset.done $0x0  }
0x29: {  	[sflag:s14] =	ssyncadd.s32 $0xFFFFEC00  }
0x2a: {  	_ =	swait.ge [sflag:s15], $0x500  }
0x2b: {  	[sflag:s15] =	ssyncset.done $0x0  }
0x2c: {  	s5 =	stileid.u32;
	[sflag:s15] =	ssyncadd.s32 $0xFFFFFB00  }
0x2d: {  	s5 =	sshll.u32 s5, $0x6;
	[bflag:$0x0] =	sbarrier.arrive $0xFFFF  }
0x2e: {  	s17 =	sshrl.u32 s9, $0x3;
	s5 =	sor.u32 $0x1C07, s5;
	s18 =	rddreg [dreg:$0xf]  }
0x2f: {  	[hbm:s18], [sflag:s5] =	dma.local [spmem:s17], $0x1380  }
0x30: {  	_ =	swait.ge [sflag:s0], $0x1380  }
0x31: {  	[sflag:s0] =	ssyncset.done $0x0  }
0x32: {  	s23 =	sshrl.u32 s10, $0x3;
	s24 =	rddreg [dreg:$0x10];
	[sflag:s0] =	ssyncadd.s32 $0xFFFFEC80  }
0x33: {  	[hbm:s24], [sflag:s5] =	dma.local [spmem:s23], $0x4E0  }
0x34: {  	_ =	swait.ge [sflag:s0], $0x4E0  }
0x35: {  	[sflag:s0] =	ssyncset.done $0x0  }
0x36: {  	s17 =	sshrl.u32 @!p2 s26, $0x3;
	s18 =	rddreg [dreg:$0x15];
	[sflag:s0] =	ssyncadd.s32 $0xFFFFFB20  }
0x37: {  	[hbm:s18], [sflag:s5] =	dma.local @!p2 [spmem:s17], $0x80  }
0x38: {  	s17 =	simm.s32 @!p2 $0x7  }
0x39: {  	_ =	swait.ge @!p2 [sflag:s17], $0x80  }
0x3a: {  	[sflag:s17] =	ssyncset.done @!p2 $0x0  }
0x3b: {  	s18 =	sshrl.u32 @!p2 s28, $0x3;
	s19 =	rddreg [dreg:$0x16];
	[sflag:s17] =	ssyncadd.s32 @!p2 $0xFFFFFF80  }
0x3c: {  	[hbm:s19], [sflag:s5] =	dma.local @!p2 [spmem:s18], $0x20  }
0x3d: {  	_ =	swait.ge @!p2 [sflag:s17], $0x20  }
0x3e: {  	s16 =	sadd.s32 $0x1, s16;
	s25 =	rddreg [dreg:$0x17]  }
0x3f: {  	p3 =	sne.s32 s16, s25  }
.Ltmp1:
0x40: {  	_ = 	snop;
	(pc) =	sbr.rel @!p3 .LBB2_20-.Ltmp1, $3  }
0x41: {  	_ =	sdelay $0x1  }
0x42: {  	[sflag:s17] =	ssyncset.done @!p2 $0x0  }
0x43: {  	s22 =	simm.s32 $0x4E20;
	[sflag:s17] =	ssyncadd.s32 @!p2 $0xFFFFFFE0  }
.LBB2_1:
0x44: {  	s5 =	simm.s32 $0x0;
	s17 =	rddreg [dreg:$0x6]  }
0x45: {  	[tilespmem:s5], [sflag:$0x6] =	stream.linear.gather [hbm4b:s17+s5], $0x4E20, $0x38;
	[tilespmem:$0x1FB30] =	vst v63  }
0x46: {  	s24 =	rddreg [dreg:$0x7]  }
0x47: {  	[tilespmem:s22], [sflag:$0x6] =	stream.linear.gather [hbm4b:s24+s5], $0x4E20, $0x38;
	[tilespmem:$0x1FB30] =	vst v63  }
0x48: {  	s25 =	rddreg [dreg:$0x8];
	s18 =	simm.s32 $0x9C40;
	s17 =	simm.s32 $0x11780  }
0x49: {  	[tilespmem:s18], [sflag:$0x6] =	stream.linear.gather [hbm4b:s25+s5], $0x4E20, $0x38;
	[tilespmem:$0x1FB30] =	vst v63  }
0x4a: {  	[tilespmem:s17+$0x0] =	vst v0  }
0x4b: {  	[tilespmem:s17+$0xFFFFFFE0] =	vst v0  }
0x4c: {  	[tilespmem:s17+$0x10] =	vst v0  }
0x4d: {  	s18 =	simm.s32 $0x40;
	s5 =	simm.s32 $0x0;
	[tilespmem:s17+$0xFFFFFFF0] =	vst v0  }
.LBB2_2:
0x4e: {  	p3 =	sne.s32 s18, $0x19C0  }
0x4f: {  	[tilespmem:s5+$0x13160] =	vst v0;
	s17 =	sadd.s32 $0x40, s17;
	s5 =	smov.u32 s18;
	s18 =	sadd.s32 $0x40, s18  }
.Ltmp2:
0x50: {  	[tilespmem:s17+$0x0] =	vst v0;
	(pc) =	sbr.rel @p3 .LBB2_2-.Ltmp2, $4  }
0x51: {  	_ = 	snop  }
0x52: {  	[tilespmem:s17+$0xFFFFFFE0] =	vst v0  }
0x53: {  	[tilespmem:s17+$0x10] =	vst v0  }
0x54: {  	s5 =	sshra.s32 s5, $0x2;
	[tilespmem:s17+$0xFFFFFFF0] =	vst v0  }
0x55: {  	[tilespmem:s5+$0x13160] =	vst v0  }
0x56: {  	[spmem:s9] =	stream.linear.scatter [tilespmem:s31], [sflag:$0x7], $0x1A00, $0x38;
	[tilespmem:$0x1FB30] =	vst v63  }
0x57: {  	_ =	swait.ge [sflag:s0], $0x1A00  }
0x58: {  	[sflag:s0] =	ssyncset.done $0x0  }
0x59: {  	[sflag:s0] =	ssyncadd.s32 $0xFFFFE600  }
0x5a: {  	[spmem:s10] =	stream.linear.scatter [tilespmem:s30], [sflag:$0x7], $0x680, $0x38;
	[tilespmem:$0x1FB30] =	vst v63  }
0x5b: {  	_ =	swait.ge [sflag:s0], $0x680  }
0x5c: {  	[sflag:s0] =	ssyncset.done $0x0  }
0x5d: {  	s20 =	rddreg [dreg:$0x9];
	[sflag:s0] =	ssyncadd.s32 $0xFFFFF980  }
0x5e: {  	[spmem:s20] =	stream.linear.scatter [tilespmem:s31], [sflag:$0x7], $0x1A00, $0x38;
	[tilespmem:$0x1FB30] =	vst v63  }
0x5f: {  	_ =	swait.ge [sflag:s0], $0x1A00  }
0x60: {  	[sflag:s0] =	ssyncset.done $0x0  }
0x61: {  	s21 =	rddreg [dreg:$0xa];
	[sflag:s0] =	ssyncadd.s32 $0xFFFFE600  }
0x62: {  	[spmem:s21] =	stream.linear.scatter [tilespmem:s30], [sflag:$0x7], $0x680, $0x38;
	[tilespmem:$0x1FB30] =	vst v63  }
0x63: {  	_ =	swait.ge [sflag:s0], $0x680  }
0x64: {  	[sflag:s0] =	ssyncset.done $0x0  }
0x65: {  	s23 =	rddreg [dreg:$0xb];
	[sflag:s0] =	ssyncadd.s32 $0xFFFFF980  }
0x66: {  	[spmem:s23] =	stream.linear.scatter [tilespmem:s31], [sflag:$0x7], $0x1A00, $0x38;
	[tilespmem:$0x1FB30] =	vst v63  }
0x67: {  	_ =	swait.ge [sflag:s0], $0x1A00  }
0x68: {  	[sflag:s0] =	ssyncset.done $0x0  }
0x69: {  	s24 =	rddreg [dreg:$0xc];
	[sflag:s0] =	ssyncadd.s32 $0xFFFFE600  }
0x6a: {  	[spmem:s24] =	stream.linear.scatter [tilespmem:s30], [sflag:$0x7], $0x680, $0x38;
	[tilespmem:$0x1FB30] =	vst v63  }
0x6b: {  	_ =	swait.ge [sflag:s0], $0x680  }
0x6c: {  	[sflag:s0] =	ssyncset.done $0x0  }
0x6d: {  	s25 =	rddreg [dreg:$0xd];
	[sflag:s0] =	ssyncadd.s32 $0xFFFFF980  }
0x6e: {  	[spmem:s25] =	stream.linear.scatter [tilespmem:s31], [sflag:$0x7], $0x1A00, $0x38;
	[tilespmem:$0x1FB30] =	vst v63  }
0x6f: {  	_ =	swait.ge [sflag:s0], $0x1A00  }
0x70: {  	[sflag:s0] =	ssyncset.done $0x0  }
0x71: {  	s17 =	rddreg [dreg:$0xe];
	[sflag:s0] =	ssyncadd.s32 $0xFFFFE600  }
0x72: {  	[spmem:s17] =	stream.linear.scatter [tilespmem:s30], [sflag:$0x7], $0x680, $0x38;
	[tilespmem:$0x1FB30] =	vst v63  }
0x73: {  	_ =	swait.ge [sflag:s0], $0x680  }
0x74: {  	[sflag:s0] =	ssyncset.done $0x0  }
0x75: {  	s18 =	rddreg [dreg:$0x11];
	[sflag:s0] =	ssyncadd.s32 $0xFFFFF980  }
0x76: {  	[spmem:s18] =	stream.linear.scatter [tilespmem:s31], [sflag:$0x7], $0x1A00, $0x38;
	[tilespmem:$0x1FB30] =	vst v63  }
0x77: {  	_ =	swait.ge [sflag:s0], $0x1A00  }
0x78: {  	[sflag:s0] =	ssyncset.done $0x0  }
0x79: {  	s19 =	rddreg [dreg:$0x12];
	[sflag:s0] =	ssyncadd.s32 $0xFFFFE600  }
0x7a: {  	[spmem:s19] =	stream.linear.scatter [tilespmem:s30], [sflag:$0x7], $0x680, $0x38;
	[tilespmem:$0x1FB30] =	vst v63  }
0x7b: {  	_ =	swait.ge [sflag:s0], $0x680  }
0x7c: {  	[sflag:s0] =	ssyncset.done $0x0  }
0x7d: {  	s20 =	rddreg [dreg:$0x13];
	[sflag:s0] =	ssyncadd.s32 $0xFFFFF980  }
0x7e: {  	[spmem:s20] =	stream.linear.scatter [tilespmem:s31], [sflag:$0x7], $0x1A00, $0x38;
	[tilespmem:$0x1FB30] =	vst v63  }
0x7f: {  	_ =	swait.ge [sflag:s0], $0x1A00  }
0x80: {  	[sflag:s0] =	ssyncset.done $0x0  }
0x81: {  	s21 =	rddreg [dreg:$0x14];
	[sflag:s0] =	ssyncadd.s32 $0xFFFFE600  }
0x82: {  	[spmem:s21] =	stream.linear.scatter [tilespmem:s30], [sflag:$0x7], $0x680, $0x38;
	[tilespmem:$0x1FB30] =	vst v63  }
0x83: {  	_ =	swait.ge [sflag:s0], $0x680  }
0x84: {  	[sflag:s0] =	ssyncset.done $0x0  }
0x85: {  	s5 =	simm.s32 @!p2 $0x11760;
	[sflag:s0] =	ssyncadd.s32 $0xFFFFF980  }
0x86: {  	[spmem:s26] =	stream.linear.scatter @!p2 [tilespmem:s5], [sflag:$0x7], $0x400, $0x38;
	[tilespmem:$0x1FB30] =	vst v63  }
0x87: {  	s5 =	simm.s32 @!p2 $0x7  }
0x88: {  	_ =	swait.ge @!p2 [sflag:s5], $0x400  }
0x89: {  	[sflag:s5] =	ssyncset.done @!p2 $0x0  }
0x8a: {  	s17 =	simm.s32 @!p2 $0x13160;
	[sflag:s5] =	ssyncadd.s32 @!p2 $0xFFFFFC00  }
0x8b: {  	[spmem:s28] =	stream.linear.scatter @!p2 [tilespmem:s17], [sflag:$0x7], $0x100, $0x38;
	[tilespmem:$0x1FB30] =	vst v63  }
0x8c: {  	_ =	swait.ge @!p2 [sflag:s5], $0x100  }
0x8d: {  	[sflag:s5] =	ssyncset.done @!p2 $0x0  }
0x8e: {  	s23 =	simm.s32 $0x0;
	[sflag:s5] =	ssyncadd.s32 @!p2 $0xFFFFFF00  }
0x8f: {  	s5 =	smul.u32 $0xCCCD, s23;
	_ =	swait.ge [sflag:s2], $0x4E20  }
0x90: {  	[sflag:s2] =	ssyncset.done $0x0  }
0x91: {  	s5 =	sshrl.u32 s5, $0x12;
	[sflag:s2] =	ssyncadd.s32 $0xFFFFB1E0  }
0x92: {  	s24 =	smul.u32 $0x5, s5;
	_ =	swait.ge [sflag:s2], $0x4E20  }
0x93: {  	s18 =	simm.s32 $0x1;
	[sflag:s2] =	ssyncset.done $0x0  }
0x94: {  	s5 =	smul.u32 $0x140, s5;
	s17 =	ssub.s32 $0x0, s24;
	[sflag:s2] =	ssyncadd.s32 $0xFFFFB1E0  }
0x95: {  	s18 =	smul.u32 $0xCCCD, s18;
	s17 =	sand.u32 $0xFFFF, s17;
	_ =	swait.ge [sflag:s2], $0x4E20  }
0x96: {  	s5 =	sshrl.u32 s5, $0x2;
	s17 =	sshll.u32 s17, $0x4;
	[sflag:s2] =	ssyncset.done $0x0  }
0x97: {  	s17 =	sadd.s32 s17, s5;
	[sflag:s2] =	ssyncadd.s32 $0xFFFFB1E0  }
0x98: {  	s25 =	sshrl.u32 s18, $0x12;
	v3 =	vld [tilespmem:s17+$0x4E20]  }
0x99: {  	s19 =	smul.u32 $0x5, s25;
	_ =	sdelay $0x1  }
0x9a: {  	s18 =	simm.s32 $0x2;
	s19 =	ssub.s32 $0x1, s19;
	s5 =	smul.u32 $0x140, s25  }
0x9b: {  	s20 =	smul.u32 $0xCCCD, s18;
	s21 =	sand.u32 $0xFFFF, s19  }
0x9c: {  	s19 =	simm.s32 $0x3;
	s21 =	sshll.u32 s21, $0x4;
	s5 =	sshrl.u32 s5, $0x2;
	v3 =	vadd.s32 v1, v3  }
.LBB2_4:
0x9d: {  	p3 =	sne.s32 s19, $0x4E1;
	[tilespmem:s17+$0x4E20] =	vst v3;
	s17 =	sadd.s32 s21, s5;
	s5 =	sshrl.u32 s20, $0x12  }
0x9e: {  	v3 =	vld [tilespmem:s17+$0x4E20];
	s20 =	smul.u32 $0x5, s5  }
.Ltmp3:
0x9f: {  	(pc) =	sbr.rel @p3 .LBB2_4-.Ltmp3, $4  }
0xa0: {  	_ = 	snop  }
0xa1: {  	s5 =	smul.u32 $0x140, s5;
	s21 =	ssub.s32 s18, s20;
	s18 =	smov.u32 s19  }
0xa2: {  	s20 =	smul.u32 $0xCCCD, s19;
	s21 =	sand.u32 $0xFFFF, s21  }
0xa3: {  	s19 =	sadd.s32 $0x1, s19;
	s5 =	sshrl.u32 s5, $0x2;
	s21 =	sshll.u32 s21, $0x4;
	v3 =	vadd.s32 v1, v3  }
0xa4: {  	s5 =	sadd.s32 s21, s5;
	[tilespmem:s17+$0x4E20] =	vst v3  }
0xa5: {  	s25 =	sshrl.u32 s20, $0x12;
	v3 =	vld [tilespmem:s5+$0x4E20]  }
0xa6: {  	s19 =	smul.u32 $0x5, s25;
	_ =	sdelay $0x1  }
0xa7: {  	s17 =	smul.u32 $0x140, s25;
	s18 =	ssub.s32 s18, s19  }
0xa8: {  	s18 =	sand.u32 $0xFFFF, s18  }
0xa9: {  	s17 =	sshrl.u32 s17, $0x2;
	s18 =	sshll.u32 s18, $0x4;
	v3 =	vadd.s32 v1, v3  }
0xaa: {  	s17 =	sadd.s32 s18, s17;
	[tilespmem:s5+$0x4E20] =	vst v3  }
0xab: {  	v3 =	vld [tilespmem:s17+$0x4E20];
	_ =	sdelay $0x3  }
.Ltmp4:
0xac: {  	_ = 	snop;
	(pc) =	sbr.rel .LBB2_6-.Ltmp4, $4  }
0xad: {  	v3 =	vadd.s32 v1, v3  }
0xae: {  	s19 =	simm.s32 $0x9C90;
	[tilespmem:s17+$0x4E20] =	vst v3  }
0xaf: {  	s18 =	simm.s32 $0x9C40;
	s17 =	simm.s32 $0x0;
	[bflag:$0x0] =	sbarrier.arrive $0xFFFF  }
0xb0: {  	[tilespmem:s7], [sflag:$0x1] =	stream.indirect.gather [hbm4b:s1+s6], $0x40, s22, s6, $0xb8;
	[tilespmem:$0x1FB30] =	vst v63  }
.LBB2_18:
0xb1: {  	s17 =	sadd.s32 $0x1, s17  }
0xb2: {  	p3 =	sne.s32 s17, $0x7D  }
.Ltmp5:
0xb3: {  	_ = 	snop;
	(pc) =	sbr.rel @!p3 .LBB2_19-.Ltmp5, $2  }
0xb4: {  	_ =	sdelay $0x2  }
0xb5: {  	s18 =	sadd.s32 $0xA0, s18;
	s19 =	sadd.s32 $0xA0, s19  }
.LBB2_6:
0xb6: {  	s5 =	sshll.u32 s17, $0x1  }
0xb7: {  	p3 =	seq.s32 s17, $0x0;
	s20 =	sor.u32 $0x1, s5  }
0xb8: {  	s5 =	simm.s32 @!p3 $0x4;
	s21 =	smul.u32 $0x140, s20  }
0xb9: {  	_ =	swait.ge @!p3 [sflag:s5], $0x1400  }
0xba: {  	[sflag:s5] =	ssyncset.done @!p3 $0x0;
	s21 =	sshra.s32 s21, $0x2  }
0xbb: {  	v3 =	vmov s18;
	[sflag:s5] =	ssyncadd.s32 @!p3 $0xFFFFEC00;
	s23 =	sadd.s32 $0x4E20, s21  }
0xbc: {  	[tilespmem:s8], [sflag:$0x2] =	stream.indirect.gather [hbm4b:s1+s6], $0x40, s23, s6, $0xb8;
	[tilespmem:$0x1FB30] =	vst v63  }
0xbd: {  	_ =	swait.ge [sflag:s11], $0x1400  }
0xbe: {  	[sflag:s11] =	ssyncset.done $0x0  }
0xbf: {  	s24 =	simm.s32 $0x0;
	[sflag:s11] =	ssyncadd.s32 $0xFFFFEC00  }
0xc0: {  	s22 =	simm.s32 $0xEC60;
	v6 =	vld.idx.msk [tilespmem:v3+s24+$0x0 ss:$0x1], $0xffff  }
0xc1: {  	v4 =	vld [tilespmem:s22+$0x1F0]  }
0xc2: {  	v7 =	vld [tilespmem:s22+$0xFFFFFE00]  }
0xc3: {  	v8 =	vld [tilespmem:s22+$0xFFFFFE10]  }
0xc4: {  	v9 =	vld [tilespmem:s22+$0xFFFFFE20]  }
0xc5: {  	v10 =	vld [tilespmem:s22+$0xFFFFFE30]  }
0xc6: {  	v11 =	vld [tilespmem:s22+$0xFFFFFE40]  }
0xc7: {  	v12 =	vld [tilespmem:s22+$0xFFFFFE50]  }
0xc8: {  	v13 =	vld [tilespmem:s22+$0xFFFFFE60]  }
0xc9: {  	v15 =	vld [tilespmem:s22+$0xFFFFFE80]  }
0xca: {  	v16 =	vld [tilespmem:s22+$0xFFFFFE90]  }
0xcb: {  	v17 =	vld [tilespmem:s22+$0xFFFFFEA0]  }
0xcc: {  	v18 =	vld [tilespmem:s22+$0xFFFFFEB0];
	v5 =	vbroadcast v6, $0xF  }
0xcd: {  	v19 =	vld [tilespmem:s22+$0xFFFFFEC0];
	v14 =	vbroadcast v6, $0x0  }
0xce: {  	s23 =	simm.s32 $0xF060;
	v20 =	vld [tilespmem:s22+$0xFFFFFF50];
	v4 =	vmul.f32 v4, v5  }
0xcf: {  	v21 =	vld [tilespmem:s23+$0x1F0];
	v7 =	vmul.f32 v14, v7  }
0xd0: {  	v22 =	vld [tilespmem:s23+$0xFFFFFE00];
	v8 =	vmul.f32 v8, v14;
	[tilespmem:s22+$0x1F0] =	vst v4  }
0xd1: {  	v23 =	vld [tilespmem:s23+$0xFFFFFE10];
	v31 =	vbroadcast v6, $0x3;
	v10 =	vmul.f32 v10, v14;
	[tilespmem:s22+$0xFFFFFE00] =	vst v7  }
0xd2: {  	v4 =	vld [tilespmem:s22+$0xFFFFFE70];
	v7 =	vmul.f32 v9, v14;
	[tilespmem:s22+$0xFFFFFE10] =	vst v8;
	v9 =	vbroadcast v6, $0x1  }
0xd3: {  	v19 =	vmul.f32 v19, v31;
	v8 =	vld [tilespmem:s22+$0xFFFFFED0];
	[tilespmem:s22+$0xFFFFFE30] =	vst v10  }
0xd4: {  	v14 =	vld [tilespmem:s22+$0xFFFFFEE0];
	[tilespmem:s22+$0xFFFFFE20] =	vst v7;
	v7 =	vmul.f32 v11, v9  }
0xd5: {  	v24 =	vld [tilespmem:s23+$0xFFFFFE20];
	[tilespmem:s22+$0xFFFFFEC0] =	vst v19;
	v11 =	vmul.f32 v12, v9  }
0xd6: {  	v10 =	vld [tilespmem:s22+$0xFFFFFEF0];
	[tilespmem:s22+$0xFFFFFE40] =	vst v7;
	v7 =	vmul.f32 v13, v9  }
0xd7: {  	v25 =	vld [tilespmem:s23+$0xFFFFFE30];
	[tilespmem:s22+$0xFFFFFE50] =	vst v11;
	v4 =	vmul.f32 v4, v9  }
0xd8: {  	v26 =	vld [tilespmem:s23+$0xFFFFFE40];
	v13 =	vbroadcast v6, $0x2;
	v8 =	vmul.f32 v8, v31;
	[tilespmem:s22+$0xFFFFFE60] =	vst v7  }
0xd9: {  	v12 =	vld [tilespmem:s22+$0xFFFFFF00];
	v14 =	vmul.f32 v14, v31;
	[tilespmem:s22+$0xFFFFFE70] =	vst v4  }
0xda: {  	v11 =	vld [tilespmem:s22+$0xFFFFFF10];
	v7 =	vmul.f32 v15, v13;
	[tilespmem:s22+$0xFFFFFED0] =	vst v8  }
0xdb: {  	s25 =	simm.s32 $0x10;
	v9 =	vld [tilespmem:s22+$0xFFFFFF20];
	v10 =	vmul.f32 v10, v31;
	[tilespmem:s22+$0xFFFFFEE0] =	vst v14  }
0xdc: {  	v17 =	vmul.f32 v17, v13;
	[tilespmem:s22+$0xFFFFFE80] =	vst v7;
	v7 =	vld.idx.msk [tilespmem:v3+s25+$0x0 ss:$0x1], $0xffff  }
0xdd: {  	v47 =	vbroadcast v6, $0x4;
	v15 =	vld [tilespmem:s22+$0xFFFFFF30];
	v4 =	vmul.f32 v16, v13;
	[tilespmem:s22+$0xFFFFFEF0] =	vst v10  }
0xde: {  	v27 =	vld [tilespmem:s23+$0xFFFFFE50];
	v13 =	vmul.f32 v18, v13;
	[tilespmem:s22+$0xFFFFFEA0] =	vst v17  }
0xdf: {  	v28 =	vld [tilespmem:s22+$0xFFFFFF60];
	v12 =	vmul.f32 v12, v47;
	[tilespmem:s22+$0xFFFFFE90] =	vst v4  }
0xe0: {  	v30 =	vld [tilespmem:s23+$0xFFFFFE80];
	[tilespmem:s22+$0xFFFFFEB0] =	vst v13;
	v11 =	vmul.f32 v11, v47  }
0xe1: {  	v32 =	vld [tilespmem:s23+$0xFFFFFEA0];
	[tilespmem:s22+$0xFFFFFF00] =	vst v12;
	v9 =	vmul.f32 v9, v47;
	v4 =	vbroadcast v7, $0xF  }
0xe2: {  	v33 =	vld [tilespmem:s22+$0xFFFFFF70];
	[tilespmem:s22+$0xFFFFFF10] =	vst v11;
	v15 =	vmul.f32 v15, v47;
	v29 =	vbroadcast v7, $0x0  }
0xe3: {  	v48 =	vld [tilespmem:s22+$0xFFFFFFA0];
	[tilespmem:s22+$0xFFFFFF20] =	vst v9;
	v21 =	vmul.f32 v21, v4  }
0xe4: {  	v49 =	vld [tilespmem:s22+$0xFFFFFFB0];
	[tilespmem:s22+$0xFFFFFF30] =	vst v15;
	v22 =	vmul.f32 v29, v22  }
0xe5: {  	v17 =	vld [tilespmem:s23+$0xFFFFFE60];
	v23 =	vmul.f32 v23, v29;
	[tilespmem:s23+$0x1F0] =	vst v21  }
0xe6: {  	v50 =	vld [tilespmem:s22+$0xFFFFFFC0];
	v34 =	vbroadcast v7, $0x1;
	v24 =	vmul.f32 v24, v29;
	[tilespmem:s23+$0xFFFFFE00] =	vst v22  }
0xe7: {  	v18 =	vld [tilespmem:s23+$0xFFFFFE90];
	v25 =	vmul.f32 v25, v29;
	[tilespmem:s23+$0xFFFFFE10] =	vst v23  }
0xe8: {  	v51 =	vld [tilespmem:s22+$0xFFFFFFD0];
	v26 =	vmul.f32 v26, v34;
	[tilespmem:s23+$0xFFFFFE20] =	vst v24  }
0xe9: {  	v13 =	vld [tilespmem:s23+$0xFFFFFEB0];
	v52 =	vbroadcast v7, $0x2;
	v27 =	vmul.f32 v27, v34;
	[tilespmem:s23+$0xFFFFFE30] =	vst v25  }
0xea: {  	v19 =	vld [tilespmem:s23+$0xFFFFFEC0];
	v17 =	vmul.f32 v17, v34;
	[tilespmem:s23+$0xFFFFFE40] =	vst v26  }
0xeb: {  	v8 =	vld [tilespmem:s23+$0xFFFFFED0];
	v30 =	vmul.f32 v30, v52;
	[tilespmem:s23+$0xFFFFFE50] =	vst v27  }
0xec: {  	v14 =	vld [tilespmem:s23+$0xFFFFFEE0];
	v18 =	vmul.f32 v18, v52;
	[tilespmem:s23+$0xFFFFFE60] =	vst v17  }
0xed: {  	v10 =	vld [tilespmem:s23+$0xFFFFFEF0];
	v56 =	vbroadcast v7, $0x3;
	v32 =	vmul.f32 v32, v52;
	[tilespmem:s23+$0xFFFFFE80] =	vst v30  }
0xee: {  	v12 =	vld [tilespmem:s23+$0xFFFFFF00];
	v13 =	vmul.f32 v13, v52;
	[tilespmem:s23+$0xFFFFFE90] =	vst v18  }
0xef: {  	v11 =	vld [tilespmem:s23+$0xFFFFFF10];
	v19 =	vmul.f32 v19, v56;
	[tilespmem:s23+$0xFFFFFEA0] =	vst v32  }
0xf0: {  	v53 =	vld [tilespmem:s22+$0xFFFFFFE0];
	v8 =	vmul.f32 v8, v56;
	[tilespmem:s23+$0xFFFFFEB0] =	vst v13  }
0xf1: {  	v54 =	vld [tilespmem:s22+$0x0];
	v60 =	vbroadcast v7, $0x4;
	v14 =	vmul.f32 v14, v56;
	[tilespmem:s23+$0xFFFFFEC0] =	vst v19  }
0xf2: {  	v9 =	vld [tilespmem:s23+$0xFFFFFF20];
	v10 =	vmul.f32 v10, v56;
	[tilespmem:s23+$0xFFFFFED0] =	vst v8  }
0xf3: {  	v57 =	vbroadcast v6, $0x6;
	v15 =	vld [tilespmem:s23+$0xFFFFFF30];
	v12 =	vmul.f32 v12, v60;
	[tilespmem:s23+$0xFFFFFEE0] =	vst v14  }
0xf4: {  	v16 =	vld [tilespmem:s22+$0xFFFFFF40];
	v11 =	vmul.f32 v11, v60;
	[tilespmem:s23+$0xFFFFFEF0] =	vst v10  }
0xf5: {  	v55 =	vld [tilespmem:s22+$0x10];
	v8 =	vmul.f32 v48, v57;
	[tilespmem:s23+$0xFFFFFF00] =	vst v12  }
0xf6: {  	v58 =	vld [tilespmem:s22+$0x20];
	v25 =	vmul.f32 v49, v57;
	[tilespmem:s23+$0xFFFFFF10] =	vst v11  }
0xf7: {  	v59 =	vld [tilespmem:s22+$0x50];
	v17 =	vbroadcast v6, $0x5;
	v9 =	vmul.f32 v9, v60;
	[tilespmem:s22+$0xFFFFFFA0] =	vst v8  }
0xf8: {  	v61 =	vld [tilespmem:s22+$0x60];
	v15 =	vmul.f32 v15, v60;
	[tilespmem:s22+$0xFFFFFFB0] =	vst v25  }
0xf9: {  	v62 =	vld [tilespmem:s23+$0xFFFFFFB0];
	v16 =	vmul.f32 v16, v17;
	[tilespmem:s23+$0xFFFFFF20] =	vst v9  }
0xfa: {  	v63 =	vld [tilespmem:s22+$0x70];
	v20 =	vmul.f32 v20, v17;
	[tilespmem:s23+$0xFFFFFF30] =	vst v15  }
0xfb: {  	v36 =	vld [tilespmem:s22+$0x80];
	v14 =	vbroadcast v6, $0x7;
	v18 =	vmul.f32 v28, v17;
	[tilespmem:s22+$0xFFFFFF40] =	vst v16  }
0xfc: {  	v37 =	vld [tilespmem:s22+$0x90];
	v17 =	vmul.f32 v33, v17;
	[tilespmem:s22+$0xFFFFFF50] =	vst v20  }
0xfd: {  	v21 =	vld [tilespmem:s23+$0xFFFFFE70];
	v10 =	vmul.f32 v50, v14;
	[tilespmem:s22+$0xFFFFFF60] =	vst v18  }
0xfe: {  	v42 =	vbroadcast v7, $0x6;
	v22 =	vld [tilespmem:s22+$0xFFFFFF80];
	v12 =	vmul.f32 v51, v14;
	[tilespmem:s22+$0xFFFFFF70] =	vst v17  }
0xff: {  	v23 =	vld [tilespmem:s22+$0xFFFFFF90];
	v11 =	vmul.f32 v53, v14;
	v9 =	vbroadcast v6, $0x8;
	[tilespmem:s22+$0xFFFFFFC0] =	vst v10  }
0x100: {  	v8 =	vld [tilespmem:s23+$0xFFFFFFA0];
	v25 =	vmul.f32 v62, v42;
	[tilespmem:s22+$0xFFFFFFD0] =	vst v12  }
0x101: {  	v16 =	vld [tilespmem:s23+$0xFFFFFF40];
	[tilespmem:s22+$0xFFFFFFE0] =	vst v11;
	v15 =	vmul.f32 v54, v9  }
0x102: {  	v20 =	vld [tilespmem:s23+$0xFFFFFF50];
	[tilespmem:s23+$0xFFFFFFB0] =	vst v25;
	v21 =	vmul.f32 v21, v34  }
0x103: {  	v18 =	vld [tilespmem:s23+$0xFFFFFF60];
	v13 =	vmul.f32 v22, v57;
	[tilespmem:s22+$0x0] =	vst v15  }
0x104: {  	v38 =	vbroadcast v7, $0x5;
	v17 =	vld [tilespmem:s23+$0xFFFFFF70];
	v19 =	vmul.f32 v23, v57;
	[tilespmem:s23+$0xFFFFFE70] =	vst v21  }
0x105: {  	v10 =	vld [tilespmem:s23+$0xFFFFFFC0];
	[tilespmem:s22+$0xFFFFFF80] =	vst v13;
	v8 =	vmul.f32 v8, v42  }
0x106: {  	v12 =	vld [tilespmem:s23+$0xFFFFFFD0];
	[tilespmem:s22+$0xFFFFFF90] =	vst v19;
	v16 =	vmul.f32 v16, v38  }
0x107: {  	v11 =	vld [tilespmem:s23+$0xFFFFFFE0];
	v20 =	vmul.f32 v20, v38;
	[tilespmem:s23+$0xFFFFFFA0] =	vst v8  }
0x108: {  	v39 =	vld [tilespmem:s22+$0xB0];
	v45 =	vbroadcast v7, $0x7;
	v18 =	vmul.f32 v18, v38;
	[tilespmem:s23+$0xFFFFFF40] =	vst v16  }
0x109: {  	v40 =	vld [tilespmem:s22+$0xC0];
	v17 =	vmul.f32 v17, v38;
	[tilespmem:s23+$0xFFFFFF50] =	vst v20  }
0x10a: {  	v22 =	vld [tilespmem:s22+$0x30];
	v10 =	vmul.f32 v10, v45;
	[tilespmem:s23+$0xFFFFFF60] =	vst v18  }
0x10b: {  	v41 =	vld [tilespmem:s22+$0xD0];
	v12 =	vmul.f32 v12, v45;
	[tilespmem:s23+$0xFFFFFF70] =	vst v17  }
0x10c: {  	v43 =	vld [tilespmem:s22+$0x100];
	v11 =	vmul.f32 v11, v45;
	[tilespmem:s23+$0xFFFFFFC0] =	vst v10  }
0x10d: {  	v15 =	vld [tilespmem:s23+$0x0];
	v16 =	vmul.f32 v55, v9;
	[tilespmem:s23+$0xFFFFFFD0] =	vst v12  }
0x10e: {  	v21 =	vld [tilespmem:s22+$0xFFFFFFF0];
	v8 =	vbroadcast v6, $0xA;
	v20 =	vmul.f32 v58, v9;
	[tilespmem:s23+$0xFFFFFFE0] =	vst v11  }
0x10f: {  	v13 =	vld [tilespmem:s23+$0xFFFFFF80];
	v9 =	vmul.f32 v22, v9;
	[tilespmem:s22+$0x10] =	vst v16  }
0x110: {  	v51 =	vbroadcast v7, $0x8;
	v19 =	vld [tilespmem:s23+$0xFFFFFF90];
	v47 =	vmul.f32 v36, v8;
	[tilespmem:s22+$0x20] =	vst v20  }
0x111: {  	v23 =	vld [tilespmem:s22+$0x40];
	v10 =	vmul.f32 v37, v8;
	[tilespmem:s22+$0x30] =	vst v9  }
0x112: {  	v44 =	vld [tilespmem:s22+$0x110];
	v15 =	vmul.f32 v15, v51;
	[tilespmem:s22+$0x80] =	vst v47  }
0x113: {  	v49 =	vld [tilespmem:s23+$0x80];
	v14 =	vmul.f32 v21, v14;
	[tilespmem:s22+$0x90] =	vst v10  }
0x114: {  	v46 =	vld [tilespmem:s22+$0x120];
	v18 =	vbroadcast v6, $0x9;
	v13 =	vmul.f32 v13, v42;
	[tilespmem:s23+$0x0] =	vst v15  }
0x115: {  	v52 =	vld [tilespmem:s22+$0x160];
	v11 =	vbroadcast v6, $0xB;
	v19 =	vmul.f32 v19, v42;
	[tilespmem:s22+$0xFFFFFFF0] =	vst v14  }
0x116: {  	v56 =	vld [tilespmem:s22+$0x1B0];
	v58 =	vbroadcast v7, $0xA;
	v17 =	vmul.f32 v23, v18;
	[tilespmem:s23+$0xFFFFFF80] =	vst v13  }
0x117: {  	v21 =	vld [tilespmem:s22+$0xA0];
	v15 =	vmul.f32 v41, v11;
	[tilespmem:s23+$0xFFFFFF90] =	vst v19  }
0x118: {  	v48 =	vld [tilespmem:s22+$0x130];
	v24 =	vmul.f32 v49, v58;
	[tilespmem:s22+$0x40] =	vst v17  }
0x119: {  	v16 =	vld [tilespmem:s23+$0x10];
	v13 =	vmul.f32 v59, v18;
	[tilespmem:s22+$0xD0] =	vst v15  }
0x11a: {  	v20 =	vld [tilespmem:s23+$0x20];
	v19 =	vmul.f32 v61, v18;
	[tilespmem:s23+$0x80] =	vst v24  }
0x11b: {  	v9 =	vld [tilespmem:s23+$0x30];
	v18 =	vmul.f32 v63, v18;
	[tilespmem:s22+$0x50] =	vst v13  }
0x11c: {  	v10 =	vld [tilespmem:s23+$0x90];
	[tilespmem:s22+$0x60] =	vst v19;
	v12 =	vmul.f32 v21, v8  }
0x11d: {  	v14 =	vld [tilespmem:s23+$0xFFFFFFF0];
	[tilespmem:s22+$0x70] =	vst v18;
	v8 =	vmul.f32 v39, v8  }
0x11e: {  	v22 =	vld [tilespmem:s22+$0xE0];
	v16 =	vmul.f32 v16, v51;
	[tilespmem:s22+$0xA0] =	vst v12  }
0x11f: {  	v17 =	vld [tilespmem:s23+$0x40];
	v20 =	vmul.f32 v20, v51;
	[tilespmem:s22+$0xB0] =	vst v8  }
0x120: {  	v60 =	vld [tilespmem:s23+$0x130];
	v9 =	vmul.f32 v9, v51;
	[tilespmem:s23+$0x10] =	vst v16  }
0x121: {  	v23 =	vld [tilespmem:s22+$0xF0];
	v10 =	vmul.f32 v10, v58;
	[tilespmem:s23+$0x20] =	vst v20  }
0x122: {  	v55 =	vbroadcast v7, $0x9;
	v13 =	vld [tilespmem:s23+$0x50];
	v14 =	vmul.f32 v14, v45;
	[tilespmem:s23+$0x30] =	vst v9  }
0x123: {  	v19 =	vld [tilespmem:s23+$0x60];
	v16 =	vmul.f32 v22, v11;
	[tilespmem:s23+$0x90] =	vst v10  }
0x124: {  	v18 =	vld [tilespmem:s23+$0x70];
	v17 =	vmul.f32 v17, v55;
	[tilespmem:s23+$0xFFFFFFF0] =	vst v14  }
0x125: {  	v50 =	vld [tilespmem:s22+$0x140];
	v14 =	vmul.f32 v40, v11;
	[tilespmem:s22+$0xE0] =	vst v16  }
0x126: {  	v53 =	vld [tilespmem:s22+$0x170];
	v11 =	vmul.f32 v23, v11;
	[tilespmem:s23+$0x40] =	vst v17  }
0x127: {  	v62 =	vld [tilespmem:s23+$0x170];
	v13 =	vmul.f32 v13, v55;
	[tilespmem:s22+$0xC0] =	vst v14  }
0x128: {  	v54 =	vld [tilespmem:s22+$0x180];
	v20 =	vbroadcast v6, $0xC;
	v19 =	vmul.f32 v19, v55;
	[tilespmem:s22+$0xF0] =	vst v11  }
0x129: {  	v12 =	vld [tilespmem:s23+$0xA0];
	v18 =	vmul.f32 v18, v55;
	[tilespmem:s23+$0x50] =	vst v13  }
0x12a: {  	v8 =	vld [tilespmem:s23+$0xB0];
	v9 =	vmul.f32 v43, v20;
	[tilespmem:s23+$0x60] =	vst v19  }
0x12b: {  	v57 =	vld [tilespmem:s22+$0x1C0];
	v17 =	vmul.f32 v44, v20;
	[tilespmem:s23+$0x70] =	vst v18  }
0x12c: {  	v21 =	vld [tilespmem:s22+$0x150];
	v13 =	vmul.f32 v46, v20;
	[tilespmem:s22+$0x100] =	vst v9  }
0x12d: {  	v59 =	vld [tilespmem:s23+$0x120];
	v20 =	vmul.f32 v48, v20;
	[tilespmem:s22+$0x110] =	vst v17  }
0x12e: {  	v15 =	vld [tilespmem:s23+$0xD0];
	v19 =	vbroadcast v6, $0xD;
	v12 =	vmul.f32 v12, v58;
	[tilespmem:s22+$0x120] =	vst v13  }
0x12f: {  	v22 =	vld [tilespmem:s22+$0x190];
	v8 =	vmul.f32 v8, v58;
	[tilespmem:s22+$0x130] =	vst v20  }
0x130: {  	v14 =	vld [tilespmem:s23+$0xC0];
	v18 =	vmul.f32 v50, v19;
	[tilespmem:s23+$0xA0] =	vst v12  }
0x131: {  	v23 =	vld [tilespmem:s22+$0x1A0];
	v21 =	vmul.f32 v21, v19;
	[tilespmem:s23+$0xB0] =	vst v8  }
0x132: {  	v16 =	vld [tilespmem:s23+$0xE0];
	v6 =	vbroadcast v6, $0xE;
	v10 =	vmul.f32 v52, v19;
	[tilespmem:s22+$0x140] =	vst v18  }
0x133: {  	v61 =	vbroadcast v7, $0xB;
	v11 =	vld [tilespmem:s23+$0xF0];
	v12 =	vmul.f32 v53, v19;
	[tilespmem:s22+$0x150] =	vst v21  }
0x134: {  	v9 =	vld [tilespmem:s23+$0x100];
	v8 =	vmul.f32 v54, v6;
	[tilespmem:s22+$0x160] =	vst v10  }
0x135: {  	v13 =	vld [tilespmem:s22+$0x1D0];
	v10 =	vmul.f32 v14, v61;
	[tilespmem:s22+$0x170] =	vst v12  }
0x136: {  	v20 =	vld [tilespmem:s22+$0x1E0];
	v12 =	vmul.f32 v22, v6;
	v14 =	vmul.f32 v15, v61;
	[tilespmem:s22+$0x180] =	vst v8  }
0x137: {  	v17 =	vld [tilespmem:s23+$0x110];
	v15 =	vmul.f32 v23, v6;
	v22 =	vmul.f32 v56, v6;
	[tilespmem:s23+$0xC0] =	vst v10  }
0x138: {  	v18 =	vld [tilespmem:s23+$0x140];
	v8 =	vmul.f32 v57, v5;
	v6 =	vmul.f32 v16, v61;
	[tilespmem:s23+$0xD0] =	vst v14  }
0x139: {  	v21 =	vld [tilespmem:s23+$0x150];
	v23 =	vbroadcast v7, $0xD;
	v16 =	vmul.f32 v11, v61;
	[tilespmem:s22+$0x190] =	vst v12  }
0x13a: {  	v19 =	vld [tilespmem:s23+$0x160];
	v14 =	vbroadcast v7, $0xC;
	v7 =	vbroadcast v7, $0xE;
	[tilespmem:s23+$0xE0] =	vst v6  }
0x13b: {  	v10 =	vld [tilespmem:s23+$0x180];
	[tilespmem:s22+$0x1A0] =	vst v15;
	v6 =	vmul.f32 v13, v5;
	v5 =	vmul.f32 v20, v5  }
0x13c: {  	v12 =	vld [tilespmem:s23+$0x190];
	[tilespmem:s23+$0xF0] =	vst v16;
	v63 =	vmul.f32 v9, v14;
	v11 =	vmul.f32 v17, v14  }
0x13d: {  	v13 =	vld [tilespmem:s23+$0x1A0];
	[tilespmem:s22+$0x1B0] =	vst v22;
	v20 =	vmul.f32 v59, v14;
	v9 =	vmul.f32 v60, v14  }
0x13e: {  	s5 =	simm.s32 $0x20;
	[tilespmem:s22+$0x1C0] =	vst v8;
	v14 =	vld [tilespmem:s23+$0x1B0];
	v15 =	vmul.f32 v18, v23;
	v16 =	vmul.f32 v21, v23  }
0x13f: {  	s21 =	smul.u32 $0x280, s17;
	s24 =	simm.s32 $0xF060;
	s25 =	simm.s32 $0xC0;
	v17 =	vmul.f32 v19, v23;
	v18 =	vmul.f32 v62, v23;
	v19 =	vld [tilespmem:s23+$0x1C0];
	[tilespmem:s23+$0x100] =	vst v63  }
.LBB2_7:
0x140: {  	p4 =	sne.s32 s25, $0x100;
	v21 =	vld.idx.msk [tilespmem:v3+s5+$0x0 ss:$0x1], $0xffff;
	[tilespmem:s23+$0x110] =	vst v11;
	v8 =	vmul.f32 v10, v7  }
0x141: {  	[tilespmem:s23+$0x120] =	vst v20;
	v10 =	vmul.f32 v12, v7;
	v20 =	vld [tilespmem:s23+$0x1D0]  }
0x142: {  	s23 =	sadd.s32 $0x400, s23;
	[tilespmem:s24+$0x130] =	vst v9;
	v9 =	vmul.f32 v13, v7;
	v22 =	vld [tilespmem:s24+$0x1E0]  }
0x143: {  	v11 =	vld [tilespmem:s23+$0x1F0];
	[tilespmem:s24+$0x140] =	vst v15;
	v7 =	vmul.f32 v14, v7  }
0x144: {  	v15 =	vld [tilespmem:s23+$0xFFFFFE00];
	[tilespmem:s24+$0x150] =	vst v16;
	v16 =	vmul.f32 v19, v4  }
0x145: {  	v19 =	vld [tilespmem:s23+$0xFFFFFE10];
	[tilespmem:s24+$0x160] =	vst v17  }
0x146: {  	v17 =	vbroadcast v21, $0x0;
	v24 =	vbroadcast v21, $0xF;
	v23 =	vld [tilespmem:s23+$0xFFFFFE20];
	[tilespmem:s24+$0x170] =	vst v18  }
0x147: {  	v25 =	vbroadcast v21, $0x1;
	v26 =	vbroadcast v21, $0x2;
	v18 =	vld [tilespmem:s23+$0xFFFFFE30];
	[tilespmem:s24+$0x180] =	vst v8  }
0x148: {  	v28 =	vbroadcast v21, $0x3;
	v27 =	vld [tilespmem:s23+$0xFFFFFE40];
	v8 =	vmul.f32 v11, v24;
	[tilespmem:s24+$0x190] =	vst v10  }
0x149: {  	v30 =	vbroadcast v21, $0x4;
	v31 =	vbroadcast v21, $0x5;
	v29 =	vld [tilespmem:s23+$0xFFFFFE50];
	[tilespmem:s24+$0x1A0] =	vst v9  }
0x14a: {  	v33 =	vbroadcast v21, $0x6;
	v14 =	vbroadcast v21, $0x7;
	v32 =	vld [tilespmem:s23+$0xFFFFFE60];
	[tilespmem:s23+$0x1F0] =	vst v8  }
0x14b: {  	v13 =	vbroadcast v21, $0x8;
	v12 =	vbroadcast v21, $0x9;
	v34 =	vld [tilespmem:s23+$0xFFFFFE70];
	[tilespmem:s24+$0x1B0] =	vst v7  }
0x14c: {  	v11 =	vbroadcast v21, $0xA;
	v10 =	vbroadcast v21, $0xB;
	v35 =	vld [tilespmem:s23+$0xFFFFFE80];
	[tilespmem:s24+$0x1C0] =	vst v16  }
0x14d: {  	v9 =	vbroadcast v21, $0xC;
	v8 =	vbroadcast v21, $0xD;
	v16 =	vld [tilespmem:s23+$0xFFFFFE90];
	[tilespmem:s22+$0x1D0] =	vst v6  }
0x14e: {  	v7 =	vbroadcast v21, $0xE;
	v6 =	vmul.f32 v17, v15;
	v15 =	vld [tilespmem:s23+$0xFFFFFEA0];
	[tilespmem:s22+$0x1E0] =	vst v5;
	s22 =	smov.u32 s24;
	s24 =	smov.u32 s23  }
0x14f: {  	v5 =	vmul.f32 v19, v17;
	v19 =	vmul.f32 v23, v17;
	v21 =	vld [tilespmem:s23+$0xFFFFFEB0]  }
0x150: {  	[tilespmem:s23+$0xFFFFFE00] =	vst v6;
	v6 =	vmul.f32 v18, v17;
	v17 =	vmul.f32 v27, v25;
	v18 =	vld [tilespmem:s23+$0xFFFFFEC0]  }
0x151: {  	v23 =	vmul.f32 v32, v25;
	[tilespmem:s23+$0xFFFFFE10] =	vst v5;
	v5 =	vmul.f32 v29, v25;
	v27 =	vld [tilespmem:s23+$0xFFFFFED0]  }
0x152: {  	[tilespmem:s23+$0xFFFFFE20] =	vst v19;
	v19 =	vmul.f32 v34, v25;
	v25 =	vmul.f32 v35, v26;
	v29 =	vld [tilespmem:s23+$0xFFFFFEE0]  }
0x153: {  	v16 =	vmul.f32 v16, v26;
	[tilespmem:s23+$0xFFFFFE30] =	vst v6;
	v15 =	vmul.f32 v15, v26;
	v32 =	vld [tilespmem:s23+$0xFFFFFEF0]  }
0x154: {  	v6 =	vmul.f32 v20, v4;
	[tilespmem:s23+$0xFFFFFE40] =	vst v17;
	v17 =	vmul.f32 v21, v26;
	v21 =	vld [tilespmem:s23+$0xFFFFFF00]  }
0x155: {  	[tilespmem:s23+$0xFFFFFE50] =	vst v5;
	v18 =	vmul.f32 v18, v28;
	v20 =	vld [tilespmem:s23+$0xFFFFFF10];
	v5 =	vmul.f32 v22, v4;
	v4 =	vmov v24  }
0x156: {  	[tilespmem:s23+$0xFFFFFE60] =	vst v23;
	v22 =	vmul.f32 v27, v28;
	v23 =	vld [tilespmem:s23+$0xFFFFFF20]  }
0x157: {  	[tilespmem:s23+$0xFFFFFE70] =	vst v19;
	v19 =	vmul.f32 v29, v28;
	v24 =	vld [tilespmem:s23+$0xFFFFFF30]  }
0x158: {  	[tilespmem:s23+$0xFFFFFE80] =	vst v25;
	v25 =	vmul.f32 v32, v28;
	v26 =	vld [tilespmem:s23+$0xFFFFFF40]  }
0x159: {  	[tilespmem:s23+$0xFFFFFE90] =	vst v16;
	v16 =	vmul.f32 v21, v30;
	v21 =	vld [tilespmem:s23+$0xFFFFFF50]  }
0x15a: {  	[tilespmem:s23+$0xFFFFFEA0] =	vst v15;
	v15 =	vmul.f32 v20, v30;
	v20 =	vld [tilespmem:s23+$0xFFFFFF60]  }
0x15b: {  	[tilespmem:s23+$0xFFFFFEB0] =	vst v17;
	v17 =	vmul.f32 v23, v30;
	v23 =	vld [tilespmem:s23+$0xFFFFFF70]  }
0x15c: {  	[tilespmem:s23+$0xFFFFFEC0] =	vst v18;
	v18 =	vmul.f32 v24, v30;
	v24 =	vld [tilespmem:s23+$0xFFFFFF80]  }
0x15d: {  	[tilespmem:s23+$0xFFFFFED0] =	vst v22;
	v22 =	vmul.f32 v26, v31;
	v26 =	vld [tilespmem:s23+$0xFFFFFF90]  }
0x15e: {  	[tilespmem:s23+$0xFFFFFEE0] =	vst v19;
	v19 =	vmul.f32 v21, v31;
	v21 =	vld [tilespmem:s23+$0xFFFFFFA0]  }
0x15f: {  	[tilespmem:s23+$0xFFFFFEF0] =	vst v25;
	v20 =	vmul.f32 v20, v31;
	v25 =	vld [tilespmem:s23+$0xFFFFFFB0]  }
0x160: {  	[tilespmem:s23+$0xFFFFFF00] =	vst v16;
	v16 =	vmul.f32 v23, v31;
	v23 =	vld [tilespmem:s23+$0xFFFFFFC0]  }
0x161: {  	[tilespmem:s23+$0xFFFFFF10] =	vst v15;
	v15 =	vmul.f32 v24, v33;
	v24 =	vld [tilespmem:s23+$0xFFFFFFD0]  }
0x162: {  	[tilespmem:s23+$0xFFFFFF20] =	vst v17;
	v17 =	vmul.f32 v26, v33;
	v26 =	vld [tilespmem:s23+$0xFFFFFFE0]  }
0x163: {  	[tilespmem:s23+$0xFFFFFF30] =	vst v18;
	v18 =	vmul.f32 v21, v33;
	v21 =	vld [tilespmem:s23+$0xFFFFFFF0]  }
0x164: {  	[tilespmem:s23+$0xFFFFFF40] =	vst v22;
	v22 =	vmul.f32 v25, v33;
	v25 =	vld [tilespmem:s23+$0x0]  }
0x165: {  	[tilespmem:s23+$0xFFFFFF50] =	vst v19;
	v19 =	vmul.f32 v23, v14;
	v23 =	vld [tilespmem:s23+$0x10]  }
0x166: {  	[tilespmem:s23+$0xFFFFFF60] =	vst v20;
	v20 =	vmul.f32 v24, v14;
	v24 =	vld [tilespmem:s23+$0x20]  }
0x167: {  	[tilespmem:s23+$0xFFFFFF70] =	vst v16;
	v16 =	vmul.f32 v26, v14;
	v26 =	vld [tilespmem:s23+$0x30]  }
0x168: {  	[tilespmem:s23+$0xFFFFFF80] =	vst v15;
	v14 =	vmul.f32 v21, v14;
	v15 =	vld [tilespmem:s23+$0x40]  }
0x169: {  	[tilespmem:s23+$0xFFFFFF90] =	vst v17;
	v17 =	vmul.f32 v25, v13;
	v21 =	vld [tilespmem:s23+$0x50]  }
0x16a: {  	[tilespmem:s23+$0xFFFFFFA0] =	vst v18;
	v18 =	vmul.f32 v23, v13;
	v23 =	vld [tilespmem:s23+$0x60]  }
0x16b: {  	[tilespmem:s23+$0xFFFFFFB0] =	vst v22;
	v22 =	vmul.f32 v24, v13;
	v24 =	vld [tilespmem:s23+$0x70]  }
0x16c: {  	[tilespmem:s23+$0xFFFFFFC0] =	vst v19;
	v13 =	vmul.f32 v26, v13;
	v19 =	vld [tilespmem:s23+$0x80]  }
0x16d: {  	[tilespmem:s23+$0xFFFFFFD0] =	vst v20;
	v15 =	vmul.f32 v15, v12;
	v20 =	vld [tilespmem:s23+$0x90]  }
0x16e: {  	[tilespmem:s23+$0xFFFFFFE0] =	vst v16;
	v16 =	vmul.f32 v21, v12;
	v21 =	vld [tilespmem:s23+$0xA0]  }
0x16f: {  	[tilespmem:s23+$0xFFFFFFF0] =	vst v14;
	v14 =	vmul.f32 v23, v12;
	v23 =	vld [tilespmem:s23+$0xB0]  }
0x170: {  	[tilespmem:s23+$0x0] =	vst v17;
	v12 =	vmul.f32 v24, v12;
	v17 =	vld [tilespmem:s23+$0xC0]  }
0x171: {  	[tilespmem:s23+$0x10] =	vst v18;
	v18 =	vmul.f32 v19, v11;
	v19 =	vld [tilespmem:s23+$0xD0]  }
0x172: {  	[tilespmem:s23+$0x20] =	vst v22;
	v20 =	vmul.f32 v20, v11;
	v22 =	vld [tilespmem:s23+$0xE0]  }
0x173: {  	[tilespmem:s23+$0x30] =	vst v13;
	v13 =	vmul.f32 v21, v11;
	v21 =	vld [tilespmem:s23+$0xF0]  }
0x174: {  	[tilespmem:s23+$0x40] =	vst v15;
	v15 =	vmul.f32 v23, v11;
	v11 =	vld [tilespmem:s23+$0x100]  }
0x175: {  	[tilespmem:s23+$0x50] =	vst v16;
	v16 =	vmul.f32 v17, v10;
	v17 =	vld [tilespmem:s23+$0x110]  }
0x176: {  	[tilespmem:s23+$0x60] =	vst v14;
	v14 =	vmul.f32 v19, v10;
	v19 =	vld [tilespmem:s23+$0x120]  }
0x177: {  	[tilespmem:s23+$0x70] =	vst v12;
	v22 =	vmul.f32 v22, v10;
	v12 =	vld [tilespmem:s23+$0x130]  }
0x178: {  	[tilespmem:s23+$0x80] =	vst v18;
	v18 =	vmul.f32 v21, v10;
	v21 =	vld [tilespmem:s23+$0x140]  }
0x179: {  	[tilespmem:s23+$0x90] =	vst v20;
	v23 =	vmul.f32 v11, v9;
	v24 =	vld [tilespmem:s23+$0x150]  }
0x17a: {  	[tilespmem:s23+$0xA0] =	vst v13;
	v11 =	vmul.f32 v17, v9;
	v17 =	vld [tilespmem:s23+$0x160]  }
0x17b: {  	[tilespmem:s23+$0xB0] =	vst v15;
	v20 =	vmul.f32 v19, v9;
	v19 =	vld [tilespmem:s23+$0x170]  }
.Ltmp6:
0x17c: {  	[tilespmem:s23+$0xC0] =	vst v16;
	v9 =	vmul.f32 v12, v9;
	v10 =	vld [tilespmem:s23+$0x180];
	(pc) =	sbr.rel @p4 .LBB2_7-.Ltmp6, $4  }
0x17d: {  	[tilespmem:s23+$0xD0] =	vst v14;
	v15 =	vmul.f32 v21, v8;
	v12 =	vld [tilespmem:s23+$0x190]  }
0x17e: {  	[tilespmem:s23+$0xE0] =	vst v22;
	v16 =	vmul.f32 v24, v8;
	v13 =	vld [tilespmem:s23+$0x1A0]  }
0x17f: {  	[tilespmem:s23+$0xF0] =	vst v18;
	v17 =	vmul.f32 v17, v8;
	v14 =	vld [tilespmem:s23+$0x1B0]  }
0x180: {  	s5 =	sshra.s32 s25, $0x2;
	s25 =	sadd.s32 $0x40, s25;
	[tilespmem:s23+$0x100] =	vst v23;
	v18 =	vmul.f32 v19, v8;
	v19 =	vld [tilespmem:s23+$0x1C0]  }
0x181: {  	_ = 	snop  }
0x182: {  	[tilespmem:s23+$0x110] =	vst v11  }
0x183: {  	[tilespmem:s23+$0x120] =	vst v20  }
0x184: {  	v8 =	vld [tilespmem:s23+$0x1D0];
	[tilespmem:s22+$0x1D0] =	vst v6  }
0x185: {  	v11 =	vld.idx.msk [tilespmem:v3+s5+$0x0 ss:$0x1], $0xffff;
	[tilespmem:s22+$0x1E0] =	vst v5  }
0x186: {  	s25 =	sadd.s32 $0x400, s23;
	[tilespmem:s24+$0x130] =	vst v9;
	v9 =	vld [tilespmem:s24+$0x1E0]  }
0x187: {  	v24 =	vld [tilespmem:s25+$0x1F0];
	[tilespmem:s24+$0x140] =	vst v15  }
0x188: {  	[tilespmem:s24+$0x150] =	vst v16;
	v26 =	vld [tilespmem:s25+$0xFFFFFE00]  }
0x189: {  	v25 =	vmul.f32 v10, v7;
	[tilespmem:s24+$0x160] =	vst v17;
	v29 =	vld [tilespmem:s25+$0xFFFFFE10]  }
0x18a: {  	v12 =	vmul.f32 v12, v7;
	[tilespmem:s24+$0x170] =	vst v18;
	v31 =	vld [tilespmem:s25+$0xFFFFFE20]  }
0x18b: {  	v33 =	vld [tilespmem:s25+$0xFFFFFE30];
	v13 =	vmul.f32 v13, v7;
	[tilespmem:s24+$0x180] =	vst v25  }
0x18c: {  	v34 =	vld [tilespmem:s25+$0xFFFFFE40];
	[tilespmem:s24+$0x190] =	vst v12;
	v28 =	vmul.f32 v14, v7  }
0x18d: {  	v35 =	vld [tilespmem:s25+$0xFFFFFE50];
	[tilespmem:s24+$0x1A0] =	vst v13;
	v30 =	vmul.f32 v19, v4  }
0x18e: {  	v37 =	vld [tilespmem:s25+$0xFFFFFE60];
	v10 =	vbroadcast v11, $0xF;
	[tilespmem:s24+$0x1B0] =	vst v28;
	v8 =	vmul.f32 v8, v4  }
0x18f: {  	v39 =	vld [tilespmem:s25+$0xFFFFFE70];
	v32 =	vbroadcast v11, $0x0;
	[tilespmem:s24+$0x1C0] =	vst v30;
	v4 =	vmul.f32 v9, v4  }
0x190: {  	v40 =	vld [tilespmem:s25+$0xFFFFFE80];
	v27 =	vmul.f32 v24, v10;
	[tilespmem:s24+$0x1D0] =	vst v8  }
0x191: {  	v41 =	vld [tilespmem:s25+$0xFFFFFEA0];
	v36 =	vmul.f32 v32, v26;
	[tilespmem:s24+$0x1E0] =	vst v4  }
0x192: {  	v43 =	vld [tilespmem:s25+$0xFFFFFEB0];
	v5 =	vmul.f32 v29, v32;
	[tilespmem:s25+$0x1F0] =	vst v27  }
0x193: {  	v44 =	vld [tilespmem:s25+$0xFFFFFEC0];
	v38 =	vbroadcast v11, $0x1;
	v14 =	vmul.f32 v31, v32;
	[tilespmem:s25+$0xFFFFFE00] =	vst v36  }
0x194: {  	v45 =	vld [tilespmem:s25+$0xFFFFFED0];
	v16 =	vmul.f32 v33, v32;
	[tilespmem:s25+$0xFFFFFE10] =	vst v5  }
0x195: {  	v46 =	vld [tilespmem:s25+$0xFFFFFEE0];
	v7 =	vmul.f32 v34, v38;
	[tilespmem:s25+$0xFFFFFE20] =	vst v14  }
0x196: {  	v50 =	vld [tilespmem:s25+$0xFFFFFF00];
	v13 =	vmul.f32 v35, v38;
	[tilespmem:s25+$0xFFFFFE30] =	vst v16  }
0x197: {  	v48 =	vld [tilespmem:s25+$0xFFFFFEF0];
	v42 =	vbroadcast v11, $0x2;
	v15 =	vmul.f32 v37, v38;
	[tilespmem:s25+$0xFFFFFE40] =	vst v7  }
0x198: {  	v51 =	vld [tilespmem:s25+$0xFFFFFF10];
	v12 =	vmul.f32 v39, v38;
	[tilespmem:s25+$0xFFFFFE50] =	vst v13  }
0x199: {  	v52 =	vld [tilespmem:s25+$0xFFFFFF20];
	v53 =	vbroadcast v11, $0x4;
	v6 =	vmul.f32 v40, v42;
	[tilespmem:s25+$0xFFFFFE60] =	vst v15  }
0x19a: {  	v54 =	vld [tilespmem:s25+$0xFFFFFF30];
	v49 =	vmul.f32 v43, v42;
	[tilespmem:s25+$0xFFFFFE70] =	vst v12  }
0x19b: {  	v55 =	vld [tilespmem:s25+$0xFFFFFF40];
	v47 =	vbroadcast v11, $0x3;
	v56 =	vmul.f32 v50, v53;
	[tilespmem:s25+$0xFFFFFE80] =	vst v6  }
0x19c: {  	v62 =	vld [tilespmem:s25+$0xFFFFFF90];
	v14 =	vmul.f32 v41, v42;
	[tilespmem:s25+$0xFFFFFEB0] =	vst v49  }
0x19d: {  	v20 =	vld [tilespmem:s25+$0xFFFFFFA0];
	v13 =	vmul.f32 v45, v47;
	[tilespmem:s25+$0xFFFFFF00] =	vst v56  }
0x19e: {  	v57 =	vld [tilespmem:s25+$0xFFFFFF50];
	v15 =	vmul.f32 v46, v47;
	[tilespmem:s25+$0xFFFFFEA0] =	vst v14  }
0x19f: {  	v60 =	vld [tilespmem:s25+$0xFFFFFF80];
	v21 =	vbroadcast v11, $0x6;
	v7 =	vmul.f32 v51, v53;
	[tilespmem:s25+$0xFFFFFED0] =	vst v13  }
0x1a0: {  	v22 =	vld [tilespmem:s25+$0xFFFFFFB0];
	v6 =	vmul.f32 v54, v53;
	[tilespmem:s25+$0xFFFFFEE0] =	vst v15  }
0x1a1: {  	v28 =	vld [tilespmem:s25+$0x10];
	v12 =	vmul.f32 v62, v21;
	[tilespmem:s25+$0xFFFFFF10] =	vst v7  }
0x1a2: {  	v29 =	vld [tilespmem:s25+$0x20];
	v16 =	vmul.f32 v20, v21;
	[tilespmem:s25+$0xFFFFFF30] =	vst v6  }
0x1a3: {  	v31 =	vld [tilespmem:s25+$0x30];
	v14 =	vmul.f32 v52, v53;
	[tilespmem:s25+$0xFFFFFF90] =	vst v12  }
0x1a4: {  	v30 =	vbroadcast v11, $0x8;
	v37 =	vld [tilespmem:s25+$0x90];
	v13 =	vmul.f32 v60, v21;
	[tilespmem:s25+$0xFFFFFFA0] =	vst v16  }
0x1a5: {  	v5 =	vld [tilespmem:s25+$0xFFFFFE90];
	v6 =	vmul.f32 v22, v21;
	[tilespmem:s25+$0xFFFFFF20] =	vst v14  }
0x1a6: {  	v27 =	vld [tilespmem:s25+$0x0];
	v12 =	vmul.f32 v28, v30;
	[tilespmem:s25+$0xFFFFFF80] =	vst v13  }
0x1a7: {  	v38 =	vld [tilespmem:s25+$0xA0];
	v39 =	vbroadcast v11, $0xA;
	v16 =	vmul.f32 v29, v30;
	[tilespmem:s25+$0xFFFFFFB0] =	vst v6  }
0x1a8: {  	v58 =	vld [tilespmem:s25+$0xFFFFFF60];
	v6 =	vmul.f32 v31, v30;
	[tilespmem:s25+$0x10] =	vst v12  }
0x1a9: {  	v36 =	vld [tilespmem:s25+$0x80];
	v12 =	vmul.f32 v37, v39;
	[tilespmem:s25+$0x20] =	vst v16  }
0x1aa: {  	v40 =	vld [tilespmem:s25+$0xB0];
	v5 =	vmul.f32 v5, v42;
	[tilespmem:s25+$0x30] =	vst v6  }
0x1ab: {  	v45 =	vld [tilespmem:s25+$0x100];
	v13 =	vmul.f32 v27, v30;
	[tilespmem:s25+$0x90] =	vst v12  }
0x1ac: {  	v46 =	vld [tilespmem:s25+$0x110];
	v16 =	vmul.f32 v38, v39;
	[tilespmem:s25+$0xFFFFFE90] =	vst v5  }
0x1ad: {  	v49 =	vld [tilespmem:s25+$0x130];
	v5 =	vmul.f32 v44, v47;
	[tilespmem:s25+$0x0] =	vst v13  }
0x1ae: {  	v59 =	vld [tilespmem:s25+$0xFFFFFF70];
	v13 =	vmul.f32 v36, v39;
	[tilespmem:s25+$0xA0] =	vst v16  }
0x1af: {  	v23 =	vld [tilespmem:s25+$0xFFFFFFC0];
	[tilespmem:s25+$0xFFFFFEC0] =	vst v5;
	v5 =	vmul.f32 v48, v47;
	v48 =	vbroadcast v11, $0xC  }
0x1b0: {  	v25 =	vld [tilespmem:s25+$0xFFFFFFE0];
	v6 =	vmul.f32 v40, v39;
	[tilespmem:s25+$0x80] =	vst v13  }
0x1b1: {  	v24 =	vld [tilespmem:s25+$0xFFFFFFD0];
	[tilespmem:s25+$0xFFFFFEF0] =	vst v5;
	v5 =	vbroadcast v11, $0x5;
	v13 =	vmul.f32 v45, v48  }
0x1b2: {  	[tilespmem:s25+$0xB0] =	vst v6;
	v47 =	vld [tilespmem:s25+$0x120];
	v12 =	vmul.f32 v46, v48;
	v6 =	vmul.f32 v49, v48  }
0x1b3: {  	v26 =	vld [tilespmem:s25+$0xFFFFFFF0];
	v61 =	vmul.f32 v55, v5;
	v63 =	vmul.f32 v57, v5;
	[tilespmem:s25+$0x100] =	vst v13  }
0x1b4: {  	v32 =	vld [tilespmem:s25+$0x40];
	v15 =	vmul.f32 v58, v5;
	v5 =	vmul.f32 v59, v5;
	[tilespmem:s25+$0x110] =	vst v12  }
0x1b5: {  	v33 =	vld [tilespmem:s25+$0x50];
	[tilespmem:s25+$0x130] =	vst v6  }
0x1b6: {  	v34 =	vld [tilespmem:s25+$0x60];
	[tilespmem:s25+$0xFFFFFF70] =	vst v5;
	v5 =	vbroadcast v11, $0x7  }
0x1b7: {  	v54 =	vld [tilespmem:s25+$0x180];
	v16 =	vmul.f32 v47, v48;
	[tilespmem:s25+$0xFFFFFF40] =	vst v61  }
0x1b8: {  	v35 =	vld [tilespmem:s25+$0x70];
	[tilespmem:s25+$0xFFFFFF50] =	vst v63;
	v7 =	vmul.f32 v23, v5;
	v14 =	vmul.f32 v24, v5  }
0x1b9: {  	v43 =	vld [tilespmem:s25+$0xE0];
	[tilespmem:s25+$0xFFFFFF60] =	vst v15;
	v15 =	vmul.f32 v25, v5;
	v5 =	vmul.f32 v26, v5  }
0x1ba: {  	v50 =	vld [tilespmem:s25+$0x140];
	v57 =	vbroadcast v11, $0xE;
	[tilespmem:s25+$0x120] =	vst v16  }
0x1bb: {  	v41 =	vld [tilespmem:s25+$0xC0];
	[tilespmem:s25+$0xFFFFFFF0] =	vst v5;
	v5 =	vbroadcast v11, $0x9  }
0x1bc: {  	v56 =	vld [tilespmem:s25+$0x1A0];
	v13 =	vmul.f32 v54, v57;
	[tilespmem:s25+$0xFFFFFFC0] =	vst v7  }
0x1bd: {  	v42 =	vld [tilespmem:s25+$0xD0];
	[tilespmem:s25+$0xFFFFFFD0] =	vst v14;
	v7 =	vmul.f32 v32, v5;
	v14 =	vmul.f32 v33, v5  }
0x1be: {  	v44 =	vld [tilespmem:s25+$0xF0];
	[tilespmem:s25+$0xFFFFFFE0] =	vst v15;
	v15 =	vmul.f32 v34, v5;
	v5 =	vmul.f32 v35, v5  }
0x1bf: {  	v51 =	vld [tilespmem:s25+$0x150];
	[tilespmem:s25+$0x180] =	vst v13  }
0x1c0: {  	v55 =	vld [tilespmem:s25+$0x190];
	[tilespmem:s25+$0x70] =	vst v5;
	v5 =	vbroadcast v11, $0xB  }
0x1c1: {  	v59 =	vld [tilespmem:s25+$0x1B0];
	v62 =	vmul.f32 v56, v57;
	[tilespmem:s25+$0x40] =	vst v7  }
0x1c2: {  	v52 =	vld [tilespmem:s25+$0x160];
	[tilespmem:s25+$0x50] =	vst v14;
	v7 =	vmul.f32 v41, v5;
	v14 =	vmul.f32 v42, v5  }
0x1c3: {  	v53 =	vld [tilespmem:s25+$0x170];
	[tilespmem:s25+$0x60] =	vst v15;
	v15 =	vmul.f32 v43, v5;
	v5 =	vmul.f32 v44, v5  }
0x1c4: {  	v63 =	vld [tilespmem:s25+$0x1E0];
	[tilespmem:s25+$0x1A0] =	vst v62  }
0x1c5: {  	[tilespmem:s25+$0xF0] =	vst v5;
	v5 =	vbroadcast v11, $0xD  }
0x1c6: {  	v61 =	vmul.f32 v55, v57;
	v6 =	vmul.f32 v59, v57;
	[tilespmem:s25+$0xC0] =	vst v7  }
0x1c7: {  	[tilespmem:s25+$0xD0] =	vst v14;
	v7 =	vmul.f32 v50, v5;
	v14 =	vmul.f32 v51, v5  }
0x1c8: {  	[tilespmem:s25+$0x190] =	vst v61;
	v58 =	vmul.f32 v52, v5;
	v5 =	vmul.f32 v53, v5  }
0x1c9: {  	v60 =	vld [tilespmem:s25+$0x1C0];
	[tilespmem:s25+$0x1B0] =	vst v6;
	v4 =	vmul.f32 v63, v10  }
0x1ca: {  	[tilespmem:s25+$0x170] =	vst v5;
	v5 =	vld [tilespmem:s25+$0x1D0]  }
0x1cb: {  	[tilespmem:s25+$0x1E0] =	vst v4  }
0x1cc: {  	[tilespmem:s25+$0xE0] =	vst v15  }
0x1cd: {  	[tilespmem:s25+$0x140] =	vst v7  }
.Ltmp7:
0x1ce: {  	[tilespmem:s25+$0x150] =	vst v14;
	v7 =	vmul.f32 v60, v10;
	(pc) =	sbr.rel @p0 .LBB2_12-.Ltmp7, $4  }
0x1cf: {  	[tilespmem:s25+$0x160] =	vst v58;
	v5 =	vmul.f32 v5, v10  }
0x1d0: {  	s22 =	smul.u32 $0xA0, s17;
	[tilespmem:s25+$0x1C0] =	vst v7  }
0x1d1: {  	[tilespmem:s25+$0x1D0] =	vst v5  }
0x1d2: {  	[spmem:s3] =	stream.indirect.scatter.add.f32 [tilespmem:s7], [sflag:$0x3], $0x40, s22, s6, $0xb8;
	[tilespmem:$0x1FB30] =	vst v63  }
0x1d3: {  	s5 =	simm.s32 @!p3 $0x5  }
0x1d4: {  	_ =	swait.ge @!p3 [sflag:s5], $0x500  }
0x1d5: {  	[sflag:s5] =	ssyncset.done @!p3 $0x0  }
0x1d6: {  	s25 =	simm.s32 $0x0;
	[sflag:s5] =	ssyncadd.s32 @!p3 $0xFFFFFB00  }
0x1d7: {  	v6 =	vld.idx.msk [tilespmem:v3+s25+$0x0 ss:$0x1], $0xffff;
	_ =	sdelay $0x4  }
0x1d8: {  	v5 =	vbroadcast v6, $0x1;
	v7 =	vbroadcast v6, $0xF  }
0x1d9: {  	v4 =	vsel vm0, v6, v2;
	v8 =	vbroadcast v6, $0x2;
	v9 =	vbroadcast v6, $0x3  }
0x1da: {  	s23 =	simm.s32 $0x112E0;
	v10 =	vbroadcast v6, $0x4;
	v11 =	vbroadcast v6, $0x5;
	v7 =	vsel vm0, v7, v2  }
0x1db: {  	v12 =	vbroadcast v6, $0x6;
	v13 =	vbroadcast v6, $0x7;
	v5 =	vsel vm0, v5, v2;
	[tilespmem:s23+$0x70] =	vst v7  }
0x1dc: {  	v14 =	vbroadcast v6, $0x9;
	v15 =	vbroadcast v6, $0xB;
	[tilespmem:s23+$0xFFFFFF90] =	vst v5;
	v5 =	vsel vm0, v8, v2  }
0x1dd: {  	v16 =	vbroadcast v6, $0xC;
	v7 =	vbroadcast v6, $0x8;
	v8 =	vsel vm0, v10, v2;
	[tilespmem:s23+$0xFFFFFFA0] =	vst v5  }
0x1de: {  	v10 =	vsel vm0, v13, v2;
	v5 =	vsel vm0, v9, v2;
	v9 =	vbroadcast v6, $0xA;
	[tilespmem:s23+$0xFFFFFFC0] =	vst v8  }
0x1df: {  	v8 =	vsel vm0, v11, v2;
	v11 =	vsel vm0, v12, v2;
	[tilespmem:s23+$0xFFFFFFB0] =	vst v5;
	v5 =	vbroadcast v6, $0xD  }
0x1e0: {  	v6 =	vbroadcast v6, $0xE;
	[tilespmem:s23+$0xFFFFFFD0] =	vst v8;
	v8 =	vsel vm0, v7, v2;
	v7 =	vsel vm0, v14, v2  }
0x1e1: {  	s24 =	simm.s32 $0x80;
	s5 =	simm.s32 $0x10;
	[tilespmem:s23+$0xFFFFFFE0] =	vst v11;
	v11 =	vsel vm0, v15, v2;
	v12 =	vsel vm0, v9, v2;
	v9 =	vsel vm0, v16, v2  }
.LBB2_10:
0x1e2: {  	p4 =	sne.s32 s24, $0x100;
	v13 =	vld.idx.msk [tilespmem:v3+s5+$0x0 ss:$0x1], $0xffff;
	[tilespmem:s23+$0xFFFFFFF0] =	vst v10;
	v5 =	vsel vm0, v5, v2;
	v6 =	vsel vm0, v6, v2  }
0x1e3: {  	[tilespmem:s23+$0x0] =	vst v8  }
0x1e4: {  	[tilespmem:s23+$0x10] =	vst v7  }
0x1e5: {  	[tilespmem:s23+$0x20] =	vst v12  }
0x1e6: {  	[tilespmem:s23+$0x30] =	vst v11  }
0x1e7: {  	[tilespmem:s23+$0x40] =	vst v9  }
0x1e8: {  	v7 =	vsel vm0, v13, v2;
	v8 =	vbroadcast v13, $0x1;
	v9 =	vbroadcast v13, $0xF;
	[tilespmem:s23+$0x50] =	vst v5  }
0x1e9: {  	v10 =	vbroadcast v13, $0x3;
	v5 =	vbroadcast v13, $0x2;
	[tilespmem:s23+$0x60] =	vst v6  }
0x1ea: {  	v11 =	vbroadcast v13, $0x5;
	v6 =	vbroadcast v13, $0x4;
	v9 =	vsel vm0, v9, v2;
	[tilespmem:s23+$0xFFFFFF80] =	vst v4;
	s23 =	sadd.s32 $0x100, s23;
	v4 =	vmovc v7  }
0x1eb: {  	v12 =	vbroadcast v13, $0x7;
	v7 =	vsel vm0, v8, v2;
	v8 =	vbroadcast v13, $0x6;
	[tilespmem:s23+$0x70] =	vst v9  }
0x1ec: {  	v5 =	vsel vm0, v5, v2;
	v9 =	vbroadcast v13, $0x9;
	[tilespmem:s23+$0xFFFFFF90] =	vst v7;
	v7 =	vbroadcast v13, $0x8  }
.Ltmp8:
0x1ed: {  	v14 =	vbroadcast v13, $0xA;
	v15 =	vbroadcast v13, $0xB;
	[tilespmem:s23+$0xFFFFFFA0] =	vst v5;
	v5 =	vsel vm0, v10, v2;
	(pc) =	sbr.rel @p4 .LBB2_10-.Ltmp8, $4  }
0x1ee: {  	v16 =	vbroadcast v13, $0xC;
	v6 =	vsel vm0, v6, v2;
	[tilespmem:s23+$0xFFFFFFB0] =	vst v5;
	v5 =	vbroadcast v13, $0xD  }
0x1ef: {  	v10 =	vsel vm0, v11, v2;
	v11 =	vsel vm0, v8, v2;
	[tilespmem:s23+$0xFFFFFFC0] =	vst v6;
	v6 =	vbroadcast v13, $0xE  }
0x1f0: {  	v8 =	vsel vm0, v7, v2;
	v7 =	vsel vm0, v9, v2;
	[tilespmem:s23+$0xFFFFFFD0] =	vst v10;
	v10 =	vsel vm0, v12, v2  }
0x1f1: {  	s5 =	sshra.s32 s24, $0x2;
	s24 =	sadd.s32 $0x40, s24;
	v9 =	vsel vm0, v16, v2;
	v12 =	vsel vm0, v14, v2;
	[tilespmem:s23+$0xFFFFFFE0] =	vst v11;
	v11 =	vsel vm0, v15, v2  }
0x1f2: {  	_ =	sdelay $0x3  }
0x1f3: {  	v3 =	vld.idx.msk [tilespmem:v3+s5+$0x0 ss:$0x1], $0xffff;
	_ =	sdelay $0x3  }
0x1f4: {  	[tilespmem:s23+$0xFFFFFFF0] =	vst v10  }
0x1f5: {  	[tilespmem:s23+$0x0] =	vst v8;
	v46 =	vbroadcast v3, $0xF  }
0x1f6: {  	[tilespmem:s23+$0x10] =	vst v7;
	v47 =	vbroadcast v3, $0x1;
	v48 =	vbroadcast v3, $0x2  }
0x1f7: {  	[tilespmem:s23+$0x20] =	vst v12;
	v49 =	vbroadcast v3, $0x3;
	v50 =	vbroadcast v3, $0x4  }
0x1f8: {  	[tilespmem:s23+$0x30] =	vst v11;
	v52 =	vbroadcast v3, $0x5;
	v53 =	vbroadcast v3, $0x6  }
0x1f9: {  	[tilespmem:s23+$0x40] =	vst v9;
	v55 =	vbroadcast v3, $0x7;
	v57 =	vbroadcast v3, $0x8  }
0x1fa: {  	v5 =	vsel vm0, v5, v2;
	[tilespmem:s23+$0xFFFFFF80] =	vst v4;
	v58 =	vbroadcast v3, $0x9;
	v59 =	vbroadcast v3, $0xA  }
0x1fb: {  	v6 =	vsel vm0, v6, v2;
	[tilespmem:s23+$0x50] =	vst v5;
	v60 =	vbroadcast v3, $0xB;
	v61 =	vbroadcast v3, $0xC  }
0x1fc: {  	s25 =	sadd.s32 $0x100, s23;
	[tilespmem:s23+$0x60] =	vst v6;
	v62 =	vbroadcast v3, $0xD;
	v63 =	vbroadcast v3, $0xE;
	v3 =	vsel vm0, v3, v2  }
0x1fd: {  	[tilespmem:s25+$0xFFFFFF80] =	vst v3;
	v7 =	vsel vm0, v46, v2  }
0x1fe: {  	v5 =	vsel vm0, v47, v2;
	[tilespmem:s25+$0x70] =	vst v7  }
0x1ff: {  	v51 =	vsel vm0, v48, v2;
	[tilespmem:s25+$0xFFFFFF90] =	vst v5  }
0x200: {  	v4 =	vsel vm0, v49, v2;
	[tilespmem:s25+$0xFFFFFFA0] =	vst v51  }
0x201: {  	v54 =	vsel vm0, v50, v2;
	[tilespmem:s25+$0xFFFFFFB0] =	vst v4  }
0x202: {  	v56 =	vsel vm0, v52, v2;
	[tilespmem:s25+$0xFFFFFFC0] =	vst v54  }
0x203: {  	v6 =	vsel vm0, v57, v2;
	[tilespmem:s25+$0xFFFFFFD0] =	vst v56  }
0x204: {  	v5 =	vsel vm0, v53, v2;
	[tilespmem:s25+$0x0] =	vst v6  }
0x205: {  	v7 =	vsel vm0, v55, v2;
	[tilespmem:s25+$0xFFFFFFE0] =	vst v5  }
0x206: {  	v4 =	vsel vm0, v58, v2;
	[tilespmem:s25+$0xFFFFFFF0] =	vst v7  }
0x207: {  	v6 =	vsel vm0, v61, v2;
	[tilespmem:s25+$0x10] =	vst v4  }
0x208: {  	v5 =	vsel vm0, v59, v2;
	[tilespmem:s25+$0x40] =	vst v6  }
0x209: {  	v7 =	vsel vm0, v60, v2;
	[tilespmem:s25+$0x20] =	vst v5  }
0x20a: {  	v4 =	vsel vm0, v62, v2;
	[tilespmem:s25+$0x30] =	vst v7  }
0x20b: {  	v5 =	vsel vm0, v63, v2;
	[tilespmem:s25+$0x50] =	vst v4  }
0x20c: {  	[tilespmem:s25+$0x60] =	vst v5  }
0x20d: {  	[spmem:s4] =	stream.indirect.scatter.add.f32 [tilespmem:s12], [sflag:$0x5], $0x10, s22, s6, $0xb8;
	[tilespmem:$0x1FB30] =	vst v63  }
.LBB2_12:
0x20e: {  	_ =	swait.ge [sflag:s29], $0x1400;
	p4 =	seq.s32 s17, $0x7C  }
0x20f: {  	[sflag:s29] =	ssyncset.done $0x0;
	s5 =	sshra.s32 @!p4 s21, $0x2;
	s21 =	simm.s32 @!p4 $0x50  }
0x210: {  	v3 =	vmov s19;
	s22 =	simm.s32 @!p4 $0xEA60;
	[sflag:s29] =	ssyncadd.s32 $0xFFFFEC00;
	s5 =	sadd.s32 @!p4 $0x4EC0, s5  }
0x211: {  	[tilespmem:s22], [sflag:$0x1] =	stream.indirect.gather @!p4 [hbm4b:s1+s21], $0x40, s5, s21, $0xb8;
	[tilespmem:$0x1FB30] =	vst v63  }
0x212: {  	_ =	swait.ge [sflag:s13], $0x1400  }
0x213: {  	[sflag:s13] =	ssyncset.done $0x0  }
0x214: {  	s24 =	simm.s32 $0x0;
	[sflag:s13] =	ssyncadd.s32 $0xFFFFEC00  }
0x215: {  	s21 =	simm.s32 $0x10250;
	v6 =	vld.idx.msk [tilespmem:v3+s24+$0x0 ss:$0x1], $0xffff  }
0x216: {  	v4 =	vld [tilespmem:s21+$0x0]  }
0x217: {  	v7 =	vld [tilespmem:s21+$0xFFFFFC10]  }
0x218: {  	v8 =	vld [tilespmem:s21+$0xFFFFFC20]  }
0x219: {  	v9 =	vld [tilespmem:s21+$0xFFFFFC30]  }
0x21a: {  	v10 =	vld [tilespmem:s21+$0xFFFFFC40]  }
0x21b: {  	v11 =	vld [tilespmem:s21+$0xFFFFFC50]  }
0x21c: {  	v12 =	vld [tilespmem:s21+$0xFFFFFC60]  }
0x21d: {  	v13 =	vld [tilespmem:s21+$0xFFFFFC70]  }
0x21e: {  	v15 =	vld [tilespmem:s21+$0xFFFFFC90]  }
0x21f: {  	v16 =	vld [tilespmem:s21+$0xFFFFFCA0]  }
0x220: {  	v17 =	vld [tilespmem:s21+$0xFFFFFCB0]  }
0x221: {  	v18 =	vld [tilespmem:s21+$0xFFFFFCC0];
	v5 =	vbroadcast v6, $0xF  }
0x222: {  	v19 =	vld [tilespmem:s21+$0xFFFFFCD0];
	v14 =	vbroadcast v6, $0x0  }
0x223: {  	s22 =	simm.s32 $0x10650;
	v20 =	vld [tilespmem:s21+$0xFFFFFD60];
	v4 =	vmul.f32 v4, v5  }
0x224: {  	v21 =	vld [tilespmem:s22+$0x0];
	v7 =	vmul.f32 v14, v7  }
0x225: {  	v22 =	vld [tilespmem:s22+$0xFFFFFC10];
	v8 =	vmul.f32 v8, v14;
	[tilespmem:s21+$0x0] =	vst v4  }
0x226: {  	v23 =	vld [tilespmem:s22+$0xFFFFFC20];
	v31 =	vbroadcast v6, $0x3;
	v10 =	vmul.f32 v10, v14;
	[tilespmem:s21+$0xFFFFFC10] =	vst v7  }
0x227: {  	v4 =	vld [tilespmem:s21+$0xFFFFFC80];
	v7 =	vmul.f32 v9, v14;
	[tilespmem:s21+$0xFFFFFC20] =	vst v8;
	v9 =	vbroadcast v6, $0x1  }
0x228: {  	v19 =	vmul.f32 v19, v31;
	v8 =	vld [tilespmem:s21+$0xFFFFFCE0];
	[tilespmem:s21+$0xFFFFFC40] =	vst v10  }
0x229: {  	v14 =	vld [tilespmem:s21+$0xFFFFFCF0];
	[tilespmem:s21+$0xFFFFFC30] =	vst v7;
	v7 =	vmul.f32 v11, v9  }
0x22a: {  	v24 =	vld [tilespmem:s22+$0xFFFFFC30];
	[tilespmem:s21+$0xFFFFFCD0] =	vst v19;
	v11 =	vmul.f32 v12, v9  }
0x22b: {  	v10 =	vld [tilespmem:s21+$0xFFFFFD00];
	[tilespmem:s21+$0xFFFFFC50] =	vst v7;
	v7 =	vmul.f32 v13, v9  }
0x22c: {  	v25 =	vld [tilespmem:s22+$0xFFFFFC40];
	[tilespmem:s21+$0xFFFFFC60] =	vst v11;
	v4 =	vmul.f32 v4, v9  }
0x22d: {  	v26 =	vld [tilespmem:s22+$0xFFFFFC50];
	v13 =	vbroadcast v6, $0x2;
	v8 =	vmul.f32 v8, v31;
	[tilespmem:s21+$0xFFFFFC70] =	vst v7  }
0x22e: {  	v12 =	vld [tilespmem:s21+$0xFFFFFD10];
	v14 =	vmul.f32 v14, v31;
	[tilespmem:s21+$0xFFFFFC80] =	vst v4  }
0x22f: {  	v11 =	vld [tilespmem:s21+$0xFFFFFD20];
	v7 =	vmul.f32 v15, v13;
	[tilespmem:s21+$0xFFFFFCE0] =	vst v8  }
0x230: {  	s25 =	simm.s32 $0x10;
	v9 =	vld [tilespmem:s21+$0xFFFFFD30];
	v10 =	vmul.f32 v10, v31;
	[tilespmem:s21+$0xFFFFFCF0] =	vst v14  }
0x231: {  	v17 =	vmul.f32 v17, v13;
	[tilespmem:s21+$0xFFFFFC90] =	vst v7;
	v7 =	vld.idx.msk [tilespmem:v3+s25+$0x0 ss:$0x1], $0xffff  }
0x232: {  	v47 =	vbroadcast v6, $0x4;
	v15 =	vld [tilespmem:s21+$0xFFFFFD40];
	v4 =	vmul.f32 v16, v13;
	[tilespmem:s21+$0xFFFFFD00] =	vst v10  }
0x233: {  	v27 =	vld [tilespmem:s22+$0xFFFFFC60];
	v13 =	vmul.f32 v18, v13;
	[tilespmem:s21+$0xFFFFFCB0] =	vst v17  }
0x234: {  	v28 =	vld [tilespmem:s21+$0xFFFFFD70];
	v12 =	vmul.f32 v12, v47;
	[tilespmem:s21+$0xFFFFFCA0] =	vst v4  }
0x235: {  	v30 =	vld [tilespmem:s22+$0xFFFFFC90];
	[tilespmem:s21+$0xFFFFFCC0] =	vst v13;
	v11 =	vmul.f32 v11, v47  }
0x236: {  	v32 =	vld [tilespmem:s22+$0xFFFFFCB0];
	[tilespmem:s21+$0xFFFFFD10] =	vst v12;
	v9 =	vmul.f32 v9, v47;
	v4 =	vbroadcast v7, $0xF  }
0x237: {  	v33 =	vld [tilespmem:s21+$0xFFFFFD80];
	[tilespmem:s21+$0xFFFFFD20] =	vst v11;
	v15 =	vmul.f32 v15, v47;
	v29 =	vbroadcast v7, $0x0  }
0x238: {  	v48 =	vld [tilespmem:s21+$0xFFFFFDB0];
	[tilespmem:s21+$0xFFFFFD30] =	vst v9;
	v21 =	vmul.f32 v21, v4  }
0x239: {  	v49 =	vld [tilespmem:s21+$0xFFFFFDC0];
	[tilespmem:s21+$0xFFFFFD40] =	vst v15;
	v22 =	vmul.f32 v29, v22  }
0x23a: {  	v17 =	vld [tilespmem:s22+$0xFFFFFC70];
	v23 =	vmul.f32 v23, v29;
	[tilespmem:s22+$0x0] =	vst v21  }
0x23b: {  	v50 =	vld [tilespmem:s21+$0xFFFFFDD0];
	v34 =	vbroadcast v7, $0x1;
	v24 =	vmul.f32 v24, v29;
	[tilespmem:s22+$0xFFFFFC10] =	vst v22  }
0x23c: {  	v18 =	vld [tilespmem:s22+$0xFFFFFCA0];
	v25 =	vmul.f32 v25, v29;
	[tilespmem:s22+$0xFFFFFC20] =	vst v23  }
0x23d: {  	v51 =	vld [tilespmem:s21+$0xFFFFFDE0];
	v26 =	vmul.f32 v26, v34;
	[tilespmem:s22+$0xFFFFFC30] =	vst v24  }
0x23e: {  	v13 =	vld [tilespmem:s22+$0xFFFFFCC0];
	v52 =	vbroadcast v7, $0x2;
	v27 =	vmul.f32 v27, v34;
	[tilespmem:s22+$0xFFFFFC40] =	vst v25  }
0x23f: {  	v19 =	vld [tilespmem:s22+$0xFFFFFCD0];
	v17 =	vmul.f32 v17, v34;
	[tilespmem:s22+$0xFFFFFC50] =	vst v26  }
0x240: {  	v8 =	vld [tilespmem:s22+$0xFFFFFCE0];
	v30 =	vmul.f32 v30, v52;
	[tilespmem:s22+$0xFFFFFC60] =	vst v27  }
0x241: {  	v14 =	vld [tilespmem:s22+$0xFFFFFCF0];
	v18 =	vmul.f32 v18, v52;
	[tilespmem:s22+$0xFFFFFC70] =	vst v17  }
0x242: {  	v10 =	vld [tilespmem:s22+$0xFFFFFD00];
	v56 =	vbroadcast v7, $0x3;
	v32 =	vmul.f32 v32, v52;
	[tilespmem:s22+$0xFFFFFC90] =	vst v30  }
0x243: {  	v12 =	vld [tilespmem:s22+$0xFFFFFD10];
	v13 =	vmul.f32 v13, v52;
	[tilespmem:s22+$0xFFFFFCA0] =	vst v18  }
0x244: {  	v11 =	vld [tilespmem:s22+$0xFFFFFD20];
	v19 =	vmul.f32 v19, v56;
	[tilespmem:s22+$0xFFFFFCB0] =	vst v32  }
0x245: {  	v53 =	vld [tilespmem:s21+$0xFFFFFDF0];
	v8 =	vmul.f32 v8, v56;
	[tilespmem:s22+$0xFFFFFCC0] =	vst v13  }
0x246: {  	v54 =	vld [tilespmem:s21+$0xFFFFFE10];
	v60 =	vbroadcast v7, $0x4;
	v14 =	vmul.f32 v14, v56;
	[tilespmem:s22+$0xFFFFFCD0] =	vst v19  }
0x247: {  	v9 =	vld [tilespmem:s22+$0xFFFFFD30];
	v10 =	vmul.f32 v10, v56;
	[tilespmem:s22+$0xFFFFFCE0] =	vst v8  }
0x248: {  	v57 =	vbroadcast v6, $0x6;
	v15 =	vld [tilespmem:s22+$0xFFFFFD40];
	v12 =	vmul.f32 v12, v60;
	[tilespmem:s22+$0xFFFFFCF0] =	vst v14  }
0x249: {  	v16 =	vld [tilespmem:s21+$0xFFFFFD50];
	v11 =	vmul.f32 v11, v60;
	[tilespmem:s22+$0xFFFFFD00] =	vst v10  }
0x24a: {  	v55 =	vld [tilespmem:s21+$0xFFFFFE20];
	v8 =	vmul.f32 v48, v57;
	[tilespmem:s22+$0xFFFFFD10] =	vst v12  }
0x24b: {  	v58 =	vld [tilespmem:s21+$0xFFFFFE30];
	v25 =	vmul.f32 v49, v57;
	[tilespmem:s22+$0xFFFFFD20] =	vst v11  }
0x24c: {  	v59 =	vld [tilespmem:s21+$0xFFFFFE60];
	v17 =	vbroadcast v6, $0x5;
	v9 =	vmul.f32 v9, v60;
	[tilespmem:s21+$0xFFFFFDB0] =	vst v8  }
0x24d: {  	v61 =	vld [tilespmem:s21+$0xFFFFFE70];
	v15 =	vmul.f32 v15, v60;
	[tilespmem:s21+$0xFFFFFDC0] =	vst v25  }
0x24e: {  	v62 =	vld [tilespmem:s22+$0xFFFFFDC0];
	v16 =	vmul.f32 v16, v17;
	[tilespmem:s22+$0xFFFFFD30] =	vst v9  }
0x24f: {  	v63 =	vld [tilespmem:s21+$0xFFFFFE80];
	v20 =	vmul.f32 v20, v17;
	[tilespmem:s22+$0xFFFFFD40] =	vst v15  }
0x250: {  	v36 =	vld [tilespmem:s21+$0xFFFFFE90];
	v14 =	vbroadcast v6, $0x7;
	v18 =	vmul.f32 v28, v17;
	[tilespmem:s21+$0xFFFFFD50] =	vst v16  }
0x251: {  	v37 =	vld [tilespmem:s21+$0xFFFFFEA0];
	v17 =	vmul.f32 v33, v17;
	[tilespmem:s21+$0xFFFFFD60] =	vst v20  }
0x252: {  	v21 =	vld [tilespmem:s22+$0xFFFFFC80];
	v10 =	vmul.f32 v50, v14;
	[tilespmem:s21+$0xFFFFFD70] =	vst v18  }
0x253: {  	v42 =	vbroadcast v7, $0x6;
	v22 =	vld [tilespmem:s21+$0xFFFFFD90];
	v12 =	vmul.f32 v51, v14;
	[tilespmem:s21+$0xFFFFFD80] =	vst v17  }
0x254: {  	v23 =	vld [tilespmem:s21+$0xFFFFFDA0];
	v11 =	vmul.f32 v53, v14;
	v9 =	vbroadcast v6, $0x8;
	[tilespmem:s21+$0xFFFFFDD0] =	vst v10  }
0x255: {  	v8 =	vld [tilespmem:s22+$0xFFFFFDB0];
	v25 =	vmul.f32 v62, v42;
	[tilespmem:s21+$0xFFFFFDE0] =	vst v12  }
0x256: {  	v16 =	vld [tilespmem:s22+$0xFFFFFD50];
	[tilespmem:s21+$0xFFFFFDF0] =	vst v11;
	v15 =	vmul.f32 v54, v9  }
0x257: {  	v20 =	vld [tilespmem:s22+$0xFFFFFD60];
	[tilespmem:s22+$0xFFFFFDC0] =	vst v25;
	v21 =	vmul.f32 v21, v34  }
0x258: {  	v18 =	vld [tilespmem:s22+$0xFFFFFD70];
	v13 =	vmul.f32 v22, v57;
	[tilespmem:s21+$0xFFFFFE10] =	vst v15  }
0x259: {  	v38 =	vbroadcast v7, $0x5;
	v17 =	vld [tilespmem:s22+$0xFFFFFD80];
	v19 =	vmul.f32 v23, v57;
	[tilespmem:s22+$0xFFFFFC80] =	vst v21  }
0x25a: {  	v10 =	vld [tilespmem:s22+$0xFFFFFDD0];
	[tilespmem:s21+$0xFFFFFD90] =	vst v13;
	v8 =	vmul.f32 v8, v42  }
0x25b: {  	v12 =	vld [tilespmem:s22+$0xFFFFFDE0];
	[tilespmem:s21+$0xFFFFFDA0] =	vst v19;
	v16 =	vmul.f32 v16, v38  }
0x25c: {  	v11 =	vld [tilespmem:s22+$0xFFFFFDF0];
	v20 =	vmul.f32 v20, v38;
	[tilespmem:s22+$0xFFFFFDB0] =	vst v8  }
0x25d: {  	v39 =	vld [tilespmem:s21+$0xFFFFFEC0];
	v45 =	vbroadcast v7, $0x7;
	v18 =	vmul.f32 v18, v38;
	[tilespmem:s22+$0xFFFFFD50] =	vst v16  }
0x25e: {  	v40 =	vld [tilespmem:s21+$0xFFFFFED0];
	v17 =	vmul.f32 v17, v38;
	[tilespmem:s22+$0xFFFFFD60] =	vst v20  }
0x25f: {  	v22 =	vld [tilespmem:s21+$0xFFFFFE40];
	v10 =	vmul.f32 v10, v45;
	[tilespmem:s22+$0xFFFFFD70] =	vst v18  }
0x260: {  	v41 =	vld [tilespmem:s21+$0xFFFFFEE0];
	v12 =	vmul.f32 v12, v45;
	[tilespmem:s22+$0xFFFFFD80] =	vst v17  }
0x261: {  	v43 =	vld [tilespmem:s21+$0xFFFFFF10];
	v11 =	vmul.f32 v11, v45;
	[tilespmem:s22+$0xFFFFFDD0] =	vst v10  }
0x262: {  	v15 =	vld [tilespmem:s22+$0xFFFFFE10];
	v16 =	vmul.f32 v55, v9;
	[tilespmem:s22+$0xFFFFFDE0] =	vst v12  }
0x263: {  	v21 =	vld [tilespmem:s21+$0xFFFFFE00];
	v8 =	vbroadcast v6, $0xA;
	v20 =	vmul.f32 v58, v9;
	[tilespmem:s22+$0xFFFFFDF0] =	vst v11  }
0x264: {  	v13 =	vld [tilespmem:s22+$0xFFFFFD90];
	v9 =	vmul.f32 v22, v9;
	[tilespmem:s21+$0xFFFFFE20] =	vst v16  }
0x265: {  	v51 =	vbroadcast v7, $0x8;
	v19 =	vld [tilespmem:s22+$0xFFFFFDA0];
	v47 =	vmul.f32 v36, v8;
	[tilespmem:s21+$0xFFFFFE30] =	vst v20  }
0x266: {  	v23 =	vld [tilespmem:s21+$0xFFFFFE50];
	v10 =	vmul.f32 v37, v8;
	[tilespmem:s21+$0xFFFFFE40] =	vst v9  }
0x267: {  	v44 =	vld [tilespmem:s21+$0xFFFFFF20];
	v15 =	vmul.f32 v15, v51;
	[tilespmem:s21+$0xFFFFFE90] =	vst v47  }
0x268: {  	v49 =	vld [tilespmem:s22+$0xFFFFFE90];
	v14 =	vmul.f32 v21, v14;
	[tilespmem:s21+$0xFFFFFEA0] =	vst v10  }
0x269: {  	v46 =	vld [tilespmem:s21+$0xFFFFFF30];
	v18 =	vbroadcast v6, $0x9;
	v13 =	vmul.f32 v13, v42;
	[tilespmem:s22+$0xFFFFFE10] =	vst v15  }
0x26a: {  	v52 =	vld [tilespmem:s21+$0xFFFFFF70];
	v11 =	vbroadcast v6, $0xB;
	v19 =	vmul.f32 v19, v42;
	[tilespmem:s21+$0xFFFFFE00] =	vst v14  }
0x26b: {  	v56 =	vld [tilespmem:s21+$0xFFFFFFC0];
	v58 =	vbroadcast v7, $0xA;
	v17 =	vmul.f32 v23, v18;
	[tilespmem:s22+$0xFFFFFD90] =	vst v13  }
0x26c: {  	v21 =	vld [tilespmem:s21+$0xFFFFFEB0];
	v15 =	vmul.f32 v41, v11;
	[tilespmem:s22+$0xFFFFFDA0] =	vst v19  }
0x26d: {  	v48 =	vld [tilespmem:s21+$0xFFFFFF40];
	v24 =	vmul.f32 v49, v58;
	[tilespmem:s21+$0xFFFFFE50] =	vst v17  }
0x26e: {  	v16 =	vld [tilespmem:s22+$0xFFFFFE20];
	v13 =	vmul.f32 v59, v18;
	[tilespmem:s21+$0xFFFFFEE0] =	vst v15  }
0x26f: {  	v20 =	vld [tilespmem:s22+$0xFFFFFE30];
	v19 =	vmul.f32 v61, v18;
	[tilespmem:s22+$0xFFFFFE90] =	vst v24  }
0x270: {  	v9 =	vld [tilespmem:s22+$0xFFFFFE40];
	v18 =	vmul.f32 v63, v18;
	[tilespmem:s21+$0xFFFFFE60] =	vst v13  }
0x271: {  	v10 =	vld [tilespmem:s22+$0xFFFFFEA0];
	[tilespmem:s21+$0xFFFFFE70] =	vst v19;
	v12 =	vmul.f32 v21, v8  }
0x272: {  	v14 =	vld [tilespmem:s22+$0xFFFFFE00];
	[tilespmem:s21+$0xFFFFFE80] =	vst v18;
	v8 =	vmul.f32 v39, v8  }
0x273: {  	v22 =	vld [tilespmem:s21+$0xFFFFFEF0];
	v16 =	vmul.f32 v16, v51;
	[tilespmem:s21+$0xFFFFFEB0] =	vst v12  }
0x274: {  	v17 =	vld [tilespmem:s22+$0xFFFFFE50];
	v20 =	vmul.f32 v20, v51;
	[tilespmem:s21+$0xFFFFFEC0] =	vst v8  }
0x275: {  	v60 =	vld [tilespmem:s22+$0xFFFFFF40];
	v9 =	vmul.f32 v9, v51;
	[tilespmem:s22+$0xFFFFFE20] =	vst v16  }
0x276: {  	v23 =	vld [tilespmem:s21+$0xFFFFFF00];
	v10 =	vmul.f32 v10, v58;
	[tilespmem:s22+$0xFFFFFE30] =	vst v20  }
0x277: {  	v55 =	vbroadcast v7, $0x9;
	v13 =	vld [tilespmem:s22+$0xFFFFFE60];
	v14 =	vmul.f32 v14, v45;
	[tilespmem:s22+$0xFFFFFE40] =	vst v9  }
0x278: {  	v19 =	vld [tilespmem:s22+$0xFFFFFE70];
	v16 =	vmul.f32 v22, v11;
	[tilespmem:s22+$0xFFFFFEA0] =	vst v10  }
0x279: {  	v18 =	vld [tilespmem:s22+$0xFFFFFE80];
	v17 =	vmul.f32 v17, v55;
	[tilespmem:s22+$0xFFFFFE00] =	vst v14  }
0x27a: {  	v50 =	vld [tilespmem:s21+$0xFFFFFF50];
	v14 =	vmul.f32 v40, v11;
	[tilespmem:s21+$0xFFFFFEF0] =	vst v16  }
0x27b: {  	v53 =	vld [tilespmem:s21+$0xFFFFFF80];
	v11 =	vmul.f32 v23, v11;
	[tilespmem:s22+$0xFFFFFE50] =	vst v17  }
0x27c: {  	v62 =	vld [tilespmem:s22+$0xFFFFFF80];
	v13 =	vmul.f32 v13, v55;
	[tilespmem:s21+$0xFFFFFED0] =	vst v14  }
0x27d: {  	v54 =	vld [tilespmem:s21+$0xFFFFFF90];
	v20 =	vbroadcast v6, $0xC;
	v19 =	vmul.f32 v19, v55;
	[tilespmem:s21+$0xFFFFFF00] =	vst v11  }
0x27e: {  	v12 =	vld [tilespmem:s22+$0xFFFFFEB0];
	v18 =	vmul.f32 v18, v55;
	[tilespmem:s22+$0xFFFFFE60] =	vst v13  }
0x27f: {  	v8 =	vld [tilespmem:s22+$0xFFFFFEC0];
	v9 =	vmul.f32 v43, v20;
	[tilespmem:s22+$0xFFFFFE70] =	vst v19  }
0x280: {  	v57 =	vld [tilespmem:s21+$0xFFFFFFD0];
	v17 =	vmul.f32 v44, v20;
	[tilespmem:s22+$0xFFFFFE80] =	vst v18  }
0x281: {  	v21 =	vld [tilespmem:s21+$0xFFFFFF60];
	v13 =	vmul.f32 v46, v20;
	[tilespmem:s21+$0xFFFFFF10] =	vst v9  }
0x282: {  	v59 =	vld [tilespmem:s22+$0xFFFFFF30];
	v20 =	vmul.f32 v48, v20;
	[tilespmem:s21+$0xFFFFFF20] =	vst v17  }
0x283: {  	v15 =	vld [tilespmem:s22+$0xFFFFFEE0];
	v19 =	vbroadcast v6, $0xD;
	v12 =	vmul.f32 v12, v58;
	[tilespmem:s21+$0xFFFFFF30] =	vst v13  }
0x284: {  	v22 =	vld [tilespmem:s21+$0xFFFFFFA0];
	v8 =	vmul.f32 v8, v58;
	[tilespmem:s21+$0xFFFFFF40] =	vst v20  }
0x285: {  	v14 =	vld [tilespmem:s22+$0xFFFFFED0];
	v18 =	vmul.f32 v50, v19;
	[tilespmem:s22+$0xFFFFFEB0] =	vst v12  }
0x286: {  	v23 =	vld [tilespmem:s21+$0xFFFFFFB0];
	v21 =	vmul.f32 v21, v19;
	[tilespmem:s22+$0xFFFFFEC0] =	vst v8  }
0x287: {  	v16 =	vld [tilespmem:s22+$0xFFFFFEF0];
	v6 =	vbroadcast v6, $0xE;
	v10 =	vmul.f32 v52, v19;
	[tilespmem:s21+$0xFFFFFF50] =	vst v18  }
0x288: {  	v61 =	vbroadcast v7, $0xB;
	v11 =	vld [tilespmem:s22+$0xFFFFFF00];
	v12 =	vmul.f32 v53, v19;
	[tilespmem:s21+$0xFFFFFF60] =	vst v21  }
0x289: {  	v9 =	vld [tilespmem:s22+$0xFFFFFF10];
	v8 =	vmul.f32 v54, v6;
	[tilespmem:s21+$0xFFFFFF70] =	vst v10  }
0x28a: {  	v13 =	vld [tilespmem:s21+$0xFFFFFFE0];
	v10 =	vmul.f32 v14, v61;
	[tilespmem:s21+$0xFFFFFF80] =	vst v12  }
0x28b: {  	v20 =	vld [tilespmem:s21+$0xFFFFFFF0];
	v12 =	vmul.f32 v22, v6;
	v14 =	vmul.f32 v15, v61;
	[tilespmem:s21+$0xFFFFFF90] =	vst v8  }
0x28c: {  	v17 =	vld [tilespmem:s22+$0xFFFFFF20];
	v15 =	vmul.f32 v23, v6;
	v22 =	vmul.f32 v56, v6;
	[tilespmem:s22+$0xFFFFFED0] =	vst v10  }
0x28d: {  	v18 =	vld [tilespmem:s22+$0xFFFFFF50];
	v8 =	vmul.f32 v57, v5;
	v6 =	vmul.f32 v16, v61;
	[tilespmem:s22+$0xFFFFFEE0] =	vst v14  }
0x28e: {  	v21 =	vld [tilespmem:s22+$0xFFFFFF60];
	v23 =	vbroadcast v7, $0xD;
	v16 =	vmul.f32 v11, v61;
	[tilespmem:s21+$0xFFFFFFA0] =	vst v12  }
0x28f: {  	v19 =	vld [tilespmem:s22+$0xFFFFFF70];
	v14 =	vbroadcast v7, $0xC;
	v7 =	vbroadcast v7, $0xE;
	[tilespmem:s22+$0xFFFFFEF0] =	vst v6  }
0x290: {  	v10 =	vld [tilespmem:s22+$0xFFFFFF90];
	[tilespmem:s21+$0xFFFFFFB0] =	vst v15;
	v6 =	vmul.f32 v13, v5;
	v5 =	vmul.f32 v20, v5  }
0x291: {  	v12 =	vld [tilespmem:s22+$0xFFFFFFA0];
	[tilespmem:s22+$0xFFFFFF00] =	vst v16;
	v63 =	vmul.f32 v9, v14;
	v11 =	vmul.f32 v17, v14  }
0x292: {  	v13 =	vld [tilespmem:s22+$0xFFFFFFB0];
	[tilespmem:s21+$0xFFFFFFC0] =	vst v22;
	v20 =	vmul.f32 v59, v14;
	v9 =	vmul.f32 v60, v14  }
0x293: {  	[tilespmem:s21+$0xFFFFFFD0] =	vst v8;
	v14 =	vld [tilespmem:s22+$0xFFFFFFC0];
	v15 =	vmul.f32 v18, v23;
	v16 =	vmul.f32 v21, v23  }
0x294: {  	s23 =	simm.s32 $0x10650;
	s5 =	simm.s32 $0x20;
	s24 =	simm.s32 $0xC0;
	v17 =	vmul.f32 v19, v23;
	v18 =	vmul.f32 v62, v23;
	v19 =	vld [tilespmem:s22+$0xFFFFFFD0];
	[tilespmem:s22+$0xFFFFFF10] =	vst v63  }
.LBB2_13:
0x295: {  	p4 =	sne.s32 s24, $0x100;
	v21 =	vld.idx.msk [tilespmem:v3+s5+$0x0 ss:$0x1], $0xffff;
	[tilespmem:s22+$0xFFFFFF20] =	vst v11;
	v8 =	vmul.f32 v10, v7  }
0x296: {  	[tilespmem:s22+$0xFFFFFF30] =	vst v20;
	v10 =	vmul.f32 v12, v7;
	v20 =	vld [tilespmem:s22+$0xFFFFFFE0]  }
0x297: {  	s22 =	sadd.s32 $0x400, s22;
	[tilespmem:s23+$0xFFFFFF40] =	vst v9;
	v9 =	vmul.f32 v13, v7;
	v22 =	vld [tilespmem:s23+$0xFFFFFFF0]  }
0x298: {  	v11 =	vld [tilespmem:s22+$0x0];
	[tilespmem:s23+$0xFFFFFF50] =	vst v15;
	v7 =	vmul.f32 v14, v7  }
0x299: {  	v15 =	vld [tilespmem:s22+$0xFFFFFC10];
	[tilespmem:s23+$0xFFFFFF60] =	vst v16;
	v16 =	vmul.f32 v19, v4  }
0x29a: {  	v19 =	vld [tilespmem:s22+$0xFFFFFC20];
	[tilespmem:s23+$0xFFFFFF70] =	vst v17  }
0x29b: {  	v17 =	vbroadcast v21, $0x0;
	v24 =	vbroadcast v21, $0xF;
	v23 =	vld [tilespmem:s22+$0xFFFFFC30];
	[tilespmem:s23+$0xFFFFFF80] =	vst v18  }
0x29c: {  	v25 =	vbroadcast v21, $0x1;
	v26 =	vbroadcast v21, $0x2;
	v18 =	vld [tilespmem:s22+$0xFFFFFC40];
	[tilespmem:s23+$0xFFFFFF90] =	vst v8  }
0x29d: {  	v28 =	vbroadcast v21, $0x3;
	v27 =	vld [tilespmem:s22+$0xFFFFFC50];
	v8 =	vmul.f32 v11, v24;
	[tilespmem:s23+$0xFFFFFFA0] =	vst v10  }
0x29e: {  	v30 =	vbroadcast v21, $0x4;
	v31 =	vbroadcast v21, $0x5;
	v29 =	vld [tilespmem:s22+$0xFFFFFC60];
	[tilespmem:s23+$0xFFFFFFB0] =	vst v9  }
0x29f: {  	v33 =	vbroadcast v21, $0x6;
	v14 =	vbroadcast v21, $0x7;
	v32 =	vld [tilespmem:s22+$0xFFFFFC70];
	[tilespmem:s22+$0x0] =	vst v8  }
0x2a0: {  	v13 =	vbroadcast v21, $0x8;
	v12 =	vbroadcast v21, $0x9;
	v34 =	vld [tilespmem:s22+$0xFFFFFC80];
	[tilespmem:s23+$0xFFFFFFC0] =	vst v7  }
0x2a1: {  	v11 =	vbroadcast v21, $0xA;
	v10 =	vbroadcast v21, $0xB;
	v35 =	vld [tilespmem:s22+$0xFFFFFC90];
	[tilespmem:s23+$0xFFFFFFD0] =	vst v16  }
0x2a2: {  	v9 =	vbroadcast v21, $0xC;
	v8 =	vbroadcast v21, $0xD;
	v16 =	vld [tilespmem:s22+$0xFFFFFCA0];
	[tilespmem:s21+$0xFFFFFFE0] =	vst v6  }
0x2a3: {  	v7 =	vbroadcast v21, $0xE;
	v6 =	vmul.f32 v17, v15;
	v15 =	vld [tilespmem:s22+$0xFFFFFCB0];
	[tilespmem:s21+$0xFFFFFFF0] =	vst v5;
	s21 =	smov.u32 s23;
	s23 =	smov.u32 s22  }
0x2a4: {  	v5 =	vmul.f32 v19, v17;
	v19 =	vmul.f32 v23, v17;
	v21 =	vld [tilespmem:s22+$0xFFFFFCC0]  }
0x2a5: {  	[tilespmem:s22+$0xFFFFFC10] =	vst v6;
	v6 =	vmul.f32 v18, v17;
	v17 =	vmul.f32 v27, v25;
	v18 =	vld [tilespmem:s22+$0xFFFFFCD0]  }
0x2a6: {  	v23 =	vmul.f32 v32, v25;
	[tilespmem:s22+$0xFFFFFC20] =	vst v5;
	v5 =	vmul.f32 v29, v25;
	v27 =	vld [tilespmem:s22+$0xFFFFFCE0]  }
0x2a7: {  	[tilespmem:s22+$0xFFFFFC30] =	vst v19;
	v19 =	vmul.f32 v34, v25;
	v25 =	vmul.f32 v35, v26;
	v29 =	vld [tilespmem:s22+$0xFFFFFCF0]  }
0x2a8: {  	v16 =	vmul.f32 v16, v26;
	[tilespmem:s22+$0xFFFFFC40] =	vst v6;
	v15 =	vmul.f32 v15, v26;
	v32 =	vld [tilespmem:s22+$0xFFFFFD00]  }
0x2a9: {  	v6 =	vmul.f32 v20, v4;
	[tilespmem:s22+$0xFFFFFC50] =	vst v17;
	v17 =	vmul.f32 v21, v26;
	v21 =	vld [tilespmem:s22+$0xFFFFFD10]  }
0x2aa: {  	[tilespmem:s22+$0xFFFFFC60] =	vst v5;
	v18 =	vmul.f32 v18, v28;
	v20 =	vld [tilespmem:s22+$0xFFFFFD20];
	v5 =	vmul.f32 v22, v4;
	v4 =	vmov v24  }
0x2ab: {  	[tilespmem:s22+$0xFFFFFC70] =	vst v23;
	v22 =	vmul.f32 v27, v28;
	v23 =	vld [tilespmem:s22+$0xFFFFFD30]  }
0x2ac: {  	[tilespmem:s22+$0xFFFFFC80] =	vst v19;
	v19 =	vmul.f32 v29, v28;
	v24 =	vld [tilespmem:s22+$0xFFFFFD40]  }
0x2ad: {  	[tilespmem:s22+$0xFFFFFC90] =	vst v25;
	v25 =	vmul.f32 v32, v28;
	v26 =	vld [tilespmem:s22+$0xFFFFFD50]  }
0x2ae: {  	[tilespmem:s22+$0xFFFFFCA0] =	vst v16;
	v16 =	vmul.f32 v21, v30;
	v21 =	vld [tilespmem:s22+$0xFFFFFD60]  }
0x2af: {  	[tilespmem:s22+$0xFFFFFCB0] =	vst v15;
	v15 =	vmul.f32 v20, v30;
	v20 =	vld [tilespmem:s22+$0xFFFFFD70]  }
0x2b0: {  	[tilespmem:s22+$0xFFFFFCC0] =	vst v17;
	v17 =	vmul.f32 v23, v30;
	v23 =	vld [tilespmem:s22+$0xFFFFFD80]  }
0x2b1: {  	[tilespmem:s22+$0xFFFFFCD0] =	vst v18;
	v18 =	vmul.f32 v24, v30;
	v24 =	vld [tilespmem:s22+$0xFFFFFD90]  }
0x2b2: {  	[tilespmem:s22+$0xFFFFFCE0] =	vst v22;
	v22 =	vmul.f32 v26, v31;
	v26 =	vld [tilespmem:s22+$0xFFFFFDA0]  }
0x2b3: {  	[tilespmem:s22+$0xFFFFFCF0] =	vst v19;
	v19 =	vmul.f32 v21, v31;
	v21 =	vld [tilespmem:s22+$0xFFFFFDB0]  }
0x2b4: {  	[tilespmem:s22+$0xFFFFFD00] =	vst v25;
	v20 =	vmul.f32 v20, v31;
	v25 =	vld [tilespmem:s22+$0xFFFFFDC0]  }
0x2b5: {  	[tilespmem:s22+$0xFFFFFD10] =	vst v16;
	v16 =	vmul.f32 v23, v31;
	v23 =	vld [tilespmem:s22+$0xFFFFFDD0]  }
0x2b6: {  	[tilespmem:s22+$0xFFFFFD20] =	vst v15;
	v15 =	vmul.f32 v24, v33;
	v24 =	vld [tilespmem:s22+$0xFFFFFDE0]  }
0x2b7: {  	[tilespmem:s22+$0xFFFFFD30] =	vst v17;
	v17 =	vmul.f32 v26, v33;
	v26 =	vld [tilespmem:s22+$0xFFFFFDF0]  }
0x2b8: {  	[tilespmem:s22+$0xFFFFFD40] =	vst v18;
	v18 =	vmul.f32 v21, v33;
	v21 =	vld [tilespmem:s22+$0xFFFFFE00]  }
0x2b9: {  	[tilespmem:s22+$0xFFFFFD50] =	vst v22;
	v22 =	vmul.f32 v25, v33;
	v25 =	vld [tilespmem:s22+$0xFFFFFE10]  }
0x2ba: {  	[tilespmem:s22+$0xFFFFFD60] =	vst v19;
	v19 =	vmul.f32 v23, v14;
	v23 =	vld [tilespmem:s22+$0xFFFFFE20]  }
0x2bb: {  	[tilespmem:s22+$0xFFFFFD70] =	vst v20;
	v20 =	vmul.f32 v24, v14;
	v24 =	vld [tilespmem:s22+$0xFFFFFE30]  }
0x2bc: {  	[tilespmem:s22+$0xFFFFFD80] =	vst v16;
	v16 =	vmul.f32 v26, v14;
	v26 =	vld [tilespmem:s22+$0xFFFFFE40]  }
0x2bd: {  	[tilespmem:s22+$0xFFFFFD90] =	vst v15;
	v14 =	vmul.f32 v21, v14;
	v15 =	vld [tilespmem:s22+$0xFFFFFE50]  }
0x2be: {  	[tilespmem:s22+$0xFFFFFDA0] =	vst v17;
	v17 =	vmul.f32 v25, v13;
	v21 =	vld [tilespmem:s22+$0xFFFFFE60]  }
0x2bf: {  	[tilespmem:s22+$0xFFFFFDB0] =	vst v18;
	v18 =	vmul.f32 v23, v13;
	v23 =	vld [tilespmem:s22+$0xFFFFFE70]  }
0x2c0: {  	[tilespmem:s22+$0xFFFFFDC0] =	vst v22;
	v22 =	vmul.f32 v24, v13;
	v24 =	vld [tilespmem:s22+$0xFFFFFE80]  }
0x2c1: {  	[tilespmem:s22+$0xFFFFFDD0] =	vst v19;
	v13 =	vmul.f32 v26, v13;
	v19 =	vld [tilespmem:s22+$0xFFFFFE90]  }
0x2c2: {  	[tilespmem:s22+$0xFFFFFDE0] =	vst v20;
	v15 =	vmul.f32 v15, v12;
	v20 =	vld [tilespmem:s22+$0xFFFFFEA0]  }
0x2c3: {  	[tilespmem:s22+$0xFFFFFDF0] =	vst v16;
	v16 =	vmul.f32 v21, v12;
	v21 =	vld [tilespmem:s22+$0xFFFFFEB0]  }
0x2c4: {  	[tilespmem:s22+$0xFFFFFE00] =	vst v14;
	v14 =	vmul.f32 v23, v12;
	v23 =	vld [tilespmem:s22+$0xFFFFFEC0]  }
0x2c5: {  	[tilespmem:s22+$0xFFFFFE10] =	vst v17;
	v12 =	vmul.f32 v24, v12;
	v17 =	vld [tilespmem:s22+$0xFFFFFED0]  }
0x2c6: {  	[tilespmem:s22+$0xFFFFFE20] =	vst v18;
	v18 =	vmul.f32 v19, v11;
	v19 =	vld [tilespmem:s22+$0xFFFFFEE0]  }
0x2c7: {  	[tilespmem:s22+$0xFFFFFE30] =	vst v22;
	v20 =	vmul.f32 v20, v11;
	v22 =	vld [tilespmem:s22+$0xFFFFFEF0]  }
0x2c8: {  	[tilespmem:s22+$0xFFFFFE40] =	vst v13;
	v13 =	vmul.f32 v21, v11;
	v21 =	vld [tilespmem:s22+$0xFFFFFF00]  }
0x2c9: {  	[tilespmem:s22+$0xFFFFFE50] =	vst v15;
	v15 =	vmul.f32 v23, v11;
	v11 =	vld [tilespmem:s22+$0xFFFFFF10]  }
0x2ca: {  	[tilespmem:s22+$0xFFFFFE60] =	vst v16;
	v16 =	vmul.f32 v17, v10;
	v17 =	vld [tilespmem:s22+$0xFFFFFF20]  }
0x2cb: {  	[tilespmem:s22+$0xFFFFFE70] =	vst v14;
	v14 =	vmul.f32 v19, v10;
	v19 =	vld [tilespmem:s22+$0xFFFFFF30]  }
0x2cc: {  	[tilespmem:s22+$0xFFFFFE80] =	vst v12;
	v22 =	vmul.f32 v22, v10;
	v12 =	vld [tilespmem:s22+$0xFFFFFF40]  }
0x2cd: {  	[tilespmem:s22+$0xFFFFFE90] =	vst v18;
	v18 =	vmul.f32 v21, v10;
	v21 =	vld [tilespmem:s22+$0xFFFFFF50]  }
0x2ce: {  	[tilespmem:s22+$0xFFFFFEA0] =	vst v20;
	v23 =	vmul.f32 v11, v9;
	v24 =	vld [tilespmem:s22+$0xFFFFFF60]  }
0x2cf: {  	[tilespmem:s22+$0xFFFFFEB0] =	vst v13;
	v11 =	vmul.f32 v17, v9;
	v17 =	vld [tilespmem:s22+$0xFFFFFF70]  }
0x2d0: {  	[tilespmem:s22+$0xFFFFFEC0] =	vst v15;
	v20 =	vmul.f32 v19, v9;
	v19 =	vld [tilespmem:s22+$0xFFFFFF80]  }
.Ltmp9:
0x2d1: {  	[tilespmem:s22+$0xFFFFFED0] =	vst v16;
	v9 =	vmul.f32 v12, v9;
	v10 =	vld [tilespmem:s22+$0xFFFFFF90];
	(pc) =	sbr.rel @p4 .LBB2_13-.Ltmp9, $4  }
0x2d2: {  	[tilespmem:s22+$0xFFFFFEE0] =	vst v14;
	v15 =	vmul.f32 v21, v8;
	v12 =	vld [tilespmem:s22+$0xFFFFFFA0]  }
0x2d3: {  	[tilespmem:s22+$0xFFFFFEF0] =	vst v22;
	v16 =	vmul.f32 v24, v8;
	v13 =	vld [tilespmem:s22+$0xFFFFFFB0]  }
0x2d4: {  	[tilespmem:s22+$0xFFFFFF00] =	vst v18;
	v17 =	vmul.f32 v17, v8;
	v14 =	vld [tilespmem:s22+$0xFFFFFFC0]  }
0x2d5: {  	s5 =	sshra.s32 s24, $0x2;
	s24 =	sadd.s32 $0x40, s24;
	[tilespmem:s22+$0xFFFFFF10] =	vst v23;
	v18 =	vmul.f32 v19, v8;
	v19 =	vld [tilespmem:s22+$0xFFFFFFD0]  }
0x2d6: {  	_ = 	snop  }
0x2d7: {  	[tilespmem:s22+$0xFFFFFF20] =	vst v11  }
0x2d8: {  	[tilespmem:s22+$0xFFFFFF30] =	vst v20  }
0x2d9: {  	v8 =	vld [tilespmem:s22+$0xFFFFFFE0];
	[tilespmem:s21+$0xFFFFFFE0] =	vst v6  }
0x2da: {  	v11 =	vld.idx.msk [tilespmem:v3+s5+$0x0 ss:$0x1], $0xffff;
	[tilespmem:s21+$0xFFFFFFF0] =	vst v5  }
0x2db: {  	s25 =	sadd.s32 $0x400, s22;
	[tilespmem:s23+$0xFFFFFF40] =	vst v9;
	v9 =	vld [tilespmem:s23+$0xFFFFFFF0]  }
0x2dc: {  	v24 =	vld [tilespmem:s25+$0x0];
	[tilespmem:s23+$0xFFFFFF50] =	vst v15  }
0x2dd: {  	[tilespmem:s23+$0xFFFFFF60] =	vst v16;
	v26 =	vld [tilespmem:s25+$0xFFFFFC10]  }
0x2de: {  	v25 =	vmul.f32 v10, v7;
	[tilespmem:s23+$0xFFFFFF70] =	vst v17;
	v29 =	vld [tilespmem:s25+$0xFFFFFC20]  }
0x2df: {  	v12 =	vmul.f32 v12, v7;
	[tilespmem:s23+$0xFFFFFF80] =	vst v18;
	v31 =	vld [tilespmem:s25+$0xFFFFFC30]  }
0x2e0: {  	v33 =	vld [tilespmem:s25+$0xFFFFFC40];
	v13 =	vmul.f32 v13, v7;
	[tilespmem:s23+$0xFFFFFF90] =	vst v25  }
0x2e1: {  	v34 =	vld [tilespmem:s25+$0xFFFFFC50];
	[tilespmem:s23+$0xFFFFFFA0] =	vst v12;
	v28 =	vmul.f32 v14, v7  }
0x2e2: {  	v35 =	vld [tilespmem:s25+$0xFFFFFC60];
	[tilespmem:s23+$0xFFFFFFB0] =	vst v13;
	v30 =	vmul.f32 v19, v4  }
0x2e3: {  	v37 =	vld [tilespmem:s25+$0xFFFFFC70];
	v10 =	vbroadcast v11, $0xF;
	[tilespmem:s23+$0xFFFFFFC0] =	vst v28;
	v8 =	vmul.f32 v8, v4  }
0x2e4: {  	v39 =	vld [tilespmem:s25+$0xFFFFFC80];
	v32 =	vbroadcast v11, $0x0;
	[tilespmem:s23+$0xFFFFFFD0] =	vst v30;
	v4 =	vmul.f32 v9, v4  }
0x2e5: {  	v40 =	vld [tilespmem:s25+$0xFFFFFC90];
	v27 =	vmul.f32 v24, v10;
	[tilespmem:s23+$0xFFFFFFE0] =	vst v8  }
0x2e6: {  	v41 =	vld [tilespmem:s25+$0xFFFFFCB0];
	v36 =	vmul.f32 v32, v26;
	[tilespmem:s23+$0xFFFFFFF0] =	vst v4  }
0x2e7: {  	v43 =	vld [tilespmem:s25+$0xFFFFFCC0];
	v5 =	vmul.f32 v29, v32;
	[tilespmem:s25+$0x0] =	vst v27  }
0x2e8: {  	v44 =	vld [tilespmem:s25+$0xFFFFFCD0];
	v38 =	vbroadcast v11, $0x1;
	v14 =	vmul.f32 v31, v32;
	[tilespmem:s25+$0xFFFFFC10] =	vst v36  }
0x2e9: {  	v45 =	vld [tilespmem:s25+$0xFFFFFCE0];
	v16 =	vmul.f32 v33, v32;
	[tilespmem:s25+$0xFFFFFC20] =	vst v5  }
0x2ea: {  	v46 =	vld [tilespmem:s25+$0xFFFFFCF0];
	v7 =	vmul.f32 v34, v38;
	[tilespmem:s25+$0xFFFFFC30] =	vst v14  }
0x2eb: {  	v50 =	vld [tilespmem:s25+$0xFFFFFD10];
	v13 =	vmul.f32 v35, v38;
	[tilespmem:s25+$0xFFFFFC40] =	vst v16  }
0x2ec: {  	v48 =	vld [tilespmem:s25+$0xFFFFFD00];
	v42 =	vbroadcast v11, $0x2;
	v15 =	vmul.f32 v37, v38;
	[tilespmem:s25+$0xFFFFFC50] =	vst v7  }
0x2ed: {  	v51 =	vld [tilespmem:s25+$0xFFFFFD20];
	v12 =	vmul.f32 v39, v38;
	[tilespmem:s25+$0xFFFFFC60] =	vst v13  }
0x2ee: {  	v52 =	vld [tilespmem:s25+$0xFFFFFD30];
	v53 =	vbroadcast v11, $0x4;
	v6 =	vmul.f32 v40, v42;
	[tilespmem:s25+$0xFFFFFC70] =	vst v15  }
0x2ef: {  	v54 =	vld [tilespmem:s25+$0xFFFFFD40];
	v49 =	vmul.f32 v43, v42;
	[tilespmem:s25+$0xFFFFFC80] =	vst v12  }
0x2f0: {  	v55 =	vld [tilespmem:s25+$0xFFFFFD50];
	v47 =	vbroadcast v11, $0x3;
	v56 =	vmul.f32 v50, v53;
	[tilespmem:s25+$0xFFFFFC90] =	vst v6  }
0x2f1: {  	v62 =	vld [tilespmem:s25+$0xFFFFFDA0];
	v14 =	vmul.f32 v41, v42;
	[tilespmem:s25+$0xFFFFFCC0] =	vst v49  }
0x2f2: {  	v20 =	vld [tilespmem:s25+$0xFFFFFDB0];
	v13 =	vmul.f32 v45, v47;
	[tilespmem:s25+$0xFFFFFD10] =	vst v56  }
0x2f3: {  	v57 =	vld [tilespmem:s25+$0xFFFFFD60];
	v15 =	vmul.f32 v46, v47;
	[tilespmem:s25+$0xFFFFFCB0] =	vst v14  }
0x2f4: {  	v60 =	vld [tilespmem:s25+$0xFFFFFD90];
	v21 =	vbroadcast v11, $0x6;
	v7 =	vmul.f32 v51, v53;
	[tilespmem:s25+$0xFFFFFCE0] =	vst v13  }
0x2f5: {  	v22 =	vld [tilespmem:s25+$0xFFFFFDC0];
	v6 =	vmul.f32 v54, v53;
	[tilespmem:s25+$0xFFFFFCF0] =	vst v15  }
0x2f6: {  	v28 =	vld [tilespmem:s25+$0xFFFFFE20];
	v12 =	vmul.f32 v62, v21;
	[tilespmem:s25+$0xFFFFFD20] =	vst v7  }
0x2f7: {  	v29 =	vld [tilespmem:s25+$0xFFFFFE30];
	v16 =	vmul.f32 v20, v21;
	[tilespmem:s25+$0xFFFFFD40] =	vst v6  }
0x2f8: {  	v31 =	vld [tilespmem:s25+$0xFFFFFE40];
	v14 =	vmul.f32 v52, v53;
	[tilespmem:s25+$0xFFFFFDA0] =	vst v12  }
0x2f9: {  	v30 =	vbroadcast v11, $0x8;
	v37 =	vld [tilespmem:s25+$0xFFFFFEA0];
	v13 =	vmul.f32 v60, v21;
	[tilespmem:s25+$0xFFFFFDB0] =	vst v16  }
0x2fa: {  	v5 =	vld [tilespmem:s25+$0xFFFFFCA0];
	v6 =	vmul.f32 v22, v21;
	[tilespmem:s25+$0xFFFFFD30] =	vst v14  }
0x2fb: {  	v27 =	vld [tilespmem:s25+$0xFFFFFE10];
	v12 =	vmul.f32 v28, v30;
	[tilespmem:s25+$0xFFFFFD90] =	vst v13  }
0x2fc: {  	v38 =	vld [tilespmem:s25+$0xFFFFFEB0];
	v39 =	vbroadcast v11, $0xA;
	v16 =	vmul.f32 v29, v30;
	[tilespmem:s25+$0xFFFFFDC0] =	vst v6  }
0x2fd: {  	v58 =	vld [tilespmem:s25+$0xFFFFFD70];
	v6 =	vmul.f32 v31, v30;
	[tilespmem:s25+$0xFFFFFE20] =	vst v12  }
0x2fe: {  	v36 =	vld [tilespmem:s25+$0xFFFFFE90];
	v12 =	vmul.f32 v37, v39;
	[tilespmem:s25+$0xFFFFFE30] =	vst v16  }
0x2ff: {  	v40 =	vld [tilespmem:s25+$0xFFFFFEC0];
	v5 =	vmul.f32 v5, v42;
	[tilespmem:s25+$0xFFFFFE40] =	vst v6  }
0x300: {  	v45 =	vld [tilespmem:s25+$0xFFFFFF10];
	v13 =	vmul.f32 v27, v30;
	[tilespmem:s25+$0xFFFFFEA0] =	vst v12  }
0x301: {  	v46 =	vld [tilespmem:s25+$0xFFFFFF20];
	v16 =	vmul.f32 v38, v39;
	[tilespmem:s25+$0xFFFFFCA0] =	vst v5  }
0x302: {  	v49 =	vld [tilespmem:s25+$0xFFFFFF40];
	v5 =	vmul.f32 v44, v47;
	[tilespmem:s25+$0xFFFFFE10] =	vst v13  }
0x303: {  	v59 =	vld [tilespmem:s25+$0xFFFFFD80];
	v13 =	vmul.f32 v36, v39;
	[tilespmem:s25+$0xFFFFFEB0] =	vst v16  }
0x304: {  	v23 =	vld [tilespmem:s25+$0xFFFFFDD0];
	[tilespmem:s25+$0xFFFFFCD0] =	vst v5;
	v5 =	vmul.f32 v48, v47;
	v48 =	vbroadcast v11, $0xC  }
0x305: {  	v25 =	vld [tilespmem:s25+$0xFFFFFDF0];
	v6 =	vmul.f32 v40, v39;
	[tilespmem:s25+$0xFFFFFE90] =	vst v13  }
0x306: {  	v24 =	vld [tilespmem:s25+$0xFFFFFDE0];
	[tilespmem:s25+$0xFFFFFD00] =	vst v5;
	v5 =	vbroadcast v11, $0x5;
	v13 =	vmul.f32 v45, v48  }
0x307: {  	[tilespmem:s25+$0xFFFFFEC0] =	vst v6;
	v47 =	vld [tilespmem:s25+$0xFFFFFF30];
	v12 =	vmul.f32 v46, v48;
	v6 =	vmul.f32 v49, v48  }
0x308: {  	v26 =	vld [tilespmem:s25+$0xFFFFFE00];
	v61 =	vmul.f32 v55, v5;
	v63 =	vmul.f32 v57, v5;
	[tilespmem:s25+$0xFFFFFF10] =	vst v13  }
0x309: {  	v32 =	vld [tilespmem:s25+$0xFFFFFE50];
	v15 =	vmul.f32 v58, v5;
	v5 =	vmul.f32 v59, v5;
	[tilespmem:s25+$0xFFFFFF20] =	vst v12  }
0x30a: {  	v33 =	vld [tilespmem:s25+$0xFFFFFE60];
	[tilespmem:s25+$0xFFFFFF40] =	vst v6  }
0x30b: {  	v34 =	vld [tilespmem:s25+$0xFFFFFE70];
	[tilespmem:s25+$0xFFFFFD80] =	vst v5;
	v5 =	vbroadcast v11, $0x7  }
0x30c: {  	v54 =	vld [tilespmem:s25+$0xFFFFFF90];
	v16 =	vmul.f32 v47, v48;
	[tilespmem:s25+$0xFFFFFD50] =	vst v61  }
0x30d: {  	v35 =	vld [tilespmem:s25+$0xFFFFFE80];
	[tilespmem:s25+$0xFFFFFD60] =	vst v63;
	v7 =	vmul.f32 v23, v5;
	v14 =	vmul.f32 v24, v5  }
0x30e: {  	v43 =	vld [tilespmem:s25+$0xFFFFFEF0];
	[tilespmem:s25+$0xFFFFFD70] =	vst v15;
	v15 =	vmul.f32 v25, v5;
	v5 =	vmul.f32 v26, v5  }
0x30f: {  	v50 =	vld [tilespmem:s25+$0xFFFFFF50];
	v57 =	vbroadcast v11, $0xE;
	[tilespmem:s25+$0xFFFFFF30] =	vst v16  }
0x310: {  	v41 =	vld [tilespmem:s25+$0xFFFFFED0];
	[tilespmem:s25+$0xFFFFFE00] =	vst v5;
	v5 =	vbroadcast v11, $0x9  }
0x311: {  	v56 =	vld [tilespmem:s25+$0xFFFFFFB0];
	v13 =	vmul.f32 v54, v57;
	[tilespmem:s25+$0xFFFFFDD0] =	vst v7  }
0x312: {  	v42 =	vld [tilespmem:s25+$0xFFFFFEE0];
	[tilespmem:s25+$0xFFFFFDE0] =	vst v14;
	v7 =	vmul.f32 v32, v5;
	v14 =	vmul.f32 v33, v5  }
0x313: {  	v44 =	vld [tilespmem:s25+$0xFFFFFF00];
	[tilespmem:s25+$0xFFFFFDF0] =	vst v15;
	v15 =	vmul.f32 v34, v5;
	v5 =	vmul.f32 v35, v5  }
0x314: {  	v51 =	vld [tilespmem:s25+$0xFFFFFF60];
	[tilespmem:s25+$0xFFFFFF90] =	vst v13  }
0x315: {  	v55 =	vld [tilespmem:s25+$0xFFFFFFA0];
	[tilespmem:s25+$0xFFFFFE80] =	vst v5;
	v5 =	vbroadcast v11, $0xB  }
0x316: {  	v59 =	vld [tilespmem:s25+$0xFFFFFFC0];
	v62 =	vmul.f32 v56, v57;
	[tilespmem:s25+$0xFFFFFE50] =	vst v7  }
0x317: {  	v52 =	vld [tilespmem:s25+$0xFFFFFF70];
	[tilespmem:s25+$0xFFFFFE60] =	vst v14;
	v7 =	vmul.f32 v41, v5;
	v14 =	vmul.f32 v42, v5  }
0x318: {  	v53 =	vld [tilespmem:s25+$0xFFFFFF80];
	[tilespmem:s25+$0xFFFFFE70] =	vst v15;
	v15 =	vmul.f32 v43, v5;
	v5 =	vmul.f32 v44, v5  }
0x319: {  	v63 =	vld [tilespmem:s25+$0xFFFFFFF0];
	[tilespmem:s25+$0xFFFFFFB0] =	vst v62  }
0x31a: {  	[tilespmem:s25+$0xFFFFFF00] =	vst v5;
	v5 =	vbroadcast v11, $0xD  }
0x31b: {  	v61 =	vmul.f32 v55, v57;
	v6 =	vmul.f32 v59, v57;
	[tilespmem:s25+$0xFFFFFED0] =	vst v7  }
0x31c: {  	[tilespmem:s25+$0xFFFFFEE0] =	vst v14;
	v7 =	vmul.f32 v50, v5;
	v14 =	vmul.f32 v51, v5  }
0x31d: {  	[tilespmem:s25+$0xFFFFFFA0] =	vst v61;
	v58 =	vmul.f32 v52, v5;
	v5 =	vmul.f32 v53, v5  }
0x31e: {  	v60 =	vld [tilespmem:s25+$0xFFFFFFD0];
	[tilespmem:s25+$0xFFFFFFC0] =	vst v6;
	v4 =	vmul.f32 v63, v10  }
0x31f: {  	[tilespmem:s25+$0xFFFFFF80] =	vst v5;
	v5 =	vld [tilespmem:s25+$0xFFFFFFE0]  }
0x320: {  	[tilespmem:s25+$0xFFFFFFF0] =	vst v4  }
0x321: {  	[tilespmem:s25+$0xFFFFFEF0] =	vst v15  }
0x322: {  	[tilespmem:s25+$0xFFFFFF50] =	vst v7  }
.Ltmp10:
0x323: {  	[tilespmem:s25+$0xFFFFFF60] =	vst v14;
	v7 =	vmul.f32 v60, v10;
	(pc) =	sbr.rel @p1 .LBB2_18-.Ltmp10, $4  }
0x324: {  	[tilespmem:s25+$0xFFFFFF70] =	vst v58;
	v5 =	vmul.f32 v5, v10  }
0x325: {  	s20 =	smul.u32 $0x50, s20;
	[tilespmem:s25+$0xFFFFFFD0] =	vst v7  }
0x326: {  	[tilespmem:s25+$0xFFFFFFE0] =	vst v5  }
0x327: {  	[spmem:s3] =	stream.indirect.scatter.add.f32 [tilespmem:s8], [sflag:$0x4], $0x40, s20, s6, $0xb8;
	[tilespmem:$0x1FB30] =	vst v63  }
0x328: {  	s5 =	simm.s32 @!p3 $0x5  }
0x329: {  	_ =	swait.ge @!p3 [sflag:s5], $0x500  }
0x32a: {  	[sflag:s5] =	ssyncset.done @!p3 $0x0  }
0x32b: {  	s25 =	simm.s32 $0x0;
	[sflag:s5] =	ssyncadd.s32 @!p3 $0xFFFFFB00  }
0x32c: {  	v6 =	vld.idx.msk [tilespmem:v3+s25+$0x0 ss:$0x1], $0xffff;
	_ =	sdelay $0x4  }
0x32d: {  	v5 =	vbroadcast v6, $0x1;
	v7 =	vbroadcast v6, $0xF  }
0x32e: {  	v4 =	vsel vm0, v6, v2;
	v8 =	vbroadcast v6, $0x2;
	v9 =	vbroadcast v6, $0x3  }
0x32f: {  	s21 =	simm.s32 $0x112E0;
	v10 =	vbroadcast v6, $0x4;
	v11 =	vbroadcast v6, $0x5;
	v7 =	vsel vm0, v7, v2  }
0x330: {  	v12 =	vbroadcast v6, $0x6;
	v13 =	vbroadcast v6, $0x7;
	v5 =	vsel vm0, v5, v2;
	[tilespmem:s21+$0x70] =	vst v7  }
0x331: {  	v14 =	vbroadcast v6, $0x9;
	v15 =	vbroadcast v6, $0xB;
	[tilespmem:s21+$0xFFFFFF90] =	vst v5;
	v5 =	vsel vm0, v8, v2  }
0x332: {  	v16 =	vbroadcast v6, $0xC;
	v7 =	vbroadcast v6, $0x8;
	v8 =	vsel vm0, v10, v2;
	[tilespmem:s21+$0xFFFFFFA0] =	vst v5  }
0x333: {  	v10 =	vsel vm0, v13, v2;
	v5 =	vsel vm0, v9, v2;
	v9 =	vbroadcast v6, $0xA;
	[tilespmem:s21+$0xFFFFFFC0] =	vst v8  }
0x334: {  	v8 =	vsel vm0, v11, v2;
	v11 =	vsel vm0, v12, v2;
	[tilespmem:s21+$0xFFFFFFB0] =	vst v5;
	v5 =	vbroadcast v6, $0xD  }
0x335: {  	v6 =	vbroadcast v6, $0xE;
	[tilespmem:s21+$0xFFFFFFD0] =	vst v8;
	v8 =	vsel vm0, v7, v2;
	v7 =	vsel vm0, v14, v2  }
0x336: {  	s22 =	simm.s32 $0x80;
	s5 =	simm.s32 $0x10;
	[tilespmem:s21+$0xFFFFFFE0] =	vst v11;
	v11 =	vsel vm0, v15, v2;
	v12 =	vsel vm0, v9, v2;
	v9 =	vsel vm0, v16, v2  }
.LBB2_16:
0x337: {  	p3 =	sne.s32 s22, $0x100;
	v13 =	vld.idx.msk [tilespmem:v3+s5+$0x0 ss:$0x1], $0xffff;
	[tilespmem:s21+$0xFFFFFFF0] =	vst v10;
	v5 =	vsel vm0, v5, v2;
	v6 =	vsel vm0, v6, v2  }
0x338: {  	[tilespmem:s21+$0x0] =	vst v8  }
0x339: {  	[tilespmem:s21+$0x10] =	vst v7  }
0x33a: {  	[tilespmem:s21+$0x20] =	vst v12  }
0x33b: {  	[tilespmem:s21+$0x30] =	vst v11  }
0x33c: {  	[tilespmem:s21+$0x40] =	vst v9  }
0x33d: {  	v7 =	vsel vm0, v13, v2;
	v8 =	vbroadcast v13, $0x1;
	v9 =	vbroadcast v13, $0xF;
	[tilespmem:s21+$0x50] =	vst v5  }
0x33e: {  	v10 =	vbroadcast v13, $0x3;
	v5 =	vbroadcast v13, $0x2;
	[tilespmem:s21+$0x60] =	vst v6  }
0x33f: {  	v11 =	vbroadcast v13, $0x5;
	v6 =	vbroadcast v13, $0x4;
	v9 =	vsel vm0, v9, v2;
	[tilespmem:s21+$0xFFFFFF80] =	vst v4;
	s21 =	sadd.s32 $0x100, s21;
	v4 =	vmovc v7  }
0x340: {  	v12 =	vbroadcast v13, $0x7;
	v7 =	vsel vm0, v8, v2;
	v8 =	vbroadcast v13, $0x6;
	[tilespmem:s21+$0x70] =	vst v9  }
0x341: {  	v5 =	vsel vm0, v5, v2;
	v9 =	vbroadcast v13, $0x9;
	[tilespmem:s21+$0xFFFFFF90] =	vst v7;
	v7 =	vbroadcast v13, $0x8  }
.Ltmp11:
0x342: {  	v14 =	vbroadcast v13, $0xA;
	v15 =	vbroadcast v13, $0xB;
	[tilespmem:s21+$0xFFFFFFA0] =	vst v5;
	v5 =	vsel vm0, v10, v2;
	(pc) =	sbr.rel @p3 .LBB2_16-.Ltmp11, $4  }
0x343: {  	v16 =	vbroadcast v13, $0xC;
	v6 =	vsel vm0, v6, v2;
	[tilespmem:s21+$0xFFFFFFB0] =	vst v5;
	v5 =	vbroadcast v13, $0xD  }
0x344: {  	v10 =	vsel vm0, v11, v2;
	v11 =	vsel vm0, v8, v2;
	[tilespmem:s21+$0xFFFFFFC0] =	vst v6;
	v6 =	vbroadcast v13, $0xE  }
0x345: {  	v8 =	vsel vm0, v7, v2;
	v7 =	vsel vm0, v9, v2;
	[tilespmem:s21+$0xFFFFFFD0] =	vst v10;
	v10 =	vsel vm0, v12, v2  }
0x346: {  	s5 =	sshra.s32 s22, $0x2;
	s22 =	sadd.s32 $0x40, s22;
	v9 =	vsel vm0, v16, v2;
	v12 =	vsel vm0, v14, v2;
	[tilespmem:s21+$0xFFFFFFE0] =	vst v11;
	v11 =	vsel vm0, v15, v2  }
0x347: {  	_ =	sdelay $0x3  }
0x348: {  	v3 =	vld.idx.msk [tilespmem:v3+s5+$0x0 ss:$0x1], $0xffff;
	_ =	sdelay $0x3  }
0x349: {  	[tilespmem:s21+$0xFFFFFFF0] =	vst v10  }
0x34a: {  	[tilespmem:s21+$0x0] =	vst v8;
	v46 =	vbroadcast v3, $0xF  }
0x34b: {  	[tilespmem:s21+$0x10] =	vst v7;
	v47 =	vbroadcast v3, $0x1;
	v48 =	vbroadcast v3, $0x2  }
0x34c: {  	[tilespmem:s21+$0x20] =	vst v12;
	v49 =	vbroadcast v3, $0x3;
	v50 =	vbroadcast v3, $0x4  }
0x34d: {  	[tilespmem:s21+$0x30] =	vst v11;
	v52 =	vbroadcast v3, $0x5;
	v53 =	vbroadcast v3, $0x6  }
0x34e: {  	[tilespmem:s21+$0x40] =	vst v9;
	v55 =	vbroadcast v3, $0x7;
	v57 =	vbroadcast v3, $0x8  }
0x34f: {  	v5 =	vsel vm0, v5, v2;
	[tilespmem:s21+$0xFFFFFF80] =	vst v4;
	v58 =	vbroadcast v3, $0x9;
	v59 =	vbroadcast v3, $0xA  }
0x350: {  	v6 =	vsel vm0, v6, v2;
	[tilespmem:s21+$0x50] =	vst v5;
	v60 =	vbroadcast v3, $0xB;
	v61 =	vbroadcast v3, $0xC  }
0x351: {  	s25 =	sadd.s32 $0x100, s21;
	[tilespmem:s21+$0x60] =	vst v6;
	v62 =	vbroadcast v3, $0xD;
	v63 =	vbroadcast v3, $0xE;
	v3 =	vsel vm0, v3, v2  }
0x352: {  	[tilespmem:s25+$0xFFFFFF80] =	vst v3;
	v7 =	vsel vm0, v46, v2  }
0x353: {  	v5 =	vsel vm0, v47, v2;
	[tilespmem:s25+$0x70] =	vst v7  }
0x354: {  	v51 =	vsel vm0, v48, v2;
	[tilespmem:s25+$0xFFFFFF90] =	vst v5  }
0x355: {  	v4 =	vsel vm0, v49, v2;
	[tilespmem:s25+$0xFFFFFFA0] =	vst v51  }
0x356: {  	v54 =	vsel vm0, v50, v2;
	[tilespmem:s25+$0xFFFFFFB0] =	vst v4  }
0x357: {  	v56 =	vsel vm0, v52, v2;
	[tilespmem:s25+$0xFFFFFFC0] =	vst v54  }
0x358: {  	v6 =	vsel vm0, v57, v2;
	[tilespmem:s25+$0xFFFFFFD0] =	vst v56  }
0x359: {  	v5 =	vsel vm0, v53, v2;
	[tilespmem:s25+$0x0] =	vst v6  }
0x35a: {  	v7 =	vsel vm0, v55, v2;
	[tilespmem:s25+$0xFFFFFFE0] =	vst v5  }
0x35b: {  	v4 =	vsel vm0, v58, v2;
	[tilespmem:s25+$0xFFFFFFF0] =	vst v7  }
0x35c: {  	v6 =	vsel vm0, v61, v2;
	[tilespmem:s25+$0x10] =	vst v4  }
0x35d: {  	v5 =	vsel vm0, v59, v2;
	[tilespmem:s25+$0x40] =	vst v6  }
.Ltmp12:
0x35e: {  	v7 =	vsel vm0, v60, v2;
	[tilespmem:s25+$0x20] =	vst v5;
	(pc) =	sbr.rel .LBB2_18-.Ltmp12, $4  }
0x35f: {  	v4 =	vsel vm0, v62, v2;
	[tilespmem:s25+$0x30] =	vst v7  }
0x360: {  	v5 =	vsel vm0, v63, v2;
	[tilespmem:s25+$0x50] =	vst v4  }
0x361: {  	[tilespmem:s25+$0x60] =	vst v5  }
0x362: {  	[spmem:s4] =	stream.indirect.scatter.add.f32 [tilespmem:s12], [sflag:$0x5], $0x10, s20, s6, $0xb8;
	[tilespmem:$0x1FB30] =	vst v63  }
.LBB2_20:
0x363: {  	_ =	sfence.sel $0x180000  }
0x364: {  	[bflag:$0x0] =	sbarrier.arrive $0xFFFF  }
0x365: {  	_ =	strace $0x90000047  }
0x366: {  	s0 =	stileid.u32;
	[bflag:$0x2] =	sbarrier.arrive $0xFFFF  }
0x367: {  	p0 =	sne.s32 s0, $0x0;
	s0 =	rddreg [dreg:$0x5]  }
0x368: {  	s0 =	sadd.s32 @!p0 $0x100000, s0  }
0x369: {  	[sflag:s0] =	ssyncadd.tile.s32 @!p0 $0x1;
	_ =	shalt  }
.Lfunc_end2:
_tile_overlayer_lowered:
.L_overlay_start_2:
0x36a: {  	(tag) =	ssettag $0x2  }
0x36b: {  	s0 =	rddreg [dreg:$0x0];
	s2 =	stileid.u32  }
0x36c: {  	s1 =	rddreg [dreg:$0x1];
	p0 =	sne.s32 s2, $0x0  }
0x36d: {  	s3 =	rddreg [dreg:$0x2];
	[bflag:$0x3] =	sbarrier.arrive $0xFFFF;
	s2 =	simm.s32 @!p0 $0x1C07  }
0x36e: {  	[timem:s3], [sflag:s2] =	dma.local @!p0 [hbm:s0], s1  }
0x36f: {  	s0 =	simm.s32 @!p0 $0x7  }
0x370: {  	_ =	swait.ge @!p0 [sflag:s0], s1  }
0x371: {  	s1 =	ssub.s32 @!p0 $0x0, s1;
	[sflag:s0] =	ssyncset.done @!p0 $0x0  }
0x372: {  	[sflag:s0] =	ssyncadd.s32 @!p0 s1  }
0x373: {  	[bflag:$0x3] =	sbarrier.arrive $0xFFFF  }
0x374: {  	_ =	shalt  }

</sc_bundles>
